<compile_context>
chip_gen: v7x
topology: tpu7x:2x2x1
jax: 0.10.2.dev20260603
libtpu: 0.0.44.dev20260713+nightly
codegen_flags: <defaults>
</compile_context>

<pallas_src>
import functools

import jax
import jax.numpy as jnp
from jax import lax
from jax.experimental import pallas as pl
from jax.experimental.pallas import tpu as pltpu
from jax.experimental.pallas import tpu_sc as plsc

D = 64
V = 360
BATCH = 16384
HIST = 200

NC = 2
NS = 16
NW = NC * NS

B_PER_W = BATCH // NW
BT_PER_W = B_PER_W // 128
NJ = B_PER_W // 16


def _table_transform_body(tbl_ref, w_ref, b_ref, out_ref):
    prod = lax.dot_general(
        w_ref[...], tbl_ref[...],
        (((1,), (1,)), ((), ())),
        preferred_element_type=jnp.float32,
    )
    out_ref[...] = jnp.maximum(prod + b_ref[...], 0.0)


def _table_transform(table, W, b2):
    return pl.pallas_call(
        _table_transform_body,
        out_shape=jax.ShapeDtypeStruct((D, V), jnp.float32),
    )(table, W, b2)


_MESH = plsc.VectorSubcoreMesh(core_axis_name="c", subcore_axis_name="s")


@functools.partial(
    pl.kernel,
    out_type=jax.ShapeDtypeStruct((HIST, D // 8, 128, 8, 128), jnp.float32),
    mesh=_MESH,
    compiler_params=pltpu.CompilerParams(
        use_tc_tiling_on_sc=False, needs_layout_passes=False),
    scratch_types=[
        pltpu.VMEM((V * D,), jnp.float32),
        pltpu.VMEM((B_PER_W,), jnp.int32),
        pltpu.VMEM((B_PER_W,), jnp.int32),
        pltpu.VMEM((D // 8, BT_PER_W, 8, 128), jnp.float32),
        pltpu.VMEM((D // 8, BT_PER_W, 8, 128), jnp.float32),
        pltpu.SemaphoreType.DMA,
        pltpu.SemaphoreType.DMA,
        pltpu.SemaphoreType.DMA,
        pltpu.SemaphoreType.DMA,
    ],
)
def _gather_kernel(idxt_hbm, t2_hbm, out_hbm, t2_v,
                   idx_v0, idx_v1, buf0, buf1,
                   sem_t2, sem_idx, sem_st0, sem_st1):
    cid = lax.axis_index("c")
    sid = lax.axis_index("s")
    wid = sid * NC + cid
    bt0 = wid * BT_PER_W

    pltpu.async_copy(t2_hbm, t2_v, sem_t2).wait()

    idx_bufs = (idx_v0, idx_v1)
    bufs = (buf0, buf1)
    st_sems = (sem_st0, sem_st1)

    pltpu.async_copy(
        idxt_hbm.at[0, pl.ds(wid * B_PER_W, B_PER_W)], idx_v0, sem_idx)

    def pair(p, carry):
        for half in range(2):
            h = 2 * p + half
            idx_v = idx_bufs[half]
            buf = bufs[half]
            sem_st = st_sems[half]

            pltpu.make_async_copy(
                idxt_hbm.at[0, pl.ds(wid * B_PER_W, B_PER_W)],
                idx_v, sem_idx).wait()

            @pl.when(h + 1 < HIST)
            def _():
                pltpu.async_copy(
                    idxt_hbm.at[h + 1, pl.ds(wid * B_PER_W, B_PER_W)],
                    idx_bufs[1 - half], sem_idx)

            @pl.when(p > 0)
            def _():
                pltpu.make_async_copy(
                    buf, out_hbm.at[0, :, pl.ds(0, BT_PER_W)],
                    sem_st).wait()

            @plsc.parallel_loop(0, NJ, step=1, unroll=4)
            def _(j):
                jj = j // 8
                jo = j % 8
                v = idx_v[pl.ds(j * 16, 16)]
                for dt in range(D // 8):
                    for ds in range(8):
                        g = plsc.load_gather(t2_v, [v + (dt * 8 + ds) * V])
                        buf[dt, jj, ds, pl.ds(jo * 16, 16)] = g

            pltpu.async_copy(
                buf, out_hbm.at[h, :, pl.ds(bt0, BT_PER_W)], sem_st)
        return carry

    lax.fori_loop(0, HIST // 2, pair, 0)

    for half in range(2):
        pltpu.make_async_copy(
            bufs[half], out_hbm.at[0, :, pl.ds(0, BT_PER_W)],
            st_sems[half]).wait()


def kernel(angles, table, W, b):
    t2 = _table_transform(table, W, b.reshape(D, 1)).reshape(D * V)
    idx_t = jnp.transpose(angles.astype(jnp.int32))
    out5 = _gather_kernel(idx_t, t2)
    out = out5.transpose(0, 1, 3, 2, 4).reshape(HIST, D, BATCH)
    return out.transpose(2, 0, 1)

# --- scband reference (transcript-rebuilt; emitter-appended) ---
"""Pipeline reference for scband-angle-encoder-v1-33191507264106 (READ-ONLY COPY).

The authoritative reference and input builder live on the scoring server;
editing this copy changes nothing except your own understanding.
"""

import jax, jax.numpy as jnp
import numpy as np

EMBED_DIM = 64
NUM_ANGLES = 360
BATCH = 16384
HIST = 200

def setup_inputs(seed: int = 0) -> dict:
    key = jax.random.key(seed)
    k1, k2, k3, k4 = jax.random.split(key, 4)
    angles = jax.random.randint(k1, (BATCH, HIST), 0, NUM_ANGLES, dtype=jnp.int64 if jax.config.jax_enable_x64 else jnp.int32)
    table = jax.random.normal(k2, (NUM_ANGLES, EMBED_DIM), dtype=jnp.float32)
    # nn.Linear default init: U(-1/sqrt(fan_in), 1/sqrt(fan_in))
    bound = 1.0 / np.sqrt(EMBED_DIM)
    W = jax.random.uniform(k3, (EMBED_DIM, EMBED_DIM), minval=-bound, maxval=bound, dtype=jnp.float32)
    b = jax.random.uniform(k4, (EMBED_DIM,), minval=-bound, maxval=bound, dtype=jnp.float32)
    return {"angles": angles, "table": table, "W": W, "b": b}

def reference(angles, table, W, b):
    # indices = angles.long(); embedding lookup
    idx = angles.astype(jnp.int32)
    emb = jnp.take(table, idx, axis=0)            # [B, L, D] gather
    out = emb @ W.T + b                           # nn.Linear
    out = jnp.maximum(out, 0.0)                   # ReLU
    return out

if __name__ == "__main__":
    import jax
    _d = setup_inputs()
    print(jax.jit(kernel)(*tuple(_d.values())))

</pallas_src>

<mosaic_0001>
#map = affine_map<(d0, d1) -> (0, 0)>
#map1 = affine_map<(d0, d1) -> (0)>
#map2 = affine_map<(d0, d1) -> (0, 0, 0, 0, 0)>
module attributes {stable_mosaic.version = 14 : i64} {
  func.func @_gather_kernel(%arg0: i32, %arg1: i32, %arg2: memref<200x16384xi32, #tpu.memory_space<hbm>>, %arg3: memref<23040xf32, #tpu.memory_space<hbm>>, %arg4: memref<200x8x128x8x128xf32, #tpu.memory_space<hbm>>, %arg5: memref<23040xf32, #tpu.memory_space<vmem>>, %arg6: memref<512xi32, #tpu.memory_space<vmem>>, %arg7: memref<512xi32, #tpu.memory_space<vmem>>, %arg8: memref<8x4x8x128xf32, #tpu.memory_space<vmem>>, %arg9: memref<8x4x8x128xf32, #tpu.memory_space<vmem>>, %arg10: memref<!tpu.dma_semaphore, #tpu.memory_space<semaphore_mem>>, %arg11: memref<!tpu.dma_semaphore, #tpu.memory_space<semaphore_mem>>, %arg12: memref<!tpu.dma_semaphore, #tpu.memory_space<semaphore_mem>>, %arg13: memref<!tpu.dma_semaphore, #tpu.memory_space<semaphore_mem>>) attributes {dimension_semantics = [#tpu.dimension_semantics<core_parallel>, #tpu.dimension_semantics<subcore_parallel>], iteration_bounds = array<i64: 2, 16>, scalar_prefetch = 0 : i64, scratch_operands = 9 : i64, tpu.core_type = #tpu.core_type<sc_vector_subcore>, window_params = [{transform_indices = #map}, {transform_indices = #map1}, {transform_indices = #map2}]} {
    %mul3A = arith.constant 2 : i32
    %mul3A_0 = arith.muli %arg1, %mul3A : i32
    %add3A = arith.addi %mul3A_0, %arg0 : i32
    %mul3A_1 = arith.constant 4 : i32
    %mul3A_2 = arith.muli %add3A, %mul3A_1 : i32
    tpu.enqueue_dma source(%arg3 : memref<23040xf32, #tpu.memory_space<hbm>>) target(%arg5 : memref<23040xf32, #tpu.memory_space<vmem>>) target_semaphore(%arg10 : memref<!tpu.dma_semaphore, #tpu.memory_space<semaphore_mem>>)
    tpu.wait_dma2 semaphore(%arg10 : memref<!tpu.dma_semaphore, #tpu.memory_space<semaphore_mem>>) src(%arg3 : memref<23040xf32, #tpu.memory_space<hbm>>) dst(%arg5 : memref<23040xf32, #tpu.memory_space<vmem>>)
    %mul3A_3 = arith.constant 512 : i32
    %mul3A_4 = arith.muli %add3A, %mul3A_3 : i32
    %dma_start3A = arith.constant 0 : i32
    %dma_start3A_5 = tpu.memref_slice %arg2[%dma_start3A, %mul3A_4] : memref<200x16384xi32, #tpu.memory_space<hbm>> -> memref<1x512xi32, #tpu.memory_space<hbm>>
    %dma_start3A_6 = tpu.memref_squeeze %dma_start3A_5 : memref<1x512xi32, #tpu.memory_space<hbm>> -> memref<512xi32, #tpu.memory_space<hbm>>
    %dma_start3A_7 = tpu.memref_slice %arg2[%dma_start3A, %mul3A_4] : memref<200x16384xi32, #tpu.memory_space<hbm>> -> memref<1x512xi32, #tpu.memory_space<hbm>>
    %dma_start3A_8 = tpu.memref_squeeze %dma_start3A_7 : memref<1x512xi32, #tpu.memory_space<hbm>> -> memref<512xi32, #tpu.memory_space<hbm>>
    tpu.enqueue_dma source(%dma_start3A_8 : memref<512xi32, #tpu.memory_space<hbm>>) target(%arg6 : memref<512xi32, #tpu.memory_space<vmem>>) target_semaphore(%arg11 : memref<!tpu.dma_semaphore, #tpu.memory_space<semaphore_mem>>)
    %scan3A = arith.constant 0 : i32
    %scan3A_9 = arith.constant 0 : i32
    %scan3A_10 = arith.constant 100 : i32
    %scan3A_11 = arith.addi %scan3A_9, %scan3A_10 : i32
    %scan3A_12 = arith.constant 1 : i32
    scf.for %scan3A_39 = %scan3A_9 to %scan3A_11 step %scan3A_12  : i32 {
      %mul3A_40 = arith.constant 2 : i32
      %mul3A_41 = arith.muli %mul3A_40, %scan3A_39 : i32
      %add3A_42 = arith.constant 0 : i32
      %add3A_43 = arith.addi %mul3A_41, %add3A_42 : i32
      %mul3A_44 = arith.constant 512 : i32
      %mul3A_45 = arith.muli %add3A, %mul3A_44 : i32
      %dma_wait3A_46 = arith.constant 0 : i32
      %dma_wait3A_47 = tpu.memref_slice %arg2[%dma_wait3A_46, %mul3A_45] : memref<200x16384xi32, #tpu.memory_space<hbm>> -> memref<1x512xi32, #tpu.memory_space<hbm>>
      %dma_wait3A_48 = tpu.memref_squeeze %dma_wait3A_47 : memref<1x512xi32, #tpu.memory_space<hbm>> -> memref<512xi32, #tpu.memory_space<hbm>>
      %dma_wait3A_49 = tpu.memref_slice %arg2[%dma_wait3A_46, %mul3A_45] : memref<200x16384xi32, #tpu.memory_space<hbm>> -> memref<1x512xi32, #tpu.memory_space<hbm>>
      %dma_wait3A_50 = tpu.memref_squeeze %dma_wait3A_49 : memref<1x512xi32, #tpu.memory_space<hbm>> -> memref<512xi32, #tpu.memory_space<hbm>>
      tpu.wait_dma2 semaphore(%arg11 : memref<!tpu.dma_semaphore, #tpu.memory_space<semaphore_mem>>) src(%dma_wait3A_50 : memref<512xi32, #tpu.memory_space<hbm>>) dst(%arg6 : memref<512xi32, #tpu.memory_space<vmem>>)
      %add3A_51 = arith.constant 1 : i32
      %add3A_52 = arith.addi %add3A_43, %add3A_51 : i32
      %lt3A = arith.constant 200 : i32
      %lt3A_53 = arith.cmpi slt, %add3A_52, %lt3A : i32
      %convert_element_type3A = arith.extui %lt3A_53 : i1 to i32
      %cond3A = arith.constant 0 : i32
      %cond3A_54 = arith.cmpi ne, %convert_element_type3A, %cond3A : i32
      scf.if %cond3A_54 {
        %add3A_107 = arith.constant 1 : i32
        %add3A_108 = arith.addi %add3A_43, %add3A_107 : i32
        %mul3A_109 = arith.constant 512 : i32
        %mul3A_110 = arith.muli %add3A, %mul3A_109 : i32
        %dma_start3A_111 = tpu.memref_slice %arg2[%add3A_108, %mul3A_110] : memref<200x16384xi32, #tpu.memory_space<hbm>> -> memref<1x512xi32, #tpu.memory_space<hbm>>
        %dma_start3A_112 = tpu.memref_squeeze %dma_start3A_111 : memref<1x512xi32, #tpu.memory_space<hbm>> -> memref<512xi32, #tpu.memory_space<hbm>>
        %dma_start3A_113 = tpu.memref_slice %arg2[%add3A_108, %mul3A_110] : memref<200x16384xi32, #tpu.memory_space<hbm>> -> memref<1x512xi32, #tpu.memory_space<hbm>>
        %dma_start3A_114 = tpu.memref_squeeze %dma_start3A_113 : memref<1x512xi32, #tpu.memory_space<hbm>> -> memref<512xi32, #tpu.memory_space<hbm>>
        tpu.enqueue_dma source(%dma_start3A_114 : memref<512xi32, #tpu.memory_space<hbm>>) target(%arg7 : memref<512xi32, #tpu.memory_space<vmem>>) target_semaphore(%arg11 : memref<!tpu.dma_semaphore, #tpu.memory_space<semaphore_mem>>)
      } else {
      }
      %gt3A = arith.constant 0 : i32
      %gt3A_55 = arith.cmpi sgt, %scan3A_39, %gt3A : i32
      %convert_element_type3A_56 = arith.extui %gt3A_55 : i1 to i32
      %cond3A_57 = arith.constant 0 : i32
      %cond3A_58 = arith.cmpi ne, %convert_element_type3A_56, %cond3A_57 : i32
      scf.if %cond3A_58 {
        %dma_wait3A_107 = arith.constant 0 : i32
        %dma_wait3A_108 = arith.constant 0 : i32
        %dma_wait3A_109 = arith.constant 0 : i32
        %dma_wait3A_110 = arith.constant 0 : i32
        %dma_wait3A_111 = arith.constant 0 : i32
        %dma_wait3A_112 = tpu.memref_slice %arg4[%dma_wait3A_107, %dma_wait3A_108, %dma_wait3A_109, %dma_wait3A_110, %dma_wait3A_111] : memref<200x8x128x8x128xf32, #tpu.memory_space<hbm>> -> memref<1x8x4x8x128xf32, #tpu.memory_space<hbm>>
        %dma_wait3A_113 = tpu.memref_squeeze %dma_wait3A_112 : memref<1x8x4x8x128xf32, #tpu.memory_space<hbm>> -> memref<8x4x8x128xf32, #tpu.memory_space<hbm>>
        %dma_wait3A_114 = arith.constant 0 : i32
        %dma_wait3A_115 = arith.constant 0 : i32
        %dma_wait3A_116 = arith.constant 0 : i32
        %dma_wait3A_117 = arith.constant 0 : i32
        %dma_wait3A_118 = tpu.memref_slice %arg4[%dma_wait3A_107, %dma_wait3A_114, %dma_wait3A_115, %dma_wait3A_116, %dma_wait3A_117] : memref<200x8x128x8x128xf32, #tpu.memory_space<hbm>> -> memref<1x8x4x8x128xf32, #tpu.memory_space<hbm>>
        %dma_wait3A_119 = tpu.memref_squeeze %dma_wait3A_118 : memref<1x8x4x8x128xf32, #tpu.memory_space<hbm>> -> memref<8x4x8x128xf32, #tpu.memory_space<hbm>>
        tpu.wait_dma2 semaphore(%arg12 : memref<!tpu.dma_semaphore, #tpu.memory_space<semaphore_mem>>) src(%arg8 : memref<8x4x8x128xf32, #tpu.memory_space<vmem>>) dst(%dma_wait3A_119 : memref<8x4x8x128xf32, #tpu.memory_space<hbm>>)
      } else {
      }
      %parallel_loop3A = arith.constant 0 : i32
      %parallel_loop3A_59 = arith.constant 32 : i32
      %parallel_loop3A_60 = arith.constant 1 : i32
      scf.for %parallel_loop3A_107 = %parallel_loop3A to %parallel_loop3A_59 step %parallel_loop3A_60  : i32 {
        %parallel_loop3A_108 = arith.constant 8 : i32
        %parallel_loop3A_109 = arith.divsi %parallel_loop3A_107, %parallel_loop3A_108 : i32
        %parallel_loop3A_110 = arith.constant 0 : i32
        %parallel_loop3A_111 = arith.cmpi sgt, %parallel_loop3A_107, %parallel_loop3A_110 : i32
        %parallel_loop3A_112 = arith.extui %parallel_loop3A_111 : i1 to i32
        %parallel_loop3A_113 = arith.constant 0 : i32
        %parallel_loop3A_114 = arith.cmpi slt, %parallel_loop3A_107, %parallel_loop3A_113 : i32
        %parallel_loop3A_115 = arith.extui %parallel_loop3A_114 : i1 to i32
        %parallel_loop3A_116 = arith.subi %parallel_loop3A_112, %parallel_loop3A_115 : i32
        %parallel_loop3A_117 = arith.constant 0 : i32
        %parallel_loop3A_118 = arith.cmpi sgt, %parallel_loop3A_108, %parallel_loop3A_117 : i32
        %parallel_loop3A_119 = arith.extui %parallel_loop3A_118 : i1 to i32
        %parallel_loop3A_120 = arith.constant 0 : i32
        %parallel_loop3A_121 = arith.cmpi slt, %parallel_loop3A_108, %parallel_loop3A_120 : i32
        %parallel_loop3A_122 = arith.extui %parallel_loop3A_121 : i1 to i32
        %parallel_loop3A_123 = arith.subi %parallel_loop3A_119, %parallel_loop3A_122 : i32
        %parallel_loop3A_124 = arith.cmpi ne, %parallel_loop3A_116, %parallel_loop3A_123 : i32
        %parallel_loop3A_125 = arith.remsi %parallel_loop3A_107, %parallel_loop3A_108 : i32
        %parallel_loop3A_126 = arith.constant 0 : i32
        %parallel_loop3A_127 = arith.cmpi ne, %parallel_loop3A_125, %parallel_loop3A_126 : i32
        %parallel_loop3A_128 = arith.andi %parallel_loop3A_124, %parallel_loop3A_127 : i1
        %parallel_loop3A_129 = arith.constant 1 : i32
        %parallel_loop3A_130 = arith.subi %parallel_loop3A_109, %parallel_loop3A_129 : i32
        %parallel_loop3A_131 = arith.select %parallel_loop3A_128, %parallel_loop3A_130, %parallel_loop3A_109 : i32
        %parallel_loop3A_132 = arith.constant 8 : i32
        %parallel_loop3A_133 = arith.constant 0 : i32
        %parallel_loop3A_134 = arith.cmpi eq, %parallel_loop3A_132, %parallel_loop3A_133 : i32
        %parallel_loop3A_135 = arith.constant 1 : i32
        %parallel_loop3A_136 = arith.select %parallel_loop3A_134, %parallel_loop3A_135, %parallel_loop3A_132 : i32
        %parallel_loop3A_137 = arith.remsi %parallel_loop3A_107, %parallel_loop3A_136 : i32
        %parallel_loop3A_138 = arith.constant 0 : i32
        %parallel_loop3A_139 = arith.cmpi ne, %parallel_loop3A_137, %parallel_loop3A_138 : i32
        %parallel_loop3A_140 = arith.constant 0 : i32
        %parallel_loop3A_141 = arith.cmpi slt, %parallel_loop3A_137, %parallel_loop3A_140 : i32
        %parallel_loop3A_142 = arith.constant 0 : i32
        %parallel_loop3A_143 = arith.cmpi slt, %parallel_loop3A_136, %parallel_loop3A_142 : i32
        %parallel_loop3A_144 = arith.xori %parallel_loop3A_141, %parallel_loop3A_143 : i1
        %parallel_loop3A_145 = arith.andi %parallel_loop3A_144, %parallel_loop3A_139 : i1
        %parallel_loop3A_146 = arith.addi %parallel_loop3A_137, %parallel_loop3A_136 : i32
        %parallel_loop3A_147 = arith.select %parallel_loop3A_145, %parallel_loop3A_146, %parallel_loop3A_137 : i32
        %parallel_loop3A_148 = arith.constant 16 : i32
        %parallel_loop3A_149 = arith.muli %parallel_loop3A_107, %parallel_loop3A_148 : i32
        %parallel_loop3A_150 = arith.index_cast %parallel_loop3A_149 : i32 to index
        %parallel_loop3A_151 = tpu.vector_load %arg6[%parallel_loop3A_150] {strides = array<i32>} : memref<512xi32, #tpu.memory_space<vmem>>, vector<16xi32>,
        %parallel_loop3A_152 = arith.constant 0 : i32
        %parallel_loop3A_153 = vector.broadcast %parallel_loop3A_152 : i32 to vector<16xi32>
        %parallel_loop3A_154 = arith.addi %parallel_loop3A_151, %parallel_loop3A_153 : vector<16xi32>
        %parallel_loop3A_155 = tpu.vector_load_idx %arg5[%parallel_loop3A_154] : memref<23040xf32, #tpu.memory_space<vmem>>[vector<16xi32>], vector<16xf32>,
        %parallel_loop3A_156 = arith.constant 16 : i32
        %parallel_loop3A_157 = arith.muli %parallel_loop3A_147, %parallel_loop3A_156 : i32
        %parallel_loop3A_158 = arith.constant 0 : i32
        %parallel_loop3A_159 = arith.constant 0 : i32
        %parallel_loop3A_160 = arith.index_cast %parallel_loop3A_158 : i32 to index
        %parallel_loop3A_161 = arith.index_cast %parallel_loop3A_131 : i32 to index
        %parallel_loop3A_162 = arith.index_cast %parallel_loop3A_159 : i32 to index
        %parallel_loop3A_163 = arith.index_cast %parallel_loop3A_157 : i32 to index
        %parallel_loop3A_164 = tpu.vector_load %arg8[%parallel_loop3A_160, %parallel_loop3A_161, %parallel_loop3A_162, %parallel_loop3A_163] {strides = array<i32>} : memref<8x4x8x128xf32, #tpu.memory_space<vmem>>, vector<16xf32>,
        tpu.vector_store %arg8[%parallel_loop3A_160, %parallel_loop3A_161, %parallel_loop3A_162, %parallel_loop3A_163], %parallel_loop3A_155 {strides = array<i32>} : memref<8x4x8x128xf32, #tpu.memory_space<vmem>>, vector<16xf32>,
        %parallel_loop3A_165 = arith.constant 360 : i32
        %parallel_loop3A_166 = vector.broadcast %parallel_loop3A_165 : i32 to vector<16xi32>
        %parallel_loop3A_167 = arith.addi %parallel_loop3A_151, %parallel_loop3A_166 : vector<16xi32>
        %parallel_loop3A_168 = tpu.vector_load_idx %arg5[%parallel_loop3A_167] : memref<23040xf32, #tpu.memory_space<vmem>>[vector<16xi32>], vector<16xf32>,
        %parallel_loop3A_169 = arith.constant 16 : i32
        %parallel_loop3A_170 = arith.muli %parallel_loop3A_147, %parallel_loop3A_169 : i32
        %parallel_loop3A_171 = arith.constant 0 : i32
        %parallel_loop3A_172 = arith.constant 1 : i32
        %parallel_loop3A_173 = arith.index_cast %parallel_loop3A_171 : i32 to index
        %parallel_loop3A_174 = arith.index_cast %parallel_loop3A_131 : i32 to index
        %parallel_loop3A_175 = arith.index_cast %parallel_loop3A_172 : i32 to index
        %parallel_loop3A_176 = arith.index_cast %parallel_loop3A_170 : i32 to index
        %parallel_loop3A_177 = tpu.vector_load %arg8[%parallel_loop3A_173, %parallel_loop3A_174, %parallel_loop3A_175, %parallel_loop3A_176] {strides = array<i32>} : memref<8x4x8x128xf32, #tpu.memory_space<vmem>>, vector<16xf32>,
        tpu.vector_store %arg8[%parallel_loop3A_173, %parallel_loop3A_174, %parallel_loop3A_175, %parallel_loop3A_176], %parallel_loop3A_168 {strides = array<i32>} : memref<8x4x8x128xf32, #tpu.memory_space<vmem>>, vector<16xf32>,
        %parallel_loop3A_178 = arith.constant 720 : i32
        %parallel_loop3A_179 = vector.broadcast %parallel_loop3A_178 : i32 to vector<16xi32>
        %parallel_loop3A_180 = arith.addi %parallel_loop3A_151, %parallel_loop3A_179 : vector<16xi32>
        %parallel_loop3A_181 = tpu.vector_load_idx %arg5[%parallel_loop3A_180] : memref<23040xf32, #tpu.memory_space<vmem>>[vector<16xi32>], vector<16xf32>,
        %parallel_loop3A_182 = arith.constant 16 : i32
        %parallel_loop3A_183 = arith.muli %parallel_loop3A_147, %parallel_loop3A_182 : i32
        %parallel_loop3A_184 = arith.constant 0 : i32
        %parallel_loop3A_185 = arith.constant 2 : i32
        %parallel_loop3A_186 = arith.index_cast %parallel_loop3A_184 : i32 to index
        %parallel_loop3A_187 = arith.index_cast %parallel_loop3A_131 : i32 to index
        %parallel_loop3A_188 = arith.index_cast %parallel_loop3A_185 : i32 to index
        %parallel_loop3A_189 = arith.index_cast %parallel_loop3A_183 : i32 to index
        %parallel_loop3A_190 = tpu.vector_load %arg8[%parallel_loop3A_186, %parallel_loop3A_187, %parallel_loop3A_188, %parallel_loop3A_189] {strides = array<i32>} : memref<8x4x8x128xf32, #tpu.memory_space<vmem>>, vector<16xf32>,
        tpu.vector_store %arg8[%parallel_loop3A_186, %parallel_loop3A_187, %parallel_loop3A_188, %parallel_loop3A_189], %parallel_loop3A_181 {strides = array<i32>} : memref<8x4x8x128xf32, #tpu.memory_space<vmem>>, vector<16xf32>,
        %parallel_loop3A_191 = arith.constant 1080 : i32
        %parallel_loop3A_192 = vector.broadcast %parallel_loop3A_191 : i32 to vector<16xi32>
        %parallel_loop3A_193 = arith.addi %parallel_loop3A_151, %parallel_loop3A_192 : vector<16xi32>
        %parallel_loop3A_194 = tpu.vector_load_idx %arg5[%parallel_loop3A_193] : memref<23040xf32, #tpu.memory_space<vmem>>[vector<16xi32>], vector<16xf32>,
        %parallel_loop3A_195 = arith.constant 16 : i32
        %parallel_loop3A_196 = arith.muli %parallel_loop3A_147, %parallel_loop3A_195 : i32
        %parallel_loop3A_197 = arith.constant 0 : i32
        %parallel_loop3A_198 = arith.constant 3 : i32
        %parallel_loop3A_199 = arith.index_cast %parallel_loop3A_197 : i32 to index
        %parallel_loop3A_200 = arith.index_cast %parallel_loop3A_131 : i32 to index
        %parallel_loop3A_201 = arith.index_cast %parallel_loop3A_198 : i32 to index
        %parallel_loop3A_202 = arith.index_cast %parallel_loop3A_196 : i32 to index
        %parallel_loop3A_203 = tpu.vector_load %arg8[%parallel_loop3A_199, %parallel_loop3A_200, %parallel_loop3A_201, %parallel_loop3A_202] {strides = array<i32>} : memref<8x4x8x128xf32, #tpu.memory_space<vmem>>, vector<16xf32>,
        tpu.vector_store %arg8[%parallel_loop3A_199, %parallel_loop3A_200, %parallel_loop3A_201, %parallel_loop3A_202], %parallel_loop3A_194 {strides = array<i32>} : memref<8x4x8x128xf32, #tpu.memory_space<vmem>>, vector<16xf32>,
        %parallel_loop3A_204 = arith.constant 1440 : i32
        %parallel_loop3A_205 = vector.broadcast %parallel_loop3A_204 : i32 to vector<16xi32>
        %parallel_loop3A_206 = arith.addi %parallel_loop3A_151, %parallel_loop3A_205 : vector<16xi32>
        %parallel_loop3A_207 = tpu.vector_load_idx %arg5[%parallel_loop3A_206] : memref<23040xf32, #tpu.memory_space<vmem>>[vector<16xi32>], vector<16xf32>,
        %parallel_loop3A_208 = arith.constant 16 : i32
        %parallel_loop3A_209 = arith.muli %parallel_loop3A_147, %parallel_loop3A_208 : i32
        %parallel_loop3A_210 = arith.constant 0 : i32
        %parallel_loop3A_211 = arith.constant 4 : i32
        %parallel_loop3A_212 = arith.index_cast %parallel_loop3A_210 : i32 to index
        %parallel_loop3A_213 = arith.index_cast %parallel_loop3A_131 : i32 to index
        %parallel_loop3A_214 = arith.index_cast %parallel_loop3A_211 : i32 to index
        %parallel_loop3A_215 = arith.index_cast %parallel_loop3A_209 : i32 to index
        %parallel_loop3A_216 = tpu.vector_load %arg8[%parallel_loop3A_212, %parallel_loop3A_213, %parallel_loop3A_214, %parallel_loop3A_215] {strides = array<i32>} : memref<8x4x8x128xf32, #tpu.memory_space<vmem>>, vector<16xf32>,
        tpu.vector_store %arg8[%parallel_loop3A_212, %parallel_loop3A_213, %parallel_loop3A_214, %parallel_loop3A_215], %parallel_loop3A_207 {strides = array<i32>} : memref<8x4x8x128xf32, #tpu.memory_space<vmem>>, vector<16xf32>,
        %parallel_loop3A_217 = arith.constant 1800 : i32
        %parallel_loop3A_218 = vector.broadcast %parallel_loop3A_217 : i32 to vector<16xi32>
        %parallel_loop3A_219 = arith.addi %parallel_loop3A_151, %parallel_loop3A_218 : vector<16xi32>
        %parallel_loop3A_220 = tpu.vector_load_idx %arg5[%parallel_loop3A_219] : memref<23040xf32, #tpu.memory_space<vmem>>[vector<16xi32>], vector<16xf32>,
        %parallel_loop3A_221 = arith.constant 16 : i32
        %parallel_loop3A_222 = arith.muli %parallel_loop3A_147, %parallel_loop3A_221 : i32
        %parallel_loop3A_223 = arith.constant 0 : i32
        %parallel_loop3A_224 = arith.constant 5 : i32
        %parallel_loop3A_225 = arith.index_cast %parallel_loop3A_223 : i32 to index
        %parallel_loop3A_226 = arith.index_cast %parallel_loop3A_131 : i32 to index
        %parallel_loop3A_227 = arith.index_cast %parallel_loop3A_224 : i32 to index
        %parallel_loop3A_228 = arith.index_cast %parallel_loop3A_222 : i32 to index
        %parallel_loop3A_229 = tpu.vector_load %arg8[%parallel_loop3A_225, %parallel_loop3A_226, %parallel_loop3A_227, %parallel_loop3A_228] {strides = array<i32>} : memref<8x4x8x128xf32, #tpu.memory_space<vmem>>, vector<16xf32>,
        tpu.vector_store %arg8[%parallel_loop3A_225, %parallel_loop3A_226, %parallel_loop3A_227, %parallel_loop3A_228], %parallel_loop3A_220 {strides = array<i32>} : memref<8x4x8x128xf32, #tpu.memory_space<vmem>>, vector<16xf32>,
        %parallel_loop3A_230 = arith.constant 2160 : i32
        %parallel_loop3A_231 = vector.broadcast %parallel_loop3A_230 : i32 to vector<16xi32>
        %parallel_loop3A_232 = arith.addi %parallel_loop3A_151, %parallel_loop3A_231 : vector<16xi32>
        %parallel_loop3A_233 = tpu.vector_load_idx %arg5[%parallel_loop3A_232] : memref<23040xf32, #tpu.memory_space<vmem>>[vector<16xi32>], vector<16xf32>,
        %parallel_loop3A_234 = arith.constant 16 : i32
        %parallel_loop3A_235 = arith.muli %parallel_loop3A_147, %parallel_loop3A_234 : i32
        %parallel_loop3A_236 = arith.constant 0 : i32
        %parallel_loop3A_237 = arith.constant 6 : i32
        %parallel_loop3A_238 = arith.index_cast %parallel_loop3A_236 : i32 to index
        %parallel_loop3A_239 = arith.index_cast %parallel_loop3A_131 : i32 to index
        %parallel_loop3A_240 = arith.index_cast %parallel_loop3A_237 : i32 to index
        %parallel_loop3A_241 = arith.index_cast %parallel_loop3A_235 : i32 to index
        %parallel_loop3A_242 = tpu.vector_load %arg8[%parallel_loop3A_238, %parallel_loop3A_239, %parallel_loop3A_240, %parallel_loop3A_241] {strides = array<i32>} : memref<8x4x8x128xf32, #tpu.memory_space<vmem>>, vector<16xf32>,
        tpu.vector_store %arg8[%parallel_loop3A_238, %parallel_loop3A_239, %parallel_loop3A_240, %parallel_loop3A_241], %parallel_loop3A_233 {strides = array<i32>} : memref<8x4x8x128xf32, #tpu.memory_space<vmem>>, vector<16xf32>,
        %parallel_loop3A_243 = arith.constant 2520 : i32
        %parallel_loop3A_244 = vector.broadcast %parallel_loop3A_243 : i32 to vector<16xi32>
        %parallel_loop3A_245 = arith.addi %parallel_loop3A_151, %parallel_loop3A_244 : vector<16xi32>
        %parallel_loop3A_246 = tpu.vector_load_idx %arg5[%parallel_loop3A_245] : memref<23040xf32, #tpu.memory_space<vmem>>[vector<16xi32>], vector<16xf32>,
        %parallel_loop3A_247 = arith.constant 16 : i32
        %parallel_loop3A_248 = arith.muli %parallel_loop3A_147, %parallel_loop3A_247 : i32
        %parallel_loop3A_249 = arith.constant 0 : i32
        %parallel_loop3A_250 = arith.constant 7 : i32
        %parallel_loop3A_251 = arith.index_cast %parallel_loop3A_249 : i32 to index
        %parallel_loop3A_252 = arith.index_cast %parallel_loop3A_131 : i32 to index
        %parallel_loop3A_253 = arith.index_cast %parallel_loop3A_250 : i32 to index
        %parallel_loop3A_254 = arith.index_cast %parallel_loop3A_248 : i32 to index
        %parallel_loop3A_255 = tpu.vector_load %arg8[%parallel_loop3A_251, %parallel_loop3A_252, %parallel_loop3A_253, %parallel_loop3A_254] {strides = array<i32>} : memref<8x4x8x128xf32, #tpu.memory_space<vmem>>, vector<16xf32>,
        tpu.vector_store %arg8[%parallel_loop3A_251, %parallel_loop3A_252, %parallel_loop3A_253, %parallel_loop3A_254], %parallel_loop3A_246 {strides = array<i32>} : memref<8x4x8x128xf32, #tpu.memory_space<vmem>>, vector<16xf32>,
        %parallel_loop3A_256 = arith.constant 2880 : i32
        %parallel_loop3A_257 = vector.broadcast %parallel_loop3A_256 : i32 to vector<16xi32>
        %parallel_loop3A_258 = arith.addi %parallel_loop3A_151, %parallel_loop3A_257 : vector<16xi32>
        %parallel_loop3A_259 = tpu.vector_load_idx %arg5[%parallel_loop3A_258] : memref<23040xf32, #tpu.memory_space<vmem>>[vector<16xi32>], vector<16xf32>,
        %parallel_loop3A_260 = arith.constant 16 : i32
        %parallel_loop3A_261 = arith.muli %parallel_loop3A_147, %parallel_loop3A_260 : i32
        %parallel_loop3A_262 = arith.constant 1 : i32
        %parallel_loop3A_263 = arith.constant 0 : i32
        %parallel_loop3A_264 = arith.index_cast %parallel_loop3A_262 : i32 to index
        %parallel_loop3A_265 = arith.index_cast %parallel_loop3A_131 : i32 to index
        %parallel_loop3A_266 = arith.index_cast %parallel_loop3A_263 : i32 to index
        %parallel_loop3A_267 = arith.index_cast %parallel_loop3A_261 : i32 to index
        %parallel_loop3A_268 = tpu.vector_load %arg8[%parallel_loop3A_264, %parallel_loop3A_265, %parallel_loop3A_266, %parallel_loop3A_267] {strides = array<i32>} : memref<8x4x8x128xf32, #tpu.memory_space<vmem>>, vector<16xf32>,
        tpu.vector_store %arg8[%parallel_loop3A_264, %parallel_loop3A_265, %parallel_loop3A_266, %parallel_loop3A_267], %parallel_loop3A_259 {strides = array<i32>} : memref<8x4x8x128xf32, #tpu.memory_space<vmem>>, vector<16xf32>,
        %parallel_loop3A_269 = arith.constant 3240 : i32
        %parallel_loop3A_270 = vector.broadcast %parallel_loop3A_269 : i32 to vector<16xi32>
        %parallel_loop3A_271 = arith.addi %parallel_loop3A_151, %parallel_loop3A_270 : vector<16xi32>
        %parallel_loop3A_272 = tpu.vector_load_idx %arg5[%parallel_loop3A_271] : memref<23040xf32, #tpu.memory_space<vmem>>[vector<16xi32>], vector<16xf32>,
        %parallel_loop3A_273 = arith.constant 16 : i32
        %parallel_loop3A_274 = arith.muli %parallel_loop3A_147, %parallel_loop3A_273 : i32
        %parallel_loop3A_275 = arith.constant 1 : i32
        %parallel_loop3A_276 = arith.constant 1 : i32
        %parallel_loop3A_277 = arith.index_cast %parallel_loop3A_275 : i32 to index
        %parallel_loop3A_278 = arith.index_cast %parallel_loop3A_131 : i32 to index
        %parallel_loop3A_279 = arith.index_cast %parallel_loop3A_276 : i32 to index
        %parallel_loop3A_280 = arith.index_cast %parallel_loop3A_274 : i32 to index
        %parallel_loop3A_281 = tpu.vector_load %arg8[%parallel_loop3A_277, %parallel_loop3A_278, %parallel_loop3A_279, %parallel_loop3A_280] {strides = array<i32>} : memref<8x4x8x128xf32, #tpu.memory_space<vmem>>, vector<16xf32>,
        tpu.vector_store %arg8[%parallel_loop3A_277, %parallel_loop3A_278, %parallel_loop3A_279, %parallel_loop3A_280], %parallel_loop3A_272 {strides = array<i32>} : memref<8x4x8x128xf32, #tpu.memory_space<vmem>>, vector<16xf32>,
        %parallel_loop3A_282 = arith.constant 3600 : i32
        %parallel_loop3A_283 = vector.broadcast %parallel_loop3A_282 : i32 to vector<16xi32>
        %parallel_loop3A_284 = arith.addi %parallel_loop3A_151, %parallel_loop3A_283 : vector<16xi32>
        %parallel_loop3A_285 = tpu.vector_load_idx %arg5[%parallel_loop3A_284] : memref<23040xf32, #tpu.memory_space<vmem>>[vector<16xi32>], vector<16xf32>,
        %parallel_loop3A_286 = arith.constant 16 : i32
        %parallel_loop3A_287 = arith.muli %parallel_loop3A_147, %parallel_loop3A_286 : i32
        %parallel_loop3A_288 = arith.constant 1 : i32
        %parallel_loop3A_289 = arith.constant 2 : i32
        %parallel_loop3A_290 = arith.index_cast %parallel_loop3A_288 : i32 to index
        %parallel_loop3A_291 = arith.index_cast %parallel_loop3A_131 : i32 to index
        %parallel_loop3A_292 = arith.index_cast %parallel_loop3A_289 : i32 to index
        %parallel_loop3A_293 = arith.index_cast %parallel_loop3A_287 : i32 to index
        %parallel_loop3A_294 = tpu.vector_load %arg8[%parallel_loop3A_290, %parallel_loop3A_291, %parallel_loop3A_292, %parallel_loop3A_293] {strides = array<i32>} : memref<8x4x8x128xf32, #tpu.memory_space<vmem>>, vector<16xf32>,
        tpu.vector_store %arg8[%parallel_loop3A_290, %parallel_loop3A_291, %parallel_loop3A_292, %parallel_loop3A_293], %parallel_loop3A_285 {strides = array<i32>} : memref<8x4x8x128xf32, #tpu.memory_space<vmem>>, vector<16xf32>,
        %parallel_loop3A_295 = arith.constant 3960 : i32
        %parallel_loop3A_296 = vector.broadcast %parallel_loop3A_295 : i32 to vector<16xi32>
        %parallel_loop3A_297 = arith.addi %parallel_loop3A_151, %parallel_loop3A_296 : vector<16xi32>
        %parallel_loop3A_298 = tpu.vector_load_idx %arg5[%parallel_loop3A_297] : memref<23040xf32, #tpu.memory_space<vmem>>[vector<16xi32>], vector<16xf32>,
        %parallel_loop3A_299 = arith.constant 16 : i32
        %parallel_loop3A_300 = arith.muli %parallel_loop3A_147, %parallel_loop3A_299 : i32
        %parallel_loop3A_301 = arith.constant 1 : i32
        %parallel_loop3A_302 = arith.constant 3 : i32
        %parallel_loop3A_303 = arith.index_cast %parallel_loop3A_301 : i32 to index
        %parallel_loop3A_304 = arith.index_cast %parallel_loop3A_131 : i32 to index
        %parallel_loop3A_305 = arith.index_cast %parallel_loop3A_302 : i32 to index
        %parallel_loop3A_306 = arith.index_cast %parallel_loop3A_300 : i32 to index
        %parallel_loop3A_307 = tpu.vector_load %arg8[%parallel_loop3A_303, %parallel_loop3A_304, %parallel_loop3A_305, %parallel_loop3A_306] {strides = array<i32>} : memref<8x4x8x128xf32, #tpu.memory_space<vmem>>, vector<16xf32>,
        tpu.vector_store %arg8[%parallel_loop3A_303, %parallel_loop3A_304, %parallel_loop3A_305, %parallel_loop3A_306], %parallel_loop3A_298 {strides = array<i32>} : memref<8x4x8x128xf32, #tpu.memory_space<vmem>>, vector<16xf32>,
        %parallel_loop3A_308 = arith.constant 4320 : i32
        %parallel_loop3A_309 = vector.broadcast %parallel_loop3A_308 : i32 to vector<16xi32>
        %parallel_loop3A_310 = arith.addi %parallel_loop3A_151, %parallel_loop3A_309 : vector<16xi32>
        %parallel_loop3A_311 = tpu.vector_load_idx %arg5[%parallel_loop3A_310] : memref<23040xf32, #tpu.memory_space<vmem>>[vector<16xi32>], vector<16xf32>,
        %parallel_loop3A_312 = arith.constant 16 : i32
        %parallel_loop3A_313 = arith.muli %parallel_loop3A_147, %parallel_loop3A_312 : i32
        %parallel_loop3A_314 = arith.constant 1 : i32
        %parallel_loop3A_315 = arith.constant 4 : i32
        %parallel_loop3A_316 = arith.index_cast %parallel_loop3A_314 : i32 to index
        %parallel_loop3A_317 = arith.index_cast %parallel_loop3A_131 : i32 to index
        %parallel_loop3A_318 = arith.index_cast %parallel_loop3A_315 : i32 to index
        %parallel_loop3A_319 = arith.index_cast %parallel_loop3A_313 : i32 to index
        %parallel_loop3A_320 = tpu.vector_load %arg8[%parallel_loop3A_316, %parallel_loop3A_317, %parallel_loop3A_318, %parallel_loop3A_319] {strides = array<i32>} : memref<8x4x8x128xf32, #tpu.memory_space<vmem>>, vector<16xf32>,
        tpu.vector_store %arg8[%parallel_loop3A_316, %parallel_loop3A_317, %parallel_loop3A_318, %parallel_loop3A_319], %parallel_loop3A_311 {strides = array<i32>} : memref<8x4x8x128xf32, #tpu.memory_space<vmem>>, vector<16xf32>,
        %parallel_loop3A_321 = arith.constant 4680 : i32
        %parallel_loop3A_322 = vector.broadcast %parallel_loop3A_321 : i32 to vector<16xi32>
        %parallel_loop3A_323 = arith.addi %parallel_loop3A_151, %parallel_loop3A_322 : vector<16xi32>
        %parallel_loop3A_324 = tpu.vector_load_idx %arg5[%parallel_loop3A_323] : memref<23040xf32, #tpu.memory_space<vmem>>[vector<16xi32>], vector<16xf32>,
        %parallel_loop3A_325 = arith.constant 16 : i32
        %parallel_loop3A_326 = arith.muli %parallel_loop3A_147, %parallel_loop3A_325 : i32
        %parallel_loop3A_327 = arith.constant 1 : i32
        %parallel_loop3A_328 = arith.constant 5 : i32
        %parallel_loop3A_329 = arith.index_cast %parallel_loop3A_327 : i32 to index
        %parallel_loop3A_330 = arith.index_cast %parallel_loop3A_131 : i32 to index
        %parallel_loop3A_331 = arith.index_cast %parallel_loop3A_328 : i32 to index
        %parallel_loop3A_332 = arith.index_cast %parallel_loop3A_326 : i32 to index
        %parallel_loop3A_333 = tpu.vector_load %arg8[%parallel_loop3A_329, %parallel_loop3A_330, %parallel_loop3A_331, %parallel_loop3A_332] {strides = array<i32>} : memref<8x4x8x128xf32, #tpu.memory_space<vmem>>, vector<16xf32>,
        tpu.vector_store %arg8[%parallel_loop3A_329, %parallel_loop3A_330, %parallel_loop3A_331, %parallel_loop3A_332], %parallel_loop3A_324 {strides = array<i32>} : memref<8x4x8x128xf32, #tpu.memory_space<vmem>>, vector<16xf32>,
        %parallel_loop3A_334 = arith.constant 5040 : i32
        %parallel_loop3A_335 = vector.broadcast %parallel_loop3A_334 : i32 to vector<16xi32>
        %parallel_loop3A_336 = arith.addi %parallel_loop3A_151, %parallel_loop3A_335 : vector<16xi32>
        %parallel_loop3A_337 = tpu.vector_load_idx %arg5[%parallel_loop3A_336] : memref<23040xf32, #tpu.memory_space<vmem>>[vector<16xi32>], vector<16xf32>,
        %parallel_loop3A_338 = arith.constant 16 : i32
        %parallel_loop3A_339 = arith.muli %parallel_loop3A_147, %parallel_loop3A_338 : i32
        %parallel_loop3A_340 = arith.constant 1 : i32
        %parallel_loop3A_341 = arith.constant 6 : i32
        %parallel_loop3A_342 = arith.index_cast %parallel_loop3A_340 : i32 to index
        %parallel_loop3A_343 = arith.index_cast %parallel_loop3A_131 : i32 to index
        %parallel_loop3A_344 = arith.index_cast %parallel_loop3A_341 : i32 to index
        %parallel_loop3A_345 = arith.index_cast %parallel_loop3A_339 : i32 to index
        %parallel_loop3A_346 = tpu.vector_load %arg8[%parallel_loop3A_342, %parallel_loop3A_343, %parallel_loop3A_344, %parallel_loop3A_345] {strides = array<i32>} : memref<8x4x8x128xf32, #tpu.memory_space<vmem>>, vector<16xf32>,
        tpu.vector_store %arg8[%parallel_loop3A_342, %parallel_loop3A_343, %parallel_loop3A_344, %parallel_loop3A_345], %parallel_loop3A_337 {strides = array<i32>} : memref<8x4x8x128xf32, #tpu.memory_space<vmem>>, vector<16xf32>,
        %parallel_loop3A_347 = arith.constant 5400 : i32
        %parallel_loop3A_348 = vector.broadcast %parallel_loop3A_347 : i32 to vector<16xi32>
        %parallel_loop3A_349 = arith.addi %parallel_loop3A_151, %parallel_loop3A_348 : vector<16xi32>
        %parallel_loop3A_350 = tpu.vector_load_idx %arg5[%parallel_loop3A_349] : memref<23040xf32, #tpu.memory_space<vmem>>[vector<16xi32>], vector<16xf32>,
        %parallel_loop3A_351 = arith.constant 16 : i32
        %parallel_loop3A_352 = arith.muli %parallel_loop3A_147, %parallel_loop3A_351 : i32
        %parallel_loop3A_353 = arith.constant 1 : i32
        %parallel_loop3A_354 = arith.constant 7 : i32
        %parallel_loop3A_355 = arith.index_cast %parallel_loop3A_353 : i32 to index
        %parallel_loop3A_356 = arith.index_cast %parallel_loop3A_131 : i32 to index
        %parallel_loop3A_357 = arith.index_cast %parallel_loop3A_354 : i32 to index
        %parallel_loop3A_358 = arith.index_cast %parallel_loop3A_352 : i32 to index
        %parallel_loop3A_359 = tpu.vector_load %arg8[%parallel_loop3A_355, %parallel_loop3A_356, %parallel_loop3A_357, %parallel_loop3A_358] {strides = array<i32>} : memref<8x4x8x128xf32, #tpu.memory_space<vmem>>, vector<16xf32>,
        tpu.vector_store %arg8[%parallel_loop3A_355, %parallel_loop3A_356, %parallel_loop3A_357, %parallel_loop3A_358], %parallel_loop3A_350 {strides = array<i32>} : memref<8x4x8x128xf32, #tpu.memory_space<vmem>>, vector<16xf32>,
        %parallel_loop3A_360 = arith.constant 5760 : i32
        %parallel_loop3A_361 = vector.broadcast %parallel_loop3A_360 : i32 to vector<16xi32>
        %parallel_loop3A_362 = arith.addi %parallel_loop3A_151, %parallel_loop3A_361 : vector<16xi32>
        %parallel_loop3A_363 = tpu.vector_load_idx %arg5[%parallel_loop3A_362] : memref<23040xf32, #tpu.memory_space<vmem>>[vector<16xi32>], vector<16xf32>,
        %parallel_loop3A_364 = arith.constant 16 : i32
        %parallel_loop3A_365 = arith.muli %parallel_loop3A_147, %parallel_loop3A_364 : i32
        %parallel_loop3A_366 = arith.constant 2 : i32
        %parallel_loop3A_367 = arith.constant 0 : i32
        %parallel_loop3A_368 = arith.index_cast %parallel_loop3A_366 : i32 to index
        %parallel_loop3A_369 = arith.index_cast %parallel_loop3A_131 : i32 to index
        %parallel_loop3A_370 = arith.index_cast %parallel_loop3A_367 : i32 to index
        %parallel_loop3A_371 = arith.index_cast %parallel_loop3A_365 : i32 to index
        %parallel_loop3A_372 = tpu.vector_load %arg8[%parallel_loop3A_368, %parallel_loop3A_369, %parallel_loop3A_370, %parallel_loop3A_371] {strides = array<i32>} : memref<8x4x8x128xf32, #tpu.memory_space<vmem>>, vector<16xf32>,
        tpu.vector_store %arg8[%parallel_loop3A_368, %parallel_loop3A_369, %parallel_loop3A_370, %parallel_loop3A_371], %parallel_loop3A_363 {strides = array<i32>} : memref<8x4x8x128xf32, #tpu.memory_space<vmem>>, vector<16xf32>,
        %parallel_loop3A_373 = arith.constant 6120 : i32
        %parallel_loop3A_374 = vector.broadcast %parallel_loop3A_373 : i32 to vector<16xi32>
        %parallel_loop3A_375 = arith.addi %parallel_loop3A_151, %parallel_loop3A_374 : vector<16xi32>
        %parallel_loop3A_376 = tpu.vector_load_idx %arg5[%parallel_loop3A_375] : memref<23040xf32, #tpu.memory_space<vmem>>[vector<16xi32>], vector<16xf32>,
        %parallel_loop3A_377 = arith.constant 16 : i32
        %parallel_loop3A_378 = arith.muli %parallel_loop3A_147, %parallel_loop3A_377 : i32
        %parallel_loop3A_379 = arith.constant 2 : i32
        %parallel_loop3A_380 = arith.constant 1 : i32
        %parallel_loop3A_381 = arith.index_cast %parallel_loop3A_379 : i32 to index
        %parallel_loop3A_382 = arith.index_cast %parallel_loop3A_131 : i32 to index
        %parallel_loop3A_383 = arith.index_cast %parallel_loop3A_380 : i32 to index
        %parallel_loop3A_384 = arith.index_cast %parallel_loop3A_378 : i32 to index
        %parallel_loop3A_385 = tpu.vector_load %arg8[%parallel_loop3A_381, %parallel_loop3A_382, %parallel_loop3A_383, %parallel_loop3A_384] {strides = array<i32>} : memref<8x4x8x128xf32, #tpu.memory_space<vmem>>, vector<16xf32>,
        tpu.vector_store %arg8[%parallel_loop3A_381, %parallel_loop3A_382, %parallel_loop3A_383, %parallel_loop3A_384], %parallel_loop3A_376 {strides = array<i32>} : memref<8x4x8x128xf32, #tpu.memory_space<vmem>>, vector<16xf32>,
        %parallel_loop3A_386 = arith.constant 6480 : i32
        %parallel_loop3A_387 = vector.broadcast %parallel_loop3A_386 : i32 to vector<16xi32>
        %parallel_loop3A_388 = arith.addi %parallel_loop3A_151, %parallel_loop3A_387 : vector<16xi32>
        %parallel_loop3A_389 = tpu.vector_load_idx %arg5[%parallel_loop3A_388] : memref<23040xf32, #tpu.memory_space<vmem>>[vector<16xi32>], vector<16xf32>,
        %parallel_loop3A_390 = arith.constant 16 : i32
        %parallel_loop3A_391 = arith.muli %parallel_loop3A_147, %parallel_loop3A_390 : i32
        %parallel_loop3A_392 = arith.constant 2 : i32
        %parallel_loop3A_393 = arith.constant 2 : i32
        %parallel_loop3A_394 = arith.index_cast %parallel_loop3A_392 : i32 to index
        %parallel_loop3A_395 = arith.index_cast %parallel_loop3A_131 : i32 to index
        %parallel_loop3A_396 = arith.index_cast %parallel_loop3A_393 : i32 to index
        %parallel_loop3A_397 = arith.index_cast %parallel_loop3A_391 : i32 to index
        %parallel_loop3A_398 = tpu.vector_load %arg8[%parallel_loop3A_394, %parallel_loop3A_395, %parallel_loop3A_396, %parallel_loop3A_397] {strides = array<i32>} : memref<8x4x8x128xf32, #tpu.memory_space<vmem>>, vector<16xf32>,
        tpu.vector_store %arg8[%parallel_loop3A_394, %parallel_loop3A_395, %parallel_loop3A_396, %parallel_loop3A_397], %parallel_loop3A_389 {strides = array<i32>} : memref<8x4x8x128xf32, #tpu.memory_space<vmem>>, vector<16xf32>,
        %parallel_loop3A_399 = arith.constant 6840 : i32
        %parallel_loop3A_400 = vector.broadcast %parallel_loop3A_399 : i32 to vector<16xi32>
        %parallel_loop3A_401 = arith.addi %parallel_loop3A_151, %parallel_loop3A_400 : vector<16xi32>
        %parallel_loop3A_402 = tpu.vector_load_idx %arg5[%parallel_loop3A_401] : memref<23040xf32, #tpu.memory_space<vmem>>[vector<16xi32>], vector<16xf32>,
        %parallel_loop3A_403 = arith.constant 16 : i32
        %parallel_loop3A_404 = arith.muli %parallel_loop3A_147, %parallel_loop3A_403 : i32
        %parallel_loop3A_405 = arith.constant 2 : i32
        %parallel_loop3A_406 = arith.constant 3 : i32
        %parallel_loop3A_407 = arith.index_cast %parallel_loop3A_405 : i32 to index
        %parallel_loop3A_408 = arith.index_cast %parallel_loop3A_131 : i32 to index
        %parallel_loop3A_409 = arith.index_cast %parallel_loop3A_406 : i32 to index
        %parallel_loop3A_410 = arith.index_cast %parallel_loop3A_404 : i32 to index
        %parallel_loop3A_411 = tpu.vector_load %arg8[%parallel_loop3A_407, %parallel_loop3A_408, %parallel_loop3A_409, %parallel_loop3A_410] {strides = array<i32>} : memref<8x4x8x128xf32, #tpu.memory_space<vmem>>, vector<16xf32>,
        tpu.vector_store %arg8[%parallel_loop3A_407, %parallel_loop3A_408, %parallel_loop3A_409, %parallel_loop3A_410], %parallel_loop3A_402 {strides = array<i32>} : memref<8x4x8x128xf32, #tpu.memory_space<vmem>>, vector<16xf32>,
        %parallel_loop3A_412 = arith.constant 7200 : i32
        %parallel_loop3A_413 = vector.broadcast %parallel_loop3A_412 : i32 to vector<16xi32>
        %parallel_loop3A_414 = arith.addi %parallel_loop3A_151, %parallel_loop3A_413 : vector<16xi32>
        %parallel_loop3A_415 = tpu.vector_load_idx %arg5[%parallel_loop3A_414] : memref<23040xf32, #tpu.memory_space<vmem>>[vector<16xi32>], vector<16xf32>,
        %parallel_loop3A_416 = arith.constant 16 : i32
        %parallel_loop3A_417 = arith.muli %parallel_loop3A_147, %parallel_loop3A_416 : i32
        %parallel_loop3A_418 = arith.constant 2 : i32
        %parallel_loop3A_419 = arith.constant 4 : i32
        %parallel_loop3A_420 = arith.index_cast %parallel_loop3A_418 : i32 to index
        %parallel_loop3A_421 = arith.index_cast %parallel_loop3A_131 : i32 to index
        %parallel_loop3A_422 = arith.index_cast %parallel_loop3A_419 : i32 to index
        %parallel_loop3A_423 = arith.index_cast %parallel_loop3A_417 : i32 to index
        %parallel_loop3A_424 = tpu.vector_load %arg8[%parallel_loop3A_420, %parallel_loop3A_421, %parallel_loop3A_422, %parallel_loop3A_423] {strides = array<i32>} : memref<8x4x8x128xf32, #tpu.memory_space<vmem>>, vector<16xf32>,
        tpu.vector_store %arg8[%parallel_loop3A_420, %parallel_loop3A_421, %parallel_loop3A_422, %parallel_loop3A_423], %parallel_loop3A_415 {strides = array<i32>} : memref<8x4x8x128xf32, #tpu.memory_space<vmem>>, vector<16xf32>,
        %parallel_loop3A_425 = arith.constant 7560 : i32
        %parallel_loop3A_426 = vector.broadcast %parallel_loop3A_425 : i32 to vector<16xi32>
        %parallel_loop3A_427 = arith.addi %parallel_loop3A_151, %parallel_loop3A_426 : vector<16xi32>
        %parallel_loop3A_428 = tpu.vector_load_idx %arg5[%parallel_loop3A_427] : memref<23040xf32, #tpu.memory_space<vmem>>[vector<16xi32>], vector<16xf32>,
        %parallel_loop3A_429 = arith.constant 16 : i32
        %parallel_loop3A_430 = arith.muli %parallel_loop3A_147, %parallel_loop3A_429 : i32
        %parallel_loop3A_431 = arith.constant 2 : i32
        %parallel_loop3A_432 = arith.constant 5 : i32
        %parallel_loop3A_433 = arith.index_cast %parallel_loop3A_431 : i32 to index
        %parallel_loop3A_434 = arith.index_cast %parallel_loop3A_131 : i32 to index
        %parallel_loop3A_435 = arith.index_cast %parallel_loop3A_432 : i32 to index
        %parallel_loop3A_436 = arith.index_cast %parallel_loop3A_430 : i32 to index
        %parallel_loop3A_437 = tpu.vector_load %arg8[%parallel_loop3A_433, %parallel_loop3A_434, %parallel_loop3A_435, %parallel_loop3A_436] {strides = array<i32>} : memref<8x4x8x128xf32, #tpu.memory_space<vmem>>, vector<16xf32>,
        tpu.vector_store %arg8[%parallel_loop3A_433, %parallel_loop3A_434, %parallel_loop3A_435, %parallel_loop3A_436], %parallel_loop3A_428 {strides = array<i32>} : memref<8x4x8x128xf32, #tpu.memory_space<vmem>>, vector<16xf32>,
        %parallel_loop3A_438 = arith.constant 7920 : i32
        %parallel_loop3A_439 = vector.broadcast %parallel_loop3A_438 : i32 to vector<16xi32>
        %parallel_loop3A_440 = arith.addi %parallel_loop3A_151, %parallel_loop3A_439 : vector<16xi32>
        %parallel_loop3A_441 = tpu.vector_load_idx %arg5[%parallel_loop3A_440] : memref<23040xf32, #tpu.memory_space<vmem>>[vector<16xi32>], vector<16xf32>,
        %parallel_loop3A_442 = arith.constant 16 : i32
        %parallel_loop3A_443 = arith.muli %parallel_loop3A_147, %parallel_loop3A_442 : i32
        %parallel_loop3A_444 = arith.constant 2 : i32
        %parallel_loop3A_445 = arith.constant 6 : i32
        %parallel_loop3A_446 = arith.index_cast %parallel_loop3A_444 : i32 to index
        %parallel_loop3A_447 = arith.index_cast %parallel_loop3A_131 : i32 to index
        %parallel_loop3A_448 = arith.index_cast %parallel_loop3A_445 : i32 to index
        %parallel_loop3A_449 = arith.index_cast %parallel_loop3A_443 : i32 to index
        %parallel_loop3A_450 = tpu.vector_load %arg8[%parallel_loop3A_446, %parallel_loop3A_447, %parallel_loop3A_448, %parallel_loop3A_449] {strides = array<i32>} : memref<8x4x8x128xf32, #tpu.memory_space<vmem>>, vector<16xf32>,
        tpu.vector_store %arg8[%parallel_loop3A_446, %parallel_loop3A_447, %parallel_loop3A_448, %parallel_loop3A_449], %parallel_loop3A_441 {strides = array<i32>} : memref<8x4x8x128xf32, #tpu.memory_space<vmem>>, vector<16xf32>,
        %parallel_loop3A_451 = arith.constant 8280 : i32
        %parallel_loop3A_452 = vector.broadcast %parallel_loop3A_451 : i32 to vector<16xi32>
        %parallel_loop3A_453 = arith.addi %parallel_loop3A_151, %parallel_loop3A_452 : vector<16xi32>
        %parallel_loop3A_454 = tpu.vector_load_idx %arg5[%parallel_loop3A_453] : memref<23040xf32, #tpu.memory_space<vmem>>[vector<16xi32>], vector<16xf32>,
        %parallel_loop3A_455 = arith.constant 16 : i32
        %parallel_loop3A_456 = arith.muli %parallel_loop3A_147, %parallel_loop3A_455 : i32
        %parallel_loop3A_457 = arith.constant 2 : i32
        %parallel_loop3A_458 = arith.constant 7 : i32
        %parallel_loop3A_459 = arith.index_cast %parallel_loop3A_457 : i32 to index
        %parallel_loop3A_460 = arith.index_cast %parallel_loop3A_131 : i32 to index
        %parallel_loop3A_461 = arith.index_cast %parallel_loop3A_458 : i32 to index
        %parallel_loop3A_462 = arith.index_cast %parallel_loop3A_456 : i32 to index
        %parallel_loop3A_463 = tpu.vector_load %arg8[%parallel_loop3A_459, %parallel_loop3A_460, %parallel_loop3A_461, %parallel_loop3A_462] {strides = array<i32>} : memref<8x4x8x128xf32, #tpu.memory_space<vmem>>, vector<16xf32>,
        tpu.vector_store %arg8[%parallel_loop3A_459, %parallel_loop3A_460, %parallel_loop3A_461, %parallel_loop3A_462], %parallel_loop3A_454 {strides = array<i32>} : memref<8x4x8x128xf32, #tpu.memory_space<vmem>>, vector<16xf32>,
        %parallel_loop3A_464 = arith.constant 8640 : i32
        %parallel_loop3A_465 = vector.broadcast %parallel_loop3A_464 : i32 to vector<16xi32>
        %parallel_loop3A_466 = arith.addi %parallel_loop3A_151, %parallel_loop3A_465 : vector<16xi32>
        %parallel_loop3A_467 = tpu.vector_load_idx %arg5[%parallel_loop3A_466] : memref<23040xf32, #tpu.memory_space<vmem>>[vector<16xi32>], vector<16xf32>,
        %parallel_loop3A_468 = arith.constant 16 : i32
        %parallel_loop3A_469 = arith.muli %parallel_loop3A_147, %parallel_loop3A_468 : i32
        %parallel_loop3A_470 = arith.constant 3 : i32
        %parallel_loop3A_471 = arith.constant 0 : i32
        %parallel_loop3A_472 = arith.index_cast %parallel_loop3A_470 : i32 to index
        %parallel_loop3A_473 = arith.index_cast %parallel_loop3A_131 : i32 to index
        %parallel_loop3A_474 = arith.index_cast %parallel_loop3A_471 : i32 to index
        %parallel_loop3A_475 = arith.index_cast %parallel_loop3A_469 : i32 to index
        %parallel_loop3A_476 = tpu.vector_load %arg8[%parallel_loop3A_472, %parallel_loop3A_473, %parallel_loop3A_474, %parallel_loop3A_475] {strides = array<i32>} : memref<8x4x8x128xf32, #tpu.memory_space<vmem>>, vector<16xf32>,
        tpu.vector_store %arg8[%parallel_loop3A_472, %parallel_loop3A_473, %parallel_loop3A_474, %parallel_loop3A_475], %parallel_loop3A_467 {strides = array<i32>} : memref<8x4x8x128xf32, #tpu.memory_space<vmem>>, vector<16xf32>,
        %parallel_loop3A_477 = arith.constant 9000 : i32
        %parallel_loop3A_478 = vector.broadcast %parallel_loop3A_477 : i32 to vector<16xi32>
        %parallel_loop3A_479 = arith.addi %parallel_loop3A_151, %parallel_loop3A_478 : vector<16xi32>
        %parallel_loop3A_480 = tpu.vector_load_idx %arg5[%parallel_loop3A_479] : memref<23040xf32, #tpu.memory_space<vmem>>[vector<16xi32>], vector<16xf32>,
        %parallel_loop3A_481 = arith.constant 16 : i32
        %parallel_loop3A_482 = arith.muli %parallel_loop3A_147, %parallel_loop3A_481 : i32
        %parallel_loop3A_483 = arith.constant 3 : i32
        %parallel_loop3A_484 = arith.constant 1 : i32
        %parallel_loop3A_485 = arith.index_cast %parallel_loop3A_483 : i32 to index
        %parallel_loop3A_486 = arith.index_cast %parallel_loop3A_131 : i32 to index
        %parallel_loop3A_487 = arith.index_cast %parallel_loop3A_484 : i32 to index
        %parallel_loop3A_488 = arith.index_cast %parallel_loop3A_482 : i32 to index
        %parallel_loop3A_489 = tpu.vector_load %arg8[%parallel_loop3A_485, %parallel_loop3A_486, %parallel_loop3A_487, %parallel_loop3A_488] {strides = array<i32>} : memref<8x4x8x128xf32, #tpu.memory_space<vmem>>, vector<16xf32>,
        tpu.vector_store %arg8[%parallel_loop3A_485, %parallel_loop3A_486, %parallel_loop3A_487, %parallel_loop3A_488], %parallel_loop3A_480 {strides = array<i32>} : memref<8x4x8x128xf32, #tpu.memory_space<vmem>>, vector<16xf32>,
        %parallel_loop3A_490 = arith.constant 9360 : i32
        %parallel_loop3A_491 = vector.broadcast %parallel_loop3A_490 : i32 to vector<16xi32>
        %parallel_loop3A_492 = arith.addi %parallel_loop3A_151, %parallel_loop3A_491 : vector<16xi32>
        %parallel_loop3A_493 = tpu.vector_load_idx %arg5[%parallel_loop3A_492] : memref<23040xf32, #tpu.memory_space<vmem>>[vector<16xi32>], vector<16xf32>,
        %parallel_loop3A_494 = arith.constant 16 : i32
        %parallel_loop3A_495 = arith.muli %parallel_loop3A_147, %parallel_loop3A_494 : i32
        %parallel_loop3A_496 = arith.constant 3 : i32
        %parallel_loop3A_497 = arith.constant 2 : i32
        %parallel_loop3A_498 = arith.index_cast %parallel_loop3A_496 : i32 to index
        %parallel_loop3A_499 = arith.index_cast %parallel_loop3A_131 : i32 to index
        %parallel_loop3A_500 = arith.index_cast %parallel_loop3A_497 : i32 to index
        %parallel_loop3A_501 = arith.index_cast %parallel_loop3A_495 : i32 to index
        %parallel_loop3A_502 = tpu.vector_load %arg8[%parallel_loop3A_498, %parallel_loop3A_499, %parallel_loop3A_500, %parallel_loop3A_501] {strides = array<i32>} : memref<8x4x8x128xf32, #tpu.memory_space<vmem>>, vector<16xf32>,
        tpu.vector_store %arg8[%parallel_loop3A_498, %parallel_loop3A_499, %parallel_loop3A_500, %parallel_loop3A_501], %parallel_loop3A_493 {strides = array<i32>} : memref<8x4x8x128xf32, #tpu.memory_space<vmem>>, vector<16xf32>,
        %parallel_loop3A_503 = arith.constant 9720 : i32
        %parallel_loop3A_504 = vector.broadcast %parallel_loop3A_503 : i32 to vector<16xi32>
        %parallel_loop3A_505 = arith.addi %parallel_loop3A_151, %parallel_loop3A_504 : vector<16xi32>
        %parallel_loop3A_506 = tpu.vector_load_idx %arg5[%parallel_loop3A_505] : memref<23040xf32, #tpu.memory_space<vmem>>[vector<16xi32>], vector<16xf32>,
        %parallel_loop3A_507 = arith.constant 16 : i32
        %parallel_loop3A_508 = arith.muli %parallel_loop3A_147, %parallel_loop3A_507 : i32
        %parallel_loop3A_509 = arith.constant 3 : i32
        %parallel_loop3A_510 = arith.constant 3 : i32
        %parallel_loop3A_511 = arith.index_cast %parallel_loop3A_509 : i32 to index
        %parallel_loop3A_512 = arith.index_cast %parallel_loop3A_131 : i32 to index
        %parallel_loop3A_513 = arith.index_cast %parallel_loop3A_510 : i32 to index
        %parallel_loop3A_514 = arith.index_cast %parallel_loop3A_508 : i32 to index
        %parallel_loop3A_515 = tpu.vector_load %arg8[%parallel_loop3A_511, %parallel_loop3A_512, %parallel_loop3A_513, %parallel_loop3A_514] {strides = array<i32>} : memref<8x4x8x128xf32, #tpu.memory_space<vmem>>, vector<16xf32>,
        tpu.vector_store %arg8[%parallel_loop3A_511, %parallel_loop3A_512, %parallel_loop3A_513, %parallel_loop3A_514], %parallel_loop3A_506 {strides = array<i32>} : memref<8x4x8x128xf32, #tpu.memory_space<vmem>>, vector<16xf32>,
        %parallel_loop3A_516 = arith.constant 10080 : i32
        %parallel_loop3A_517 = vector.broadcast %parallel_loop3A_516 : i32 to vector<16xi32>
        %parallel_loop3A_518 = arith.addi %parallel_loop3A_151, %parallel_loop3A_517 : vector<16xi32>
        %parallel_loop3A_519 = tpu.vector_load_idx %arg5[%parallel_loop3A_518] : memref<23040xf32, #tpu.memory_space<vmem>>[vector<16xi32>], vector<16xf32>,
        %parallel_loop3A_520 = arith.constant 16 : i32
        %parallel_loop3A_521 = arith.muli %parallel_loop3A_147, %parallel_loop3A_520 : i32
        %parallel_loop3A_522 = arith.constant 3 : i32
        %parallel_loop3A_523 = arith.constant 4 : i32
        %parallel_loop3A_524 = arith.index_cast %parallel_loop3A_522 : i32 to index
        %parallel_loop3A_525 = arith.index_cast %parallel_loop3A_131 : i32 to index
        %parallel_loop3A_526 = arith.index_cast %parallel_loop3A_523 : i32 to index
        %parallel_loop3A_527 = arith.index_cast %parallel_loop3A_521 : i32 to index
        %parallel_loop3A_528 = tpu.vector_load %arg8[%parallel_loop3A_524, %parallel_loop3A_525, %parallel_loop3A_526, %parallel_loop3A_527] {strides = array<i32>} : memref<8x4x8x128xf32, #tpu.memory_space<vmem>>, vector<16xf32>,
        tpu.vector_store %arg8[%parallel_loop3A_524, %parallel_loop3A_525, %parallel_loop3A_526, %parallel_loop3A_527], %parallel_loop3A_519 {strides = array<i32>} : memref<8x4x8x128xf32, #tpu.memory_space<vmem>>, vector<16xf32>,
        %parallel_loop3A_529 = arith.constant 10440 : i32
        %parallel_loop3A_530 = vector.broadcast %parallel_loop3A_529 : i32 to vector<16xi32>
        %parallel_loop3A_531 = arith.addi %parallel_loop3A_151, %parallel_loop3A_530 : vector<16xi32>
        %parallel_loop3A_532 = tpu.vector_load_idx %arg5[%parallel_loop3A_531] : memref<23040xf32, #tpu.memory_space<vmem>>[vector<16xi32>], vector<16xf32>,
        %parallel_loop3A_533 = arith.constant 16 : i32
        %parallel_loop3A_534 = arith.muli %parallel_loop3A_147, %parallel_loop3A_533 : i32
        %parallel_loop3A_535 = arith.constant 3 : i32
        %parallel_loop3A_536 = arith.constant 5 : i32
        %parallel_loop3A_537 = arith.index_cast %parallel_loop3A_535 : i32 to index
        %parallel_loop3A_538 = arith.index_cast %parallel_loop3A_131 : i32 to index
        %parallel_loop3A_539 = arith.index_cast %parallel_loop3A_536 : i32 to index
        %parallel_loop3A_540 = arith.index_cast %parallel_loop3A_534 : i32 to index
        %parallel_loop3A_541 = tpu.vector_load %arg8[%parallel_loop3A_537, %parallel_loop3A_538, %parallel_loop3A_539, %parallel_loop3A_540] {strides = array<i32>} : memref<8x4x8x128xf32, #tpu.memory_space<vmem>>, vector<16xf32>,
        tpu.vector_store %arg8[%parallel_loop3A_537, %parallel_loop3A_538, %parallel_loop3A_539, %parallel_loop3A_540], %parallel_loop3A_532 {strides = array<i32>} : memref<8x4x8x128xf32, #tpu.memory_space<vmem>>, vector<16xf32>,
        %parallel_loop3A_542 = arith.constant 10800 : i32
        %parallel_loop3A_543 = vector.broadcast %parallel_loop3A_542 : i32 to vector<16xi32>
        %parallel_loop3A_544 = arith.addi %parallel_loop3A_151, %parallel_loop3A_543 : vector<16xi32>
        %parallel_loop3A_545 = tpu.vector_load_idx %arg5[%parallel_loop3A_544] : memref<23040xf32, #tpu.memory_space<vmem>>[vector<16xi32>], vector<16xf32>,
        %parallel_loop3A_546 = arith.constant 16 : i32
        %parallel_loop3A_547 = arith.muli %parallel_loop3A_147, %parallel_loop3A_546 : i32
        %parallel_loop3A_548 = arith.constant 3 : i32
        %parallel_loop3A_549 = arith.constant 6 : i32
        %parallel_loop3A_550 = arith.index_cast %parallel_loop3A_548 : i32 to index
        %parallel_loop3A_551 = arith.index_cast %parallel_loop3A_131 : i32 to index
        %parallel_loop3A_552 = arith.index_cast %parallel_loop3A_549 : i32 to index
        %parallel_loop3A_553 = arith.index_cast %parallel_loop3A_547 : i32 to index
        %parallel_loop3A_554 = tpu.vector_load %arg8[%parallel_loop3A_550, %parallel_loop3A_551, %parallel_loop3A_552, %parallel_loop3A_553] {strides = array<i32>} : memref<8x4x8x128xf32, #tpu.memory_space<vmem>>, vector<16xf32>,
        tpu.vector_store %arg8[%parallel_loop3A_550, %parallel_loop3A_551, %parallel_loop3A_552, %parallel_loop3A_553], %parallel_loop3A_545 {strides = array<i32>} : memref<8x4x8x128xf32, #tpu.memory_space<vmem>>, vector<16xf32>,
        %parallel_loop3A_555 = arith.constant 11160 : i32
        %parallel_loop3A_556 = vector.broadcast %parallel_loop3A_555 : i32 to vector<16xi32>
        %parallel_loop3A_557 = arith.addi %parallel_loop3A_151, %parallel_loop3A_556 : vector<16xi32>
        %parallel_loop3A_558 = tpu.vector_load_idx %arg5[%parallel_loop3A_557] : memref<23040xf32, #tpu.memory_space<vmem>>[vector<16xi32>], vector<16xf32>,
        %parallel_loop3A_559 = arith.constant 16 : i32
        %parallel_loop3A_560 = arith.muli %parallel_loop3A_147, %parallel_loop3A_559 : i32
        %parallel_loop3A_561 = arith.constant 3 : i32
        %parallel_loop3A_562 = arith.constant 7 : i32
        %parallel_loop3A_563 = arith.index_cast %parallel_loop3A_561 : i32 to index
        %parallel_loop3A_564 = arith.index_cast %parallel_loop3A_131 : i32 to index
        %parallel_loop3A_565 = arith.index_cast %parallel_loop3A_562 : i32 to index
        %parallel_loop3A_566 = arith.index_cast %parallel_loop3A_560 : i32 to index
        %parallel_loop3A_567 = tpu.vector_load %arg8[%parallel_loop3A_563, %parallel_loop3A_564, %parallel_loop3A_565, %parallel_loop3A_566] {strides = array<i32>} : memref<8x4x8x128xf32, #tpu.memory_space<vmem>>, vector<16xf32>,
        tpu.vector_store %arg8[%parallel_loop3A_563, %parallel_loop3A_564, %parallel_loop3A_565, %parallel_loop3A_566], %parallel_loop3A_558 {strides = array<i32>} : memref<8x4x8x128xf32, #tpu.memory_space<vmem>>, vector<16xf32>,
        %parallel_loop3A_568 = arith.constant 11520 : i32
        %parallel_loop3A_569 = vector.broadcast %parallel_loop3A_568 : i32 to vector<16xi32>
        %parallel_loop3A_570 = arith.addi %parallel_loop3A_151, %parallel_loop3A_569 : vector<16xi32>
        %parallel_loop3A_571 = tpu.vector_load_idx %arg5[%parallel_loop3A_570] : memref<23040xf32, #tpu.memory_space<vmem>>[vector<16xi32>], vector<16xf32>,
        %parallel_loop3A_572 = arith.constant 16 : i32
        %parallel_loop3A_573 = arith.muli %parallel_loop3A_147, %parallel_loop3A_572 : i32
        %parallel_loop3A_574 = arith.constant 4 : i32
        %parallel_loop3A_575 = arith.constant 0 : i32
        %parallel_loop3A_576 = arith.index_cast %parallel_loop3A_574 : i32 to index
        %parallel_loop3A_577 = arith.index_cast %parallel_loop3A_131 : i32 to index
        %parallel_loop3A_578 = arith.index_cast %parallel_loop3A_575 : i32 to index
        %parallel_loop3A_579 = arith.index_cast %parallel_loop3A_573 : i32 to index
        %parallel_loop3A_580 = tpu.vector_load %arg8[%parallel_loop3A_576, %parallel_loop3A_577, %parallel_loop3A_578, %parallel_loop3A_579] {strides = array<i32>} : memref<8x4x8x128xf32, #tpu.memory_space<vmem>>, vector<16xf32>,
        tpu.vector_store %arg8[%parallel_loop3A_576, %parallel_loop3A_577, %parallel_loop3A_578, %parallel_loop3A_579], %parallel_loop3A_571 {strides = array<i32>} : memref<8x4x8x128xf32, #tpu.memory_space<vmem>>, vector<16xf32>,
        %parallel_loop3A_581 = arith.constant 11880 : i32
        %parallel_loop3A_582 = vector.broadcast %parallel_loop3A_581 : i32 to vector<16xi32>
        %parallel_loop3A_583 = arith.addi %parallel_loop3A_151, %parallel_loop3A_582 : vector<16xi32>
        %parallel_loop3A_584 = tpu.vector_load_idx %arg5[%parallel_loop3A_583] : memref<23040xf32, #tpu.memory_space<vmem>>[vector<16xi32>], vector<16xf32>,
        %parallel_loop3A_585 = arith.constant 16 : i32
        %parallel_loop3A_586 = arith.muli %parallel_loop3A_147, %parallel_loop3A_585 : i32
        %parallel_loop3A_587 = arith.constant 4 : i32
        %parallel_loop3A_588 = arith.constant 1 : i32
        %parallel_loop3A_589 = arith.index_cast %parallel_loop3A_587 : i32 to index
        %parallel_loop3A_590 = arith.index_cast %parallel_loop3A_131 : i32 to index
        %parallel_loop3A_591 = arith.index_cast %parallel_loop3A_588 : i32 to index
        %parallel_loop3A_592 = arith.index_cast %parallel_loop3A_586 : i32 to index
        %parallel_loop3A_593 = tpu.vector_load %arg8[%parallel_loop3A_589, %parallel_loop3A_590, %parallel_loop3A_591, %parallel_loop3A_592] {strides = array<i32>} : memref<8x4x8x128xf32, #tpu.memory_space<vmem>>, vector<16xf32>,
        tpu.vector_store %arg8[%parallel_loop3A_589, %parallel_loop3A_590, %parallel_loop3A_591, %parallel_loop3A_592], %parallel_loop3A_584 {strides = array<i32>} : memref<8x4x8x128xf32, #tpu.memory_space<vmem>>, vector<16xf32>,
        %parallel_loop3A_594 = arith.constant 12240 : i32
        %parallel_loop3A_595 = vector.broadcast %parallel_loop3A_594 : i32 to vector<16xi32>
        %parallel_loop3A_596 = arith.addi %parallel_loop3A_151, %parallel_loop3A_595 : vector<16xi32>
        %parallel_loop3A_597 = tpu.vector_load_idx %arg5[%parallel_loop3A_596] : memref<23040xf32, #tpu.memory_space<vmem>>[vector<16xi32>], vector<16xf32>,
        %parallel_loop3A_598 = arith.constant 16 : i32
        %parallel_loop3A_599 = arith.muli %parallel_loop3A_147, %parallel_loop3A_598 : i32
        %parallel_loop3A_600 = arith.constant 4 : i32
        %parallel_loop3A_601 = arith.constant 2 : i32
        %parallel_loop3A_602 = arith.index_cast %parallel_loop3A_600 : i32 to index
        %parallel_loop3A_603 = arith.index_cast %parallel_loop3A_131 : i32 to index
        %parallel_loop3A_604 = arith.index_cast %parallel_loop3A_601 : i32 to index
        %parallel_loop3A_605 = arith.index_cast %parallel_loop3A_599 : i32 to index
        %parallel_loop3A_606 = tpu.vector_load %arg8[%parallel_loop3A_602, %parallel_loop3A_603, %parallel_loop3A_604, %parallel_loop3A_605] {strides = array<i32>} : memref<8x4x8x128xf32, #tpu.memory_space<vmem>>, vector<16xf32>,
        tpu.vector_store %arg8[%parallel_loop3A_602, %parallel_loop3A_603, %parallel_loop3A_604, %parallel_loop3A_605], %parallel_loop3A_597 {strides = array<i32>} : memref<8x4x8x128xf32, #tpu.memory_space<vmem>>, vector<16xf32>,
        %parallel_loop3A_607 = arith.constant 12600 : i32
        %parallel_loop3A_608 = vector.broadcast %parallel_loop3A_607 : i32 to vector<16xi32>
        %parallel_loop3A_609 = arith.addi %parallel_loop3A_151, %parallel_loop3A_608 : vector<16xi32>
        %parallel_loop3A_610 = tpu.vector_load_idx %arg5[%parallel_loop3A_609] : memref<23040xf32, #tpu.memory_space<vmem>>[vector<16xi32>], vector<16xf32>,
        %parallel_loop3A_611 = arith.constant 16 : i32
        %parallel_loop3A_612 = arith.muli %parallel_loop3A_147, %parallel_loop3A_611 : i32
        %parallel_loop3A_613 = arith.constant 4 : i32
        %parallel_loop3A_614 = arith.constant 3 : i32
        %parallel_loop3A_615 = arith.index_cast %parallel_loop3A_613 : i32 to index
        %parallel_loop3A_616 = arith.index_cast %parallel_loop3A_131 : i32 to index
        %parallel_loop3A_617 = arith.index_cast %parallel_loop3A_614 : i32 to index
        %parallel_loop3A_618 = arith.index_cast %parallel_loop3A_612 : i32 to index
        %parallel_loop3A_619 = tpu.vector_load %arg8[%parallel_loop3A_615, %parallel_loop3A_616, %parallel_loop3A_617, %parallel_loop3A_618] {strides = array<i32>} : memref<8x4x8x128xf32, #tpu.memory_space<vmem>>, vector<16xf32>,
        tpu.vector_store %arg8[%parallel_loop3A_615, %parallel_loop3A_616, %parallel_loop3A_617, %parallel_loop3A_618], %parallel_loop3A_610 {strides = array<i32>} : memref<8x4x8x128xf32, #tpu.memory_space<vmem>>, vector<16xf32>,
        %parallel_loop3A_620 = arith.constant 12960 : i32
        %parallel_loop3A_621 = vector.broadcast %parallel_loop3A_620 : i32 to vector<16xi32>
        %parallel_loop3A_622 = arith.addi %parallel_loop3A_151, %parallel_loop3A_621 : vector<16xi32>
        %parallel_loop3A_623 = tpu.vector_load_idx %arg5[%parallel_loop3A_622] : memref<23040xf32, #tpu.memory_space<vmem>>[vector<16xi32>], vector<16xf32>,
        %parallel_loop3A_624 = arith.constant 16 : i32
        %parallel_loop3A_625 = arith.muli %parallel_loop3A_147, %parallel_loop3A_624 : i32
        %parallel_loop3A_626 = arith.constant 4 : i32
        %parallel_loop3A_627 = arith.constant 4 : i32
        %parallel_loop3A_628 = arith.index_cast %parallel_loop3A_626 : i32 to index
        %parallel_loop3A_629 = arith.index_cast %parallel_loop3A_131 : i32 to index
        %parallel_loop3A_630 = arith.index_cast %parallel_loop3A_627 : i32 to index
        %parallel_loop3A_631 = arith.index_cast %parallel_loop3A_625 : i32 to index
        %parallel_loop3A_632 = tpu.vector_load %arg8[%parallel_loop3A_628, %parallel_loop3A_629, %parallel_loop3A_630, %parallel_loop3A_631] {strides = array<i32>} : memref<8x4x8x128xf32, #tpu.memory_space<vmem>>, vector<16xf32>,
        tpu.vector_store %arg8[%parallel_loop3A_628, %parallel_loop3A_629, %parallel_loop3A_630, %parallel_loop3A_631], %parallel_loop3A_623 {strides = array<i32>} : memref<8x4x8x128xf32, #tpu.memory_space<vmem>>, vector<16xf32>,
        %parallel_loop3A_633 = arith.constant 13320 : i32
        %parallel_loop3A_634 = vector.broadcast %parallel_loop3A_633 : i32 to vector<16xi32>
        %parallel_loop3A_635 = arith.addi %parallel_loop3A_151, %parallel_loop3A_634 : vector<16xi32>
        %parallel_loop3A_636 = tpu.vector_load_idx %arg5[%parallel_loop3A_635] : memref<23040xf32, #tpu.memory_space<vmem>>[vector<16xi32>], vector<16xf32>,
        %parallel_loop3A_637 = arith.constant 16 : i32
        %parallel_loop3A_638 = arith.muli %parallel_loop3A_147, %parallel_loop3A_637 : i32
        %parallel_loop3A_639 = arith.constant 4 : i32
        %parallel_loop3A_640 = arith.constant 5 : i32
        %parallel_loop3A_641 = arith.index_cast %parallel_loop3A_639 : i32 to index
        %parallel_loop3A_642 = arith.index_cast %parallel_loop3A_131 : i32 to index
        %parallel_loop3A_643 = arith.index_cast %parallel_loop3A_640 : i32 to index
        %parallel_loop3A_644 = arith.index_cast %parallel_loop3A_638 : i32 to index
        %parallel_loop3A_645 = tpu.vector_load %arg8[%parallel_loop3A_641, %parallel_loop3A_642, %parallel_loop3A_643, %parallel_loop3A_644] {strides = array<i32>} : memref<8x4x8x128xf32, #tpu.memory_space<vmem>>, vector<16xf32>,
        tpu.vector_store %arg8[%parallel_loop3A_641, %parallel_loop3A_642, %parallel_loop3A_643, %parallel_loop3A_644], %parallel_loop3A_636 {strides = array<i32>} : memref<8x4x8x128xf32, #tpu.memory_space<vmem>>, vector<16xf32>,
        %parallel_loop3A_646 = arith.constant 13680 : i32
        %parallel_loop3A_647 = vector.broadcast %parallel_loop3A_646 : i32 to vector<16xi32>
        %parallel_loop3A_648 = arith.addi %parallel_loop3A_151, %parallel_loop3A_647 : vector<16xi32>
        %parallel_loop3A_649 = tpu.vector_load_idx %arg5[%parallel_loop3A_648] : memref<23040xf32, #tpu.memory_space<vmem>>[vector<16xi32>], vector<16xf32>,
        %parallel_loop3A_650 = arith.constant 16 : i32
        %parallel_loop3A_651 = arith.muli %parallel_loop3A_147, %parallel_loop3A_650 : i32
        %parallel_loop3A_652 = arith.constant 4 : i32
        %parallel_loop3A_653 = arith.constant 6 : i32
        %parallel_loop3A_654 = arith.index_cast %parallel_loop3A_652 : i32 to index
        %parallel_loop3A_655 = arith.index_cast %parallel_loop3A_131 : i32 to index
        %parallel_loop3A_656 = arith.index_cast %parallel_loop3A_653 : i32 to index
        %parallel_loop3A_657 = arith.index_cast %parallel_loop3A_651 : i32 to index
        %parallel_loop3A_658 = tpu.vector_load %arg8[%parallel_loop3A_654, %parallel_loop3A_655, %parallel_loop3A_656, %parallel_loop3A_657] {strides = array<i32>} : memref<8x4x8x128xf32, #tpu.memory_space<vmem>>, vector<16xf32>,
        tpu.vector_store %arg8[%parallel_loop3A_654, %parallel_loop3A_655, %parallel_loop3A_656, %parallel_loop3A_657], %parallel_loop3A_649 {strides = array<i32>} : memref<8x4x8x128xf32, #tpu.memory_space<vmem>>, vector<16xf32>,
        %parallel_loop3A_659 = arith.constant 14040 : i32
        %parallel_loop3A_660 = vector.broadcast %parallel_loop3A_659 : i32 to vector<16xi32>
        %parallel_loop3A_661 = arith.addi %parallel_loop3A_151, %parallel_loop3A_660 : vector<16xi32>
        %parallel_loop3A_662 = tpu.vector_load_idx %arg5[%parallel_loop3A_661] : memref<23040xf32, #tpu.memory_space<vmem>>[vector<16xi32>], vector<16xf32>,
        %parallel_loop3A_663 = arith.constant 16 : i32
        %parallel_loop3A_664 = arith.muli %parallel_loop3A_147, %parallel_loop3A_663 : i32
        %parallel_loop3A_665 = arith.constant 4 : i32
        %parallel_loop3A_666 = arith.constant 7 : i32
        %parallel_loop3A_667 = arith.index_cast %parallel_loop3A_665 : i32 to index
        %parallel_loop3A_668 = arith.index_cast %parallel_loop3A_131 : i32 to index
        %parallel_loop3A_669 = arith.index_cast %parallel_loop3A_666 : i32 to index
        %parallel_loop3A_670 = arith.index_cast %parallel_loop3A_664 : i32 to index
        %parallel_loop3A_671 = tpu.vector_load %arg8[%parallel_loop3A_667, %parallel_loop3A_668, %parallel_loop3A_669, %parallel_loop3A_670] {strides = array<i32>} : memref<8x4x8x128xf32, #tpu.memory_space<vmem>>, vector<16xf32>,
        tpu.vector_store %arg8[%parallel_loop3A_667, %parallel_loop3A_668, %parallel_loop3A_669, %parallel_loop3A_670], %parallel_loop3A_662 {strides = array<i32>} : memref<8x4x8x128xf32, #tpu.memory_space<vmem>>, vector<16xf32>,
        %parallel_loop3A_672 = arith.constant 14400 : i32
        %parallel_loop3A_673 = vector.broadcast %parallel_loop3A_672 : i32 to vector<16xi32>
        %parallel_loop3A_674 = arith.addi %parallel_loop3A_151, %parallel_loop3A_673 : vector<16xi32>
        %parallel_loop3A_675 = tpu.vector_load_idx %arg5[%parallel_loop3A_674] : memref<23040xf32, #tpu.memory_space<vmem>>[vector<16xi32>], vector<16xf32>,
        %parallel_loop3A_676 = arith.constant 16 : i32
        %parallel_loop3A_677 = arith.muli %parallel_loop3A_147, %parallel_loop3A_676 : i32
        %parallel_loop3A_678 = arith.constant 5 : i32
        %parallel_loop3A_679 = arith.constant 0 : i32
        %parallel_loop3A_680 = arith.index_cast %parallel_loop3A_678 : i32 to index
        %parallel_loop3A_681 = arith.index_cast %parallel_loop3A_131 : i32 to index
        %parallel_loop3A_682 = arith.index_cast %parallel_loop3A_679 : i32 to index
        %parallel_loop3A_683 = arith.index_cast %parallel_loop3A_677 : i32 to index
        %parallel_loop3A_684 = tpu.vector_load %arg8[%parallel_loop3A_680, %parallel_loop3A_681, %parallel_loop3A_682, %parallel_loop3A_683] {strides = array<i32>} : memref<8x4x8x128xf32, #tpu.memory_space<vmem>>, vector<16xf32>,
        tpu.vector_store %arg8[%parallel_loop3A_680, %parallel_loop3A_681, %parallel_loop3A_682, %parallel_loop3A_683], %parallel_loop3A_675 {strides = array<i32>} : memref<8x4x8x128xf32, #tpu.memory_space<vmem>>, vector<16xf32>,
        %parallel_loop3A_685 = arith.constant 14760 : i32
        %parallel_loop3A_686 = vector.broadcast %parallel_loop3A_685 : i32 to vector<16xi32>
        %parallel_loop3A_687 = arith.addi %parallel_loop3A_151, %parallel_loop3A_686 : vector<16xi32>
        %parallel_loop3A_688 = tpu.vector_load_idx %arg5[%parallel_loop3A_687] : memref<23040xf32, #tpu.memory_space<vmem>>[vector<16xi32>], vector<16xf32>,
        %parallel_loop3A_689 = arith.constant 16 : i32
        %parallel_loop3A_690 = arith.muli %parallel_loop3A_147, %parallel_loop3A_689 : i32
        %parallel_loop3A_691 = arith.constant 5 : i32
        %parallel_loop3A_692 = arith.constant 1 : i32
        %parallel_loop3A_693 = arith.index_cast %parallel_loop3A_691 : i32 to index
        %parallel_loop3A_694 = arith.index_cast %parallel_loop3A_131 : i32 to index
        %parallel_loop3A_695 = arith.index_cast %parallel_loop3A_692 : i32 to index
        %parallel_loop3A_696 = arith.index_cast %parallel_loop3A_690 : i32 to index
        %parallel_loop3A_697 = tpu.vector_load %arg8[%parallel_loop3A_693, %parallel_loop3A_694, %parallel_loop3A_695, %parallel_loop3A_696] {strides = array<i32>} : memref<8x4x8x128xf32, #tpu.memory_space<vmem>>, vector<16xf32>,
        tpu.vector_store %arg8[%parallel_loop3A_693, %parallel_loop3A_694, %parallel_loop3A_695, %parallel_loop3A_696], %parallel_loop3A_688 {strides = array<i32>} : memref<8x4x8x128xf32, #tpu.memory_space<vmem>>, vector<16xf32>,
        %parallel_loop3A_698 = arith.constant 15120 : i32
        %parallel_loop3A_699 = vector.broadcast %parallel_loop3A_698 : i32 to vector<16xi32>
        %parallel_loop3A_700 = arith.addi %parallel_loop3A_151, %parallel_loop3A_699 : vector<16xi32>
        %parallel_loop3A_701 = tpu.vector_load_idx %arg5[%parallel_loop3A_700] : memref<23040xf32, #tpu.memory_space<vmem>>[vector<16xi32>], vector<16xf32>,
        %parallel_loop3A_702 = arith.constant 16 : i32
        %parallel_loop3A_703 = arith.muli %parallel_loop3A_147, %parallel_loop3A_702 : i32
        %parallel_loop3A_704 = arith.constant 5 : i32
        %parallel_loop3A_705 = arith.constant 2 : i32
        %parallel_loop3A_706 = arith.index_cast %parallel_loop3A_704 : i32 to index
        %parallel_loop3A_707 = arith.index_cast %parallel_loop3A_131 : i32 to index
        %parallel_loop3A_708 = arith.index_cast %parallel_loop3A_705 : i32 to index
        %parallel_loop3A_709 = arith.index_cast %parallel_loop3A_703 : i32 to index
        %parallel_loop3A_710 = tpu.vector_load %arg8[%parallel_loop3A_706, %parallel_loop3A_707, %parallel_loop3A_708, %parallel_loop3A_709] {strides = array<i32>} : memref<8x4x8x128xf32, #tpu.memory_space<vmem>>, vector<16xf32>,
        tpu.vector_store %arg8[%parallel_loop3A_706, %parallel_loop3A_707, %parallel_loop3A_708, %parallel_loop3A_709], %parallel_loop3A_701 {strides = array<i32>} : memref<8x4x8x128xf32, #tpu.memory_space<vmem>>, vector<16xf32>,
        %parallel_loop3A_711 = arith.constant 15480 : i32
        %parallel_loop3A_712 = vector.broadcast %parallel_loop3A_711 : i32 to vector<16xi32>
        %parallel_loop3A_713 = arith.addi %parallel_loop3A_151, %parallel_loop3A_712 : vector<16xi32>
        %parallel_loop3A_714 = tpu.vector_load_idx %arg5[%parallel_loop3A_713] : memref<23040xf32, #tpu.memory_space<vmem>>[vector<16xi32>], vector<16xf32>,
        %parallel_loop3A_715 = arith.constant 16 : i32
        %parallel_loop3A_716 = arith.muli %parallel_loop3A_147, %parallel_loop3A_715 : i32
        %parallel_loop3A_717 = arith.constant 5 : i32
        %parallel_loop3A_718 = arith.constant 3 : i32
        %parallel_loop3A_719 = arith.index_cast %parallel_loop3A_717 : i32 to index
        %parallel_loop3A_720 = arith.index_cast %parallel_loop3A_131 : i32 to index
        %parallel_loop3A_721 = arith.index_cast %parallel_loop3A_718 : i32 to index
        %parallel_loop3A_722 = arith.index_cast %parallel_loop3A_716 : i32 to index
        %parallel_loop3A_723 = tpu.vector_load %arg8[%parallel_loop3A_719, %parallel_loop3A_720, %parallel_loop3A_721, %parallel_loop3A_722] {strides = array<i32>} : memref<8x4x8x128xf32, #tpu.memory_space<vmem>>, vector<16xf32>,
        tpu.vector_store %arg8[%parallel_loop3A_719, %parallel_loop3A_720, %parallel_loop3A_721, %parallel_loop3A_722], %parallel_loop3A_714 {strides = array<i32>} : memref<8x4x8x128xf32, #tpu.memory_space<vmem>>, vector<16xf32>,
        %parallel_loop3A_724 = arith.constant 15840 : i32
        %parallel_loop3A_725 = vector.broadcast %parallel_loop3A_724 : i32 to vector<16xi32>
        %parallel_loop3A_726 = arith.addi %parallel_loop3A_151, %parallel_loop3A_725 : vector<16xi32>
        %parallel_loop3A_727 = tpu.vector_load_idx %arg5[%parallel_loop3A_726] : memref<23040xf32, #tpu.memory_space<vmem>>[vector<16xi32>], vector<16xf32>,
        %parallel_loop3A_728 = arith.constant 16 : i32
        %parallel_loop3A_729 = arith.muli %parallel_loop3A_147, %parallel_loop3A_728 : i32
        %parallel_loop3A_730 = arith.constant 5 : i32
        %parallel_loop3A_731 = arith.constant 4 : i32
        %parallel_loop3A_732 = arith.index_cast %parallel_loop3A_730 : i32 to index
        %parallel_loop3A_733 = arith.index_cast %parallel_loop3A_131 : i32 to index
        %parallel_loop3A_734 = arith.index_cast %parallel_loop3A_731 : i32 to index
        %parallel_loop3A_735 = arith.index_cast %parallel_loop3A_729 : i32 to index
        %parallel_loop3A_736 = tpu.vector_load %arg8[%parallel_loop3A_732, %parallel_loop3A_733, %parallel_loop3A_734, %parallel_loop3A_735] {strides = array<i32>} : memref<8x4x8x128xf32, #tpu.memory_space<vmem>>, vector<16xf32>,
        tpu.vector_store %arg8[%parallel_loop3A_732, %parallel_loop3A_733, %parallel_loop3A_734, %parallel_loop3A_735], %parallel_loop3A_727 {strides = array<i32>} : memref<8x4x8x128xf32, #tpu.memory_space<vmem>>, vector<16xf32>,
        %parallel_loop3A_737 = arith.constant 16200 : i32
        %parallel_loop3A_738 = vector.broadcast %parallel_loop3A_737 : i32 to vector<16xi32>
        %parallel_loop3A_739 = arith.addi %parallel_loop3A_151, %parallel_loop3A_738 : vector<16xi32>
        %parallel_loop3A_740 = tpu.vector_load_idx %arg5[%parallel_loop3A_739] : memref<23040xf32, #tpu.memory_space<vmem>>[vector<16xi32>], vector<16xf32>,
        %parallel_loop3A_741 = arith.constant 16 : i32
        %parallel_loop3A_742 = arith.muli %parallel_loop3A_147, %parallel_loop3A_741 : i32
        %parallel_loop3A_743 = arith.constant 5 : i32
        %parallel_loop3A_744 = arith.constant 5 : i32
        %parallel_loop3A_745 = arith.index_cast %parallel_loop3A_743 : i32 to index
        %parallel_loop3A_746 = arith.index_cast %parallel_loop3A_131 : i32 to index
        %parallel_loop3A_747 = arith.index_cast %parallel_loop3A_744 : i32 to index
        %parallel_loop3A_748 = arith.index_cast %parallel_loop3A_742 : i32 to index
        %parallel_loop3A_749 = tpu.vector_load %arg8[%parallel_loop3A_745, %parallel_loop3A_746, %parallel_loop3A_747, %parallel_loop3A_748] {strides = array<i32>} : memref<8x4x8x128xf32, #tpu.memory_space<vmem>>, vector<16xf32>,
        tpu.vector_store %arg8[%parallel_loop3A_745, %parallel_loop3A_746, %parallel_loop3A_747, %parallel_loop3A_748], %parallel_loop3A_740 {strides = array<i32>} : memref<8x4x8x128xf32, #tpu.memory_space<vmem>>, vector<16xf32>,
        %parallel_loop3A_750 = arith.constant 16560 : i32
        %parallel_loop3A_751 = vector.broadcast %parallel_loop3A_750 : i32 to vector<16xi32>
        %parallel_loop3A_752 = arith.addi %parallel_loop3A_151, %parallel_loop3A_751 : vector<16xi32>
        %parallel_loop3A_753 = tpu.vector_load_idx %arg5[%parallel_loop3A_752] : memref<23040xf32, #tpu.memory_space<vmem>>[vector<16xi32>], vector<16xf32>,
        %parallel_loop3A_754 = arith.constant 16 : i32
        %parallel_loop3A_755 = arith.muli %parallel_loop3A_147, %parallel_loop3A_754 : i32
        %parallel_loop3A_756 = arith.constant 5 : i32
        %parallel_loop3A_757 = arith.constant 6 : i32
        %parallel_loop3A_758 = arith.index_cast %parallel_loop3A_756 : i32 to index
        %parallel_loop3A_759 = arith.index_cast %parallel_loop3A_131 : i32 to index
        %parallel_loop3A_760 = arith.index_cast %parallel_loop3A_757 : i32 to index
        %parallel_loop3A_761 = arith.index_cast %parallel_loop3A_755 : i32 to index
        %parallel_loop3A_762 = tpu.vector_load %arg8[%parallel_loop3A_758, %parallel_loop3A_759, %parallel_loop3A_760, %parallel_loop3A_761] {strides = array<i32>} : memref<8x4x8x128xf32, #tpu.memory_space<vmem>>, vector<16xf32>,
        tpu.vector_store %arg8[%parallel_loop3A_758, %parallel_loop3A_759, %parallel_loop3A_760, %parallel_loop3A_761], %parallel_loop3A_753 {strides = array<i32>} : memref<8x4x8x128xf32, #tpu.memory_space<vmem>>, vector<16xf32>,
        %parallel_loop3A_763 = arith.constant 16920 : i32
        %parallel_loop3A_764 = vector.broadcast %parallel_loop3A_763 : i32 to vector<16xi32>
        %parallel_loop3A_765 = arith.addi %parallel_loop3A_151, %parallel_loop3A_764 : vector<16xi32>
        %parallel_loop3A_766 = tpu.vector_load_idx %arg5[%parallel_loop3A_765] : memref<23040xf32, #tpu.memory_space<vmem>>[vector<16xi32>], vector<16xf32>,
        %parallel_loop3A_767 = arith.constant 16 : i32
        %parallel_loop3A_768 = arith.muli %parallel_loop3A_147, %parallel_loop3A_767 : i32
        %parallel_loop3A_769 = arith.constant 5 : i32
        %parallel_loop3A_770 = arith.constant 7 : i32
        %parallel_loop3A_771 = arith.index_cast %parallel_loop3A_769 : i32 to index
        %parallel_loop3A_772 = arith.index_cast %parallel_loop3A_131 : i32 to index
        %parallel_loop3A_773 = arith.index_cast %parallel_loop3A_770 : i32 to index
        %parallel_loop3A_774 = arith.index_cast %parallel_loop3A_768 : i32 to index
        %parallel_loop3A_775 = tpu.vector_load %arg8[%parallel_loop3A_771, %parallel_loop3A_772, %parallel_loop3A_773, %parallel_loop3A_774] {strides = array<i32>} : memref<8x4x8x128xf32, #tpu.memory_space<vmem>>, vector<16xf32>,
        tpu.vector_store %arg8[%parallel_loop3A_771, %parallel_loop3A_772, %parallel_loop3A_773, %parallel_loop3A_774], %parallel_loop3A_766 {strides = array<i32>} : memref<8x4x8x128xf32, #tpu.memory_space<vmem>>, vector<16xf32>,
        %parallel_loop3A_776 = arith.constant 17280 : i32
        %parallel_loop3A_777 = vector.broadcast %parallel_loop3A_776 : i32 to vector<16xi32>
        %parallel_loop3A_778 = arith.addi %parallel_loop3A_151, %parallel_loop3A_777 : vector<16xi32>
        %parallel_loop3A_779 = tpu.vector_load_idx %arg5[%parallel_loop3A_778] : memref<23040xf32, #tpu.memory_space<vmem>>[vector<16xi32>], vector<16xf32>,
        %parallel_loop3A_780 = arith.constant 16 : i32
        %parallel_loop3A_781 = arith.muli %parallel_loop3A_147, %parallel_loop3A_780 : i32
        %parallel_loop3A_782 = arith.constant 6 : i32
        %parallel_loop3A_783 = arith.constant 0 : i32
        %parallel_loop3A_784 = arith.index_cast %parallel_loop3A_782 : i32 to index
        %parallel_loop3A_785 = arith.index_cast %parallel_loop3A_131 : i32 to index
        %parallel_loop3A_786 = arith.index_cast %parallel_loop3A_783 : i32 to index
        %parallel_loop3A_787 = arith.index_cast %parallel_loop3A_781 : i32 to index
        %parallel_loop3A_788 = tpu.vector_load %arg8[%parallel_loop3A_784, %parallel_loop3A_785, %parallel_loop3A_786, %parallel_loop3A_787] {strides = array<i32>} : memref<8x4x8x128xf32, #tpu.memory_space<vmem>>, vector<16xf32>,
        tpu.vector_store %arg8[%parallel_loop3A_784, %parallel_loop3A_785, %parallel_loop3A_786, %parallel_loop3A_787], %parallel_loop3A_779 {strides = array<i32>} : memref<8x4x8x128xf32, #tpu.memory_space<vmem>>, vector<16xf32>,
        %parallel_loop3A_789 = arith.constant 17640 : i32
        %parallel_loop3A_790 = vector.broadcast %parallel_loop3A_789 : i32 to vector<16xi32>
        %parallel_loop3A_791 = arith.addi %parallel_loop3A_151, %parallel_loop3A_790 : vector<16xi32>
        %parallel_loop3A_792 = tpu.vector_load_idx %arg5[%parallel_loop3A_791] : memref<23040xf32, #tpu.memory_space<vmem>>[vector<16xi32>], vector<16xf32>,
        %parallel_loop3A_793 = arith.constant 16 : i32
        %parallel_loop3A_794 = arith.muli %parallel_loop3A_147, %parallel_loop3A_793 : i32
        %parallel_loop3A_795 = arith.constant 6 : i32
        %parallel_loop3A_796 = arith.constant 1 : i32
        %parallel_loop3A_797 = arith.index_cast %parallel_loop3A_795 : i32 to index
        %parallel_loop3A_798 = arith.index_cast %parallel_loop3A_131 : i32 to index
        %parallel_loop3A_799 = arith.index_cast %parallel_loop3A_796 : i32 to index
        %parallel_loop3A_800 = arith.index_cast %parallel_loop3A_794 : i32 to index
        %parallel_loop3A_801 = tpu.vector_load %arg8[%parallel_loop3A_797, %parallel_loop3A_798, %parallel_loop3A_799, %parallel_loop3A_800] {strides = array<i32>} : memref<8x4x8x128xf32, #tpu.memory_space<vmem>>, vector<16xf32>,
        tpu.vector_store %arg8[%parallel_loop3A_797, %parallel_loop3A_798, %parallel_loop3A_799, %parallel_loop3A_800], %parallel_loop3A_792 {strides = array<i32>} : memref<8x4x8x128xf32, #tpu.memory_space<vmem>>, vector<16xf32>,
        %parallel_loop3A_802 = arith.constant 18000 : i32
        %parallel_loop3A_803 = vector.broadcast %parallel_loop3A_802 : i32 to vector<16xi32>
        %parallel_loop3A_804 = arith.addi %parallel_loop3A_151, %parallel_loop3A_803 : vector<16xi32>
        %parallel_loop3A_805 = tpu.vector_load_idx %arg5[%parallel_loop3A_804] : memref<23040xf32, #tpu.memory_space<vmem>>[vector<16xi32>], vector<16xf32>,
        %parallel_loop3A_806 = arith.constant 16 : i32
        %parallel_loop3A_807 = arith.muli %parallel_loop3A_147, %parallel_loop3A_806 : i32
        %parallel_loop3A_808 = arith.constant 6 : i32
        %parallel_loop3A_809 = arith.constant 2 : i32
        %parallel_loop3A_810 = arith.index_cast %parallel_loop3A_808 : i32 to index
        %parallel_loop3A_811 = arith.index_cast %parallel_loop3A_131 : i32 to index
        %parallel_loop3A_812 = arith.index_cast %parallel_loop3A_809 : i32 to index
        %parallel_loop3A_813 = arith.index_cast %parallel_loop3A_807 : i32 to index
        %parallel_loop3A_814 = tpu.vector_load %arg8[%parallel_loop3A_810, %parallel_loop3A_811, %parallel_loop3A_812, %parallel_loop3A_813] {strides = array<i32>} : memref<8x4x8x128xf32, #tpu.memory_space<vmem>>, vector<16xf32>,
        tpu.vector_store %arg8[%parallel_loop3A_810, %parallel_loop3A_811, %parallel_loop3A_812, %parallel_loop3A_813], %parallel_loop3A_805 {strides = array<i32>} : memref<8x4x8x128xf32, #tpu.memory_space<vmem>>, vector<16xf32>,
        %parallel_loop3A_815 = arith.constant 18360 : i32
        %parallel_loop3A_816 = vector.broadcast %parallel_loop3A_815 : i32 to vector<16xi32>
        %parallel_loop3A_817 = arith.addi %parallel_loop3A_151, %parallel_loop3A_816 : vector<16xi32>
        %parallel_loop3A_818 = tpu.vector_load_idx %arg5[%parallel_loop3A_817] : memref<23040xf32, #tpu.memory_space<vmem>>[vector<16xi32>], vector<16xf32>,
        %parallel_loop3A_819 = arith.constant 16 : i32
        %parallel_loop3A_820 = arith.muli %parallel_loop3A_147, %parallel_loop3A_819 : i32
        %parallel_loop3A_821 = arith.constant 6 : i32
        %parallel_loop3A_822 = arith.constant 3 : i32
        %parallel_loop3A_823 = arith.index_cast %parallel_loop3A_821 : i32 to index
        %parallel_loop3A_824 = arith.index_cast %parallel_loop3A_131 : i32 to index
        %parallel_loop3A_825 = arith.index_cast %parallel_loop3A_822 : i32 to index
        %parallel_loop3A_826 = arith.index_cast %parallel_loop3A_820 : i32 to index
        %parallel_loop3A_827 = tpu.vector_load %arg8[%parallel_loop3A_823, %parallel_loop3A_824, %parallel_loop3A_825, %parallel_loop3A_826] {strides = array<i32>} : memref<8x4x8x128xf32, #tpu.memory_space<vmem>>, vector<16xf32>,
        tpu.vector_store %arg8[%parallel_loop3A_823, %parallel_loop3A_824, %parallel_loop3A_825, %parallel_loop3A_826], %parallel_loop3A_818 {strides = array<i32>} : memref<8x4x8x128xf32, #tpu.memory_space<vmem>>, vector<16xf32>,
        %parallel_loop3A_828 = arith.constant 18720 : i32
        %parallel_loop3A_829 = vector.broadcast %parallel_loop3A_828 : i32 to vector<16xi32>
        %parallel_loop3A_830 = arith.addi %parallel_loop3A_151, %parallel_loop3A_829 : vector<16xi32>
        %parallel_loop3A_831 = tpu.vector_load_idx %arg5[%parallel_loop3A_830] : memref<23040xf32, #tpu.memory_space<vmem>>[vector<16xi32>], vector<16xf32>,
        %parallel_loop3A_832 = arith.constant 16 : i32
        %parallel_loop3A_833 = arith.muli %parallel_loop3A_147, %parallel_loop3A_832 : i32
        %parallel_loop3A_834 = arith.constant 6 : i32
        %parallel_loop3A_835 = arith.constant 4 : i32
        %parallel_loop3A_836 = arith.index_cast %parallel_loop3A_834 : i32 to index
        %parallel_loop3A_837 = arith.index_cast %parallel_loop3A_131 : i32 to index
        %parallel_loop3A_838 = arith.index_cast %parallel_loop3A_835 : i32 to index
        %parallel_loop3A_839 = arith.index_cast %parallel_loop3A_833 : i32 to index
        %parallel_loop3A_840 = tpu.vector_load %arg8[%parallel_loop3A_836, %parallel_loop3A_837, %parallel_loop3A_838, %parallel_loop3A_839] {strides = array<i32>} : memref<8x4x8x128xf32, #tpu.memory_space<vmem>>, vector<16xf32>,
        tpu.vector_store %arg8[%parallel_loop3A_836, %parallel_loop3A_837, %parallel_loop3A_838, %parallel_loop3A_839], %parallel_loop3A_831 {strides = array<i32>} : memref<8x4x8x128xf32, #tpu.memory_space<vmem>>, vector<16xf32>,
        %parallel_loop3A_841 = arith.constant 19080 : i32
        %parallel_loop3A_842 = vector.broadcast %parallel_loop3A_841 : i32 to vector<16xi32>
        %parallel_loop3A_843 = arith.addi %parallel_loop3A_151, %parallel_loop3A_842 : vector<16xi32>
        %parallel_loop3A_844 = tpu.vector_load_idx %arg5[%parallel_loop3A_843] : memref<23040xf32, #tpu.memory_space<vmem>>[vector<16xi32>], vector<16xf32>,
        %parallel_loop3A_845 = arith.constant 16 : i32
        %parallel_loop3A_846 = arith.muli %parallel_loop3A_147, %parallel_loop3A_845 : i32
        %parallel_loop3A_847 = arith.constant 6 : i32
        %parallel_loop3A_848 = arith.constant 5 : i32
        %parallel_loop3A_849 = arith.index_cast %parallel_loop3A_847 : i32 to index
        %parallel_loop3A_850 = arith.index_cast %parallel_loop3A_131 : i32 to index
        %parallel_loop3A_851 = arith.index_cast %parallel_loop3A_848 : i32 to index
        %parallel_loop3A_852 = arith.index_cast %parallel_loop3A_846 : i32 to index
        %parallel_loop3A_853 = tpu.vector_load %arg8[%parallel_loop3A_849, %parallel_loop3A_850, %parallel_loop3A_851, %parallel_loop3A_852] {strides = array<i32>} : memref<8x4x8x128xf32, #tpu.memory_space<vmem>>, vector<16xf32>,
        tpu.vector_store %arg8[%parallel_loop3A_849, %parallel_loop3A_850, %parallel_loop3A_851, %parallel_loop3A_852], %parallel_loop3A_844 {strides = array<i32>} : memref<8x4x8x128xf32, #tpu.memory_space<vmem>>, vector<16xf32>,
        %parallel_loop3A_854 = arith.constant 19440 : i32
        %parallel_loop3A_855 = vector.broadcast %parallel_loop3A_854 : i32 to vector<16xi32>
        %parallel_loop3A_856 = arith.addi %parallel_loop3A_151, %parallel_loop3A_855 : vector<16xi32>
        %parallel_loop3A_857 = tpu.vector_load_idx %arg5[%parallel_loop3A_856] : memref<23040xf32, #tpu.memory_space<vmem>>[vector<16xi32>], vector<16xf32>,
        %parallel_loop3A_858 = arith.constant 16 : i32
        %parallel_loop3A_859 = arith.muli %parallel_loop3A_147, %parallel_loop3A_858 : i32
        %parallel_loop3A_860 = arith.constant 6 : i32
        %parallel_loop3A_861 = arith.constant 6 : i32
        %parallel_loop3A_862 = arith.index_cast %parallel_loop3A_860 : i32 to index
        %parallel_loop3A_863 = arith.index_cast %parallel_loop3A_131 : i32 to index
        %parallel_loop3A_864 = arith.index_cast %parallel_loop3A_861 : i32 to index
        %parallel_loop3A_865 = arith.index_cast %parallel_loop3A_859 : i32 to index
        %parallel_loop3A_866 = tpu.vector_load %arg8[%parallel_loop3A_862, %parallel_loop3A_863, %parallel_loop3A_864, %parallel_loop3A_865] {strides = array<i32>} : memref<8x4x8x128xf32, #tpu.memory_space<vmem>>, vector<16xf32>,
        tpu.vector_store %arg8[%parallel_loop3A_862, %parallel_loop3A_863, %parallel_loop3A_864, %parallel_loop3A_865], %parallel_loop3A_857 {strides = array<i32>} : memref<8x4x8x128xf32, #tpu.memory_space<vmem>>, vector<16xf32>,
        %parallel_loop3A_867 = arith.constant 19800 : i32
        %parallel_loop3A_868 = vector.broadcast %parallel_loop3A_867 : i32 to vector<16xi32>
        %parallel_loop3A_869 = arith.addi %parallel_loop3A_151, %parallel_loop3A_868 : vector<16xi32>
        %parallel_loop3A_870 = tpu.vector_load_idx %arg5[%parallel_loop3A_869] : memref<23040xf32, #tpu.memory_space<vmem>>[vector<16xi32>], vector<16xf32>,
        %parallel_loop3A_871 = arith.constant 16 : i32
        %parallel_loop3A_872 = arith.muli %parallel_loop3A_147, %parallel_loop3A_871 : i32
        %parallel_loop3A_873 = arith.constant 6 : i32
        %parallel_loop3A_874 = arith.constant 7 : i32
        %parallel_loop3A_875 = arith.index_cast %parallel_loop3A_873 : i32 to index
        %parallel_loop3A_876 = arith.index_cast %parallel_loop3A_131 : i32 to index
        %parallel_loop3A_877 = arith.index_cast %parallel_loop3A_874 : i32 to index
        %parallel_loop3A_878 = arith.index_cast %parallel_loop3A_872 : i32 to index
        %parallel_loop3A_879 = tpu.vector_load %arg8[%parallel_loop3A_875, %parallel_loop3A_876, %parallel_loop3A_877, %parallel_loop3A_878] {strides = array<i32>} : memref<8x4x8x128xf32, #tpu.memory_space<vmem>>, vector<16xf32>,
        tpu.vector_store %arg8[%parallel_loop3A_875, %parallel_loop3A_876, %parallel_loop3A_877, %parallel_loop3A_878], %parallel_loop3A_870 {strides = array<i32>} : memref<8x4x8x128xf32, #tpu.memory_space<vmem>>, vector<16xf32>,
        %parallel_loop3A_880 = arith.constant 20160 : i32
        %parallel_loop3A_881 = vector.broadcast %parallel_loop3A_880 : i32 to vector<16xi32>
        %parallel_loop3A_882 = arith.addi %parallel_loop3A_151, %parallel_loop3A_881 : vector<16xi32>
        %parallel_loop3A_883 = tpu.vector_load_idx %arg5[%parallel_loop3A_882] : memref<23040xf32, #tpu.memory_space<vmem>>[vector<16xi32>], vector<16xf32>,
        %parallel_loop3A_884 = arith.constant 16 : i32
        %parallel_loop3A_885 = arith.muli %parallel_loop3A_147, %parallel_loop3A_884 : i32
        %parallel_loop3A_886 = arith.constant 7 : i32
        %parallel_loop3A_887 = arith.constant 0 : i32
        %parallel_loop3A_888 = arith.index_cast %parallel_loop3A_886 : i32 to index
        %parallel_loop3A_889 = arith.index_cast %parallel_loop3A_131 : i32 to index
        %parallel_loop3A_890 = arith.index_cast %parallel_loop3A_887 : i32 to index
        %parallel_loop3A_891 = arith.index_cast %parallel_loop3A_885 : i32 to index
        %parallel_loop3A_892 = tpu.vector_load %arg8[%parallel_loop3A_888, %parallel_loop3A_889, %parallel_loop3A_890, %parallel_loop3A_891] {strides = array<i32>} : memref<8x4x8x128xf32, #tpu.memory_space<vmem>>, vector<16xf32>,
        tpu.vector_store %arg8[%parallel_loop3A_888, %parallel_loop3A_889, %parallel_loop3A_890, %parallel_loop3A_891], %parallel_loop3A_883 {strides = array<i32>} : memref<8x4x8x128xf32, #tpu.memory_space<vmem>>, vector<16xf32>,
        %parallel_loop3A_893 = arith.constant 20520 : i32
        %parallel_loop3A_894 = vector.broadcast %parallel_loop3A_893 : i32 to vector<16xi32>
        %parallel_loop3A_895 = arith.addi %parallel_loop3A_151, %parallel_loop3A_894 : vector<16xi32>
        %parallel_loop3A_896 = tpu.vector_load_idx %arg5[%parallel_loop3A_895] : memref<23040xf32, #tpu.memory_space<vmem>>[vector<16xi32>], vector<16xf32>,
        %parallel_loop3A_897 = arith.constant 16 : i32
        %parallel_loop3A_898 = arith.muli %parallel_loop3A_147, %parallel_loop3A_897 : i32
        %parallel_loop3A_899 = arith.constant 7 : i32
        %parallel_loop3A_900 = arith.constant 1 : i32
        %parallel_loop3A_901 = arith.index_cast %parallel_loop3A_899 : i32 to index
        %parallel_loop3A_902 = arith.index_cast %parallel_loop3A_131 : i32 to index
        %parallel_loop3A_903 = arith.index_cast %parallel_loop3A_900 : i32 to index
        %parallel_loop3A_904 = arith.index_cast %parallel_loop3A_898 : i32 to index
        %parallel_loop3A_905 = tpu.vector_load %arg8[%parallel_loop3A_901, %parallel_loop3A_902, %parallel_loop3A_903, %parallel_loop3A_904] {strides = array<i32>} : memref<8x4x8x128xf32, #tpu.memory_space<vmem>>, vector<16xf32>,
        tpu.vector_store %arg8[%parallel_loop3A_901, %parallel_loop3A_902, %parallel_loop3A_903, %parallel_loop3A_904], %parallel_loop3A_896 {strides = array<i32>} : memref<8x4x8x128xf32, #tpu.memory_space<vmem>>, vector<16xf32>,
        %parallel_loop3A_906 = arith.constant 20880 : i32
        %parallel_loop3A_907 = vector.broadcast %parallel_loop3A_906 : i32 to vector<16xi32>
        %parallel_loop3A_908 = arith.addi %parallel_loop3A_151, %parallel_loop3A_907 : vector<16xi32>
        %parallel_loop3A_909 = tpu.vector_load_idx %arg5[%parallel_loop3A_908] : memref<23040xf32, #tpu.memory_space<vmem>>[vector<16xi32>], vector<16xf32>,
        %parallel_loop3A_910 = arith.constant 16 : i32
        %parallel_loop3A_911 = arith.muli %parallel_loop3A_147, %parallel_loop3A_910 : i32
        %parallel_loop3A_912 = arith.constant 7 : i32
        %parallel_loop3A_913 = arith.constant 2 : i32
        %parallel_loop3A_914 = arith.index_cast %parallel_loop3A_912 : i32 to index
        %parallel_loop3A_915 = arith.index_cast %parallel_loop3A_131 : i32 to index
        %parallel_loop3A_916 = arith.index_cast %parallel_loop3A_913 : i32 to index
        %parallel_loop3A_917 = arith.index_cast %parallel_loop3A_911 : i32 to index
        %parallel_loop3A_918 = tpu.vector_load %arg8[%parallel_loop3A_914, %parallel_loop3A_915, %parallel_loop3A_916, %parallel_loop3A_917] {strides = array<i32>} : memref<8x4x8x128xf32, #tpu.memory_space<vmem>>, vector<16xf32>,
        tpu.vector_store %arg8[%parallel_loop3A_914, %parallel_loop3A_915, %parallel_loop3A_916, %parallel_loop3A_917], %parallel_loop3A_909 {strides = array<i32>} : memref<8x4x8x128xf32, #tpu.memory_space<vmem>>, vector<16xf32>,
        %parallel_loop3A_919 = arith.constant 21240 : i32
        %parallel_loop3A_920 = vector.broadcast %parallel_loop3A_919 : i32 to vector<16xi32>
        %parallel_loop3A_921 = arith.addi %parallel_loop3A_151, %parallel_loop3A_920 : vector<16xi32>
        %parallel_loop3A_922 = tpu.vector_load_idx %arg5[%parallel_loop3A_921] : memref<23040xf32, #tpu.memory_space<vmem>>[vector<16xi32>], vector<16xf32>,
        %parallel_loop3A_923 = arith.constant 16 : i32
        %parallel_loop3A_924 = arith.muli %parallel_loop3A_147, %parallel_loop3A_923 : i32
        %parallel_loop3A_925 = arith.constant 7 : i32
        %parallel_loop3A_926 = arith.constant 3 : i32
        %parallel_loop3A_927 = arith.index_cast %parallel_loop3A_925 : i32 to index
        %parallel_loop3A_928 = arith.index_cast %parallel_loop3A_131 : i32 to index
        %parallel_loop3A_929 = arith.index_cast %parallel_loop3A_926 : i32 to index
        %parallel_loop3A_930 = arith.index_cast %parallel_loop3A_924 : i32 to index
        %parallel_loop3A_931 = tpu.vector_load %arg8[%parallel_loop3A_927, %parallel_loop3A_928, %parallel_loop3A_929, %parallel_loop3A_930] {strides = array<i32>} : memref<8x4x8x128xf32, #tpu.memory_space<vmem>>, vector<16xf32>,
        tpu.vector_store %arg8[%parallel_loop3A_927, %parallel_loop3A_928, %parallel_loop3A_929, %parallel_loop3A_930], %parallel_loop3A_922 {strides = array<i32>} : memref<8x4x8x128xf32, #tpu.memory_space<vmem>>, vector<16xf32>,
        %parallel_loop3A_932 = arith.constant 21600 : i32
        %parallel_loop3A_933 = vector.broadcast %parallel_loop3A_932 : i32 to vector<16xi32>
        %parallel_loop3A_934 = arith.addi %parallel_loop3A_151, %parallel_loop3A_933 : vector<16xi32>
        %parallel_loop3A_935 = tpu.vector_load_idx %arg5[%parallel_loop3A_934] : memref<23040xf32, #tpu.memory_space<vmem>>[vector<16xi32>], vector<16xf32>,
        %parallel_loop3A_936 = arith.constant 16 : i32
        %parallel_loop3A_937 = arith.muli %parallel_loop3A_147, %parallel_loop3A_936 : i32
        %parallel_loop3A_938 = arith.constant 7 : i32
        %parallel_loop3A_939 = arith.constant 4 : i32
        %parallel_loop3A_940 = arith.index_cast %parallel_loop3A_938 : i32 to index
        %parallel_loop3A_941 = arith.index_cast %parallel_loop3A_131 : i32 to index
        %parallel_loop3A_942 = arith.index_cast %parallel_loop3A_939 : i32 to index
        %parallel_loop3A_943 = arith.index_cast %parallel_loop3A_937 : i32 to index
        %parallel_loop3A_944 = tpu.vector_load %arg8[%parallel_loop3A_940, %parallel_loop3A_941, %parallel_loop3A_942, %parallel_loop3A_943] {strides = array<i32>} : memref<8x4x8x128xf32, #tpu.memory_space<vmem>>, vector<16xf32>,
        tpu.vector_store %arg8[%parallel_loop3A_940, %parallel_loop3A_941, %parallel_loop3A_942, %parallel_loop3A_943], %parallel_loop3A_935 {strides = array<i32>} : memref<8x4x8x128xf32, #tpu.memory_space<vmem>>, vector<16xf32>,
        %parallel_loop3A_945 = arith.constant 21960 : i32
        %parallel_loop3A_946 = vector.broadcast %parallel_loop3A_945 : i32 to vector<16xi32>
        %parallel_loop3A_947 = arith.addi %parallel_loop3A_151, %parallel_loop3A_946 : vector<16xi32>
        %parallel_loop3A_948 = tpu.vector_load_idx %arg5[%parallel_loop3A_947] : memref<23040xf32, #tpu.memory_space<vmem>>[vector<16xi32>], vector<16xf32>,
        %parallel_loop3A_949 = arith.constant 16 : i32
        %parallel_loop3A_950 = arith.muli %parallel_loop3A_147, %parallel_loop3A_949 : i32
        %parallel_loop3A_951 = arith.constant 7 : i32
        %parallel_loop3A_952 = arith.constant 5 : i32
        %parallel_loop3A_953 = arith.index_cast %parallel_loop3A_951 : i32 to index
        %parallel_loop3A_954 = arith.index_cast %parallel_loop3A_131 : i32 to index
        %parallel_loop3A_955 = arith.index_cast %parallel_loop3A_952 : i32 to index
        %parallel_loop3A_956 = arith.index_cast %parallel_loop3A_950 : i32 to index
        %parallel_loop3A_957 = tpu.vector_load %arg8[%parallel_loop3A_953, %parallel_loop3A_954, %parallel_loop3A_955, %parallel_loop3A_956] {strides = array<i32>} : memref<8x4x8x128xf32, #tpu.memory_space<vmem>>, vector<16xf32>,
        tpu.vector_store %arg8[%parallel_loop3A_953, %parallel_loop3A_954, %parallel_loop3A_955, %parallel_loop3A_956], %parallel_loop3A_948 {strides = array<i32>} : memref<8x4x8x128xf32, #tpu.memory_space<vmem>>, vector<16xf32>,
        %parallel_loop3A_958 = arith.constant 22320 : i32
        %parallel_loop3A_959 = vector.broadcast %parallel_loop3A_958 : i32 to vector<16xi32>
        %parallel_loop3A_960 = arith.addi %parallel_loop3A_151, %parallel_loop3A_959 : vector<16xi32>
        %parallel_loop3A_961 = tpu.vector_load_idx %arg5[%parallel_loop3A_960] : memref<23040xf32, #tpu.memory_space<vmem>>[vector<16xi32>], vector<16xf32>,
        %parallel_loop3A_962 = arith.constant 16 : i32
        %parallel_loop3A_963 = arith.muli %parallel_loop3A_147, %parallel_loop3A_962 : i32
        %parallel_loop3A_964 = arith.constant 7 : i32
        %parallel_loop3A_965 = arith.constant 6 : i32
        %parallel_loop3A_966 = arith.index_cast %parallel_loop3A_964 : i32 to index
        %parallel_loop3A_967 = arith.index_cast %parallel_loop3A_131 : i32 to index
        %parallel_loop3A_968 = arith.index_cast %parallel_loop3A_965 : i32 to index
        %parallel_loop3A_969 = arith.index_cast %parallel_loop3A_963 : i32 to index
        %parallel_loop3A_970 = tpu.vector_load %arg8[%parallel_loop3A_966, %parallel_loop3A_967, %parallel_loop3A_968, %parallel_loop3A_969] {strides = array<i32>} : memref<8x4x8x128xf32, #tpu.memory_space<vmem>>, vector<16xf32>,
        tpu.vector_store %arg8[%parallel_loop3A_966, %parallel_loop3A_967, %parallel_loop3A_968, %parallel_loop3A_969], %parallel_loop3A_961 {strides = array<i32>} : memref<8x4x8x128xf32, #tpu.memory_space<vmem>>, vector<16xf32>,
        %parallel_loop3A_971 = arith.constant 22680 : i32
        %parallel_loop3A_972 = vector.broadcast %parallel_loop3A_971 : i32 to vector<16xi32>
        %parallel_loop3A_973 = arith.addi %parallel_loop3A_151, %parallel_loop3A_972 : vector<16xi32>
        %parallel_loop3A_974 = tpu.vector_load_idx %arg5[%parallel_loop3A_973] : memref<23040xf32, #tpu.memory_space<vmem>>[vector<16xi32>], vector<16xf32>,
        %parallel_loop3A_975 = arith.constant 16 : i32
        %parallel_loop3A_976 = arith.muli %parallel_loop3A_147, %parallel_loop3A_975 : i32
        %parallel_loop3A_977 = arith.constant 7 : i32
        %parallel_loop3A_978 = arith.constant 7 : i32
        %parallel_loop3A_979 = arith.index_cast %parallel_loop3A_977 : i32 to index
        %parallel_loop3A_980 = arith.index_cast %parallel_loop3A_131 : i32 to index
        %parallel_loop3A_981 = arith.index_cast %parallel_loop3A_978 : i32 to index
        %parallel_loop3A_982 = arith.index_cast %parallel_loop3A_976 : i32 to index
        %parallel_loop3A_983 = tpu.vector_load %arg8[%parallel_loop3A_979, %parallel_loop3A_980, %parallel_loop3A_981, %parallel_loop3A_982] {strides = array<i32>} : memref<8x4x8x128xf32, #tpu.memory_space<vmem>>, vector<16xf32>,
        tpu.vector_store %arg8[%parallel_loop3A_979, %parallel_loop3A_980, %parallel_loop3A_981, %parallel_loop3A_982], %parallel_loop3A_974 {strides = array<i32>} : memref<8x4x8x128xf32, #tpu.memory_space<vmem>>, vector<16xf32>,
      } {sc.loop_unroll_factor = 4 : i64, sc.parallel_access}
      %dma_start3A_61 = arith.constant 0 : i32
      %dma_start3A_62 = arith.constant 0 : i32
      %dma_start3A_63 = arith.constant 0 : i32
      %dma_start3A_64 = tpu.memref_slice %arg4[%add3A_43, %dma_start3A_61, %mul3A_2, %dma_start3A_62, %dma_start3A_63] : memref<200x8x128x8x128xf32, #tpu.memory_space<hbm>> -> memref<1x8x4x8x128xf32, #tpu.memory_space<hbm>>
      %dma_start3A_65 = tpu.memref_squeeze %dma_start3A_64 : memref<1x8x4x8x128xf32, #tpu.memory_space<hbm>> -> memref<8x4x8x128xf32, #tpu.memory_space<hbm>>
      %dma_start3A_66 = arith.constant 0 : i32
      %dma_start3A_67 = arith.constant 0 : i32
      %dma_start3A_68 = arith.constant 0 : i32
      %dma_start3A_69 = tpu.memref_slice %arg4[%add3A_43, %dma_start3A_66, %mul3A_2, %dma_start3A_67, %dma_start3A_68] : memref<200x8x128x8x128xf32, #tpu.memory_space<hbm>> -> memref<1x8x4x8x128xf32, #tpu.memory_space<hbm>>
      %dma_start3A_70 = tpu.memref_squeeze %dma_start3A_69 : memref<1x8x4x8x128xf32, #tpu.memory_space<hbm>> -> memref<8x4x8x128xf32, #tpu.memory_space<hbm>>
      tpu.enqueue_dma source(%arg8 : memref<8x4x8x128xf32, #tpu.memory_space<vmem>>) target(%dma_start3A_70 : memref<8x4x8x128xf32, #tpu.memory_space<hbm>>) target_semaphore(%arg12 : memref<!tpu.dma_semaphore, #tpu.memory_space<semaphore_mem>>)
      %mul3A_71 = arith.constant 2 : i32
      %mul3A_72 = arith.muli %mul3A_71, %scan3A_39 : i32
      %add3A_73 = arith.constant 1 : i32
      %add3A_74 = arith.addi %mul3A_72, %add3A_73 : i32
      %mul3A_75 = arith.constant 512 : i32
      %mul3A_76 = arith.muli %add3A, %mul3A_75 : i32
      %dma_wait3A_77 = arith.constant 0 : i32
      %dma_wait3A_78 = tpu.memref_slice %arg2[%dma_wait3A_77, %mul3A_76] : memref<200x16384xi32, #tpu.memory_space<hbm>> -> memref<1x512xi32, #tpu.memory_space<hbm>>
      %dma_wait3A_79 = tpu.memref_squeeze %dma_wait3A_78 : memref<1x512xi32, #tpu.memory_space<hbm>> -> memref<512xi32, #tpu.memory_space<hbm>>
      %dma_wait3A_80 = tpu.memref_slice %arg2[%dma_wait3A_77, %mul3A_76] : memref<200x16384xi32, #tpu.memory_space<hbm>> -> memref<1x512xi32, #tpu.memory_space<hbm>>
      %dma_wait3A_81 = tpu.memref_squeeze %dma_wait3A_80 : memref<1x512xi32, #tpu.memory_space<hbm>> -> memref<512xi32, #tpu.memory_space<hbm>>
      tpu.wait_dma2 semaphore(%arg11 : memref<!tpu.dma_semaphore, #tpu.memory_space<semaphore_mem>>) src(%dma_wait3A_81 : memref<512xi32, #tpu.memory_space<hbm>>) dst(%arg7 : memref<512xi32, #tpu.memory_space<vmem>>)
      %add3A_82 = arith.constant 1 : i32
      %add3A_83 = arith.addi %add3A_74, %add3A_82 : i32
      %lt3A_84 = arith.constant 200 : i32
      %lt3A_85 = arith.cmpi slt, %add3A_83, %lt3A_84 : i32
      %convert_element_type3A_86 = arith.extui %lt3A_85 : i1 to i32
      %cond3A_87 = arith.constant 0 : i32
      %cond3A_88 = arith.cmpi ne, %convert_element_type3A_86, %cond3A_87 : i32
      scf.if %cond3A_88 {
        %add3A_107 = arith.constant 1 : i32
        %add3A_108 = arith.addi %add3A_74, %add3A_107 : i32
        %mul3A_109 = arith.constant 512 : i32
        %mul3A_110 = arith.muli %add3A, %mul3A_109 : i32
        %dma_start3A_111 = tpu.memref_slice %arg2[%add3A_108, %mul3A_110] : memref<200x16384xi32, #tpu.memory_space<hbm>> -> memref<1x512xi32, #tpu.memory_space<hbm>>
        %dma_start3A_112 = tpu.memref_squeeze %dma_start3A_111 : memref<1x512xi32, #tpu.memory_space<hbm>> -> memref<512xi32, #tpu.memory_space<hbm>>
        %dma_start3A_113 = tpu.memref_slice %arg2[%add3A_108, %mul3A_110] : memref<200x16384xi32, #tpu.memory_space<hbm>> -> memref<1x512xi32, #tpu.memory_space<hbm>>
        %dma_start3A_114 = tpu.memref_squeeze %dma_start3A_113 : memref<1x512xi32, #tpu.memory_space<hbm>> -> memref<512xi32, #tpu.memory_space<hbm>>
        tpu.enqueue_dma source(%dma_start3A_114 : memref<512xi32, #tpu.memory_space<hbm>>) target(%arg6 : memref<512xi32, #tpu.memory_space<vmem>>) target_semaphore(%arg11 : memref<!tpu.dma_semaphore, #tpu.memory_space<semaphore_mem>>)
      } else {
      }
      %gt3A_89 = arith.constant 0 : i32
      %gt3A_90 = arith.cmpi sgt, %scan3A_39, %gt3A_89 : i32
      %convert_element_type3A_91 = arith.extui %gt3A_90 : i1 to i32
      %cond3A_92 = arith.constant 0 : i32
      %cond3A_93 = arith.cmpi ne, %convert_element_type3A_91, %cond3A_92 : i32
      scf.if %cond3A_93 {
        %dma_wait3A_107 = arith.constant 0 : i32
        %dma_wait3A_108 = arith.constant 0 : i32
        %dma_wait3A_109 = arith.constant 0 : i32
        %dma_wait3A_110 = arith.constant 0 : i32
        %dma_wait3A_111 = arith.constant 0 : i32
        %dma_wait3A_112 = tpu.memref_slice %arg4[%dma_wait3A_107, %dma_wait3A_108, %dma_wait3A_109, %dma_wait3A_110, %dma_wait3A_111] : memref<200x8x128x8x128xf32, #tpu.memory_space<hbm>> -> memref<1x8x4x8x128xf32, #tpu.memory_space<hbm>>
        %dma_wait3A_113 = tpu.memref_squeeze %dma_wait3A_112 : memref<1x8x4x8x128xf32, #tpu.memory_space<hbm>> -> memref<8x4x8x128xf32, #tpu.memory_space<hbm>>
        %dma_wait3A_114 = arith.constant 0 : i32
        %dma_wait3A_115 = arith.constant 0 : i32
        %dma_wait3A_116 = arith.constant 0 : i32
        %dma_wait3A_117 = arith.constant 0 : i32
        %dma_wait3A_118 = tpu.memref_slice %arg4[%dma_wait3A_107, %dma_wait3A_114, %dma_wait3A_115, %dma_wait3A_116, %dma_wait3A_117] : memref<200x8x128x8x128xf32, #tpu.memory_space<hbm>> -> memref<1x8x4x8x128xf32, #tpu.memory_space<hbm>>
        %dma_wait3A_119 = tpu.memref_squeeze %dma_wait3A_118 : memref<1x8x4x8x128xf32, #tpu.memory_space<hbm>> -> memref<8x4x8x128xf32, #tpu.memory_space<hbm>>
        tpu.wait_dma2 semaphore(%arg13 : memref<!tpu.dma_semaphore, #tpu.memory_space<semaphore_mem>>) src(%arg9 : memref<8x4x8x128xf32, #tpu.memory_space<vmem>>) dst(%dma_wait3A_119 : memref<8x4x8x128xf32, #tpu.memory_space<hbm>>)
      } else {
      }
      %parallel_loop3A_94 = arith.constant 0 : i32
      %parallel_loop3A_95 = arith.constant 32 : i32
      %parallel_loop3A_96 = arith.constant 1 : i32
      scf.for %parallel_loop3A_107 = %parallel_loop3A_94 to %parallel_loop3A_95 step %parallel_loop3A_96  : i32 {
        %parallel_loop3A_108 = arith.constant 8 : i32
        %parallel_loop3A_109 = arith.divsi %parallel_loop3A_107, %parallel_loop3A_108 : i32
        %parallel_loop3A_110 = arith.constant 0 : i32
        %parallel_loop3A_111 = arith.cmpi sgt, %parallel_loop3A_107, %parallel_loop3A_110 : i32
        %parallel_loop3A_112 = arith.extui %parallel_loop3A_111 : i1 to i32
        %parallel_loop3A_113 = arith.constant 0 : i32
        %parallel_loop3A_114 = arith.cmpi slt, %parallel_loop3A_107, %parallel_loop3A_113 : i32
        %parallel_loop3A_115 = arith.extui %parallel_loop3A_114 : i1 to i32
        %parallel_loop3A_116 = arith.subi %parallel_loop3A_112, %parallel_loop3A_115 : i32
        %parallel_loop3A_117 = arith.constant 0 : i32
        %parallel_loop3A_118 = arith.cmpi sgt, %parallel_loop3A_108, %parallel_loop3A_117 : i32
        %parallel_loop3A_119 = arith.extui %parallel_loop3A_118 : i1 to i32
        %parallel_loop3A_120 = arith.constant 0 : i32
        %parallel_loop3A_121 = arith.cmpi slt, %parallel_loop3A_108, %parallel_loop3A_120 : i32
        %parallel_loop3A_122 = arith.extui %parallel_loop3A_121 : i1 to i32
        %parallel_loop3A_123 = arith.subi %parallel_loop3A_119, %parallel_loop3A_122 : i32
        %parallel_loop3A_124 = arith.cmpi ne, %parallel_loop3A_116, %parallel_loop3A_123 : i32
        %parallel_loop3A_125 = arith.remsi %parallel_loop3A_107, %parallel_loop3A_108 : i32
        %parallel_loop3A_126 = arith.constant 0 : i32
        %parallel_loop3A_127 = arith.cmpi ne, %parallel_loop3A_125, %parallel_loop3A_126 : i32
        %parallel_loop3A_128 = arith.andi %parallel_loop3A_124, %parallel_loop3A_127 : i1
        %parallel_loop3A_129 = arith.constant 1 : i32
        %parallel_loop3A_130 = arith.subi %parallel_loop3A_109, %parallel_loop3A_129 : i32
        %parallel_loop3A_131 = arith.select %parallel_loop3A_128, %parallel_loop3A_130, %parallel_loop3A_109 : i32
        %parallel_loop3A_132 = arith.constant 8 : i32
        %parallel_loop3A_133 = arith.constant 0 : i32
        %parallel_loop3A_134 = arith.cmpi eq, %parallel_loop3A_132, %parallel_loop3A_133 : i32
        %parallel_loop3A_135 = arith.constant 1 : i32
        %parallel_loop3A_136 = arith.select %parallel_loop3A_134, %parallel_loop3A_135, %parallel_loop3A_132 : i32
        %parallel_loop3A_137 = arith.remsi %parallel_loop3A_107, %parallel_loop3A_136 : i32
        %parallel_loop3A_138 = arith.constant 0 : i32
        %parallel_loop3A_139 = arith.cmpi ne, %parallel_loop3A_137, %parallel_loop3A_138 : i32
        %parallel_loop3A_140 = arith.constant 0 : i32
        %parallel_loop3A_141 = arith.cmpi slt, %parallel_loop3A_137, %parallel_loop3A_140 : i32
        %parallel_loop3A_142 = arith.constant 0 : i32
        %parallel_loop3A_143 = arith.cmpi slt, %parallel_loop3A_136, %parallel_loop3A_142 : i32
        %parallel_loop3A_144 = arith.xori %parallel_loop3A_141, %parallel_loop3A_143 : i1
        %parallel_loop3A_145 = arith.andi %parallel_loop3A_144, %parallel_loop3A_139 : i1
        %parallel_loop3A_146 = arith.addi %parallel_loop3A_137, %parallel_loop3A_136 : i32
        %parallel_loop3A_147 = arith.select %parallel_loop3A_145, %parallel_loop3A_146, %parallel_loop3A_137 : i32
        %parallel_loop3A_148 = arith.constant 16 : i32
        %parallel_loop3A_149 = arith.muli %parallel_loop3A_107, %parallel_loop3A_148 : i32
        %parallel_loop3A_150 = arith.index_cast %parallel_loop3A_149 : i32 to index
        %parallel_loop3A_151 = tpu.vector_load %arg7[%parallel_loop3A_150] {strides = array<i32>} : memref<512xi32, #tpu.memory_space<vmem>>, vector<16xi32>,
        %parallel_loop3A_152 = arith.constant 0 : i32
        %parallel_loop3A_153 = vector.broadcast %parallel_loop3A_152 : i32 to vector<16xi32>
        %parallel_loop3A_154 = arith.addi %parallel_loop3A_151, %parallel_loop3A_153 : vector<16xi32>
        %parallel_loop3A_155 = tpu.vector_load_idx %arg5[%parallel_loop3A_154] : memref<23040xf32, #tpu.memory_space<vmem>>[vector<16xi32>], vector<16xf32>,
        %parallel_loop3A_156 = arith.constant 16 : i32
        %parallel_loop3A_157 = arith.muli %parallel_loop3A_147, %parallel_loop3A_156 : i32
        %parallel_loop3A_158 = arith.constant 0 : i32
        %parallel_loop3A_159 = arith.constant 0 : i32
        %parallel_loop3A_160 = arith.index_cast %parallel_loop3A_158 : i32 to index
        %parallel_loop3A_161 = arith.index_cast %parallel_loop3A_131 : i32 to index
        %parallel_loop3A_162 = arith.index_cast %parallel_loop3A_159 : i32 to index
        %parallel_loop3A_163 = arith.index_cast %parallel_loop3A_157 : i32 to index
        %parallel_loop3A_164 = tpu.vector_load %arg9[%parallel_loop3A_160, %parallel_loop3A_161, %parallel_loop3A_162, %parallel_loop3A_163] {strides = array<i32>} : memref<8x4x8x128xf32, #tpu.memory_space<vmem>>, vector<16xf32>,
        tpu.vector_store %arg9[%parallel_loop3A_160, %parallel_loop3A_161, %parallel_loop3A_162, %parallel_loop3A_163], %parallel_loop3A_155 {strides = array<i32>} : memref<8x4x8x128xf32, #tpu.memory_space<vmem>>, vector<16xf32>,
        %parallel_loop3A_165 = arith.constant 360 : i32
        %parallel_loop3A_166 = vector.broadcast %parallel_loop3A_165 : i32 to vector<16xi32>
        %parallel_loop3A_167 = arith.addi %parallel_loop3A_151, %parallel_loop3A_166 : vector<16xi32>
        %parallel_loop3A_168 = tpu.vector_load_idx %arg5[%parallel_loop3A_167] : memref<23040xf32, #tpu.memory_space<vmem>>[vector<16xi32>], vector<16xf32>,
        %parallel_loop3A_169 = arith.constant 16 : i32
        %parallel_loop3A_170 = arith.muli %parallel_loop3A_147, %parallel_loop3A_169 : i32
        %parallel_loop3A_171 = arith.constant 0 : i32
        %parallel_loop3A_172 = arith.constant 1 : i32
        %parallel_loop3A_173 = arith.index_cast %parallel_loop3A_171 : i32 to index
        %parallel_loop3A_174 = arith.index_cast %parallel_loop3A_131 : i32 to index
        %parallel_loop3A_175 = arith.index_cast %parallel_loop3A_172 : i32 to index
        %parallel_loop3A_176 = arith.index_cast %parallel_loop3A_170 : i32 to index
        %parallel_loop3A_177 = tpu.vector_load %arg9[%parallel_loop3A_173, %parallel_loop3A_174, %parallel_loop3A_175, %parallel_loop3A_176] {strides = array<i32>} : memref<8x4x8x128xf32, #tpu.memory_space<vmem>>, vector<16xf32>,
        tpu.vector_store %arg9[%parallel_loop3A_173, %parallel_loop3A_174, %parallel_loop3A_175, %parallel_loop3A_176], %parallel_loop3A_168 {strides = array<i32>} : memref<8x4x8x128xf32, #tpu.memory_space<vmem>>, vector<16xf32>,
        %parallel_loop3A_178 = arith.constant 720 : i32
        %parallel_loop3A_179 = vector.broadcast %parallel_loop3A_178 : i32 to vector<16xi32>
        %parallel_loop3A_180 = arith.addi %parallel_loop3A_151, %parallel_loop3A_179 : vector<16xi32>
        %parallel_loop3A_181 = tpu.vector_load_idx %arg5[%parallel_loop3A_180] : memref<23040xf32, #tpu.memory_space<vmem>>[vector<16xi32>], vector<16xf32>,
        %parallel_loop3A_182 = arith.constant 16 : i32
        %parallel_loop3A_183 = arith.muli %parallel_loop3A_147, %parallel_loop3A_182 : i32
        %parallel_loop3A_184 = arith.constant 0 : i32
        %parallel_loop3A_185 = arith.constant 2 : i32
        %parallel_loop3A_186 = arith.index_cast %parallel_loop3A_184 : i32 to index
        %parallel_loop3A_187 = arith.index_cast %parallel_loop3A_131 : i32 to index
        %parallel_loop3A_188 = arith.index_cast %parallel_loop3A_185 : i32 to index
        %parallel_loop3A_189 = arith.index_cast %parallel_loop3A_183 : i32 to index
        %parallel_loop3A_190 = tpu.vector_load %arg9[%parallel_loop3A_186, %parallel_loop3A_187, %parallel_loop3A_188, %parallel_loop3A_189] {strides = array<i32>} : memref<8x4x8x128xf32, #tpu.memory_space<vmem>>, vector<16xf32>,
        tpu.vector_store %arg9[%parallel_loop3A_186, %parallel_loop3A_187, %parallel_loop3A_188, %parallel_loop3A_189], %parallel_loop3A_181 {strides = array<i32>} : memref<8x4x8x128xf32, #tpu.memory_space<vmem>>, vector<16xf32>,
        %parallel_loop3A_191 = arith.constant 1080 : i32
        %parallel_loop3A_192 = vector.broadcast %parallel_loop3A_191 : i32 to vector<16xi32>
        %parallel_loop3A_193 = arith.addi %parallel_loop3A_151, %parallel_loop3A_192 : vector<16xi32>
        %parallel_loop3A_194 = tpu.vector_load_idx %arg5[%parallel_loop3A_193] : memref<23040xf32, #tpu.memory_space<vmem>>[vector<16xi32>], vector<16xf32>,
        %parallel_loop3A_195 = arith.constant 16 : i32
        %parallel_loop3A_196 = arith.muli %parallel_loop3A_147, %parallel_loop3A_195 : i32
        %parallel_loop3A_197 = arith.constant 0 : i32
        %parallel_loop3A_198 = arith.constant 3 : i32
        %parallel_loop3A_199 = arith.index_cast %parallel_loop3A_197 : i32 to index
        %parallel_loop3A_200 = arith.index_cast %parallel_loop3A_131 : i32 to index
        %parallel_loop3A_201 = arith.index_cast %parallel_loop3A_198 : i32 to index
        %parallel_loop3A_202 = arith.index_cast %parallel_loop3A_196 : i32 to index
        %parallel_loop3A_203 = tpu.vector_load %arg9[%parallel_loop3A_199, %parallel_loop3A_200, %parallel_loop3A_201, %parallel_loop3A_202] {strides = array<i32>} : memref<8x4x8x128xf32, #tpu.memory_space<vmem>>, vector<16xf32>,
        tpu.vector_store %arg9[%parallel_loop3A_199, %parallel_loop3A_200, %parallel_loop3A_201, %parallel_loop3A_202], %parallel_loop3A_194 {strides = array<i32>} : memref<8x4x8x128xf32, #tpu.memory_space<vmem>>, vector<16xf32>,
        %parallel_loop3A_204 = arith.constant 1440 : i32
        %parallel_loop3A_205 = vector.broadcast %parallel_loop3A_204 : i32 to vector<16xi32>
        %parallel_loop3A_206 = arith.addi %parallel_loop3A_151, %parallel_loop3A_205 : vector<16xi32>
        %parallel_loop3A_207 = tpu.vector_load_idx %arg5[%parallel_loop3A_206] : memref<23040xf32, #tpu.memory_space<vmem>>[vector<16xi32>], vector<16xf32>,
        %parallel_loop3A_208 = arith.constant 16 : i32
        %parallel_loop3A_209 = arith.muli %parallel_loop3A_147, %parallel_loop3A_208 : i32
        %parallel_loop3A_210 = arith.constant 0 : i32
        %parallel_loop3A_211 = arith.constant 4 : i32
        %parallel_loop3A_212 = arith.index_cast %parallel_loop3A_210 : i32 to index
        %parallel_loop3A_213 = arith.index_cast %parallel_loop3A_131 : i32 to index
        %parallel_loop3A_214 = arith.index_cast %parallel_loop3A_211 : i32 to index
        %parallel_loop3A_215 = arith.index_cast %parallel_loop3A_209 : i32 to index
        %parallel_loop3A_216 = tpu.vector_load %arg9[%parallel_loop3A_212, %parallel_loop3A_213, %parallel_loop3A_214, %parallel_loop3A_215] {strides = array<i32>} : memref<8x4x8x128xf32, #tpu.memory_space<vmem>>, vector<16xf32>,
        tpu.vector_store %arg9[%parallel_loop3A_212, %parallel_loop3A_213, %parallel_loop3A_214, %parallel_loop3A_215], %parallel_loop3A_207 {strides = array<i32>} : memref<8x4x8x128xf32, #tpu.memory_space<vmem>>, vector<16xf32>,
        %parallel_loop3A_217 = arith.constant 1800 : i32
        %parallel_loop3A_218 = vector.broadcast %parallel_loop3A_217 : i32 to vector<16xi32>
        %parallel_loop3A_219 = arith.addi %parallel_loop3A_151, %parallel_loop3A_218 : vector<16xi32>
        %parallel_loop3A_220 = tpu.vector_load_idx %arg5[%parallel_loop3A_219] : memref<23040xf32, #tpu.memory_space<vmem>>[vector<16xi32>], vector<16xf32>,
        %parallel_loop3A_221 = arith.constant 16 : i32
        %parallel_loop3A_222 = arith.muli %parallel_loop3A_147, %parallel_loop3A_221 : i32
        %parallel_loop3A_223 = arith.constant 0 : i32
        %parallel_loop3A_224 = arith.constant 5 : i32
        %parallel_loop3A_225 = arith.index_cast %parallel_loop3A_223 : i32 to index
        %parallel_loop3A_226 = arith.index_cast %parallel_loop3A_131 : i32 to index
        %parallel_loop3A_227 = arith.index_cast %parallel_loop3A_224 : i32 to index
        %parallel_loop3A_228 = arith.index_cast %parallel_loop3A_222 : i32 to index
        %parallel_loop3A_229 = tpu.vector_load %arg9[%parallel_loop3A_225, %parallel_loop3A_226, %parallel_loop3A_227, %parallel_loop3A_228] {strides = array<i32>} : memref<8x4x8x128xf32, #tpu.memory_space<vmem>>, vector<16xf32>,
        tpu.vector_store %arg9[%parallel_loop3A_225, %parallel_loop3A_226, %parallel_loop3A_227, %parallel_loop3A_228], %parallel_loop3A_220 {strides = array<i32>} : memref<8x4x8x128xf32, #tpu.memory_space<vmem>>, vector<16xf32>,
        %parallel_loop3A_230 = arith.constant 2160 : i32
        %parallel_loop3A_231 = vector.broadcast %parallel_loop3A_230 : i32 to vector<16xi32>
        %parallel_loop3A_232 = arith.addi %parallel_loop3A_151, %parallel_loop3A_231 : vector<16xi32>
        %parallel_loop3A_233 = tpu.vector_load_idx %arg5[%parallel_loop3A_232] : memref<23040xf32, #tpu.memory_space<vmem>>[vector<16xi32>], vector<16xf32>,
        %parallel_loop3A_234 = arith.constant 16 : i32
        %parallel_loop3A_235 = arith.muli %parallel_loop3A_147, %parallel_loop3A_234 : i32
        %parallel_loop3A_236 = arith.constant 0 : i32
        %parallel_loop3A_237 = arith.constant 6 : i32
        %parallel_loop3A_238 = arith.index_cast %parallel_loop3A_236 : i32 to index
        %parallel_loop3A_239 = arith.index_cast %parallel_loop3A_131 : i32 to index
        %parallel_loop3A_240 = arith.index_cast %parallel_loop3A_237 : i32 to index
        %parallel_loop3A_241 = arith.index_cast %parallel_loop3A_235 : i32 to index
        %parallel_loop3A_242 = tpu.vector_load %arg9[%parallel_loop3A_238, %parallel_loop3A_239, %parallel_loop3A_240, %parallel_loop3A_241] {strides = array<i32>} : memref<8x4x8x128xf32, #tpu.memory_space<vmem>>, vector<16xf32>,
        tpu.vector_store %arg9[%parallel_loop3A_238, %parallel_loop3A_239, %parallel_loop3A_240, %parallel_loop3A_241], %parallel_loop3A_233 {strides = array<i32>} : memref<8x4x8x128xf32, #tpu.memory_space<vmem>>, vector<16xf32>,
        %parallel_loop3A_243 = arith.constant 2520 : i32
        %parallel_loop3A_244 = vector.broadcast %parallel_loop3A_243 : i32 to vector<16xi32>
        %parallel_loop3A_245 = arith.addi %parallel_loop3A_151, %parallel_loop3A_244 : vector<16xi32>
        %parallel_loop3A_246 = tpu.vector_load_idx %arg5[%parallel_loop3A_245] : memref<23040xf32, #tpu.memory_space<vmem>>[vector<16xi32>], vector<16xf32>,
        %parallel_loop3A_247 = arith.constant 16 : i32
        %parallel_loop3A_248 = arith.muli %parallel_loop3A_147, %parallel_loop3A_247 : i32
        %parallel_loop3A_249 = arith.constant 0 : i32
        %parallel_loop3A_250 = arith.constant 7 : i32
        %parallel_loop3A_251 = arith.index_cast %parallel_loop3A_249 : i32 to index
        %parallel_loop3A_252 = arith.index_cast %parallel_loop3A_131 : i32 to index
        %parallel_loop3A_253 = arith.index_cast %parallel_loop3A_250 : i32 to index
        %parallel_loop3A_254 = arith.index_cast %parallel_loop3A_248 : i32 to index
        %parallel_loop3A_255 = tpu.vector_load %arg9[%parallel_loop3A_251, %parallel_loop3A_252, %parallel_loop3A_253, %parallel_loop3A_254] {strides = array<i32>} : memref<8x4x8x128xf32, #tpu.memory_space<vmem>>, vector<16xf32>,
        tpu.vector_store %arg9[%parallel_loop3A_251, %parallel_loop3A_252, %parallel_loop3A_253, %parallel_loop3A_254], %parallel_loop3A_246 {strides = array<i32>} : memref<8x4x8x128xf32, #tpu.memory_space<vmem>>, vector<16xf32>,
        %parallel_loop3A_256 = arith.constant 2880 : i32
        %parallel_loop3A_257 = vector.broadcast %parallel_loop3A_256 : i32 to vector<16xi32>
        %parallel_loop3A_258 = arith.addi %parallel_loop3A_151, %parallel_loop3A_257 : vector<16xi32>
        %parallel_loop3A_259 = tpu.vector_load_idx %arg5[%parallel_loop3A_258] : memref<23040xf32, #tpu.memory_space<vmem>>[vector<16xi32>], vector<16xf32>,
        %parallel_loop3A_260 = arith.constant 16 : i32
        %parallel_loop3A_261 = arith.muli %parallel_loop3A_147, %parallel_loop3A_260 : i32
        %parallel_loop3A_262 = arith.constant 1 : i32
        %parallel_loop3A_263 = arith.constant 0 : i32
        %parallel_loop3A_264 = arith.index_cast %parallel_loop3A_262 : i32 to index
        %parallel_loop3A_265 = arith.index_cast %parallel_loop3A_131 : i32 to index
        %parallel_loop3A_266 = arith.index_cast %parallel_loop3A_263 : i32 to index
        %parallel_loop3A_267 = arith.index_cast %parallel_loop3A_261 : i32 to index
        %parallel_loop3A_268 = tpu.vector_load %arg9[%parallel_loop3A_264, %parallel_loop3A_265, %parallel_loop3A_266, %parallel_loop3A_267] {strides = array<i32>} : memref<8x4x8x128xf32, #tpu.memory_space<vmem>>, vector<16xf32>,
        tpu.vector_store %arg9[%parallel_loop3A_264, %parallel_loop3A_265, %parallel_loop3A_266, %parallel_loop3A_267], %parallel_loop3A_259 {strides = array<i32>} : memref<8x4x8x128xf32, #tpu.memory_space<vmem>>, vector<16xf32>,
        %parallel_loop3A_269 = arith.constant 3240 : i32
        %parallel_loop3A_270 = vector.broadcast %parallel_loop3A_269 : i32 to vector<16xi32>
        %parallel_loop3A_271 = arith.addi %parallel_loop3A_151, %parallel_loop3A_270 : vector<16xi32>
        %parallel_loop3A_272 = tpu.vector_load_idx %arg5[%parallel_loop3A_271] : memref<23040xf32, #tpu.memory_space<vmem>>[vector<16xi32>], vector<16xf32>,
        %parallel_loop3A_273 = arith.constant 16 : i32
        %parallel_loop3A_274 = arith.muli %parallel_loop3A_147, %parallel_loop3A_273 : i32
        %parallel_loop3A_275 = arith.constant 1 : i32
        %parallel_loop3A_276 = arith.constant 1 : i32
        %parallel_loop3A_277 = arith.index_cast %parallel_loop3A_275 : i32 to index
        %parallel_loop3A_278 = arith.index_cast %parallel_loop3A_131 : i32 to index
        %parallel_loop3A_279 = arith.index_cast %parallel_loop3A_276 : i32 to index
        %parallel_loop3A_280 = arith.index_cast %parallel_loop3A_274 : i32 to index
        %parallel_loop3A_281 = tpu.vector_load %arg9[%parallel_loop3A_277, %parallel_loop3A_278, %parallel_loop3A_279, %parallel_loop3A_280] {strides = array<i32>} : memref<8x4x8x128xf32, #tpu.memory_space<vmem>>, vector<16xf32>,
        tpu.vector_store %arg9[%parallel_loop3A_277, %parallel_loop3A_278, %parallel_loop3A_279, %parallel_loop3A_280], %parallel_loop3A_272 {strides = array<i32>} : memref<8x4x8x128xf32, #tpu.memory_space<vmem>>, vector<16xf32>,
        %parallel_loop3A_282 = arith.constant 3600 : i32
        %parallel_loop3A_283 = vector.broadcast %parallel_loop3A_282 : i32 to vector<16xi32>
        %parallel_loop3A_284 = arith.addi %parallel_loop3A_151, %parallel_loop3A_283 : vector<16xi32>
        %parallel_loop3A_285 = tpu.vector_load_idx %arg5[%parallel_loop3A_284] : memref<23040xf32, #tpu.memory_space<vmem>>[vector<16xi32>], vector<16xf32>,
        %parallel_loop3A_286 = arith.constant 16 : i32
        %parallel_loop3A_287 = arith.muli %parallel_loop3A_147, %parallel_loop3A_286 : i32
        %parallel_loop3A_288 = arith.constant 1 : i32
        %parallel_loop3A_289 = arith.constant 2 : i32
        %parallel_loop3A_290 = arith.index_cast %parallel_loop3A_288 : i32 to index
        %parallel_loop3A_291 = arith.index_cast %parallel_loop3A_131 : i32 to index
        %parallel_loop3A_292 = arith.index_cast %parallel_loop3A_289 : i32 to index
        %parallel_loop3A_293 = arith.index_cast %parallel_loop3A_287 : i32 to index
        %parallel_loop3A_294 = tpu.vector_load %arg9[%parallel_loop3A_290, %parallel_loop3A_291, %parallel_loop3A_292, %parallel_loop3A_293] {strides = array<i32>} : memref<8x4x8x128xf32, #tpu.memory_space<vmem>>, vector<16xf32>,
        tpu.vector_store %arg9[%parallel_loop3A_290, %parallel_loop3A_291, %parallel_loop3A_292, %parallel_loop3A_293], %parallel_loop3A_285 {strides = array<i32>} : memref<8x4x8x128xf32, #tpu.memory_space<vmem>>, vector<16xf32>,
        %parallel_loop3A_295 = arith.constant 3960 : i32
        %parallel_loop3A_296 = vector.broadcast %parallel_loop3A_295 : i32 to vector<16xi32>
        %parallel_loop3A_297 = arith.addi %parallel_loop3A_151, %parallel_loop3A_296 : vector<16xi32>
        %parallel_loop3A_298 = tpu.vector_load_idx %arg5[%parallel_loop3A_297] : memref<23040xf32, #tpu.memory_space<vmem>>[vector<16xi32>], vector<16xf32>,
        %parallel_loop3A_299 = arith.constant 16 : i32
        %parallel_loop3A_300 = arith.muli %parallel_loop3A_147, %parallel_loop3A_299 : i32
        %parallel_loop3A_301 = arith.constant 1 : i32
        %parallel_loop3A_302 = arith.constant 3 : i32
        %parallel_loop3A_303 = arith.index_cast %parallel_loop3A_301 : i32 to index
        %parallel_loop3A_304 = arith.index_cast %parallel_loop3A_131 : i32 to index
        %parallel_loop3A_305 = arith.index_cast %parallel_loop3A_302 : i32 to index
        %parallel_loop3A_306 = arith.index_cast %parallel_loop3A_300 : i32 to index
        %parallel_loop3A_307 = tpu.vector_load %arg9[%parallel_loop3A_303, %parallel_loop3A_304, %parallel_loop3A_305, %parallel_loop3A_306] {strides = array<i32>} : memref<8x4x8x128xf32, #tpu.memory_space<vmem>>, vector<16xf32>,
        tpu.vector_store %arg9[%parallel_loop3A_303, %parallel_loop3A_304, %parallel_loop3A_305, %parallel_loop3A_306], %parallel_loop3A_298 {strides = array<i32>} : memref<8x4x8x128xf32, #tpu.memory_space<vmem>>, vector<16xf32>,
        %parallel_loop3A_308 = arith.constant 4320 : i32
        %parallel_loop3A_309 = vector.broadcast %parallel_loop3A_308 : i32 to vector<16xi32>
        %parallel_loop3A_310 = arith.addi %parallel_loop3A_151, %parallel_loop3A_309 : vector<16xi32>
        %parallel_loop3A_311 = tpu.vector_load_idx %arg5[%parallel_loop3A_310] : memref<23040xf32, #tpu.memory_space<vmem>>[vector<16xi32>], vector<16xf32>,
        %parallel_loop3A_312 = arith.constant 16 : i32
        %parallel_loop3A_313 = arith.muli %parallel_loop3A_147, %parallel_loop3A_312 : i32
        %parallel_loop3A_314 = arith.constant 1 : i32
        %parallel_loop3A_315 = arith.constant 4 : i32
        %parallel_loop3A_316 = arith.index_cast %parallel_loop3A_314 : i32 to index
        %parallel_loop3A_317 = arith.index_cast %parallel_loop3A_131 : i32 to index
        %parallel_loop3A_318 = arith.index_cast %parallel_loop3A_315 : i32 to index
        %parallel_loop3A_319 = arith.index_cast %parallel_loop3A_313 : i32 to index
        %parallel_loop3A_320 = tpu.vector_load %arg9[%parallel_loop3A_316, %parallel_loop3A_317, %parallel_loop3A_318, %parallel_loop3A_319] {strides = array<i32>} : memref<8x4x8x128xf32, #tpu.memory_space<vmem>>, vector<16xf32>,
        tpu.vector_store %arg9[%parallel_loop3A_316, %parallel_loop3A_317, %parallel_loop3A_318, %parallel_loop3A_319], %parallel_loop3A_311 {strides = array<i32>} : memref<8x4x8x128xf32, #tpu.memory_space<vmem>>, vector<16xf32>,
        %parallel_loop3A_321 = arith.constant 4680 : i32
        %parallel_loop3A_322 = vector.broadcast %parallel_loop3A_321 : i32 to vector<16xi32>
        %parallel_loop3A_323 = arith.addi %parallel_loop3A_151, %parallel_loop3A_322 : vector<16xi32>
        %parallel_loop3A_324 = tpu.vector_load_idx %arg5[%parallel_loop3A_323] : memref<23040xf32, #tpu.memory_space<vmem>>[vector<16xi32>], vector<16xf32>,
        %parallel_loop3A_325 = arith.constant 16 : i32
        %parallel_loop3A_326 = arith.muli %parallel_loop3A_147, %parallel_loop3A_325 : i32
        %parallel_loop3A_327 = arith.constant 1 : i32
        %parallel_loop3A_328 = arith.constant 5 : i32
        %parallel_loop3A_329 = arith.index_cast %parallel_loop3A_327 : i32 to index
        %parallel_loop3A_330 = arith.index_cast %parallel_loop3A_131 : i32 to index
        %parallel_loop3A_331 = arith.index_cast %parallel_loop3A_328 : i32 to index
        %parallel_loop3A_332 = arith.index_cast %parallel_loop3A_326 : i32 to index
        %parallel_loop3A_333 = tpu.vector_load %arg9[%parallel_loop3A_329, %parallel_loop3A_330, %parallel_loop3A_331, %parallel_loop3A_332] {strides = array<i32>} : memref<8x4x8x128xf32, #tpu.memory_space<vmem>>, vector<16xf32>,
        tpu.vector_store %arg9[%parallel_loop3A_329, %parallel_loop3A_330, %parallel_loop3A_331, %parallel_loop3A_332], %parallel_loop3A_324 {strides = array<i32>} : memref<8x4x8x128xf32, #tpu.memory_space<vmem>>, vector<16xf32>,
        %parallel_loop3A_334 = arith.constant 5040 : i32
        %parallel_loop3A_335 = vector.broadcast %parallel_loop3A_334 : i32 to vector<16xi32>
        %parallel_loop3A_336 = arith.addi %parallel_loop3A_151, %parallel_loop3A_335 : vector<16xi32>
        %parallel_loop3A_337 = tpu.vector_load_idx %arg5[%parallel_loop3A_336] : memref<23040xf32, #tpu.memory_space<vmem>>[vector<16xi32>], vector<16xf32>,
        %parallel_loop3A_338 = arith.constant 16 : i32
        %parallel_loop3A_339 = arith.muli %parallel_loop3A_147, %parallel_loop3A_338 : i32
        %parallel_loop3A_340 = arith.constant 1 : i32
        %parallel_loop3A_341 = arith.constant 6 : i32
        %parallel_loop3A_342 = arith.index_cast %parallel_loop3A_340 : i32 to index
        %parallel_loop3A_343 = arith.index_cast %parallel_loop3A_131 : i32 to index
        %parallel_loop3A_344 = arith.index_cast %parallel_loop3A_341 : i32 to index
        %parallel_loop3A_345 = arith.index_cast %parallel_loop3A_339 : i32 to index
        %parallel_loop3A_346 = tpu.vector_load %arg9[%parallel_loop3A_342, %parallel_loop3A_343, %parallel_loop3A_344, %parallel_loop3A_345] {strides = array<i32>} : memref<8x4x8x128xf32, #tpu.memory_space<vmem>>, vector<16xf32>,
        tpu.vector_store %arg9[%parallel_loop3A_342, %parallel_loop3A_343, %parallel_loop3A_344, %parallel_loop3A_345], %parallel_loop3A_337 {strides = array<i32>} : memref<8x4x8x128xf32, #tpu.memory_space<vmem>>, vector<16xf32>,
        %parallel_loop3A_347 = arith.constant 5400 : i32
        %parallel_loop3A_348 = vector.broadcast %parallel_loop3A_347 : i32 to vector<16xi32>
        %parallel_loop3A_349 = arith.addi %parallel_loop3A_151, %parallel_loop3A_348 : vector<16xi32>
        %parallel_loop3A_350 = tpu.vector_load_idx %arg5[%parallel_loop3A_349] : memref<23040xf32, #tpu.memory_space<vmem>>[vector<16xi32>], vector<16xf32>,
        %parallel_loop3A_351 = arith.constant 16 : i32
        %parallel_loop3A_352 = arith.muli %parallel_loop3A_147, %parallel_loop3A_351 : i32
        %parallel_loop3A_353 = arith.constant 1 : i32
        %parallel_loop3A_354 = arith.constant 7 : i32
        %parallel_loop3A_355 = arith.index_cast %parallel_loop3A_353 : i32 to index
        %parallel_loop3A_356 = arith.index_cast %parallel_loop3A_131 : i32 to index
        %parallel_loop3A_357 = arith.index_cast %parallel_loop3A_354 : i32 to index
        %parallel_loop3A_358 = arith.index_cast %parallel_loop3A_352 : i32 to index
        %parallel_loop3A_359 = tpu.vector_load %arg9[%parallel_loop3A_355, %parallel_loop3A_356, %parallel_loop3A_357, %parallel_loop3A_358] {strides = array<i32>} : memref<8x4x8x128xf32, #tpu.memory_space<vmem>>, vector<16xf32>,
        tpu.vector_store %arg9[%parallel_loop3A_355, %parallel_loop3A_356, %parallel_loop3A_357, %parallel_loop3A_358], %parallel_loop3A_350 {strides = array<i32>} : memref<8x4x8x128xf32, #tpu.memory_space<vmem>>, vector<16xf32>,
        %parallel_loop3A_360 = arith.constant 5760 : i32
        %parallel_loop3A_361 = vector.broadcast %parallel_loop3A_360 : i32 to vector<16xi32>
        %parallel_loop3A_362 = arith.addi %parallel_loop3A_151, %parallel_loop3A_361 : vector<16xi32>
        %parallel_loop3A_363 = tpu.vector_load_idx %arg5[%parallel_loop3A_362] : memref<23040xf32, #tpu.memory_space<vmem>>[vector<16xi32>], vector<16xf32>,
        %parallel_loop3A_364 = arith.constant 16 : i32
        %parallel_loop3A_365 = arith.muli %parallel_loop3A_147, %parallel_loop3A_364 : i32
        %parallel_loop3A_366 = arith.constant 2 : i32
        %parallel_loop3A_367 = arith.constant 0 : i32
        %parallel_loop3A_368 = arith.index_cast %parallel_loop3A_366 : i32 to index
        %parallel_loop3A_369 = arith.index_cast %parallel_loop3A_131 : i32 to index
        %parallel_loop3A_370 = arith.index_cast %parallel_loop3A_367 : i32 to index
        %parallel_loop3A_371 = arith.index_cast %parallel_loop3A_365 : i32 to index
        %parallel_loop3A_372 = tpu.vector_load %arg9[%parallel_loop3A_368, %parallel_loop3A_369, %parallel_loop3A_370, %parallel_loop3A_371] {strides = array<i32>} : memref<8x4x8x128xf32, #tpu.memory_space<vmem>>, vector<16xf32>,
        tpu.vector_store %arg9[%parallel_loop3A_368, %parallel_loop3A_369, %parallel_loop3A_370, %parallel_loop3A_371], %parallel_loop3A_363 {strides = array<i32>} : memref<8x4x8x128xf32, #tpu.memory_space<vmem>>, vector<16xf32>,
        %parallel_loop3A_373 = arith.constant 6120 : i32
        %parallel_loop3A_374 = vector.broadcast %parallel_loop3A_373 : i32 to vector<16xi32>
        %parallel_loop3A_375 = arith.addi %parallel_loop3A_151, %parallel_loop3A_374 : vector<16xi32>
        %parallel_loop3A_376 = tpu.vector_load_idx %arg5[%parallel_loop3A_375] : memref<23040xf32, #tpu.memory_space<vmem>>[vector<16xi32>], vector<16xf32>,
        %parallel_loop3A_377 = arith.constant 16 : i32
        %parallel_loop3A_378 = arith.muli %parallel_loop3A_147, %parallel_loop3A_377 : i32
        %parallel_loop3A_379 = arith.constant 2 : i32
        %parallel_loop3A_380 = arith.constant 1 : i32
        %parallel_loop3A_381 = arith.index_cast %parallel_loop3A_379 : i32 to index
        %parallel_loop3A_382 = arith.index_cast %parallel_loop3A_131 : i32 to index
        %parallel_loop3A_383 = arith.index_cast %parallel_loop3A_380 : i32 to index
        %parallel_loop3A_384 = arith.index_cast %parallel_loop3A_378 : i32 to index
        %parallel_loop3A_385 = tpu.vector_load %arg9[%parallel_loop3A_381, %parallel_loop3A_382, %parallel_loop3A_383, %parallel_loop3A_384] {strides = array<i32>} : memref<8x4x8x128xf32, #tpu.memory_space<vmem>>, vector<16xf32>,
        tpu.vector_store %arg9[%parallel_loop3A_381, %parallel_loop3A_382, %parallel_loop3A_383, %parallel_loop3A_384], %parallel_loop3A_376 {strides = array<i32>} : memref<8x4x8x128xf32, #tpu.memory_space<vmem>>, vector<16xf32>,
        %parallel_loop3A_386 = arith.constant 6480 : i32
        %parallel_loop3A_387 = vector.broadcast %parallel_loop3A_386 : i32 to vector<16xi32>
        %parallel_loop3A_388 = arith.addi %parallel_loop3A_151, %parallel_loop3A_387 : vector<16xi32>
        %parallel_loop3A_389 = tpu.vector_load_idx %arg5[%parallel_loop3A_388] : memref<23040xf32, #tpu.memory_space<vmem>>[vector<16xi32>], vector<16xf32>,
        %parallel_loop3A_390 = arith.constant 16 : i32
        %parallel_loop3A_391 = arith.muli %parallel_loop3A_147, %parallel_loop3A_390 : i32
        %parallel_loop3A_392 = arith.constant 2 : i32
        %parallel_loop3A_393 = arith.constant 2 : i32
        %parallel_loop3A_394 = arith.index_cast %parallel_loop3A_392 : i32 to index
        %parallel_loop3A_395 = arith.index_cast %parallel_loop3A_131 : i32 to index
        %parallel_loop3A_396 = arith.index_cast %parallel_loop3A_393 : i32 to index
        %parallel_loop3A_397 = arith.index_cast %parallel_loop3A_391 : i32 to index
        %parallel_loop3A_398 = tpu.vector_load %arg9[%parallel_loop3A_394, %parallel_loop3A_395, %parallel_loop3A_396, %parallel_loop3A_397] {strides = array<i32>} : memref<8x4x8x128xf32, #tpu.memory_space<vmem>>, vector<16xf32>,
        tpu.vector_store %arg9[%parallel_loop3A_394, %parallel_loop3A_395, %parallel_loop3A_396, %parallel_loop3A_397], %parallel_loop3A_389 {strides = array<i32>} : memref<8x4x8x128xf32, #tpu.memory_space<vmem>>, vector<16xf32>,
        %parallel_loop3A_399 = arith.constant 6840 : i32
        %parallel_loop3A_400 = vector.broadcast %parallel_loop3A_399 : i32 to vector<16xi32>
        %parallel_loop3A_401 = arith.addi %parallel_loop3A_151, %parallel_loop3A_400 : vector<16xi32>
        %parallel_loop3A_402 = tpu.vector_load_idx %arg5[%parallel_loop3A_401] : memref<23040xf32, #tpu.memory_space<vmem>>[vector<16xi32>], vector<16xf32>,
        %parallel_loop3A_403 = arith.constant 16 : i32
        %parallel_loop3A_404 = arith.muli %parallel_loop3A_147, %parallel_loop3A_403 : i32
        %parallel_loop3A_405 = arith.constant 2 : i32
        %parallel_loop3A_406 = arith.constant 3 : i32
        %parallel_loop3A_407 = arith.index_cast %parallel_loop3A_405 : i32 to index
        %parallel_loop3A_408 = arith.index_cast %parallel_loop3A_131 : i32 to index
        %parallel_loop3A_409 = arith.index_cast %parallel_loop3A_406 : i32 to index
        %parallel_loop3A_410 = arith.index_cast %parallel_loop3A_404 : i32 to index
        %parallel_loop3A_411 = tpu.vector_load %arg9[%parallel_loop3A_407, %parallel_loop3A_408, %parallel_loop3A_409, %parallel_loop3A_410] {strides = array<i32>} : memref<8x4x8x128xf32, #tpu.memory_space<vmem>>, vector<16xf32>,
        tpu.vector_store %arg9[%parallel_loop3A_407, %parallel_loop3A_408, %parallel_loop3A_409, %parallel_loop3A_410], %parallel_loop3A_402 {strides = array<i32>} : memref<8x4x8x128xf32, #tpu.memory_space<vmem>>, vector<16xf32>,
        %parallel_loop3A_412 = arith.constant 7200 : i32
        %parallel_loop3A_413 = vector.broadcast %parallel_loop3A_412 : i32 to vector<16xi32>
        %parallel_loop3A_414 = arith.addi %parallel_loop3A_151, %parallel_loop3A_413 : vector<16xi32>
        %parallel_loop3A_415 = tpu.vector_load_idx %arg5[%parallel_loop3A_414] : memref<23040xf32, #tpu.memory_space<vmem>>[vector<16xi32>], vector<16xf32>,
        %parallel_loop3A_416 = arith.constant 16 : i32
        %parallel_loop3A_417 = arith.muli %parallel_loop3A_147, %parallel_loop3A_416 : i32
        %parallel_loop3A_418 = arith.constant 2 : i32
        %parallel_loop3A_419 = arith.constant 4 : i32
        %parallel_loop3A_420 = arith.index_cast %parallel_loop3A_418 : i32 to index
        %parallel_loop3A_421 = arith.index_cast %parallel_loop3A_131 : i32 to index
        %parallel_loop3A_422 = arith.index_cast %parallel_loop3A_419 : i32 to index
        %parallel_loop3A_423 = arith.index_cast %parallel_loop3A_417 : i32 to index
        %parallel_loop3A_424 = tpu.vector_load %arg9[%parallel_loop3A_420, %parallel_loop3A_421, %parallel_loop3A_422, %parallel_loop3A_423] {strides = array<i32>} : memref<8x4x8x128xf32, #tpu.memory_space<vmem>>, vector<16xf32>,
        tpu.vector_store %arg9[%parallel_loop3A_420, %parallel_loop3A_421, %parallel_loop3A_422, %parallel_loop3A_423], %parallel_loop3A_415 {strides = array<i32>} : memref<8x4x8x128xf32, #tpu.memory_space<vmem>>, vector<16xf32>,
        %parallel_loop3A_425 = arith.constant 7560 : i32
        %parallel_loop3A_426 = vector.broadcast %parallel_loop3A_425 : i32 to vector<16xi32>
        %parallel_loop3A_427 = arith.addi %parallel_loop3A_151, %parallel_loop3A_426 : vector<16xi32>
        %parallel_loop3A_428 = tpu.vector_load_idx %arg5[%parallel_loop3A_427] : memref<23040xf32, #tpu.memory_space<vmem>>[vector<16xi32>], vector<16xf32>,
        %parallel_loop3A_429 = arith.constant 16 : i32
        %parallel_loop3A_430 = arith.muli %parallel_loop3A_147, %parallel_loop3A_429 : i32
        %parallel_loop3A_431 = arith.constant 2 : i32
        %parallel_loop3A_432 = arith.constant 5 : i32
        %parallel_loop3A_433 = arith.index_cast %parallel_loop3A_431 : i32 to index
        %parallel_loop3A_434 = arith.index_cast %parallel_loop3A_131 : i32 to index
        %parallel_loop3A_435 = arith.index_cast %parallel_loop3A_432 : i32 to index
        %parallel_loop3A_436 = arith.index_cast %parallel_loop3A_430 : i32 to index
        %parallel_loop3A_437 = tpu.vector_load %arg9[%parallel_loop3A_433, %parallel_loop3A_434, %parallel_loop3A_435, %parallel_loop3A_436] {strides = array<i32>} : memref<8x4x8x128xf32, #tpu.memory_space<vmem>>, vector<16xf32>,
        tpu.vector_store %arg9[%parallel_loop3A_433, %parallel_loop3A_434, %parallel_loop3A_435, %parallel_loop3A_436], %parallel_loop3A_428 {strides = array<i32>} : memref<8x4x8x128xf32, #tpu.memory_space<vmem>>, vector<16xf32>,
        %parallel_loop3A_438 = arith.constant 7920 : i32
        %parallel_loop3A_439 = vector.broadcast %parallel_loop3A_438 : i32 to vector<16xi32>
        %parallel_loop3A_440 = arith.addi %parallel_loop3A_151, %parallel_loop3A_439 : vector<16xi32>
        %parallel_loop3A_441 = tpu.vector_load_idx %arg5[%parallel_loop3A_440] : memref<23040xf32, #tpu.memory_space<vmem>>[vector<16xi32>], vector<16xf32>,
        %parallel_loop3A_442 = arith.constant 16 : i32
        %parallel_loop3A_443 = arith.muli %parallel_loop3A_147, %parallel_loop3A_442 : i32
        %parallel_loop3A_444 = arith.constant 2 : i32
        %parallel_loop3A_445 = arith.constant 6 : i32
        %parallel_loop3A_446 = arith.index_cast %parallel_loop3A_444 : i32 to index
        %parallel_loop3A_447 = arith.index_cast %parallel_loop3A_131 : i32 to index
        %parallel_loop3A_448 = arith.index_cast %parallel_loop3A_445 : i32 to index
        %parallel_loop3A_449 = arith.index_cast %parallel_loop3A_443 : i32 to index
        %parallel_loop3A_450 = tpu.vector_load %arg9[%parallel_loop3A_446, %parallel_loop3A_447, %parallel_loop3A_448, %parallel_loop3A_449] {strides = array<i32>} : memref<8x4x8x128xf32, #tpu.memory_space<vmem>>, vector<16xf32>,
        tpu.vector_store %arg9[%parallel_loop3A_446, %parallel_loop3A_447, %parallel_loop3A_448, %parallel_loop3A_449], %parallel_loop3A_441 {strides = array<i32>} : memref<8x4x8x128xf32, #tpu.memory_space<vmem>>, vector<16xf32>,
        %parallel_loop3A_451 = arith.constant 8280 : i32
        %parallel_loop3A_452 = vector.broadcast %parallel_loop3A_451 : i32 to vector<16xi32>
        %parallel_loop3A_453 = arith.addi %parallel_loop3A_151, %parallel_loop3A_452 : vector<16xi32>
        %parallel_loop3A_454 = tpu.vector_load_idx %arg5[%parallel_loop3A_453] : memref<23040xf32, #tpu.memory_space<vmem>>[vector<16xi32>], vector<16xf32>,
        %parallel_loop3A_455 = arith.constant 16 : i32
        %parallel_loop3A_456 = arith.muli %parallel_loop3A_147, %parallel_loop3A_455 : i32
        %parallel_loop3A_457 = arith.constant 2 : i32
        %parallel_loop3A_458 = arith.constant 7 : i32
        %parallel_loop3A_459 = arith.index_cast %parallel_loop3A_457 : i32 to index
        %parallel_loop3A_460 = arith.index_cast %parallel_loop3A_131 : i32 to index
        %parallel_loop3A_461 = arith.index_cast %parallel_loop3A_458 : i32 to index
        %parallel_loop3A_462 = arith.index_cast %parallel_loop3A_456 : i32 to index
        %parallel_loop3A_463 = tpu.vector_load %arg9[%parallel_loop3A_459, %parallel_loop3A_460, %parallel_loop3A_461, %parallel_loop3A_462] {strides = array<i32>} : memref<8x4x8x128xf32, #tpu.memory_space<vmem>>, vector<16xf32>,
        tpu.vector_store %arg9[%parallel_loop3A_459, %parallel_loop3A_460, %parallel_loop3A_461, %parallel_loop3A_462], %parallel_loop3A_454 {strides = array<i32>} : memref<8x4x8x128xf32, #tpu.memory_space<vmem>>, vector<16xf32>,
        %parallel_loop3A_464 = arith.constant 8640 : i32
        %parallel_loop3A_465 = vector.broadcast %parallel_loop3A_464 : i32 to vector<16xi32>
        %parallel_loop3A_466 = arith.addi %parallel_loop3A_151, %parallel_loop3A_465 : vector<16xi32>
        %parallel_loop3A_467 = tpu.vector_load_idx %arg5[%parallel_loop3A_466] : memref<23040xf32, #tpu.memory_space<vmem>>[vector<16xi32>], vector<16xf32>,
        %parallel_loop3A_468 = arith.constant 16 : i32
        %parallel_loop3A_469 = arith.muli %parallel_loop3A_147, %parallel_loop3A_468 : i32
        %parallel_loop3A_470 = arith.constant 3 : i32
        %parallel_loop3A_471 = arith.constant 0 : i32
        %parallel_loop3A_472 = arith.index_cast %parallel_loop3A_470 : i32 to index
        %parallel_loop3A_473 = arith.index_cast %parallel_loop3A_131 : i32 to index
        %parallel_loop3A_474 = arith.index_cast %parallel_loop3A_471 : i32 to index
        %parallel_loop3A_475 = arith.index_cast %parallel_loop3A_469 : i32 to index
        %parallel_loop3A_476 = tpu.vector_load %arg9[%parallel_loop3A_472, %parallel_loop3A_473, %parallel_loop3A_474, %parallel_loop3A_475] {strides = array<i32>} : memref<8x4x8x128xf32, #tpu.memory_space<vmem>>, vector<16xf32>,
        tpu.vector_store %arg9[%parallel_loop3A_472, %parallel_loop3A_473, %parallel_loop3A_474, %parallel_loop3A_475], %parallel_loop3A_467 {strides = array<i32>} : memref<8x4x8x128xf32, #tpu.memory_space<vmem>>, vector<16xf32>,
        %parallel_loop3A_477 = arith.constant 9000 : i32
        %parallel_loop3A_478 = vector.broadcast %parallel_loop3A_477 : i32 to vector<16xi32>
        %parallel_loop3A_479 = arith.addi %parallel_loop3A_151, %parallel_loop3A_478 : vector<16xi32>
        %parallel_loop3A_480 = tpu.vector_load_idx %arg5[%parallel_loop3A_479] : memref<23040xf32, #tpu.memory_space<vmem>>[vector<16xi32>], vector<16xf32>,
        %parallel_loop3A_481 = arith.constant 16 : i32
        %parallel_loop3A_482 = arith.muli %parallel_loop3A_147, %parallel_loop3A_481 : i32
        %parallel_loop3A_483 = arith.constant 3 : i32
        %parallel_loop3A_484 = arith.constant 1 : i32
        %parallel_loop3A_485 = arith.index_cast %parallel_loop3A_483 : i32 to index
        %parallel_loop3A_486 = arith.index_cast %parallel_loop3A_131 : i32 to index
        %parallel_loop3A_487 = arith.index_cast %parallel_loop3A_484 : i32 to index
        %parallel_loop3A_488 = arith.index_cast %parallel_loop3A_482 : i32 to index
        %parallel_loop3A_489 = tpu.vector_load %arg9[%parallel_loop3A_485, %parallel_loop3A_486, %parallel_loop3A_487, %parallel_loop3A_488] {strides = array<i32>} : memref<8x4x8x128xf32, #tpu.memory_space<vmem>>, vector<16xf32>,
        tpu.vector_store %arg9[%parallel_loop3A_485, %parallel_loop3A_486, %parallel_loop3A_487, %parallel_loop3A_488], %parallel_loop3A_480 {strides = array<i32>} : memref<8x4x8x128xf32, #tpu.memory_space<vmem>>, vector<16xf32>,
        %parallel_loop3A_490 = arith.constant 9360 : i32
        %parallel_loop3A_491 = vector.broadcast %parallel_loop3A_490 : i32 to vector<16xi32>
        %parallel_loop3A_492 = arith.addi %parallel_loop3A_151, %parallel_loop3A_491 : vector<16xi32>
        %parallel_loop3A_493 = tpu.vector_load_idx %arg5[%parallel_loop3A_492] : memref<23040xf32, #tpu.memory_space<vmem>>[vector<16xi32>], vector<16xf32>,
        %parallel_loop3A_494 = arith.constant 16 : i32
        %parallel_loop3A_495 = arith.muli %parallel_loop3A_147, %parallel_loop3A_494 : i32
        %parallel_loop3A_496 = arith.constant 3 : i32
        %parallel_loop3A_497 = arith.constant 2 : i32
        %parallel_loop3A_498 = arith.index_cast %parallel_loop3A_496 : i32 to index
        %parallel_loop3A_499 = arith.index_cast %parallel_loop3A_131 : i32 to index
        %parallel_loop3A_500 = arith.index_cast %parallel_loop3A_497 : i32 to index
        %parallel_loop3A_501 = arith.index_cast %parallel_loop3A_495 : i32 to index
        %parallel_loop3A_502 = tpu.vector_load %arg9[%parallel_loop3A_498, %parallel_loop3A_499, %parallel_loop3A_500, %parallel_loop3A_501] {strides = array<i32>} : memref<8x4x8x128xf32, #tpu.memory_space<vmem>>, vector<16xf32>,
        tpu.vector_store %arg9[%parallel_loop3A_498, %parallel_loop3A_499, %parallel_loop3A_500, %parallel_loop3A_501], %parallel_loop3A_493 {strides = array<i32>} : memref<8x4x8x128xf32, #tpu.memory_space<vmem>>, vector<16xf32>,
        %parallel_loop3A_503 = arith.constant 9720 : i32
        %parallel_loop3A_504 = vector.broadcast %parallel_loop3A_503 : i32 to vector<16xi32>
        %parallel_loop3A_505 = arith.addi %parallel_loop3A_151, %parallel_loop3A_504 : vector<16xi32>
        %parallel_loop3A_506 = tpu.vector_load_idx %arg5[%parallel_loop3A_505] : memref<23040xf32, #tpu.memory_space<vmem>>[vector<16xi32>], vector<16xf32>,
        %parallel_loop3A_507 = arith.constant 16 : i32
        %parallel_loop3A_508 = arith.muli %parallel_loop3A_147, %parallel_loop3A_507 : i32
        %parallel_loop3A_509 = arith.constant 3 : i32
        %parallel_loop3A_510 = arith.constant 3 : i32
        %parallel_loop3A_511 = arith.index_cast %parallel_loop3A_509 : i32 to index
        %parallel_loop3A_512 = arith.index_cast %parallel_loop3A_131 : i32 to index
        %parallel_loop3A_513 = arith.index_cast %parallel_loop3A_510 : i32 to index
        %parallel_loop3A_514 = arith.index_cast %parallel_loop3A_508 : i32 to index
        %parallel_loop3A_515 = tpu.vector_load %arg9[%parallel_loop3A_511, %parallel_loop3A_512, %parallel_loop3A_513, %parallel_loop3A_514] {strides = array<i32>} : memref<8x4x8x128xf32, #tpu.memory_space<vmem>>, vector<16xf32>,
        tpu.vector_store %arg9[%parallel_loop3A_511, %parallel_loop3A_512, %parallel_loop3A_513, %parallel_loop3A_514], %parallel_loop3A_506 {strides = array<i32>} : memref<8x4x8x128xf32, #tpu.memory_space<vmem>>, vector<16xf32>,
        %parallel_loop3A_516 = arith.constant 10080 : i32
        %parallel_loop3A_517 = vector.broadcast %parallel_loop3A_516 : i32 to vector<16xi32>
        %parallel_loop3A_518 = arith.addi %parallel_loop3A_151, %parallel_loop3A_517 : vector<16xi32>
        %parallel_loop3A_519 = tpu.vector_load_idx %arg5[%parallel_loop3A_518] : memref<23040xf32, #tpu.memory_space<vmem>>[vector<16xi32>], vector<16xf32>,
        %parallel_loop3A_520 = arith.constant 16 : i32
        %parallel_loop3A_521 = arith.muli %parallel_loop3A_147, %parallel_loop3A_520 : i32
        %parallel_loop3A_522 = arith.constant 3 : i32
        %parallel_loop3A_523 = arith.constant 4 : i32
        %parallel_loop3A_524 = arith.index_cast %parallel_loop3A_522 : i32 to index
        %parallel_loop3A_525 = arith.index_cast %parallel_loop3A_131 : i32 to index
        %parallel_loop3A_526 = arith.index_cast %parallel_loop3A_523 : i32 to index
        %parallel_loop3A_527 = arith.index_cast %parallel_loop3A_521 : i32 to index
        %parallel_loop3A_528 = tpu.vector_load %arg9[%parallel_loop3A_524, %parallel_loop3A_525, %parallel_loop3A_526, %parallel_loop3A_527] {strides = array<i32>} : memref<8x4x8x128xf32, #tpu.memory_space<vmem>>, vector<16xf32>,
        tpu.vector_store %arg9[%parallel_loop3A_524, %parallel_loop3A_525, %parallel_loop3A_526, %parallel_loop3A_527], %parallel_loop3A_519 {strides = array<i32>} : memref<8x4x8x128xf32, #tpu.memory_space<vmem>>, vector<16xf32>,
        %parallel_loop3A_529 = arith.constant 10440 : i32
        %parallel_loop3A_530 = vector.broadcast %parallel_loop3A_529 : i32 to vector<16xi32>
        %parallel_loop3A_531 = arith.addi %parallel_loop3A_151, %parallel_loop3A_530 : vector<16xi32>
        %parallel_loop3A_532 = tpu.vector_load_idx %arg5[%parallel_loop3A_531] : memref<23040xf32, #tpu.memory_space<vmem>>[vector<16xi32>], vector<16xf32>,
        %parallel_loop3A_533 = arith.constant 16 : i32
        %parallel_loop3A_534 = arith.muli %parallel_loop3A_147, %parallel_loop3A_533 : i32
        %parallel_loop3A_535 = arith.constant 3 : i32
        %parallel_loop3A_536 = arith.constant 5 : i32
        %parallel_loop3A_537 = arith.index_cast %parallel_loop3A_535 : i32 to index
        %parallel_loop3A_538 = arith.index_cast %parallel_loop3A_131 : i32 to index
        %parallel_loop3A_539 = arith.index_cast %parallel_loop3A_536 : i32 to index
        %parallel_loop3A_540 = arith.index_cast %parallel_loop3A_534 : i32 to index
        %parallel_loop3A_541 = tpu.vector_load %arg9[%parallel_loop3A_537, %parallel_loop3A_538, %parallel_loop3A_539, %parallel_loop3A_540] {strides = array<i32>} : memref<8x4x8x128xf32, #tpu.memory_space<vmem>>, vector<16xf32>,
        tpu.vector_store %arg9[%parallel_loop3A_537, %parallel_loop3A_538, %parallel_loop3A_539, %parallel_loop3A_540], %parallel_loop3A_532 {strides = array<i32>} : memref<8x4x8x128xf32, #tpu.memory_space<vmem>>, vector<16xf32>,
        %parallel_loop3A_542 = arith.constant 10800 : i32
        %parallel_loop3A_543 = vector.broadcast %parallel_loop3A_542 : i32 to vector<16xi32>
        %parallel_loop3A_544 = arith.addi %parallel_loop3A_151, %parallel_loop3A_543 : vector<16xi32>
        %parallel_loop3A_545 = tpu.vector_load_idx %arg5[%parallel_loop3A_544] : memref<23040xf32, #tpu.memory_space<vmem>>[vector<16xi32>], vector<16xf32>,
        %parallel_loop3A_546 = arith.constant 16 : i32
        %parallel_loop3A_547 = arith.muli %parallel_loop3A_147, %parallel_loop3A_546 : i32
        %parallel_loop3A_548 = arith.constant 3 : i32
        %parallel_loop3A_549 = arith.constant 6 : i32
        %parallel_loop3A_550 = arith.index_cast %parallel_loop3A_548 : i32 to index
        %parallel_loop3A_551 = arith.index_cast %parallel_loop3A_131 : i32 to index
        %parallel_loop3A_552 = arith.index_cast %parallel_loop3A_549 : i32 to index
        %parallel_loop3A_553 = arith.index_cast %parallel_loop3A_547 : i32 to index
        %parallel_loop3A_554 = tpu.vector_load %arg9[%parallel_loop3A_550, %parallel_loop3A_551, %parallel_loop3A_552, %parallel_loop3A_553] {strides = array<i32>} : memref<8x4x8x128xf32, #tpu.memory_space<vmem>>, vector<16xf32>,
        tpu.vector_store %arg9[%parallel_loop3A_550, %parallel_loop3A_551, %parallel_loop3A_552, %parallel_loop3A_553], %parallel_loop3A_545 {strides = array<i32>} : memref<8x4x8x128xf32, #tpu.memory_space<vmem>>, vector<16xf32>,
        %parallel_loop3A_555 = arith.constant 11160 : i32
        %parallel_loop3A_556 = vector.broadcast %parallel_loop3A_555 : i32 to vector<16xi32>
        %parallel_loop3A_557 = arith.addi %parallel_loop3A_151, %parallel_loop3A_556 : vector<16xi32>
        %parallel_loop3A_558 = tpu.vector_load_idx %arg5[%parallel_loop3A_557] : memref<23040xf32, #tpu.memory_space<vmem>>[vector<16xi32>], vector<16xf32>,
        %parallel_loop3A_559 = arith.constant 16 : i32
        %parallel_loop3A_560 = arith.muli %parallel_loop3A_147, %parallel_loop3A_559 : i32
        %parallel_loop3A_561 = arith.constant 3 : i32
        %parallel_loop3A_562 = arith.constant 7 : i32
        %parallel_loop3A_563 = arith.index_cast %parallel_loop3A_561 : i32 to index
        %parallel_loop3A_564 = arith.index_cast %parallel_loop3A_131 : i32 to index
        %parallel_loop3A_565 = arith.index_cast %parallel_loop3A_562 : i32 to index
        %parallel_loop3A_566 = arith.index_cast %parallel_loop3A_560 : i32 to index
        %parallel_loop3A_567 = tpu.vector_load %arg9[%parallel_loop3A_563, %parallel_loop3A_564, %parallel_loop3A_565, %parallel_loop3A_566] {strides = array<i32>} : memref<8x4x8x128xf32, #tpu.memory_space<vmem>>, vector<16xf32>,
        tpu.vector_store %arg9[%parallel_loop3A_563, %parallel_loop3A_564, %parallel_loop3A_565, %parallel_loop3A_566], %parallel_loop3A_558 {strides = array<i32>} : memref<8x4x8x128xf32, #tpu.memory_space<vmem>>, vector<16xf32>,
        %parallel_loop3A_568 = arith.constant 11520 : i32
        %parallel_loop3A_569 = vector.broadcast %parallel_loop3A_568 : i32 to vector<16xi32>
        %parallel_loop3A_570 = arith.addi %parallel_loop3A_151, %parallel_loop3A_569 : vector<16xi32>
        %parallel_loop3A_571 = tpu.vector_load_idx %arg5[%parallel_loop3A_570] : memref<23040xf32, #tpu.memory_space<vmem>>[vector<16xi32>], vector<16xf32>,
        %parallel_loop3A_572 = arith.constant 16 : i32
        %parallel_loop3A_573 = arith.muli %parallel_loop3A_147, %parallel_loop3A_572 : i32
        %parallel_loop3A_574 = arith.constant 4 : i32
        %parallel_loop3A_575 = arith.constant 0 : i32
        %parallel_loop3A_576 = arith.index_cast %parallel_loop3A_574 : i32 to index
        %parallel_loop3A_577 = arith.index_cast %parallel_loop3A_131 : i32 to index
        %parallel_loop3A_578 = arith.index_cast %parallel_loop3A_575 : i32 to index
        %parallel_loop3A_579 = arith.index_cast %parallel_loop3A_573 : i32 to index
        %parallel_loop3A_580 = tpu.vector_load %arg9[%parallel_loop3A_576, %parallel_loop3A_577, %parallel_loop3A_578, %parallel_loop3A_579] {strides = array<i32>} : memref<8x4x8x128xf32, #tpu.memory_space<vmem>>, vector<16xf32>,
        tpu.vector_store %arg9[%parallel_loop3A_576, %parallel_loop3A_577, %parallel_loop3A_578, %parallel_loop3A_579], %parallel_loop3A_571 {strides = array<i32>} : memref<8x4x8x128xf32, #tpu.memory_space<vmem>>, vector<16xf32>,
        %parallel_loop3A_581 = arith.constant 11880 : i32
        %parallel_loop3A_582 = vector.broadcast %parallel_loop3A_581 : i32 to vector<16xi32>
        %parallel_loop3A_583 = arith.addi %parallel_loop3A_151, %parallel_loop3A_582 : vector<16xi32>
        %parallel_loop3A_584 = tpu.vector_load_idx %arg5[%parallel_loop3A_583] : memref<23040xf32, #tpu.memory_space<vmem>>[vector<16xi32>], vector<16xf32>,
        %parallel_loop3A_585 = arith.constant 16 : i32
        %parallel_loop3A_586 = arith.muli %parallel_loop3A_147, %parallel_loop3A_585 : i32
        %parallel_loop3A_587 = arith.constant 4 : i32
        %parallel_loop3A_588 = arith.constant 1 : i32
        %parallel_loop3A_589 = arith.index_cast %parallel_loop3A_587 : i32 to index
        %parallel_loop3A_590 = arith.index_cast %parallel_loop3A_131 : i32 to index
        %parallel_loop3A_591 = arith.index_cast %parallel_loop3A_588 : i32 to index
        %parallel_loop3A_592 = arith.index_cast %parallel_loop3A_586 : i32 to index
        %parallel_loop3A_593 = tpu.vector_load %arg9[%parallel_loop3A_589, %parallel_loop3A_590, %parallel_loop3A_591, %parallel_loop3A_592] {strides = array<i32>} : memref<8x4x8x128xf32, #tpu.memory_space<vmem>>, vector<16xf32>,
        tpu.vector_store %arg9[%parallel_loop3A_589, %parallel_loop3A_590, %parallel_loop3A_591, %parallel_loop3A_592], %parallel_loop3A_584 {strides = array<i32>} : memref<8x4x8x128xf32, #tpu.memory_space<vmem>>, vector<16xf32>,
        %parallel_loop3A_594 = arith.constant 12240 : i32
        %parallel_loop3A_595 = vector.broadcast %parallel_loop3A_594 : i32 to vector<16xi32>
        %parallel_loop3A_596 = arith.addi %parallel_loop3A_151, %parallel_loop3A_595 : vector<16xi32>
        %parallel_loop3A_597 = tpu.vector_load_idx %arg5[%parallel_loop3A_596] : memref<23040xf32, #tpu.memory_space<vmem>>[vector<16xi32>], vector<16xf32>,
        %parallel_loop3A_598 = arith.constant 16 : i32
        %parallel_loop3A_599 = arith.muli %parallel_loop3A_147, %parallel_loop3A_598 : i32
        %parallel_loop3A_600 = arith.constant 4 : i32
        %parallel_loop3A_601 = arith.constant 2 : i32
        %parallel_loop3A_602 = arith.index_cast %parallel_loop3A_600 : i32 to index
        %parallel_loop3A_603 = arith.index_cast %parallel_loop3A_131 : i32 to index
        %parallel_loop3A_604 = arith.index_cast %parallel_loop3A_601 : i32 to index
        %parallel_loop3A_605 = arith.index_cast %parallel_loop3A_599 : i32 to index
        %parallel_loop3A_606 = tpu.vector_load %arg9[%parallel_loop3A_602, %parallel_loop3A_603, %parallel_loop3A_604, %parallel_loop3A_605] {strides = array<i32>} : memref<8x4x8x128xf32, #tpu.memory_space<vmem>>, vector<16xf32>,
        tpu.vector_store %arg9[%parallel_loop3A_602, %parallel_loop3A_603, %parallel_loop3A_604, %parallel_loop3A_605], %parallel_loop3A_597 {strides = array<i32>} : memref<8x4x8x128xf32, #tpu.memory_space<vmem>>, vector<16xf32>,
        %parallel_loop3A_607 = arith.constant 12600 : i32
        %parallel_loop3A_608 = vector.broadcast %parallel_loop3A_607 : i32 to vector<16xi32>
        %parallel_loop3A_609 = arith.addi %parallel_loop3A_151, %parallel_loop3A_608 : vector<16xi32>
        %parallel_loop3A_610 = tpu.vector_load_idx %arg5[%parallel_loop3A_609] : memref<23040xf32, #tpu.memory_space<vmem>>[vector<16xi32>], vector<16xf32>,
        %parallel_loop3A_611 = arith.constant 16 : i32
        %parallel_loop3A_612 = arith.muli %parallel_loop3A_147, %parallel_loop3A_611 : i32
        %parallel_loop3A_613 = arith.constant 4 : i32
        %parallel_loop3A_614 = arith.constant 3 : i32
        %parallel_loop3A_615 = arith.index_cast %parallel_loop3A_613 : i32 to index
        %parallel_loop3A_616 = arith.index_cast %parallel_loop3A_131 : i32 to index
        %parallel_loop3A_617 = arith.index_cast %parallel_loop3A_614 : i32 to index
        %parallel_loop3A_618 = arith.index_cast %parallel_loop3A_612 : i32 to index
        %parallel_loop3A_619 = tpu.vector_load %arg9[%parallel_loop3A_615, %parallel_loop3A_616, %parallel_loop3A_617, %parallel_loop3A_618] {strides = array<i32>} : memref<8x4x8x128xf32, #tpu.memory_space<vmem>>, vector<16xf32>,
        tpu.vector_store %arg9[%parallel_loop3A_615, %parallel_loop3A_616, %parallel_loop3A_617, %parallel_loop3A_618], %parallel_loop3A_610 {strides = array<i32>} : memref<8x4x8x128xf32, #tpu.memory_space<vmem>>, vector<16xf32>,
        %parallel_loop3A_620 = arith.constant 12960 : i32
        %parallel_loop3A_621 = vector.broadcast %parallel_loop3A_620 : i32 to vector<16xi32>
        %parallel_loop3A_622 = arith.addi %parallel_loop3A_151, %parallel_loop3A_621 : vector<16xi32>
        %parallel_loop3A_623 = tpu.vector_load_idx %arg5[%parallel_loop3A_622] : memref<23040xf32, #tpu.memory_space<vmem>>[vector<16xi32>], vector<16xf32>,
        %parallel_loop3A_624 = arith.constant 16 : i32
        %parallel_loop3A_625 = arith.muli %parallel_loop3A_147, %parallel_loop3A_624 : i32
        %parallel_loop3A_626 = arith.constant 4 : i32
        %parallel_loop3A_627 = arith.constant 4 : i32
        %parallel_loop3A_628 = arith.index_cast %parallel_loop3A_626 : i32 to index
        %parallel_loop3A_629 = arith.index_cast %parallel_loop3A_131 : i32 to index
        %parallel_loop3A_630 = arith.index_cast %parallel_loop3A_627 : i32 to index
        %parallel_loop3A_631 = arith.index_cast %parallel_loop3A_625 : i32 to index
        %parallel_loop3A_632 = tpu.vector_load %arg9[%parallel_loop3A_628, %parallel_loop3A_629, %parallel_loop3A_630, %parallel_loop3A_631] {strides = array<i32>} : memref<8x4x8x128xf32, #tpu.memory_space<vmem>>, vector<16xf32>,
        tpu.vector_store %arg9[%parallel_loop3A_628, %parallel_loop3A_629, %parallel_loop3A_630, %parallel_loop3A_631], %parallel_loop3A_623 {strides = array<i32>} : memref<8x4x8x128xf32, #tpu.memory_space<vmem>>, vector<16xf32>,
        %parallel_loop3A_633 = arith.constant 13320 : i32
        %parallel_loop3A_634 = vector.broadcast %parallel_loop3A_633 : i32 to vector<16xi32>
        %parallel_loop3A_635 = arith.addi %parallel_loop3A_151, %parallel_loop3A_634 : vector<16xi32>
        %parallel_loop3A_636 = tpu.vector_load_idx %arg5[%parallel_loop3A_635] : memref<23040xf32, #tpu.memory_space<vmem>>[vector<16xi32>], vector<16xf32>,
        %parallel_loop3A_637 = arith.constant 16 : i32
        %parallel_loop3A_638 = arith.muli %parallel_loop3A_147, %parallel_loop3A_637 : i32
        %parallel_loop3A_639 = arith.constant 4 : i32
        %parallel_loop3A_640 = arith.constant 5 : i32
        %parallel_loop3A_641 = arith.index_cast %parallel_loop3A_639 : i32 to index
        %parallel_loop3A_642 = arith.index_cast %parallel_loop3A_131 : i32 to index
        %parallel_loop3A_643 = arith.index_cast %parallel_loop3A_640 : i32 to index
        %parallel_loop3A_644 = arith.index_cast %parallel_loop3A_638 : i32 to index
        %parallel_loop3A_645 = tpu.vector_load %arg9[%parallel_loop3A_641, %parallel_loop3A_642, %parallel_loop3A_643, %parallel_loop3A_644] {strides = array<i32>} : memref<8x4x8x128xf32, #tpu.memory_space<vmem>>, vector<16xf32>,
        tpu.vector_store %arg9[%parallel_loop3A_641, %parallel_loop3A_642, %parallel_loop3A_643, %parallel_loop3A_644], %parallel_loop3A_636 {strides = array<i32>} : memref<8x4x8x128xf32, #tpu.memory_space<vmem>>, vector<16xf32>,
        %parallel_loop3A_646 = arith.constant 13680 : i32
        %parallel_loop3A_647 = vector.broadcast %parallel_loop3A_646 : i32 to vector<16xi32>
        %parallel_loop3A_648 = arith.addi %parallel_loop3A_151, %parallel_loop3A_647 : vector<16xi32>
        %parallel_loop3A_649 = tpu.vector_load_idx %arg5[%parallel_loop3A_648] : memref<23040xf32, #tpu.memory_space<vmem>>[vector<16xi32>], vector<16xf32>,
        %parallel_loop3A_650 = arith.constant 16 : i32
        %parallel_loop3A_651 = arith.muli %parallel_loop3A_147, %parallel_loop3A_650 : i32
        %parallel_loop3A_652 = arith.constant 4 : i32
        %parallel_loop3A_653 = arith.constant 6 : i32
        %parallel_loop3A_654 = arith.index_cast %parallel_loop3A_652 : i32 to index
        %parallel_loop3A_655 = arith.index_cast %parallel_loop3A_131 : i32 to index
        %parallel_loop3A_656 = arith.index_cast %parallel_loop3A_653 : i32 to index
        %parallel_loop3A_657 = arith.index_cast %parallel_loop3A_651 : i32 to index
        %parallel_loop3A_658 = tpu.vector_load %arg9[%parallel_loop3A_654, %parallel_loop3A_655, %parallel_loop3A_656, %parallel_loop3A_657] {strides = array<i32>} : memref<8x4x8x128xf32, #tpu.memory_space<vmem>>, vector<16xf32>,
        tpu.vector_store %arg9[%parallel_loop3A_654, %parallel_loop3A_655, %parallel_loop3A_656, %parallel_loop3A_657], %parallel_loop3A_649 {strides = array<i32>} : memref<8x4x8x128xf32, #tpu.memory_space<vmem>>, vector<16xf32>,
        %parallel_loop3A_659 = arith.constant 14040 : i32
        %parallel_loop3A_660 = vector.broadcast %parallel_loop3A_659 : i32 to vector<16xi32>
        %parallel_loop3A_661 = arith.addi %parallel_loop3A_151, %parallel_loop3A_660 : vector<16xi32>
        %parallel_loop3A_662 = tpu.vector_load_idx %arg5[%parallel_loop3A_661] : memref<23040xf32, #tpu.memory_space<vmem>>[vector<16xi32>], vector<16xf32>,
        %parallel_loop3A_663 = arith.constant 16 : i32
        %parallel_loop3A_664 = arith.muli %parallel_loop3A_147, %parallel_loop3A_663 : i32
        %parallel_loop3A_665 = arith.constant 4 : i32
        %parallel_loop3A_666 = arith.constant 7 : i32
        %parallel_loop3A_667 = arith.index_cast %parallel_loop3A_665 : i32 to index
        %parallel_loop3A_668 = arith.index_cast %parallel_loop3A_131 : i32 to index
        %parallel_loop3A_669 = arith.index_cast %parallel_loop3A_666 : i32 to index
        %parallel_loop3A_670 = arith.index_cast %parallel_loop3A_664 : i32 to index
        %parallel_loop3A_671 = tpu.vector_load %arg9[%parallel_loop3A_667, %parallel_loop3A_668, %parallel_loop3A_669, %parallel_loop3A_670] {strides = array<i32>} : memref<8x4x8x128xf32, #tpu.memory_space<vmem>>, vector<16xf32>,
        tpu.vector_store %arg9[%parallel_loop3A_667, %parallel_loop3A_668, %parallel_loop3A_669, %parallel_loop3A_670], %parallel_loop3A_662 {strides = array<i32>} : memref<8x4x8x128xf32, #tpu.memory_space<vmem>>, vector<16xf32>,
        %parallel_loop3A_672 = arith.constant 14400 : i32
        %parallel_loop3A_673 = vector.broadcast %parallel_loop3A_672 : i32 to vector<16xi32>
        %parallel_loop3A_674 = arith.addi %parallel_loop3A_151, %parallel_loop3A_673 : vector<16xi32>
        %parallel_loop3A_675 = tpu.vector_load_idx %arg5[%parallel_loop3A_674] : memref<23040xf32, #tpu.memory_space<vmem>>[vector<16xi32>], vector<16xf32>,
        %parallel_loop3A_676 = arith.constant 16 : i32
        %parallel_loop3A_677 = arith.muli %parallel_loop3A_147, %parallel_loop3A_676 : i32
        %parallel_loop3A_678 = arith.constant 5 : i32
        %parallel_loop3A_679 = arith.constant 0 : i32
        %parallel_loop3A_680 = arith.index_cast %parallel_loop3A_678 : i32 to index
        %parallel_loop3A_681 = arith.index_cast %parallel_loop3A_131 : i32 to index
        %parallel_loop3A_682 = arith.index_cast %parallel_loop3A_679 : i32 to index
        %parallel_loop3A_683 = arith.index_cast %parallel_loop3A_677 : i32 to index
        %parallel_loop3A_684 = tpu.vector_load %arg9[%parallel_loop3A_680, %parallel_loop3A_681, %parallel_loop3A_682, %parallel_loop3A_683] {strides = array<i32>} : memref<8x4x8x128xf32, #tpu.memory_space<vmem>>, vector<16xf32>,
        tpu.vector_store %arg9[%parallel_loop3A_680, %parallel_loop3A_681, %parallel_loop3A_682, %parallel_loop3A_683], %parallel_loop3A_675 {strides = array<i32>} : memref<8x4x8x128xf32, #tpu.memory_space<vmem>>, vector<16xf32>,
        %parallel_loop3A_685 = arith.constant 14760 : i32
        %parallel_loop3A_686 = vector.broadcast %parallel_loop3A_685 : i32 to vector<16xi32>
        %parallel_loop3A_687 = arith.addi %parallel_loop3A_151, %parallel_loop3A_686 : vector<16xi32>
        %parallel_loop3A_688 = tpu.vector_load_idx %arg5[%parallel_loop3A_687] : memref<23040xf32, #tpu.memory_space<vmem>>[vector<16xi32>], vector<16xf32>,
        %parallel_loop3A_689 = arith.constant 16 : i32
        %parallel_loop3A_690 = arith.muli %parallel_loop3A_147, %parallel_loop3A_689 : i32
        %parallel_loop3A_691 = arith.constant 5 : i32
        %parallel_loop3A_692 = arith.constant 1 : i32
        %parallel_loop3A_693 = arith.index_cast %parallel_loop3A_691 : i32 to index
        %parallel_loop3A_694 = arith.index_cast %parallel_loop3A_131 : i32 to index
        %parallel_loop3A_695 = arith.index_cast %parallel_loop3A_692 : i32 to index
        %parallel_loop3A_696 = arith.index_cast %parallel_loop3A_690 : i32 to index
        %parallel_loop3A_697 = tpu.vector_load %arg9[%parallel_loop3A_693, %parallel_loop3A_694, %parallel_loop3A_695, %parallel_loop3A_696] {strides = array<i32>} : memref<8x4x8x128xf32, #tpu.memory_space<vmem>>, vector<16xf32>,
        tpu.vector_store %arg9[%parallel_loop3A_693, %parallel_loop3A_694, %parallel_loop3A_695, %parallel_loop3A_696], %parallel_loop3A_688 {strides = array<i32>} : memref<8x4x8x128xf32, #tpu.memory_space<vmem>>, vector<16xf32>,
        %parallel_loop3A_698 = arith.constant 15120 : i32
        %parallel_loop3A_699 = vector.broadcast %parallel_loop3A_698 : i32 to vector<16xi32>
        %parallel_loop3A_700 = arith.addi %parallel_loop3A_151, %parallel_loop3A_699 : vector<16xi32>
        %parallel_loop3A_701 = tpu.vector_load_idx %arg5[%parallel_loop3A_700] : memref<23040xf32, #tpu.memory_space<vmem>>[vector<16xi32>], vector<16xf32>,
        %parallel_loop3A_702 = arith.constant 16 : i32
        %parallel_loop3A_703 = arith.muli %parallel_loop3A_147, %parallel_loop3A_702 : i32
        %parallel_loop3A_704 = arith.constant 5 : i32
        %parallel_loop3A_705 = arith.constant 2 : i32
        %parallel_loop3A_706 = arith.index_cast %parallel_loop3A_704 : i32 to index
        %parallel_loop3A_707 = arith.index_cast %parallel_loop3A_131 : i32 to index
        %parallel_loop3A_708 = arith.index_cast %parallel_loop3A_705 : i32 to index
        %parallel_loop3A_709 = arith.index_cast %parallel_loop3A_703 : i32 to index
        %parallel_loop3A_710 = tpu.vector_load %arg9[%parallel_loop3A_706, %parallel_loop3A_707, %parallel_loop3A_708, %parallel_loop3A_709] {strides = array<i32>} : memref<8x4x8x128xf32, #tpu.memory_space<vmem>>, vector<16xf32>,
        tpu.vector_store %arg9[%parallel_loop3A_706, %parallel_loop3A_707, %parallel_loop3A_708, %parallel_loop3A_709], %parallel_loop3A_701 {strides = array<i32>} : memref<8x4x8x128xf32, #tpu.memory_space<vmem>>, vector<16xf32>,
        %parallel_loop3A_711 = arith.constant 15480 : i32
        %parallel_loop3A_712 = vector.broadcast %parallel_loop3A_711 : i32 to vector<16xi32>
        %parallel_loop3A_713 = arith.addi %parallel_loop3A_151, %parallel_loop3A_712 : vector<16xi32>
        %parallel_loop3A_714 = tpu.vector_load_idx %arg5[%parallel_loop3A_713] : memref<23040xf32, #tpu.memory_space<vmem>>[vector<16xi32>], vector<16xf32>,
        %parallel_loop3A_715 = arith.constant 16 : i32
        %parallel_loop3A_716 = arith.muli %parallel_loop3A_147, %parallel_loop3A_715 : i32
        %parallel_loop3A_717 = arith.constant 5 : i32
        %parallel_loop3A_718 = arith.constant 3 : i32
        %parallel_loop3A_719 = arith.index_cast %parallel_loop3A_717 : i32 to index
        %parallel_loop3A_720 = arith.index_cast %parallel_loop3A_131 : i32 to index
        %parallel_loop3A_721 = arith.index_cast %parallel_loop3A_718 : i32 to index
        %parallel_loop3A_722 = arith.index_cast %parallel_loop3A_716 : i32 to index
        %parallel_loop3A_723 = tpu.vector_load %arg9[%parallel_loop3A_719, %parallel_loop3A_720, %parallel_loop3A_721, %parallel_loop3A_722] {strides = array<i32>} : memref<8x4x8x128xf32, #tpu.memory_space<vmem>>, vector<16xf32>,
        tpu.vector_store %arg9[%parallel_loop3A_719, %parallel_loop3A_720, %parallel_loop3A_721, %parallel_loop3A_722], %parallel_loop3A_714 {strides = array<i32>} : memref<8x4x8x128xf32, #tpu.memory_space<vmem>>, vector<16xf32>,
        %parallel_loop3A_724 = arith.constant 15840 : i32
        %parallel_loop3A_725 = vector.broadcast %parallel_loop3A_724 : i32 to vector<16xi32>
        %parallel_loop3A_726 = arith.addi %parallel_loop3A_151, %parallel_loop3A_725 : vector<16xi32>
        %parallel_loop3A_727 = tpu.vector_load_idx %arg5[%parallel_loop3A_726] : memref<23040xf32, #tpu.memory_space<vmem>>[vector<16xi32>], vector<16xf32>,
        %parallel_loop3A_728 = arith.constant 16 : i32
        %parallel_loop3A_729 = arith.muli %parallel_loop3A_147, %parallel_loop3A_728 : i32
        %parallel_loop3A_730 = arith.constant 5 : i32
        %parallel_loop3A_731 = arith.constant 4 : i32
        %parallel_loop3A_732 = arith.index_cast %parallel_loop3A_730 : i32 to index
        %parallel_loop3A_733 = arith.index_cast %parallel_loop3A_131 : i32 to index
        %parallel_loop3A_734 = arith.index_cast %parallel_loop3A_731 : i32 to index
        %parallel_loop3A_735 = arith.index_cast %parallel_loop3A_729 : i32 to index
        %parallel_loop3A_736 = tpu.vector_load %arg9[%parallel_loop3A_732, %parallel_loop3A_733, %parallel_loop3A_734, %parallel_loop3A_735] {strides = array<i32>} : memref<8x4x8x128xf32, #tpu.memory_space<vmem>>, vector<16xf32>,
        tpu.vector_store %arg9[%parallel_loop3A_732, %parallel_loop3A_733, %parallel_loop3A_734, %parallel_loop3A_735], %parallel_loop3A_727 {strides = array<i32>} : memref<8x4x8x128xf32, #tpu.memory_space<vmem>>, vector<16xf32>,
        %parallel_loop3A_737 = arith.constant 16200 : i32
        %parallel_loop3A_738 = vector.broadcast %parallel_loop3A_737 : i32 to vector<16xi32>
        %parallel_loop3A_739 = arith.addi %parallel_loop3A_151, %parallel_loop3A_738 : vector<16xi32>
        %parallel_loop3A_740 = tpu.vector_load_idx %arg5[%parallel_loop3A_739] : memref<23040xf32, #tpu.memory_space<vmem>>[vector<16xi32>], vector<16xf32>,
        %parallel_loop3A_741 = arith.constant 16 : i32
        %parallel_loop3A_742 = arith.muli %parallel_loop3A_147, %parallel_loop3A_741 : i32
        %parallel_loop3A_743 = arith.constant 5 : i32
        %parallel_loop3A_744 = arith.constant 5 : i32
        %parallel_loop3A_745 = arith.index_cast %parallel_loop3A_743 : i32 to index
        %parallel_loop3A_746 = arith.index_cast %parallel_loop3A_131 : i32 to index
        %parallel_loop3A_747 = arith.index_cast %parallel_loop3A_744 : i32 to index
        %parallel_loop3A_748 = arith.index_cast %parallel_loop3A_742 : i32 to index
        %parallel_loop3A_749 = tpu.vector_load %arg9[%parallel_loop3A_745, %parallel_loop3A_746, %parallel_loop3A_747, %parallel_loop3A_748] {strides = array<i32>} : memref<8x4x8x128xf32, #tpu.memory_space<vmem>>, vector<16xf32>,
        tpu.vector_store %arg9[%parallel_loop3A_745, %parallel_loop3A_746, %parallel_loop3A_747, %parallel_loop3A_748], %parallel_loop3A_740 {strides = array<i32>} : memref<8x4x8x128xf32, #tpu.memory_space<vmem>>, vector<16xf32>,
        %parallel_loop3A_750 = arith.constant 16560 : i32
        %parallel_loop3A_751 = vector.broadcast %parallel_loop3A_750 : i32 to vector<16xi32>
        %parallel_loop3A_752 = arith.addi %parallel_loop3A_151, %parallel_loop3A_751 : vector<16xi32>
        %parallel_loop3A_753 = tpu.vector_load_idx %arg5[%parallel_loop3A_752] : memref<23040xf32, #tpu.memory_space<vmem>>[vector<16xi32>], vector<16xf32>,
        %parallel_loop3A_754 = arith.constant 16 : i32
        %parallel_loop3A_755 = arith.muli %parallel_loop3A_147, %parallel_loop3A_754 : i32
        %parallel_loop3A_756 = arith.constant 5 : i32
        %parallel_loop3A_757 = arith.constant 6 : i32
        %parallel_loop3A_758 = arith.index_cast %parallel_loop3A_756 : i32 to index
        %parallel_loop3A_759 = arith.index_cast %parallel_loop3A_131 : i32 to index
        %parallel_loop3A_760 = arith.index_cast %parallel_loop3A_757 : i32 to index
        %parallel_loop3A_761 = arith.index_cast %parallel_loop3A_755 : i32 to index
        %parallel_loop3A_762 = tpu.vector_load %arg9[%parallel_loop3A_758, %parallel_loop3A_759, %parallel_loop3A_760, %parallel_loop3A_761] {strides = array<i32>} : memref<8x4x8x128xf32, #tpu.memory_space<vmem>>, vector<16xf32>,
        tpu.vector_store %arg9[%parallel_loop3A_758, %parallel_loop3A_759, %parallel_loop3A_760, %parallel_loop3A_761], %parallel_loop3A_753 {strides = array<i32>} : memref<8x4x8x128xf32, #tpu.memory_space<vmem>>, vector<16xf32>,
        %parallel_loop3A_763 = arith.constant 16920 : i32
        %parallel_loop3A_764 = vector.broadcast %parallel_loop3A_763 : i32 to vector<16xi32>
        %parallel_loop3A_765 = arith.addi %parallel_loop3A_151, %parallel_loop3A_764 : vector<16xi32>
        %parallel_loop3A_766 = tpu.vector_load_idx %arg5[%parallel_loop3A_765] : memref<23040xf32, #tpu.memory_space<vmem>>[vector<16xi32>], vector<16xf32>,
        %parallel_loop3A_767 = arith.constant 16 : i32
        %parallel_loop3A_768 = arith.muli %parallel_loop3A_147, %parallel_loop3A_767 : i32
        %parallel_loop3A_769 = arith.constant 5 : i32
        %parallel_loop3A_770 = arith.constant 7 : i32
        %parallel_loop3A_771 = arith.index_cast %parallel_loop3A_769 : i32 to index
        %parallel_loop3A_772 = arith.index_cast %parallel_loop3A_131 : i32 to index
        %parallel_loop3A_773 = arith.index_cast %parallel_loop3A_770 : i32 to index
        %parallel_loop3A_774 = arith.index_cast %parallel_loop3A_768 : i32 to index
        %parallel_loop3A_775 = tpu.vector_load %arg9[%parallel_loop3A_771, %parallel_loop3A_772, %parallel_loop3A_773, %parallel_loop3A_774] {strides = array<i32>} : memref<8x4x8x128xf32, #tpu.memory_space<vmem>>, vector<16xf32>,
        tpu.vector_store %arg9[%parallel_loop3A_771, %parallel_loop3A_772, %parallel_loop3A_773, %parallel_loop3A_774], %parallel_loop3A_766 {strides = array<i32>} : memref<8x4x8x128xf32, #tpu.memory_space<vmem>>, vector<16xf32>,
        %parallel_loop3A_776 = arith.constant 17280 : i32
        %parallel_loop3A_777 = vector.broadcast %parallel_loop3A_776 : i32 to vector<16xi32>
        %parallel_loop3A_778 = arith.addi %parallel_loop3A_151, %parallel_loop3A_777 : vector<16xi32>
        %parallel_loop3A_779 = tpu.vector_load_idx %arg5[%parallel_loop3A_778] : memref<23040xf32, #tpu.memory_space<vmem>>[vector<16xi32>], vector<16xf32>,
        %parallel_loop3A_780 = arith.constant 16 : i32
        %parallel_loop3A_781 = arith.muli %parallel_loop3A_147, %parallel_loop3A_780 : i32
        %parallel_loop3A_782 = arith.constant 6 : i32
        %parallel_loop3A_783 = arith.constant 0 : i32
        %parallel_loop3A_784 = arith.index_cast %parallel_loop3A_782 : i32 to index
        %parallel_loop3A_785 = arith.index_cast %parallel_loop3A_131 : i32 to index
        %parallel_loop3A_786 = arith.index_cast %parallel_loop3A_783 : i32 to index
        %parallel_loop3A_787 = arith.index_cast %parallel_loop3A_781 : i32 to index
        %parallel_loop3A_788 = tpu.vector_load %arg9[%parallel_loop3A_784, %parallel_loop3A_785, %parallel_loop3A_786, %parallel_loop3A_787] {strides = array<i32>} : memref<8x4x8x128xf32, #tpu.memory_space<vmem>>, vector<16xf32>,
        tpu.vector_store %arg9[%parallel_loop3A_784, %parallel_loop3A_785, %parallel_loop3A_786, %parallel_loop3A_787], %parallel_loop3A_779 {strides = array<i32>} : memref<8x4x8x128xf32, #tpu.memory_space<vmem>>, vector<16xf32>,
        %parallel_loop3A_789 = arith.constant 17640 : i32
        %parallel_loop3A_790 = vector.broadcast %parallel_loop3A_789 : i32 to vector<16xi32>
        %parallel_loop3A_791 = arith.addi %parallel_loop3A_151, %parallel_loop3A_790 : vector<16xi32>
        %parallel_loop3A_792 = tpu.vector_load_idx %arg5[%parallel_loop3A_791] : memref<23040xf32, #tpu.memory_space<vmem>>[vector<16xi32>], vector<16xf32>,
        %parallel_loop3A_793 = arith.constant 16 : i32
        %parallel_loop3A_794 = arith.muli %parallel_loop3A_147, %parallel_loop3A_793 : i32
        %parallel_loop3A_795 = arith.constant 6 : i32
        %parallel_loop3A_796 = arith.constant 1 : i32
        %parallel_loop3A_797 = arith.index_cast %parallel_loop3A_795 : i32 to index
        %parallel_loop3A_798 = arith.index_cast %parallel_loop3A_131 : i32 to index
        %parallel_loop3A_799 = arith.index_cast %parallel_loop3A_796 : i32 to index
        %parallel_loop3A_800 = arith.index_cast %parallel_loop3A_794 : i32 to index
        %parallel_loop3A_801 = tpu.vector_load %arg9[%parallel_loop3A_797, %parallel_loop3A_798, %parallel_loop3A_799, %parallel_loop3A_800] {strides = array<i32>} : memref<8x4x8x128xf32, #tpu.memory_space<vmem>>, vector<16xf32>,
        tpu.vector_store %arg9[%parallel_loop3A_797, %parallel_loop3A_798, %parallel_loop3A_799, %parallel_loop3A_800], %parallel_loop3A_792 {strides = array<i32>} : memref<8x4x8x128xf32, #tpu.memory_space<vmem>>, vector<16xf32>,
        %parallel_loop3A_802 = arith.constant 18000 : i32
        %parallel_loop3A_803 = vector.broadcast %parallel_loop3A_802 : i32 to vector<16xi32>
        %parallel_loop3A_804 = arith.addi %parallel_loop3A_151, %parallel_loop3A_803 : vector<16xi32>
        %parallel_loop3A_805 = tpu.vector_load_idx %arg5[%parallel_loop3A_804] : memref<23040xf32, #tpu.memory_space<vmem>>[vector<16xi32>], vector<16xf32>,
        %parallel_loop3A_806 = arith.constant 16 : i32
        %parallel_loop3A_807 = arith.muli %parallel_loop3A_147, %parallel_loop3A_806 : i32
        %parallel_loop3A_808 = arith.constant 6 : i32
        %parallel_loop3A_809 = arith.constant 2 : i32
        %parallel_loop3A_810 = arith.index_cast %parallel_loop3A_808 : i32 to index
        %parallel_loop3A_811 = arith.index_cast %parallel_loop3A_131 : i32 to index
        %parallel_loop3A_812 = arith.index_cast %parallel_loop3A_809 : i32 to index
        %parallel_loop3A_813 = arith.index_cast %parallel_loop3A_807 : i32 to index
        %parallel_loop3A_814 = tpu.vector_load %arg9[%parallel_loop3A_810, %parallel_loop3A_811, %parallel_loop3A_812, %parallel_loop3A_813] {strides = array<i32>} : memref<8x4x8x128xf32, #tpu.memory_space<vmem>>, vector<16xf32>,
        tpu.vector_store %arg9[%parallel_loop3A_810, %parallel_loop3A_811, %parallel_loop3A_812, %parallel_loop3A_813], %parallel_loop3A_805 {strides = array<i32>} : memref<8x4x8x128xf32, #tpu.memory_space<vmem>>, vector<16xf32>,
        %parallel_loop3A_815 = arith.constant 18360 : i32
        %parallel_loop3A_816 = vector.broadcast %parallel_loop3A_815 : i32 to vector<16xi32>
        %parallel_loop3A_817 = arith.addi %parallel_loop3A_151, %parallel_loop3A_816 : vector<16xi32>
        %parallel_loop3A_818 = tpu.vector_load_idx %arg5[%parallel_loop3A_817] : memref<23040xf32, #tpu.memory_space<vmem>>[vector<16xi32>], vector<16xf32>,
        %parallel_loop3A_819 = arith.constant 16 : i32
        %parallel_loop3A_820 = arith.muli %parallel_loop3A_147, %parallel_loop3A_819 : i32
        %parallel_loop3A_821 = arith.constant 6 : i32
        %parallel_loop3A_822 = arith.constant 3 : i32
        %parallel_loop3A_823 = arith.index_cast %parallel_loop3A_821 : i32 to index
        %parallel_loop3A_824 = arith.index_cast %parallel_loop3A_131 : i32 to index
        %parallel_loop3A_825 = arith.index_cast %parallel_loop3A_822 : i32 to index
        %parallel_loop3A_826 = arith.index_cast %parallel_loop3A_820 : i32 to index
        %parallel_loop3A_827 = tpu.vector_load %arg9[%parallel_loop3A_823, %parallel_loop3A_824, %parallel_loop3A_825, %parallel_loop3A_826] {strides = array<i32>} : memref<8x4x8x128xf32, #tpu.memory_space<vmem>>, vector<16xf32>,
        tpu.vector_store %arg9[%parallel_loop3A_823, %parallel_loop3A_824, %parallel_loop3A_825, %parallel_loop3A_826], %parallel_loop3A_818 {strides = array<i32>} : memref<8x4x8x128xf32, #tpu.memory_space<vmem>>, vector<16xf32>,
        %parallel_loop3A_828 = arith.constant 18720 : i32
        %parallel_loop3A_829 = vector.broadcast %parallel_loop3A_828 : i32 to vector<16xi32>
        %parallel_loop3A_830 = arith.addi %parallel_loop3A_151, %parallel_loop3A_829 : vector<16xi32>
        %parallel_loop3A_831 = tpu.vector_load_idx %arg5[%parallel_loop3A_830] : memref<23040xf32, #tpu.memory_space<vmem>>[vector<16xi32>], vector<16xf32>,
        %parallel_loop3A_832 = arith.constant 16 : i32
        %parallel_loop3A_833 = arith.muli %parallel_loop3A_147, %parallel_loop3A_832 : i32
        %parallel_loop3A_834 = arith.constant 6 : i32
        %parallel_loop3A_835 = arith.constant 4 : i32
        %parallel_loop3A_836 = arith.index_cast %parallel_loop3A_834 : i32 to index
        %parallel_loop3A_837 = arith.index_cast %parallel_loop3A_131 : i32 to index
        %parallel_loop3A_838 = arith.index_cast %parallel_loop3A_835 : i32 to index
        %parallel_loop3A_839 = arith.index_cast %parallel_loop3A_833 : i32 to index
        %parallel_loop3A_840 = tpu.vector_load %arg9[%parallel_loop3A_836, %parallel_loop3A_837, %parallel_loop3A_838, %parallel_loop3A_839] {strides = array<i32>} : memref<8x4x8x128xf32, #tpu.memory_space<vmem>>, vector<16xf32>,
        tpu.vector_store %arg9[%parallel_loop3A_836, %parallel_loop3A_837, %parallel_loop3A_838, %parallel_loop3A_839], %parallel_loop3A_831 {strides = array<i32>} : memref<8x4x8x128xf32, #tpu.memory_space<vmem>>, vector<16xf32>,
        %parallel_loop3A_841 = arith.constant 19080 : i32
        %parallel_loop3A_842 = vector.broadcast %parallel_loop3A_841 : i32 to vector<16xi32>
        %parallel_loop3A_843 = arith.addi %parallel_loop3A_151, %parallel_loop3A_842 : vector<16xi32>
        %parallel_loop3A_844 = tpu.vector_load_idx %arg5[%parallel_loop3A_843] : memref<23040xf32, #tpu.memory_space<vmem>>[vector<16xi32>], vector<16xf32>,
        %parallel_loop3A_845 = arith.constant 16 : i32
        %parallel_loop3A_846 = arith.muli %parallel_loop3A_147, %parallel_loop3A_845 : i32
        %parallel_loop3A_847 = arith.constant 6 : i32
        %parallel_loop3A_848 = arith.constant 5 : i32
        %parallel_loop3A_849 = arith.index_cast %parallel_loop3A_847 : i32 to index
        %parallel_loop3A_850 = arith.index_cast %parallel_loop3A_131 : i32 to index
        %parallel_loop3A_851 = arith.index_cast %parallel_loop3A_848 : i32 to index
        %parallel_loop3A_852 = arith.index_cast %parallel_loop3A_846 : i32 to index
        %parallel_loop3A_853 = tpu.vector_load %arg9[%parallel_loop3A_849, %parallel_loop3A_850, %parallel_loop3A_851, %parallel_loop3A_852] {strides = array<i32>} : memref<8x4x8x128xf32, #tpu.memory_space<vmem>>, vector<16xf32>,
        tpu.vector_store %arg9[%parallel_loop3A_849, %parallel_loop3A_850, %parallel_loop3A_851, %parallel_loop3A_852], %parallel_loop3A_844 {strides = array<i32>} : memref<8x4x8x128xf32, #tpu.memory_space<vmem>>, vector<16xf32>,
        %parallel_loop3A_854 = arith.constant 19440 : i32
        %parallel_loop3A_855 = vector.broadcast %parallel_loop3A_854 : i32 to vector<16xi32>
        %parallel_loop3A_856 = arith.addi %parallel_loop3A_151, %parallel_loop3A_855 : vector<16xi32>
        %parallel_loop3A_857 = tpu.vector_load_idx %arg5[%parallel_loop3A_856] : memref<23040xf32, #tpu.memory_space<vmem>>[vector<16xi32>], vector<16xf32>,
        %parallel_loop3A_858 = arith.constant 16 : i32
        %parallel_loop3A_859 = arith.muli %parallel_loop3A_147, %parallel_loop3A_858 : i32
        %parallel_loop3A_860 = arith.constant 6 : i32
        %parallel_loop3A_861 = arith.constant 6 : i32
        %parallel_loop3A_862 = arith.index_cast %parallel_loop3A_860 : i32 to index
        %parallel_loop3A_863 = arith.index_cast %parallel_loop3A_131 : i32 to index
        %parallel_loop3A_864 = arith.index_cast %parallel_loop3A_861 : i32 to index
        %parallel_loop3A_865 = arith.index_cast %parallel_loop3A_859 : i32 to index
        %parallel_loop3A_866 = tpu.vector_load %arg9[%parallel_loop3A_862, %parallel_loop3A_863, %parallel_loop3A_864, %parallel_loop3A_865] {strides = array<i32>} : memref<8x4x8x128xf32, #tpu.memory_space<vmem>>, vector<16xf32>,
        tpu.vector_store %arg9[%parallel_loop3A_862, %parallel_loop3A_863, %parallel_loop3A_864, %parallel_loop3A_865], %parallel_loop3A_857 {strides = array<i32>} : memref<8x4x8x128xf32, #tpu.memory_space<vmem>>, vector<16xf32>,
        %parallel_loop3A_867 = arith.constant 19800 : i32
        %parallel_loop3A_868 = vector.broadcast %parallel_loop3A_867 : i32 to vector<16xi32>
        %parallel_loop3A_869 = arith.addi %parallel_loop3A_151, %parallel_loop3A_868 : vector<16xi32>
        %parallel_loop3A_870 = tpu.vector_load_idx %arg5[%parallel_loop3A_869] : memref<23040xf32, #tpu.memory_space<vmem>>[vector<16xi32>], vector<16xf32>,
        %parallel_loop3A_871 = arith.constant 16 : i32
        %parallel_loop3A_872 = arith.muli %parallel_loop3A_147, %parallel_loop3A_871 : i32
        %parallel_loop3A_873 = arith.constant 6 : i32
        %parallel_loop3A_874 = arith.constant 7 : i32
        %parallel_loop3A_875 = arith.index_cast %parallel_loop3A_873 : i32 to index
        %parallel_loop3A_876 = arith.index_cast %parallel_loop3A_131 : i32 to index
        %parallel_loop3A_877 = arith.index_cast %parallel_loop3A_874 : i32 to index
        %parallel_loop3A_878 = arith.index_cast %parallel_loop3A_872 : i32 to index
        %parallel_loop3A_879 = tpu.vector_load %arg9[%parallel_loop3A_875, %parallel_loop3A_876, %parallel_loop3A_877, %parallel_loop3A_878] {strides = array<i32>} : memref<8x4x8x128xf32, #tpu.memory_space<vmem>>, vector<16xf32>,
        tpu.vector_store %arg9[%parallel_loop3A_875, %parallel_loop3A_876, %parallel_loop3A_877, %parallel_loop3A_878], %parallel_loop3A_870 {strides = array<i32>} : memref<8x4x8x128xf32, #tpu.memory_space<vmem>>, vector<16xf32>,
        %parallel_loop3A_880 = arith.constant 20160 : i32
        %parallel_loop3A_881 = vector.broadcast %parallel_loop3A_880 : i32 to vector<16xi32>
        %parallel_loop3A_882 = arith.addi %parallel_loop3A_151, %parallel_loop3A_881 : vector<16xi32>
        %parallel_loop3A_883 = tpu.vector_load_idx %arg5[%parallel_loop3A_882] : memref<23040xf32, #tpu.memory_space<vmem>>[vector<16xi32>], vector<16xf32>,
        %parallel_loop3A_884 = arith.constant 16 : i32
        %parallel_loop3A_885 = arith.muli %parallel_loop3A_147, %parallel_loop3A_884 : i32
        %parallel_loop3A_886 = arith.constant 7 : i32
        %parallel_loop3A_887 = arith.constant 0 : i32
        %parallel_loop3A_888 = arith.index_cast %parallel_loop3A_886 : i32 to index
        %parallel_loop3A_889 = arith.index_cast %parallel_loop3A_131 : i32 to index
        %parallel_loop3A_890 = arith.index_cast %parallel_loop3A_887 : i32 to index
        %parallel_loop3A_891 = arith.index_cast %parallel_loop3A_885 : i32 to index
        %parallel_loop3A_892 = tpu.vector_load %arg9[%parallel_loop3A_888, %parallel_loop3A_889, %parallel_loop3A_890, %parallel_loop3A_891] {strides = array<i32>} : memref<8x4x8x128xf32, #tpu.memory_space<vmem>>, vector<16xf32>,
        tpu.vector_store %arg9[%parallel_loop3A_888, %parallel_loop3A_889, %parallel_loop3A_890, %parallel_loop3A_891], %parallel_loop3A_883 {strides = array<i32>} : memref<8x4x8x128xf32, #tpu.memory_space<vmem>>, vector<16xf32>,
        %parallel_loop3A_893 = arith.constant 20520 : i32
        %parallel_loop3A_894 = vector.broadcast %parallel_loop3A_893 : i32 to vector<16xi32>
        %parallel_loop3A_895 = arith.addi %parallel_loop3A_151, %parallel_loop3A_894 : vector<16xi32>
        %parallel_loop3A_896 = tpu.vector_load_idx %arg5[%parallel_loop3A_895] : memref<23040xf32, #tpu.memory_space<vmem>>[vector<16xi32>], vector<16xf32>,
        %parallel_loop3A_897 = arith.constant 16 : i32
        %parallel_loop3A_898 = arith.muli %parallel_loop3A_147, %parallel_loop3A_897 : i32
        %parallel_loop3A_899 = arith.constant 7 : i32
        %parallel_loop3A_900 = arith.constant 1 : i32
        %parallel_loop3A_901 = arith.index_cast %parallel_loop3A_899 : i32 to index
        %parallel_loop3A_902 = arith.index_cast %parallel_loop3A_131 : i32 to index
        %parallel_loop3A_903 = arith.index_cast %parallel_loop3A_900 : i32 to index
        %parallel_loop3A_904 = arith.index_cast %parallel_loop3A_898 : i32 to index
        %parallel_loop3A_905 = tpu.vector_load %arg9[%parallel_loop3A_901, %parallel_loop3A_902, %parallel_loop3A_903, %parallel_loop3A_904] {strides = array<i32>} : memref<8x4x8x128xf32, #tpu.memory_space<vmem>>, vector<16xf32>,
        tpu.vector_store %arg9[%parallel_loop3A_901, %parallel_loop3A_902, %parallel_loop3A_903, %parallel_loop3A_904], %parallel_loop3A_896 {strides = array<i32>} : memref<8x4x8x128xf32, #tpu.memory_space<vmem>>, vector<16xf32>,
        %parallel_loop3A_906 = arith.constant 20880 : i32
        %parallel_loop3A_907 = vector.broadcast %parallel_loop3A_906 : i32 to vector<16xi32>
        %parallel_loop3A_908 = arith.addi %parallel_loop3A_151, %parallel_loop3A_907 : vector<16xi32>
        %parallel_loop3A_909 = tpu.vector_load_idx %arg5[%parallel_loop3A_908] : memref<23040xf32, #tpu.memory_space<vmem>>[vector<16xi32>], vector<16xf32>,
        %parallel_loop3A_910 = arith.constant 16 : i32
        %parallel_loop3A_911 = arith.muli %parallel_loop3A_147, %parallel_loop3A_910 : i32
        %parallel_loop3A_912 = arith.constant 7 : i32
        %parallel_loop3A_913 = arith.constant 2 : i32
        %parallel_loop3A_914 = arith.index_cast %parallel_loop3A_912 : i32 to index
        %parallel_loop3A_915 = arith.index_cast %parallel_loop3A_131 : i32 to index
        %parallel_loop3A_916 = arith.index_cast %parallel_loop3A_913 : i32 to index
        %parallel_loop3A_917 = arith.index_cast %parallel_loop3A_911 : i32 to index
        %parallel_loop3A_918 = tpu.vector_load %arg9[%parallel_loop3A_914, %parallel_loop3A_915, %parallel_loop3A_916, %parallel_loop3A_917] {strides = array<i32>} : memref<8x4x8x128xf32, #tpu.memory_space<vmem>>, vector<16xf32>,
        tpu.vector_store %arg9[%parallel_loop3A_914, %parallel_loop3A_915, %parallel_loop3A_916, %parallel_loop3A_917], %parallel_loop3A_909 {strides = array<i32>} : memref<8x4x8x128xf32, #tpu.memory_space<vmem>>, vector<16xf32>,
        %parallel_loop3A_919 = arith.constant 21240 : i32
        %parallel_loop3A_920 = vector.broadcast %parallel_loop3A_919 : i32 to vector<16xi32>
        %parallel_loop3A_921 = arith.addi %parallel_loop3A_151, %parallel_loop3A_920 : vector<16xi32>
        %parallel_loop3A_922 = tpu.vector_load_idx %arg5[%parallel_loop3A_921] : memref<23040xf32, #tpu.memory_space<vmem>>[vector<16xi32>], vector<16xf32>,
        %parallel_loop3A_923 = arith.constant 16 : i32
        %parallel_loop3A_924 = arith.muli %parallel_loop3A_147, %parallel_loop3A_923 : i32
        %parallel_loop3A_925 = arith.constant 7 : i32
        %parallel_loop3A_926 = arith.constant 3 : i32
        %parallel_loop3A_927 = arith.index_cast %parallel_loop3A_925 : i32 to index
        %parallel_loop3A_928 = arith.index_cast %parallel_loop3A_131 : i32 to index
        %parallel_loop3A_929 = arith.index_cast %parallel_loop3A_926 : i32 to index
        %parallel_loop3A_930 = arith.index_cast %parallel_loop3A_924 : i32 to index
        %parallel_loop3A_931 = tpu.vector_load %arg9[%parallel_loop3A_927, %parallel_loop3A_928, %parallel_loop3A_929, %parallel_loop3A_930] {strides = array<i32>} : memref<8x4x8x128xf32, #tpu.memory_space<vmem>>, vector<16xf32>,
        tpu.vector_store %arg9[%parallel_loop3A_927, %parallel_loop3A_928, %parallel_loop3A_929, %parallel_loop3A_930], %parallel_loop3A_922 {strides = array<i32>} : memref<8x4x8x128xf32, #tpu.memory_space<vmem>>, vector<16xf32>,
        %parallel_loop3A_932 = arith.constant 21600 : i32
        %parallel_loop3A_933 = vector.broadcast %parallel_loop3A_932 : i32 to vector<16xi32>
        %parallel_loop3A_934 = arith.addi %parallel_loop3A_151, %parallel_loop3A_933 : vector<16xi32>
        %parallel_loop3A_935 = tpu.vector_load_idx %arg5[%parallel_loop3A_934] : memref<23040xf32, #tpu.memory_space<vmem>>[vector<16xi32>], vector<16xf32>,
        %parallel_loop3A_936 = arith.constant 16 : i32
        %parallel_loop3A_937 = arith.muli %parallel_loop3A_147, %parallel_loop3A_936 : i32
        %parallel_loop3A_938 = arith.constant 7 : i32
        %parallel_loop3A_939 = arith.constant 4 : i32
        %parallel_loop3A_940 = arith.index_cast %parallel_loop3A_938 : i32 to index
        %parallel_loop3A_941 = arith.index_cast %parallel_loop3A_131 : i32 to index
        %parallel_loop3A_942 = arith.index_cast %parallel_loop3A_939 : i32 to index
        %parallel_loop3A_943 = arith.index_cast %parallel_loop3A_937 : i32 to index
        %parallel_loop3A_944 = tpu.vector_load %arg9[%parallel_loop3A_940, %parallel_loop3A_941, %parallel_loop3A_942, %parallel_loop3A_943] {strides = array<i32>} : memref<8x4x8x128xf32, #tpu.memory_space<vmem>>, vector<16xf32>,
        tpu.vector_store %arg9[%parallel_loop3A_940, %parallel_loop3A_941, %parallel_loop3A_942, %parallel_loop3A_943], %parallel_loop3A_935 {strides = array<i32>} : memref<8x4x8x128xf32, #tpu.memory_space<vmem>>, vector<16xf32>,
        %parallel_loop3A_945 = arith.constant 21960 : i32
        %parallel_loop3A_946 = vector.broadcast %parallel_loop3A_945 : i32 to vector<16xi32>
        %parallel_loop3A_947 = arith.addi %parallel_loop3A_151, %parallel_loop3A_946 : vector<16xi32>
        %parallel_loop3A_948 = tpu.vector_load_idx %arg5[%parallel_loop3A_947] : memref<23040xf32, #tpu.memory_space<vmem>>[vector<16xi32>], vector<16xf32>,
        %parallel_loop3A_949 = arith.constant 16 : i32
        %parallel_loop3A_950 = arith.muli %parallel_loop3A_147, %parallel_loop3A_949 : i32
        %parallel_loop3A_951 = arith.constant 7 : i32
        %parallel_loop3A_952 = arith.constant 5 : i32
        %parallel_loop3A_953 = arith.index_cast %parallel_loop3A_951 : i32 to index
        %parallel_loop3A_954 = arith.index_cast %parallel_loop3A_131 : i32 to index
        %parallel_loop3A_955 = arith.index_cast %parallel_loop3A_952 : i32 to index
        %parallel_loop3A_956 = arith.index_cast %parallel_loop3A_950 : i32 to index
        %parallel_loop3A_957 = tpu.vector_load %arg9[%parallel_loop3A_953, %parallel_loop3A_954, %parallel_loop3A_955, %parallel_loop3A_956] {strides = array<i32>} : memref<8x4x8x128xf32, #tpu.memory_space<vmem>>, vector<16xf32>,
        tpu.vector_store %arg9[%parallel_loop3A_953, %parallel_loop3A_954, %parallel_loop3A_955, %parallel_loop3A_956], %parallel_loop3A_948 {strides = array<i32>} : memref<8x4x8x128xf32, #tpu.memory_space<vmem>>, vector<16xf32>,
        %parallel_loop3A_958 = arith.constant 22320 : i32
        %parallel_loop3A_959 = vector.broadcast %parallel_loop3A_958 : i32 to vector<16xi32>
        %parallel_loop3A_960 = arith.addi %parallel_loop3A_151, %parallel_loop3A_959 : vector<16xi32>
        %parallel_loop3A_961 = tpu.vector_load_idx %arg5[%parallel_loop3A_960] : memref<23040xf32, #tpu.memory_space<vmem>>[vector<16xi32>], vector<16xf32>,
        %parallel_loop3A_962 = arith.constant 16 : i32
        %parallel_loop3A_963 = arith.muli %parallel_loop3A_147, %parallel_loop3A_962 : i32
        %parallel_loop3A_964 = arith.constant 7 : i32
        %parallel_loop3A_965 = arith.constant 6 : i32
        %parallel_loop3A_966 = arith.index_cast %parallel_loop3A_964 : i32 to index
        %parallel_loop3A_967 = arith.index_cast %parallel_loop3A_131 : i32 to index
        %parallel_loop3A_968 = arith.index_cast %parallel_loop3A_965 : i32 to index
        %parallel_loop3A_969 = arith.index_cast %parallel_loop3A_963 : i32 to index
        %parallel_loop3A_970 = tpu.vector_load %arg9[%parallel_loop3A_966, %parallel_loop3A_967, %parallel_loop3A_968, %parallel_loop3A_969] {strides = array<i32>} : memref<8x4x8x128xf32, #tpu.memory_space<vmem>>, vector<16xf32>,
        tpu.vector_store %arg9[%parallel_loop3A_966, %parallel_loop3A_967, %parallel_loop3A_968, %parallel_loop3A_969], %parallel_loop3A_961 {strides = array<i32>} : memref<8x4x8x128xf32, #tpu.memory_space<vmem>>, vector<16xf32>,
        %parallel_loop3A_971 = arith.constant 22680 : i32
        %parallel_loop3A_972 = vector.broadcast %parallel_loop3A_971 : i32 to vector<16xi32>
        %parallel_loop3A_973 = arith.addi %parallel_loop3A_151, %parallel_loop3A_972 : vector<16xi32>
        %parallel_loop3A_974 = tpu.vector_load_idx %arg5[%parallel_loop3A_973] : memref<23040xf32, #tpu.memory_space<vmem>>[vector<16xi32>], vector<16xf32>,
        %parallel_loop3A_975 = arith.constant 16 : i32
        %parallel_loop3A_976 = arith.muli %parallel_loop3A_147, %parallel_loop3A_975 : i32
        %parallel_loop3A_977 = arith.constant 7 : i32
        %parallel_loop3A_978 = arith.constant 7 : i32
        %parallel_loop3A_979 = arith.index_cast %parallel_loop3A_977 : i32 to index
        %parallel_loop3A_980 = arith.index_cast %parallel_loop3A_131 : i32 to index
        %parallel_loop3A_981 = arith.index_cast %parallel_loop3A_978 : i32 to index
        %parallel_loop3A_982 = arith.index_cast %parallel_loop3A_976 : i32 to index
        %parallel_loop3A_983 = tpu.vector_load %arg9[%parallel_loop3A_979, %parallel_loop3A_980, %parallel_loop3A_981, %parallel_loop3A_982] {strides = array<i32>} : memref<8x4x8x128xf32, #tpu.memory_space<vmem>>, vector<16xf32>,
        tpu.vector_store %arg9[%parallel_loop3A_979, %parallel_loop3A_980, %parallel_loop3A_981, %parallel_loop3A_982], %parallel_loop3A_974 {strides = array<i32>} : memref<8x4x8x128xf32, #tpu.memory_space<vmem>>, vector<16xf32>,
      } {sc.loop_unroll_factor = 4 : i64, sc.parallel_access}
      %dma_start3A_97 = arith.constant 0 : i32
      %dma_start3A_98 = arith.constant 0 : i32
      %dma_start3A_99 = arith.constant 0 : i32
      %dma_start3A_100 = tpu.memref_slice %arg4[%add3A_74, %dma_start3A_97, %mul3A_2, %dma_start3A_98, %dma_start3A_99] : memref<200x8x128x8x128xf32, #tpu.memory_space<hbm>> -> memref<1x8x4x8x128xf32, #tpu.memory_space<hbm>>
      %dma_start3A_101 = tpu.memref_squeeze %dma_start3A_100 : memref<1x8x4x8x128xf32, #tpu.memory_space<hbm>> -> memref<8x4x8x128xf32, #tpu.memory_space<hbm>>
      %dma_start3A_102 = arith.constant 0 : i32
      %dma_start3A_103 = arith.constant 0 : i32
      %dma_start3A_104 = arith.constant 0 : i32
      %dma_start3A_105 = tpu.memref_slice %arg4[%add3A_74, %dma_start3A_102, %mul3A_2, %dma_start3A_103, %dma_start3A_104] : memref<200x8x128x8x128xf32, #tpu.memory_space<hbm>> -> memref<1x8x4x8x128xf32, #tpu.memory_space<hbm>>
      %dma_start3A_106 = tpu.memref_squeeze %dma_start3A_105 : memref<1x8x4x8x128xf32, #tpu.memory_space<hbm>> -> memref<8x4x8x128xf32, #tpu.memory_space<hbm>>
      tpu.enqueue_dma source(%arg9 : memref<8x4x8x128xf32, #tpu.memory_space<vmem>>) target(%dma_start3A_106 : memref<8x4x8x128xf32, #tpu.memory_space<hbm>>) target_semaphore(%arg13 : memref<!tpu.dma_semaphore, #tpu.memory_space<semaphore_mem>>)
    }
    %scan3A_13 = arith.constant 100 : i32
    %dma_wait3A = arith.constant 0 : i32
    %dma_wait3A_14 = arith.constant 0 : i32
    %dma_wait3A_15 = arith.constant 0 : i32
    %dma_wait3A_16 = arith.constant 0 : i32
    %dma_wait3A_17 = arith.constant 0 : i32
    %dma_wait3A_18 = tpu.memref_slice %arg4[%dma_wait3A, %dma_wait3A_14, %dma_wait3A_15, %dma_wait3A_16, %dma_wait3A_17] : memref<200x8x128x8x128xf32, #tpu.memory_space<hbm>> -> memref<1x8x4x8x128xf32, #tpu.memory_space<hbm>>
    %dma_wait3A_19 = tpu.memref_squeeze %dma_wait3A_18 : memref<1x8x4x8x128xf32, #tpu.memory_space<hbm>> -> memref<8x4x8x128xf32, #tpu.memory_space<hbm>>
    %dma_wait3A_20 = arith.constant 0 : i32
    %dma_wait3A_21 = arith.constant 0 : i32
    %dma_wait3A_22 = arith.constant 0 : i32
    %dma_wait3A_23 = arith.constant 0 : i32
    %dma_wait3A_24 = tpu.memref_slice %arg4[%dma_wait3A, %dma_wait3A_20, %dma_wait3A_21, %dma_wait3A_22, %dma_wait3A_23] : memref<200x8x128x8x128xf32, #tpu.memory_space<hbm>> -> memref<1x8x4x8x128xf32, #tpu.memory_space<hbm>>
    %dma_wait3A_25 = tpu.memref_squeeze %dma_wait3A_24 : memref<1x8x4x8x128xf32, #tpu.memory_space<hbm>> -> memref<8x4x8x128xf32, #tpu.memory_space<hbm>>
    tpu.wait_dma2 semaphore(%arg12 : memref<!tpu.dma_semaphore, #tpu.memory_space<semaphore_mem>>) src(%arg8 : memref<8x4x8x128xf32, #tpu.memory_space<vmem>>) dst(%dma_wait3A_25 : memref<8x4x8x128xf32, #tpu.memory_space<hbm>>)
    %dma_wait3A_26 = arith.constant 0 : i32
    %dma_wait3A_27 = arith.constant 0 : i32
    %dma_wait3A_28 = arith.constant 0 : i32
    %dma_wait3A_29 = arith.constant 0 : i32
    %dma_wait3A_30 = arith.constant 0 : i32
    %dma_wait3A_31 = tpu.memref_slice %arg4[%dma_wait3A_26, %dma_wait3A_27, %dma_wait3A_28, %dma_wait3A_29, %dma_wait3A_30] : memref<200x8x128x8x128xf32, #tpu.memory_space<hbm>> -> memref<1x8x4x8x128xf32, #tpu.memory_space<hbm>>
    %dma_wait3A_32 = tpu.memref_squeeze %dma_wait3A_31 : memref<1x8x4x8x128xf32, #tpu.memory_space<hbm>> -> memref<8x4x8x128xf32, #tpu.memory_space<hbm>>
    %dma_wait3A_33 = arith.constant 0 : i32
    %dma_wait3A_34 = arith.constant 0 : i32
    %dma_wait3A_35 = arith.constant 0 : i32
    %dma_wait3A_36 = arith.constant 0 : i32
    %dma_wait3A_37 = tpu.memref_slice %arg4[%dma_wait3A_26, %dma_wait3A_33, %dma_wait3A_34, %dma_wait3A_35, %dma_wait3A_36] : memref<200x8x128x8x128xf32, #tpu.memory_space<hbm>> -> memref<1x8x4x8x128xf32, #tpu.memory_space<hbm>>
    %dma_wait3A_38 = tpu.memref_squeeze %dma_wait3A_37 : memref<1x8x4x8x128xf32, #tpu.memory_space<hbm>> -> memref<8x4x8x128xf32, #tpu.memory_space<hbm>>
    tpu.wait_dma2 semaphore(%arg13 : memref<!tpu.dma_semaphore, #tpu.memory_space<semaphore_mem>>) src(%arg9 : memref<8x4x8x128xf32, #tpu.memory_space<vmem>>) dst(%dma_wait3A_38 : memref<8x4x8x128xf32, #tpu.memory_space<hbm>>)
    return
  }
}

module attributes {stable_mosaic.version = 14 : i64} {
  func.func @_table_transform_body(%arg0: memref<360x64xf32, #tpu.memory_space<vmem>>, %arg1: memref<64x64xf32, #tpu.memory_space<vmem>>, %arg2: memref<64x1xf32, #tpu.memory_space<vmem>>, %arg3: memref<64x360xf32, #tpu.memory_space<vmem>>) attributes {dimension_semantics = [], scalar_prefetch = 0 : i64, scratch_operands = 0 : i64, tpu.core_type = #tpu.core_type<tc>} {
    %get3A = arith.constant 0 : index
    %get3A_0 = arith.constant 0 : index
    %get3A_1 = vector.load %arg1[%get3A, %get3A_0] : memref<64x64xf32, #tpu.memory_space<vmem>>, vector<64x64xf32>
    %get3A_2 = arith.constant 0 : index
    %get3A_3 = arith.constant 0 : index
    %get3A_4 = vector.load %arg0[%get3A_2, %get3A_3] : memref<360x64xf32, #tpu.memory_space<vmem>>, vector<360x64xf32>
    %dot_general3A = arith.constant dense<0.000000e+00> : vector<64x360xf32>
    %dot_general3A_5 = tpu.matmul %get3A_1, %get3A_4, %dot_general3A {dimension_numbers = #tpu.dot_dimension_numbers<[1], [1], [0], [0], [0, 0, 1, 0], [], []>, transpose_lhs_hint = false} : vector<64x64xf32>, vector<360x64xf32>, vector<64x360xf32> -> vector<64x360xf32>
    %get3A_6 = arith.constant 0 : index
    %get3A_7 = arith.constant 0 : index
    %get3A_8 = vector.load %arg2[%get3A_6, %get3A_7] : memref<64x1xf32, #tpu.memory_space<vmem>>, vector<64x1xf32>
    %add3A = vector.broadcast %get3A_8 : vector<64x1xf32> to vector<64x360xf32>
    %add3A_9 = arith.addf %dot_general3A_5, %add3A : vector<64x360xf32>
    %max3A = arith.constant 0.000000e+00 : f32
    %max3A_10 = vector.broadcast %max3A : f32 to vector<64x360xf32>
    %max3A_11 = arith.maximumf %add3A_9, %max3A_10 : vector<64x360xf32>
    %swap3A = arith.constant 0 : index
    %swap3A_12 = arith.constant 0 : index
    %swap3A_13 = vector.load %arg3[%swap3A, %swap3A_12] : memref<64x360xf32, #tpu.memory_space<vmem>>, vector<64x360xf32>
    tpu.vector_store %arg3[%swap3A, %swap3A_12], %max3A_11 {strides = array<i32>} : memref<64x360xf32, #tpu.memory_space<vmem>>, vector<64x360xf32>,
    return
  }
}

</mosaic_0001>

<sc_bundles>
// kernel: kernel.4.cloned.1.call-start
scs
__scs_entry_jumppad:
0x0: {  	(pc) =	sbr.rel $0x88, $3  }
0x1: {  	(tag) =	ssettag $0x0;
	lr =	simm.s32 $0x1  }
0x2: {  	[smem:$0x3F9D] =	sst lr;
	_ =	strace $0xD0000000  }
0x3: {  	_ = 	snop  }
0x4: {  	_ = 	snop  }
0x5: {  	_ = 	snop  }
0x6: {  	_ = 	snop  }
0x7: {  	_ = 	snop  }
__scs_overlays_trampoline_lowered:
0x8: {  	[smem:$0x3FAC] =	sst s0  }
0x9: {  	[smem:$0x3FAD] =	sst s1  }
0xa: {  	[smem:$0x3FAE] =	sst s2  }
0xb: {  	[smem:$0x3FAF] =	sst s3  }
0xc: {  	[smem:$0x3FB0] =	sst s4  }
0xd: {  	[smem:$0x3FB1] =	sst s5  }
0xe: {  	[smem:$0x3FB2] =	sst s6  }
0xf: {  	[smem:$0x3FB3] =	sst s7  }
0x10: {  	[smem:$0x3FB4] =	sst s8  }
0x11: {  	[smem:$0x3FB5] =	sst s9;
	s0 =	simm.s32 @!p0 $0x0  }
0x12: {  	s1 =	sld [smem:$0x3F9B];
	s0 =	simm.s32 @p0 $0x1  }
0x13: {  	[smem:$0x3FB6] =	sst s0;
	s0 =	simm.s32 @!p1 $0x0  }
0x14: {  	s2 =	sld [smem:$0x3F9A];
	s0 =	simm.s32 @p1 $0x1  }
0x15: {  	[smem:$0x3FB7] =	sst s0;
	s0 =	simm.s32 @!p2 $0x0  }
0x16: {  	s3 =	sld [smem:$0x3FDB];
	s0 =	simm.s32 @p2 $0x1  }
0x17: {  	s4 =	simm.s32 $0x1BF5;
	[smem:$0x3FB9] =	sst s0  }
0x18: {  	s0 =	sld [smem:$0x3F9C];
	_ =	swait.ge [sflag:s4], $0x0  }
0x19: {  	s7 =	sld [smem:$0x3F9D]  }
0x1a: {  	s8 =	sadd.s32 $0xFFFFE003, lr  }
0x1b: {  	s9 =	sadd.s32 $0xFFFFFEF7, lr;
	s5 =	simm.s32 $0xFFFFFFFF;
	p2 =	slt.u32 s8, $0xFFFFF086  }
0x1c: {  	p1 =	slt.u32 s9, $0xF7A;
	s5 =	simm.s32 @!p2 $0x0  }
0x1d: {  	s5 =	simm.s32 @p1 $0x1;
	p0 =	seq.s32 s7, s2  }
0x1e: {  	s7 =	smul.u32 @!p0 $0xF7A, s2;
	p2 =	seq.s32 @!p0 s5, $0x0  }
0x1f: {  	s9 =	smul.u32 $0xF7A, s1;
	s8 =	simm.s32 @!p0 $0x1BF5;
	p2 =	por !p2, p0  }
0x20: {  	[sflag:s8] =	ssyncset.s32 @!p0 $0xFFFFF086;
	s6 =	sadd.s32 @!p0 s3, s7;
	s7 =	simm.s32 @!p0 $0x108  }
0x21: {  	s3 =	sadd.s32 s3, s9;
	s6 =	sadd.s32 @!p0 $0x88, s6;
	s7 =	simm.s32 @p2 $0x1082  }
0x22: {  	[simem:s7], [sflag:s8] =	dma.local @!p0 [hbm:s6], $0xF7A  }
0x23: {  	s9 =	sor.u32 $0xD0000000, s2;
	s6 =	simm.s32 $0x108;
	_ =	swait.ge @!p0 [sflag:s8], $0x0  }
0x24: {  	s3 =	sadd.s32 $0x88, s3;
	s6 =	simm.s32 @!p1 $0x1082;
	[sflag:s4] =	ssyncset.s32 $0xFFFFF086  }
0x25: {  	[simem:s6], [sflag:s4] =	dma.local [hbm:s3], $0xF7A  }
0x26: {  	[smem:$0x3F9D] =	sst s1;
	(tag) =	ssettag s2;
	_ =	strace s9  }
0x27: {  	s1 =	sld [smem:$0x3FAD]  }
0x28: {  	s2 =	sld [smem:$0x3FAE]  }
0x29: {  	s4 =	sld [smem:$0x3FB0]  }
0x2a: {  	p0 =	seq.s32 s5, $0x0;
	s5 =	sld [smem:$0x3FB1]  }
0x2b: {  	s6 =	sld [smem:$0x3FB2]  }
0x2c: {  	s7 =	sld [smem:$0x3FB3]  }
0x2d: {  	s3 =	simm.s32 $0x108;
	s8 =	sld [smem:$0x3FB4]  }
0x2e: {  	s3 =	simm.s32 @!p0 $0x1082;
	s9 =	sld [smem:$0x3FB5]  }
0x2f: {  	lr =	sadd.s32 s0, s3;
	s0 =	sld [smem:$0x3FAC]  }
0x30: {  	s3 =	sld [smem:$0x3FAF]  }
0x31: {  	[smem:$0x3FB8] =	sst s10  }
0x32: {  	s10 =	sld [smem:$0x3FB6];
	_ =	sdelay $0x3  }
0x33: {  	p0 =	seq.s32 s10, $0x1;
	s10 =	sld [smem:$0x3FB8];
	_ =	sdelay $0x3  }
0x34: {  	[smem:$0x3FB8] =	sst s10  }
0x35: {  	s10 =	sld [smem:$0x3FB7];
	_ =	sdelay $0x3  }
0x36: {  	p1 =	seq.s32 s10, $0x1;
	s10 =	sld [smem:$0x3FB8];
	_ =	sdelay $0x3  }
0x37: {  	[smem:$0x3FB8] =	sst s10  }
0x38: {  	s10 =	sld [smem:$0x3FB9]  }
0x39: {  	_ = 	snop;
	(pc) =	sbr.ind lr, $3  }
0x3a: {  	_ = 	snop  }
0x3b: {  	_ = 	snop  }
0x3c: {  	p2 =	seq.s32 s10, $0x1;
	s10 =	sld [smem:$0x3FB8]  }
0x3d: {  	_ =	shalt  }
0x3e: {  	_ =	shalt  }
0x3f: {  	_ =	shalt  }
0x40: {  	_ =	shalt  }
0x41: {  	_ =	shalt  }
0x42: {  	_ =	shalt  }
0x43: {  	_ =	shalt  }
0x44: {  	_ =	shalt  }
0x45: {  	_ =	shalt  }
0x46: {  	_ =	shalt  }
0x47: {  	_ =	shalt  }
0x48: {  	_ =	shalt  }
0x49: {  	_ =	shalt  }
0x4a: {  	_ =	shalt  }
0x4b: {  	_ =	shalt  }
0x4c: {  	_ =	shalt  }
0x4d: {  	_ =	shalt  }
0x4e: {  	_ =	shalt  }
0x4f: {  	_ =	shalt  }
0x50: {  	_ =	shalt  }
0x51: {  	_ =	shalt  }
0x52: {  	_ =	shalt  }
0x53: {  	_ =	shalt  }
0x54: {  	_ =	shalt  }
0x55: {  	_ =	shalt  }
0x56: {  	_ =	shalt  }
0x57: {  	_ =	shalt  }
0x58: {  	_ =	shalt  }
0x59: {  	_ =	shalt  }
0x5a: {  	_ =	shalt  }
0x5b: {  	_ =	shalt  }
0x5c: {  	_ =	shalt  }
0x5d: {  	_ =	shalt  }
0x5e: {  	_ =	shalt  }
0x5f: {  	_ =	shalt  }
0x60: {  	_ =	shalt  }
0x61: {  	_ =	shalt  }
0x62: {  	_ =	shalt  }
0x63: {  	_ =	shalt  }
0x64: {  	_ =	shalt  }
0x65: {  	_ =	shalt  }
0x66: {  	_ =	shalt  }
0x67: {  	_ =	shalt  }
0x68: {  	_ =	shalt  }
0x69: {  	_ =	shalt  }
0x6a: {  	_ =	shalt  }
0x6b: {  	_ =	shalt  }
0x6c: {  	_ =	shalt  }
0x6d: {  	_ =	shalt  }
0x6e: {  	_ =	shalt  }
0x6f: {  	_ =	shalt  }
0x70: {  	_ =	shalt  }
0x71: {  	_ =	shalt  }
0x72: {  	_ =	shalt  }
0x73: {  	_ =	shalt  }
0x74: {  	_ =	shalt  }
0x75: {  	_ =	shalt  }
0x76: {  	_ =	shalt  }
0x77: {  	_ =	shalt  }
0x78: {  	_ =	shalt  }
0x79: {  	_ =	shalt  }
0x7a: {  	_ =	shalt  }
0x7b: {  	_ =	shalt  }
0x7c: {  	_ =	shalt  }
0x7d: {  	_ =	shalt  }
0x7e: {  	_ =	shalt  }
0x7f: {  	_ =	shalt  }
0x80: {  	_ =	shalt  }
0x81: {  	_ =	shalt  }
0x82: {  	_ =	shalt  }
0x83: {  	_ =	shalt  }
0x84: {  	_ =	shalt  }
0x85: {  	_ =	shalt  }
0x86: {  	_ =	shalt  }
0x87: {  	_ =	shalt  }
.Lfunc_end0:
.L_simem_size_0:
called_computation_lowered:
.L_overlay_start_0:
0x88: {  	s2 =	sld [smem:$0x3FD9]  }
0x89: {  	s3 =	sld [smem:$0x3FFE];
	_ =	sdelay $0x1  }
0x8a: {  	s1 =	srdreg.scid  }
0x8b: {  	s0 =	sand.u32 $0x1, s1  }
0x8c: {  	s17 =	sshll.u32 s0, $0xA;
	s2 =	sadd.s32 s3, s2  }
0x8d: {  	s2 =	sadd.s32 s2, s17  }
0x8e: {  	[smem:$0x3FC4] =	sst s2  }
0x8f: {  	_ = 	snop  }
0x90: {  	s2 =	sld [smem:$0x3FD0];
	(tm) =	ssettm $0x1  }
0x91: {  	s18 =	sld [smem:$0x3FFB];
	_ =	sdelay $0x3  }
0x92: {  	_ =	strace s18  }
0x93: {  	s3 =	sld [smem:$0x3FFC];
	_ =	sdelay $0x3  }
0x94: {  	_ =	strace s3  }
0x95: {  	s3 =	sld [smem:$0x3FFD];
	_ =	sdelay $0x3  }
0x96: {  	_ =	strace s3  }
0x97: {  	_ =	strace $0x8FFFFFFF  }
0x98: {  	s19 =	sld [smem:$0x3FDB];
	_ =	sdelay $0x1  }
0x99: {  	s4 =	simm.s32 $_scs_section_size  }
0x9a: {  	s5 =	simm.s32 $_size__tile_overlayer_lowered;
	s6 =	simm.s32 $_tile_overlayer_lowered  }
0x9b: {  	s22 =	simm.s32 $0x1BFF;
	s21 =	sshll.u32 s6, $0x1;
	s3 =	sadd.s32 s4, s19  }
0x9c: {  	s7 =	simm.s32 $0x0;
	s20 =	sshll.u32 s5, $0x1;
	s5 =	sadd.s32 s21, s3  }
0x9d: {  	[timem:s7], [sflag:s22] =	dma.local [hbm:s5], s20  }
0x9e: {  	_ =	swait.ge [sflag:s22], s20  }
0x9f: {  	s4 =	ssub.s32 $0x0, s20;
	[sflag:s22] =	ssyncset.done $0x0  }
0xa0: {  	[sflag:s22] =	ssyncadd.s32 s4;
	_ =	sdelay $0x1  }
0xa1: {  	s23 =	simm.s32 $0x1B8B  }
0xa2: {  	_ =	swait.ge [sflag:s23], $0x1  }
0xa3: {  	[sflag:s23] =	ssyncset.done $0x0  }
0xa4: {  	s25 =	simm.s32 $0x1B8E;
	s24 =	sld [smem:$0x3FFE];
	[sflag:s23] =	ssyncadd.s32 $0xFFFFFFFF  }
0xa5: {  	s26 =	simm.s32 $execute0_lowered;
	[smem:$0x3FD2] =	sst s25  }
0xa6: {  	s5 =	sshll.u32 s26, $0x1;
	_ =	strace $0x80000046;
	[dreg:$0x1] =	wrdreg $0xFFFFFFFF  }
0xa7: {  	s28 =	simm.s32 $_size_execute0_lowered;
	s3 =	sadd.s32 s3, s5;
	[dreg:$0x0] =	wrdreg $0x0  }
0xa8: {  	s5 =	sshll.u32 s28, $0x1;
	[dreg:$0x2] =	wrdreg s3  }
0xa9: {  	[dreg:$0x3] =	wrdreg s5  }
0xaa: {  	[dreg:$0x4] =	wrdreg $0xC0  }
0xab: {  	_ =	task [dreg:s7], $0x5FFFF  }
0xac: {  	[dreg:$0x1] =	wrdreg $0xFFFFFFFF  }
0xad: {  	[dreg:$0x0] =	wrdreg $0x60  }
0xae: {  	[dreg:$0x2] =	wrdreg s24  }
0xaf: {  	[dreg:$0x3] =	wrdreg s2  }
0xb0: {  	[dreg:$0x4] =	wrdreg $0x9  }
0xb1: {  	_ =	task.clear_ibuf [dreg:s7], $0x5FFFF;
	_ =	strace $0x90000046  }
0xb2: {  	s29 =	simm.s32 $0x9;
	_ =	strace $0x80000048  }
0xb3: {  	_ =	swait.ge [sflag:s29], $0x1  }
0xb4: {  	[sflag:s29] =	ssyncadd.s32 $0xFFFFFFFF  }
0xb5: {  	_ =	strace $0x90000048  }
0xb6: {  	_ =	sfence  }
0xb7: {  	s30 =	sld [smem:$0x0];
	_ =	sdelay $0x2  }
0xb8: {  	s31 =	sshll.u32 s1, $0xD;
	s1 =	sshrl.u32 s1, $0x2  }
0xb9: {  	s3 =	sand.u32 $0x4000, s31;
	s1 =	sadd.s32 s1, s30  }
0xba: {  	s0 =	sor.u32 s3, s0;
	s1 =	sshll.u32 s1, $0x11  }
0xbb: {  	s0 =	sor.u32 s1, s0  }
0xbc: {  	s0 =	sadd.s32 $0x8F2B, s0  }
0xbd: {  	[sflag:s0] =	ssyncadd.remote.s32 $0x1  }
0xbe: {  	_ =	sfence.sel $0xFFFF  }
0xbf: {  	[dreg:$0x0] =	wrdreg $0xFFFFFFFF;
	(pc) =	sbr.abs _section_cstart, $3  }
0xc0: {  	[dreg:$0x1] =	wrdreg $0xFFFFFFFF  }
0xc1: {  	_ =	task.clear_ibuf [dreg:s7], $0x2FFFF;
	_ =	strace $0x9FFFFFFF  }
0xc2: {  	(tm) =	ssettm $0x7FFFFFFF  }
0xc3: {  	_ =	shalt  }
tec
execute0_lowered:
.L_overlay_start_1:
0x0: {  	(tag) =	ssettag $0x1  }
0x1: {  	s0 =	rddreg [dreg:$0x0]  }
0x2: {  	s1 =	rddreg [dreg:$0x1];
	s3 =	simm.s32 $0x0  }
0x3: {  	s2 =	srdreg.scid;
	s6 =	stileid.u32;
	s11 =	simm.s32 $0x1  }
0x4: {  	s13 =	simm.s32 $0x2;
	s14 =	simm.s32 $0x5C00;
	s15 =	simm.s32 $0x1000  }
0x5: {  	s16 =	simm.s32 $0x20000;
	s17 =	simm.s32 $0x5E00;
	s18 =	simm.s32 $0xDE00  }
0x6: {  	s19 =	simm.s32 $0x3;
	s20 =	simm.s32 $0x4;
	s21 =	simm.s32 $0x0  }
0x7: {  	[smem:$0x7FF] =	sst s3;
	s2 =	sand.u32 $0x1, s2;
	s4 =	sadd.s32 $0x1200, s0  }
0x8: {  	s6 =	sshll.u32 s6, $0x1;
	s0 =	sadd.s32 $0x600, s0;
	_ =	strace $0x80000047  }
0x9: {  	s5 =	ssub.s32 $0x2, s2;
	[dreg:$0x3] =	wrdreg s0;
	s2 =	sor.u32 s2, s6  }
0xa: {  	s30 =	sshrl.u32 s5, $0x1;
	s6 =	sshll.u32 s2, $0x9;
	s31 =	sshll.u32 s2, $0x6  }
0xb: {  	s9 =	sshll.u32 s2, $0xC;
	s0 =	ssub.s32 s5, s30;
	s5 =	sadd.s32 s4, s31  }
0xc: {  	s8 =	sor.u32 $0x8000, s6;
	[dreg:$0x4] =	wrdreg s5;
	s10 =	smax.u32 s0, $0x1  }
.LBB2_1:
0xd: {  	s0 =	rddreg [dreg:$0x3]  }
0xe: {  	[tilespmem:s3], [sflag:$0x1] =	stream.linear.gather [hbm4b:s0+s3], $0x5A00, $0x38;
	[tilespmem:$0x15E00] =	vst v63  }
0xf: {  	_ =	swait.ge [sflag:s11], $0x5A00  }
0x10: {  	s2 =	simm.s32 $0x5A00;
	[sflag:s11] =	ssyncset.done $0x0  }
0x11: {  	s22 =	simm.s32 $0x0;
	s31 =	rddreg [dreg:$0x4];
	[sflag:s11] =	ssyncadd.s32 $0xFFFFA600  }
0x12: {  	[tilespmem:s2], [sflag:$0x2] =	stream.linear.gather [hbm4b:s31+s3], $0x200, $0x38;
	[tilespmem:$0x15E00] =	vst v63  }
.LBB2_2:
0x13: {  	s23 =	sshllo.u32 s22, $0x1  }
0x14: {  	s0 =	sshll.u32 s23, $0xE  }
0x15: {  	_ =	swait.ge [sflag:s13], $0x200;
	s0 =	sor.u32 s6, s0  }
0x16: {  	[sflag:s13] =	ssyncset.done $0x0;
	s0 =	sshrl.u32 s0, $0x3  }
0x17: {  	p0 =	seq.s32 s22, $0x0;
	[sflag:s13] =	ssyncadd.s32 $0xFFFFFE00;
	s0 =	sadd.s32 s4, s0  }
0x18: {  	[tilespmem:s14], [sflag:$0x2] =	stream.linear.gather [hbm4b:s0+s3], $0x200, $0x38;
	[tilespmem:$0x15E00] =	vst v63  }
0x19: {  	s0 =	simm.s32 @!p0 $0x3  }
0x1a: {  	_ =	swait.ge @!p0 [sflag:s0], $0x8000  }
0x1b: {  	s24 =	simm.s32 $0xFFFFFFFC;
	s25 =	simm.s32 $0x30;
	[sflag:s0] =	ssyncset.done @!p0 $0x0  }
0x1c: {  	s26 =	simm.s32 $0x0;
	s28 =	simm.s32 $0x5A20;
	[sflag:s0] =	ssyncadd.s32 @!p0 $0xFFFF8000  }
.LBB2_3:
0x1d: {  	v0 =	vld [tilespmem:s28+$0xFFFFFFE0];
	_ =	sdelay $0x7  }
0x1e: {  	v1 =	vld.idx.msk [tilespmem:v0+s3+$0x0], $0xffff  }
0x1f: {  	v2 =	vadd.s32 $0x168, v0  }
0x20: {  	s0 =	sadd.s32 $0xFFFFFFD0, s25;
	s30 =	sand.u32 $0xC00, s26  }
0x21: {  	s29 =	sand.u32 $0x40, s0;
	s7 =	sadd.s32 $0x5E00, s30  }
0x22: {  	s0 =	sor.u32 s29, s7  }
0x23: {  	[tilespmem:s0+$0x0] =	vst v1  }
0x24: {  	v1 =	vld.idx.msk [tilespmem:v2+s3+$0x0], $0xffff  }
0x25: {  	v27 =	vadd.s32 $0x2D0, v0;
	_ =	sdelay $0x3  }
0x26: {  	[tilespmem:s0+$0x80] =	vst v1  }
0x27: {  	v1 =	vld.idx.msk [tilespmem:v27+s3+$0x0], $0xffff  }
0x28: {  	v28 =	vadd.s32 $0x438, v0;
	_ =	sdelay $0x3  }
0x29: {  	[tilespmem:s0+$0x100] =	vst v1  }
0x2a: {  	v1 =	vld.idx.msk [tilespmem:v28+s3+$0x0], $0xffff  }
0x2b: {  	v29 =	vadd.s32 $0x5A0, v0;
	_ =	sdelay $0x3  }
0x2c: {  	[tilespmem:s0+$0x180] =	vst v1  }
0x2d: {  	v1 =	vld.idx.msk [tilespmem:v29+s3+$0x0], $0xffff  }
0x2e: {  	v30 =	vadd.s32 $0x708, v0;
	_ =	sdelay $0x3  }
0x2f: {  	[tilespmem:s0+$0x200] =	vst v1  }
0x30: {  	v1 =	vld.idx.msk [tilespmem:v30+s3+$0x0], $0xffff  }
0x31: {  	v31 =	vadd.s32 $0x870, v0;
	_ =	sdelay $0x3  }
0x32: {  	[tilespmem:s0+$0x280] =	vst v1  }
0x33: {  	v1 =	vld.idx.msk [tilespmem:v31+s3+$0x0], $0xffff  }
0x34: {  	v32 =	vadd.s32 $0x9D8, v0;
	_ =	sdelay $0x3  }
0x35: {  	[tilespmem:s0+$0x300] =	vst v1  }
0x36: {  	v1 =	vld.idx.msk [tilespmem:v32+s3+$0x0], $0xffff;
	_ =	sdelay $0x4  }
0x37: {  	[tilespmem:s0+$0x380] =	vst v1  }
0x38: {  	v3 =	vld [tilespmem:s28+$0xFFFFFFF0]  }
0x39: {  	v2 =	vld [tilespmem:s28+$0x0]  }
0x3a: {  	v1 =	vld [tilespmem:s28+$0x10];
	_ =	sdelay $0x5  }
0x3b: {  	v4 =	vld.idx.msk [tilespmem:v3+s3+$0x0], $0xffff  }
0x3c: {  	v5 =	vadd.s32 $0x168, v3;
	v6 =	vld.idx.msk [tilespmem:v2+s3+$0x0], $0xffff  }
0x3d: {  	s31 =	sadd.s32 $0xFFFFFFE0, s25;
	v7 =	vadd.s32 $0x168, v2;
	v8 =	vld.idx.msk [tilespmem:v1+s3+$0x0], $0xffff  }
0x3e: {  	s2 =	sadd.s32 $0xFFFFFFF0, s25;
	s31 =	sand.u32 $0x50, s31;
	v9 =	vadd.s32 $0x168, v1  }
0x3f: {  	s5 =	sor.u32 s31, s7;
	s0 =	sand.u32 $0x60, s2  }
0x40: {  	s2 =	sand.u32 $0x70, s25;
	s12 =	sor.u32 s0, s7;
	[tilespmem:s5+$0x0] =	vst v4  }
0x41: {  	s7 =	sor.u32 s2, s7;
	[tilespmem:s12+$0x0] =	vst v6;
	v4 =	vld.idx.msk [tilespmem:v5+s3+$0x0], $0xffff  }
0x42: {  	v33 =	vadd.s32 $0x2D0, v3;
	[tilespmem:s7+$0x0] =	vst v8;
	v6 =	vld.idx.msk [tilespmem:v7+s3+$0x0], $0xffff  }
0x43: {  	v34 =	vadd.s32 $0x2D0, v2;
	v8 =	vld.idx.msk [tilespmem:v9+s3+$0x0], $0xffff  }
0x44: {  	v35 =	vadd.s32 $0x2D0, v1;
	_ =	sdelay $0x1  }
0x45: {  	[tilespmem:s5+$0x80] =	vst v4  }
0x46: {  	[tilespmem:s12+$0x80] =	vst v6;
	v4 =	vld.idx.msk [tilespmem:v33+s3+$0x0], $0xffff  }
0x47: {  	v36 =	vadd.s32 $0x438, v3;
	[tilespmem:s7+$0x80] =	vst v8;
	v6 =	vld.idx.msk [tilespmem:v34+s3+$0x0], $0xffff  }
0x48: {  	v37 =	vadd.s32 $0x438, v2;
	v8 =	vld.idx.msk [tilespmem:v35+s3+$0x0], $0xffff  }
0x49: {  	v38 =	vadd.s32 $0x438, v1;
	_ =	sdelay $0x1  }
0x4a: {  	[tilespmem:s5+$0x100] =	vst v4  }
0x4b: {  	[tilespmem:s12+$0x100] =	vst v6;
	v4 =	vld.idx.msk [tilespmem:v36+s3+$0x0], $0xffff  }
0x4c: {  	v39 =	vadd.s32 $0x5A0, v3;
	[tilespmem:s7+$0x100] =	vst v8;
	v6 =	vld.idx.msk [tilespmem:v37+s3+$0x0], $0xffff  }
0x4d: {  	v40 =	vadd.s32 $0x5A0, v2;
	v8 =	vld.idx.msk [tilespmem:v38+s3+$0x0], $0xffff  }
0x4e: {  	v41 =	vadd.s32 $0x5A0, v1;
	_ =	sdelay $0x1  }
0x4f: {  	[tilespmem:s5+$0x180] =	vst v4  }
0x50: {  	[tilespmem:s12+$0x180] =	vst v6;
	v4 =	vld.idx.msk [tilespmem:v39+s3+$0x0], $0xffff  }
0x51: {  	v42 =	vadd.s32 $0x708, v3;
	[tilespmem:s7+$0x180] =	vst v8;
	v6 =	vld.idx.msk [tilespmem:v40+s3+$0x0], $0xffff  }
0x52: {  	v43 =	vadd.s32 $0x708, v2;
	v8 =	vld.idx.msk [tilespmem:v41+s3+$0x0], $0xffff  }
0x53: {  	v44 =	vadd.s32 $0x708, v1;
	_ =	sdelay $0x1  }
0x54: {  	[tilespmem:s5+$0x200] =	vst v4  }
0x55: {  	[tilespmem:s12+$0x200] =	vst v6;
	v4 =	vld.idx.msk [tilespmem:v42+s3+$0x0], $0xffff  }
0x56: {  	v45 =	vadd.s32 $0x870, v3;
	[tilespmem:s7+$0x200] =	vst v8;
	v6 =	vld.idx.msk [tilespmem:v43+s3+$0x0], $0xffff  }
0x57: {  	v46 =	vadd.s32 $0x870, v2;
	v8 =	vld.idx.msk [tilespmem:v44+s3+$0x0], $0xffff  }
0x58: {  	v47 =	vadd.s32 $0x870, v1;
	_ =	sdelay $0x1  }
0x59: {  	[tilespmem:s5+$0x280] =	vst v4  }
0x5a: {  	[tilespmem:s12+$0x280] =	vst v6;
	v4 =	vld.idx.msk [tilespmem:v45+s3+$0x0], $0xffff  }
0x5b: {  	v48 =	vadd.s32 $0x9D8, v3;
	[tilespmem:s7+$0x280] =	vst v8;
	v6 =	vld.idx.msk [tilespmem:v46+s3+$0x0], $0xffff  }
0x5c: {  	v49 =	vadd.s32 $0x9D8, v2;
	v8 =	vld.idx.msk [tilespmem:v47+s3+$0x0], $0xffff  }
0x5d: {  	v50 =	vadd.s32 $0x9D8, v1;
	_ =	sdelay $0x1  }
0x5e: {  	[tilespmem:s5+$0x300] =	vst v4  }
0x5f: {  	v51 =	vadd.s32 $0xB40, v0;
	[tilespmem:s12+$0x300] =	vst v6;
	v5 =	vld.idx.msk [tilespmem:v48+s3+$0x0], $0xffff  }
0x60: {  	v52 =	vadd.s32 $0xB40, v3;
	[tilespmem:s7+$0x300] =	vst v8;
	v7 =	vld.idx.msk [tilespmem:v49+s3+$0x0], $0xffff  }
0x61: {  	v53 =	vadd.s32 $0xB40, v2;
	v9 =	vld.idx.msk [tilespmem:v50+s3+$0x0], $0xffff  }
0x62: {  	v10 =	vadd.s32 $0xB40, v1;
	_ =	sdelay $0x1  }
0x63: {  	v4 =	vld.idx.msk [tilespmem:v51+s3+$0x0], $0xffff;
	[tilespmem:s5+$0x380] =	vst v5  }
0x64: {  	v54 =	vadd.s32 $0xCA8, v0;
	[tilespmem:s12+$0x380] =	vst v7;
	v6 =	vld.idx.msk [tilespmem:v52+s3+$0x0], $0xffff  }
0x65: {  	v55 =	vadd.s32 $0xCA8, v3;
	[tilespmem:s7+$0x380] =	vst v9;
	v8 =	vld.idx.msk [tilespmem:v53+s3+$0x0], $0xffff  }
0x66: {  	v56 =	vadd.s32 $0xCA8, v2;
	s5 =	sadd.s32 $0x6E00, s30;
	v10 =	vld.idx.msk [tilespmem:v10+s3+$0x0], $0xffff  }
0x67: {  	v11 =	vadd.s32 $0xCA8, v1;
	s12 =	sor.u32 s29, s5  }
0x68: {  	[tilespmem:s12+$0x0] =	vst v4;
	s12 =	sor.u32 s31, s5  }
0x69: {  	v4 =	vld.idx.msk [tilespmem:v54+s3+$0x0], $0xffff;
	[tilespmem:s12+$0x0] =	vst v6;
	s12 =	sor.u32 s0, s5  }
0x6a: {  	v57 =	vadd.s32 $0xE10, v0;
	s5 =	sor.u32 s2, s5;
	v6 =	vld.idx.msk [tilespmem:v55+s3+$0x0], $0xffff;
	[tilespmem:s12+$0x0] =	vst v8  }
0x6b: {  	v58 =	vadd.s32 $0xE10, v3;
	[tilespmem:s5+$0x0] =	vst v10;
	v8 =	vld.idx.msk [tilespmem:v56+s3+$0x0], $0xffff  }
0x6c: {  	v59 =	vadd.s32 $0xE10, v2;
	s5 =	sadd.s32 $0x6E80, s30;
	v10 =	vld.idx.msk [tilespmem:v11+s3+$0x0], $0xffff  }
0x6d: {  	v60 =	vadd.s32 $0xE10, v1;
	s12 =	sor.u32 s29, s5  }
0x6e: {  	[tilespmem:s12+$0x0] =	vst v4;
	s12 =	sor.u32 s31, s5  }
0x6f: {  	v4 =	vld.idx.msk [tilespmem:v57+s3+$0x0], $0xffff;
	[tilespmem:s12+$0x0] =	vst v6;
	s12 =	sor.u32 s0, s5  }
0x70: {  	v61 =	vadd.s32 $0xF78, v0;
	s5 =	sor.u32 s2, s5;
	v6 =	vld.idx.msk [tilespmem:v58+s3+$0x0], $0xffff;
	[tilespmem:s12+$0x0] =	vst v8  }
0x71: {  	v62 =	vadd.s32 $0xF78, v3;
	[tilespmem:s5+$0x0] =	vst v10;
	v8 =	vld.idx.msk [tilespmem:v59+s3+$0x0], $0xffff  }
0x72: {  	v63 =	vadd.s32 $0xF78, v2;
	s5 =	sadd.s32 $0x6F00, s30;
	v10 =	vld.idx.msk [tilespmem:v60+s3+$0x0], $0xffff  }
0x73: {  	v12 =	vadd.s32 $0xF78, v1;
	s12 =	sor.u32 s29, s5  }
0x74: {  	[tilespmem:s12+$0x0] =	vst v4;
	s12 =	sor.u32 s31, s5  }
0x75: {  	v4 =	vld.idx.msk [tilespmem:v61+s3+$0x0], $0xffff;
	[tilespmem:s12+$0x0] =	vst v6;
	s12 =	sor.u32 s0, s5  }
0x76: {  	v13 =	vadd.s32 $0x10E0, v0;
	s5 =	sor.u32 s2, s5;
	v6 =	vld.idx.msk [tilespmem:v62+s3+$0x0], $0xffff;
	[tilespmem:s12+$0x0] =	vst v8  }
0x77: {  	v14 =	vadd.s32 $0x10E0, v3;
	[tilespmem:s5+$0x0] =	vst v10;
	v8 =	vld.idx.msk [tilespmem:v63+s3+$0x0], $0xffff  }
0x78: {  	v15 =	vadd.s32 $0x10E0, v2;
	s5 =	sadd.s32 $0x6F80, s30;
	v10 =	vld.idx.msk [tilespmem:v12+s3+$0x0], $0xffff  }
0x79: {  	v16 =	vadd.s32 $0x10E0, v1;
	s12 =	sor.u32 s29, s5  }
0x7a: {  	[tilespmem:s12+$0x0] =	vst v4;
	s12 =	sor.u32 s31, s5  }
0x7b: {  	v4 =	vld.idx.msk [tilespmem:v13+s3+$0x0], $0xffff;
	[tilespmem:s12+$0x0] =	vst v6;
	s12 =	sor.u32 s0, s5  }
0x7c: {  	v17 =	vadd.s32 $0x1248, v0;
	s5 =	sor.u32 s2, s5;
	v6 =	vld.idx.msk [tilespmem:v14+s3+$0x0], $0xffff;
	[tilespmem:s12+$0x0] =	vst v8  }
0x7d: {  	v18 =	vadd.s32 $0x1248, v3;
	[tilespmem:s5+$0x0] =	vst v10;
	v8 =	vld.idx.msk [tilespmem:v15+s3+$0x0], $0xffff  }
0x7e: {  	v19 =	vadd.s32 $0x1248, v2;
	s5 =	sor.u32 $0x7000, s30;
	v10 =	vld.idx.msk [tilespmem:v16+s3+$0x0], $0xffff  }
0x7f: {  	v20 =	vadd.s32 $0x1248, v1;
	s12 =	sor.u32 s29, s5  }
0x80: {  	[tilespmem:s12+$0x0] =	vst v4;
	s12 =	sor.u32 s31, s5  }
0x81: {  	v4 =	vld.idx.msk [tilespmem:v17+s3+$0x0], $0xffff;
	[tilespmem:s12+$0x0] =	vst v6;
	s12 =	sor.u32 s0, s5  }
0x82: {  	v21 =	vadd.s32 $0x13B0, v0;
	s5 =	sor.u32 s2, s5;
	v6 =	vld.idx.msk [tilespmem:v18+s3+$0x0], $0xffff;
	[tilespmem:s12+$0x0] =	vst v8  }
0x83: {  	v22 =	vadd.s32 $0x13B0, v3;
	[tilespmem:s5+$0x0] =	vst v10;
	v8 =	vld.idx.msk [tilespmem:v19+s3+$0x0], $0xffff  }
0x84: {  	v23 =	vadd.s32 $0x13B0, v2;
	s5 =	sor.u32 $0x7080, s30;
	v10 =	vld.idx.msk [tilespmem:v20+s3+$0x0], $0xffff  }
0x85: {  	v24 =	vadd.s32 $0x13B0, v1;
	s12 =	sor.u32 s29, s5  }
0x86: {  	[tilespmem:s12+$0x0] =	vst v4;
	s12 =	sor.u32 s31, s5  }
0x87: {  	v4 =	vld.idx.msk [tilespmem:v21+s3+$0x0], $0xffff;
	[tilespmem:s12+$0x0] =	vst v6;
	s12 =	sor.u32 s0, s5  }
0x88: {  	v25 =	vadd.s32 $0x1518, v0;
	s5 =	sor.u32 s2, s5;
	v6 =	vld.idx.msk [tilespmem:v22+s3+$0x0], $0xffff;
	[tilespmem:s12+$0x0] =	vst v8  }
0x89: {  	v26 =	vadd.s32 $0x1518, v3;
	[tilespmem:s5+$0x0] =	vst v10;
	v8 =	vld.idx.msk [tilespmem:v23+s3+$0x0], $0xffff  }
0x8a: {  	v27 =	vadd.s32 $0x1518, v2;
	s5 =	sor.u32 $0x7100, s30;
	v10 =	vld.idx.msk [tilespmem:v24+s3+$0x0], $0xffff  }
0x8b: {  	v28 =	vadd.s32 $0x1518, v1;
	s12 =	sor.u32 s29, s5  }
0x8c: {  	[tilespmem:s12+$0x0] =	vst v4;
	s12 =	sor.u32 s31, s5  }
0x8d: {  	v4 =	vld.idx.msk [tilespmem:v25+s3+$0x0], $0xffff;
	[tilespmem:s12+$0x0] =	vst v6;
	s12 =	sor.u32 s0, s5  }
0x8e: {  	v29 =	vadd.s32 $0x1680, v0;
	s5 =	sor.u32 s2, s5;
	v6 =	vld.idx.msk [tilespmem:v26+s3+$0x0], $0xffff;
	[tilespmem:s12+$0x0] =	vst v8  }
0x8f: {  	v30 =	vadd.s32 $0x1680, v3;
	[tilespmem:s5+$0x0] =	vst v10;
	v8 =	vld.idx.msk [tilespmem:v27+s3+$0x0], $0xffff  }
0x90: {  	v31 =	vadd.s32 $0x1680, v2;
	s5 =	sor.u32 $0x7180, s30;
	v10 =	vld.idx.msk [tilespmem:v28+s3+$0x0], $0xffff  }
0x91: {  	v32 =	vadd.s32 $0x1680, v1;
	s12 =	sor.u32 s29, s5  }
0x92: {  	[tilespmem:s12+$0x0] =	vst v4;
	s12 =	sor.u32 s31, s5  }
0x93: {  	v4 =	vld.idx.msk [tilespmem:v29+s3+$0x0], $0xffff;
	[tilespmem:s12+$0x0] =	vst v6;
	s12 =	sor.u32 s0, s5  }
0x94: {  	v33 =	vadd.s32 $0x17E8, v0;
	s5 =	sor.u32 s2, s5;
	v6 =	vld.idx.msk [tilespmem:v30+s3+$0x0], $0xffff;
	[tilespmem:s12+$0x0] =	vst v8  }
0x95: {  	v34 =	vadd.s32 $0x17E8, v3;
	[tilespmem:s5+$0x0] =	vst v10;
	v8 =	vld.idx.msk [tilespmem:v31+s3+$0x0], $0xffff  }
0x96: {  	v35 =	vadd.s32 $0x17E8, v2;
	s5 =	sadd.s32 $0x7E00, s30;
	v10 =	vld.idx.msk [tilespmem:v32+s3+$0x0], $0xffff  }
0x97: {  	v36 =	vadd.s32 $0x17E8, v1;
	s12 =	sor.u32 s29, s5  }
0x98: {  	[tilespmem:s12+$0x0] =	vst v4;
	s12 =	sor.u32 s31, s5  }
0x99: {  	v4 =	vld.idx.msk [tilespmem:v33+s3+$0x0], $0xffff;
	[tilespmem:s12+$0x0] =	vst v6;
	s12 =	sor.u32 s0, s5  }
0x9a: {  	v37 =	vadd.s32 $0x1950, v0;
	s5 =	sor.u32 s2, s5;
	v6 =	vld.idx.msk [tilespmem:v34+s3+$0x0], $0xffff;
	[tilespmem:s12+$0x0] =	vst v8  }
0x9b: {  	v38 =	vadd.s32 $0x1950, v3;
	[tilespmem:s5+$0x0] =	vst v10;
	v8 =	vld.idx.msk [tilespmem:v35+s3+$0x0], $0xffff  }
0x9c: {  	v39 =	vadd.s32 $0x1950, v2;
	s5 =	sadd.s32 $0x7E80, s30;
	v10 =	vld.idx.msk [tilespmem:v36+s3+$0x0], $0xffff  }
0x9d: {  	v40 =	vadd.s32 $0x1950, v1;
	s12 =	sor.u32 s29, s5  }
0x9e: {  	[tilespmem:s12+$0x0] =	vst v4;
	s12 =	sor.u32 s31, s5  }
0x9f: {  	v4 =	vld.idx.msk [tilespmem:v37+s3+$0x0], $0xffff;
	[tilespmem:s12+$0x0] =	vst v6;
	s12 =	sor.u32 s0, s5  }
0xa0: {  	v41 =	vadd.s32 $0x1AB8, v0;
	s5 =	sor.u32 s2, s5;
	v6 =	vld.idx.msk [tilespmem:v38+s3+$0x0], $0xffff;
	[tilespmem:s12+$0x0] =	vst v8  }
0xa1: {  	v42 =	vadd.s32 $0x1AB8, v3;
	[tilespmem:s5+$0x0] =	vst v10;
	v8 =	vld.idx.msk [tilespmem:v39+s3+$0x0], $0xffff  }
0xa2: {  	v43 =	vadd.s32 $0x1AB8, v2;
	s5 =	sadd.s32 $0x7F00, s30;
	v10 =	vld.idx.msk [tilespmem:v40+s3+$0x0], $0xffff  }
0xa3: {  	v44 =	vadd.s32 $0x1AB8, v1;
	s12 =	sor.u32 s29, s5  }
0xa4: {  	[tilespmem:s12+$0x0] =	vst v4;
	s12 =	sor.u32 s31, s5  }
0xa5: {  	v4 =	vld.idx.msk [tilespmem:v41+s3+$0x0], $0xffff;
	[tilespmem:s12+$0x0] =	vst v6;
	s12 =	sor.u32 s0, s5  }
0xa6: {  	v45 =	vadd.s32 $0x1C20, v0;
	s5 =	sor.u32 s2, s5;
	v6 =	vld.idx.msk [tilespmem:v42+s3+$0x0], $0xffff;
	[tilespmem:s12+$0x0] =	vst v8  }
0xa7: {  	v46 =	vadd.s32 $0x1C20, v3;
	[tilespmem:s5+$0x0] =	vst v10;
	v8 =	vld.idx.msk [tilespmem:v43+s3+$0x0], $0xffff  }
0xa8: {  	v47 =	vadd.s32 $0x1C20, v2;
	s5 =	sadd.s32 $0x7F80, s30;
	v10 =	vld.idx.msk [tilespmem:v44+s3+$0x0], $0xffff  }
0xa9: {  	v48 =	vadd.s32 $0x1C20, v1;
	s12 =	sor.u32 s29, s5  }
0xaa: {  	[tilespmem:s12+$0x0] =	vst v4;
	s12 =	sor.u32 s31, s5  }
0xab: {  	v4 =	vld.idx.msk [tilespmem:v45+s3+$0x0], $0xffff;
	[tilespmem:s12+$0x0] =	vst v6;
	s12 =	sor.u32 s0, s5  }
0xac: {  	v49 =	vadd.s32 $0x1D88, v0;
	s5 =	sor.u32 s2, s5;
	v6 =	vld.idx.msk [tilespmem:v46+s3+$0x0], $0xffff;
	[tilespmem:s12+$0x0] =	vst v8  }
0xad: {  	v50 =	vadd.s32 $0x1D88, v3;
	[tilespmem:s5+$0x0] =	vst v10;
	v8 =	vld.idx.msk [tilespmem:v47+s3+$0x0], $0xffff  }
0xae: {  	v51 =	vadd.s32 $0x1D88, v2;
	s5 =	sor.u32 $0x8000, s30;
	v10 =	vld.idx.msk [tilespmem:v48+s3+$0x0], $0xffff  }
0xaf: {  	v52 =	vadd.s32 $0x1D88, v1;
	s12 =	sor.u32 s29, s5  }
0xb0: {  	[tilespmem:s12+$0x0] =	vst v4;
	s12 =	sor.u32 s31, s5  }
0xb1: {  	v4 =	vld.idx.msk [tilespmem:v49+s3+$0x0], $0xffff;
	[tilespmem:s12+$0x0] =	vst v6;
	s12 =	sor.u32 s0, s5  }
0xb2: {  	v53 =	vadd.s32 $0x1EF0, v0;
	s5 =	sor.u32 s2, s5;
	v6 =	vld.idx.msk [tilespmem:v50+s3+$0x0], $0xffff;
	[tilespmem:s12+$0x0] =	vst v8  }
0xb3: {  	v54 =	vadd.s32 $0x1EF0, v3;
	[tilespmem:s5+$0x0] =	vst v10;
	v8 =	vld.idx.msk [tilespmem:v51+s3+$0x0], $0xffff  }
0xb4: {  	v55 =	vadd.s32 $0x1EF0, v2;
	s5 =	sor.u32 $0x8080, s30;
	v10 =	vld.idx.msk [tilespmem:v52+s3+$0x0], $0xffff  }
0xb5: {  	v56 =	vadd.s32 $0x1EF0, v1;
	s12 =	sor.u32 s29, s5  }
0xb6: {  	[tilespmem:s12+$0x0] =	vst v4;
	s12 =	sor.u32 s31, s5  }
0xb7: {  	v4 =	vld.idx.msk [tilespmem:v53+s3+$0x0], $0xffff;
	[tilespmem:s12+$0x0] =	vst v6;
	s12 =	sor.u32 s0, s5  }
0xb8: {  	v57 =	vadd.s32 $0x2058, v0;
	s5 =	sor.u32 s2, s5;
	v6 =	vld.idx.msk [tilespmem:v54+s3+$0x0], $0xffff;
	[tilespmem:s12+$0x0] =	vst v8  }
0xb9: {  	v58 =	vadd.s32 $0x2058, v3;
	[tilespmem:s5+$0x0] =	vst v10;
	v8 =	vld.idx.msk [tilespmem:v55+s3+$0x0], $0xffff  }
0xba: {  	v59 =	vadd.s32 $0x2058, v2;
	s5 =	sor.u32 $0x8100, s30;
	v10 =	vld.idx.msk [tilespmem:v56+s3+$0x0], $0xffff  }
0xbb: {  	v60 =	vadd.s32 $0x2058, v1;
	s12 =	sor.u32 s29, s5  }
0xbc: {  	[tilespmem:s12+$0x0] =	vst v4;
	s12 =	sor.u32 s31, s5  }
0xbd: {  	v4 =	vld.idx.msk [tilespmem:v57+s3+$0x0], $0xffff;
	[tilespmem:s12+$0x0] =	vst v6;
	s12 =	sor.u32 s0, s5  }
0xbe: {  	v61 =	vadd.s32 $0x21C0, v0;
	s5 =	sor.u32 s2, s5;
	v6 =	vld.idx.msk [tilespmem:v58+s3+$0x0], $0xffff;
	[tilespmem:s12+$0x0] =	vst v8  }
0xbf: {  	v62 =	vadd.s32 $0x21C0, v3;
	[tilespmem:s5+$0x0] =	vst v10;
	v8 =	vld.idx.msk [tilespmem:v59+s3+$0x0], $0xffff  }
0xc0: {  	v63 =	vadd.s32 $0x21C0, v2;
	s5 =	sor.u32 $0x8180, s30;
	v10 =	vld.idx.msk [tilespmem:v60+s3+$0x0], $0xffff  }
0xc1: {  	v12 =	vadd.s32 $0x21C0, v1;
	s12 =	sor.u32 s29, s5  }
0xc2: {  	[tilespmem:s12+$0x0] =	vst v4;
	s12 =	sor.u32 s31, s5  }
0xc3: {  	v4 =	vld.idx.msk [tilespmem:v61+s3+$0x0], $0xffff;
	[tilespmem:s12+$0x0] =	vst v6;
	s12 =	sor.u32 s0, s5  }
0xc4: {  	v13 =	vadd.s32 $0x2328, v0;
	s5 =	sor.u32 s2, s5;
	v6 =	vld.idx.msk [tilespmem:v62+s3+$0x0], $0xffff;
	[tilespmem:s12+$0x0] =	vst v8  }
0xc5: {  	v14 =	vadd.s32 $0x2328, v3;
	[tilespmem:s5+$0x0] =	vst v10;
	v8 =	vld.idx.msk [tilespmem:v63+s3+$0x0], $0xffff  }
0xc6: {  	v15 =	vadd.s32 $0x2328, v2;
	s5 =	sadd.s32 $0x8E00, s30;
	v10 =	vld.idx.msk [tilespmem:v12+s3+$0x0], $0xffff  }
0xc7: {  	v16 =	vadd.s32 $0x2328, v1;
	s12 =	sor.u32 s29, s5  }
0xc8: {  	[tilespmem:s12+$0x0] =	vst v4;
	s12 =	sor.u32 s31, s5  }
0xc9: {  	v4 =	vld.idx.msk [tilespmem:v13+s3+$0x0], $0xffff;
	[tilespmem:s12+$0x0] =	vst v6;
	s12 =	sor.u32 s0, s5  }
0xca: {  	v17 =	vadd.s32 $0x2490, v0;
	s5 =	sor.u32 s2, s5;
	v6 =	vld.idx.msk [tilespmem:v14+s3+$0x0], $0xffff;
	[tilespmem:s12+$0x0] =	vst v8  }
0xcb: {  	v18 =	vadd.s32 $0x2490, v3;
	[tilespmem:s5+$0x0] =	vst v10;
	v8 =	vld.idx.msk [tilespmem:v15+s3+$0x0], $0xffff  }
0xcc: {  	v19 =	vadd.s32 $0x2490, v2;
	s5 =	sadd.s32 $0x8E80, s30;
	v10 =	vld.idx.msk [tilespmem:v16+s3+$0x0], $0xffff  }
0xcd: {  	v20 =	vadd.s32 $0x2490, v1;
	s12 =	sor.u32 s29, s5  }
0xce: {  	[tilespmem:s12+$0x0] =	vst v4;
	s12 =	sor.u32 s31, s5  }
0xcf: {  	v4 =	vld.idx.msk [tilespmem:v17+s3+$0x0], $0xffff;
	[tilespmem:s12+$0x0] =	vst v6;
	s12 =	sor.u32 s0, s5  }
0xd0: {  	v21 =	vadd.s32 $0x25F8, v0;
	s5 =	sor.u32 s2, s5;
	v6 =	vld.idx.msk [tilespmem:v18+s3+$0x0], $0xffff;
	[tilespmem:s12+$0x0] =	vst v8  }
0xd1: {  	v22 =	vadd.s32 $0x25F8, v3;
	[tilespmem:s5+$0x0] =	vst v10;
	v8 =	vld.idx.msk [tilespmem:v19+s3+$0x0], $0xffff  }
0xd2: {  	v23 =	vadd.s32 $0x25F8, v2;
	s5 =	sadd.s32 $0x8F00, s30;
	v10 =	vld.idx.msk [tilespmem:v20+s3+$0x0], $0xffff  }
0xd3: {  	v24 =	vadd.s32 $0x25F8, v1;
	s12 =	sor.u32 s29, s5  }
0xd4: {  	[tilespmem:s12+$0x0] =	vst v4;
	s12 =	sor.u32 s31, s5  }
0xd5: {  	v4 =	vld.idx.msk [tilespmem:v21+s3+$0x0], $0xffff;
	[tilespmem:s12+$0x0] =	vst v6;
	s12 =	sor.u32 s0, s5  }
0xd6: {  	v25 =	vadd.s32 $0x2760, v0;
	s5 =	sor.u32 s2, s5;
	v6 =	vld.idx.msk [tilespmem:v22+s3+$0x0], $0xffff;
	[tilespmem:s12+$0x0] =	vst v8  }
0xd7: {  	v26 =	vadd.s32 $0x2760, v3;
	[tilespmem:s5+$0x0] =	vst v10;
	v8 =	vld.idx.msk [tilespmem:v23+s3+$0x0], $0xffff  }
0xd8: {  	v27 =	vadd.s32 $0x2760, v2;
	s5 =	sadd.s32 $0x8F80, s30;
	v10 =	vld.idx.msk [tilespmem:v24+s3+$0x0], $0xffff  }
0xd9: {  	v28 =	vadd.s32 $0x2760, v1;
	s12 =	sor.u32 s29, s5  }
0xda: {  	[tilespmem:s12+$0x0] =	vst v4;
	s12 =	sor.u32 s31, s5  }
0xdb: {  	v4 =	vld.idx.msk [tilespmem:v25+s3+$0x0], $0xffff;
	[tilespmem:s12+$0x0] =	vst v6;
	s12 =	sor.u32 s0, s5  }
0xdc: {  	v29 =	vadd.s32 $0x28C8, v0;
	s5 =	sor.u32 s2, s5;
	v6 =	vld.idx.msk [tilespmem:v26+s3+$0x0], $0xffff;
	[tilespmem:s12+$0x0] =	vst v8  }
0xdd: {  	v30 =	vadd.s32 $0x28C8, v3;
	[tilespmem:s5+$0x0] =	vst v10;
	v8 =	vld.idx.msk [tilespmem:v27+s3+$0x0], $0xffff  }
0xde: {  	v31 =	vadd.s32 $0x28C8, v2;
	s5 =	sor.u32 $0x9000, s30;
	v10 =	vld.idx.msk [tilespmem:v28+s3+$0x0], $0xffff  }
0xdf: {  	v32 =	vadd.s32 $0x28C8, v1;
	s12 =	sor.u32 s29, s5  }
0xe0: {  	[tilespmem:s12+$0x0] =	vst v4;
	s12 =	sor.u32 s31, s5  }
0xe1: {  	v4 =	vld.idx.msk [tilespmem:v29+s3+$0x0], $0xffff;
	[tilespmem:s12+$0x0] =	vst v6;
	s12 =	sor.u32 s0, s5  }
0xe2: {  	v33 =	vadd.s32 $0x2A30, v0;
	s5 =	sor.u32 s2, s5;
	v6 =	vld.idx.msk [tilespmem:v30+s3+$0x0], $0xffff;
	[tilespmem:s12+$0x0] =	vst v8  }
0xe3: {  	v34 =	vadd.s32 $0x2A30, v3;
	[tilespmem:s5+$0x0] =	vst v10;
	v8 =	vld.idx.msk [tilespmem:v31+s3+$0x0], $0xffff  }
0xe4: {  	v35 =	vadd.s32 $0x2A30, v2;
	s5 =	sor.u32 $0x9080, s30;
	v10 =	vld.idx.msk [tilespmem:v32+s3+$0x0], $0xffff  }
0xe5: {  	v36 =	vadd.s32 $0x2A30, v1;
	s12 =	sor.u32 s29, s5  }
0xe6: {  	[tilespmem:s12+$0x0] =	vst v4;
	s12 =	sor.u32 s31, s5  }
0xe7: {  	v4 =	vld.idx.msk [tilespmem:v33+s3+$0x0], $0xffff;
	[tilespmem:s12+$0x0] =	vst v6;
	s12 =	sor.u32 s0, s5  }
0xe8: {  	v37 =	vadd.s32 $0x2B98, v0;
	s5 =	sor.u32 s2, s5;
	v6 =	vld.idx.msk [tilespmem:v34+s3+$0x0], $0xffff;
	[tilespmem:s12+$0x0] =	vst v8  }
0xe9: {  	v38 =	vadd.s32 $0x2B98, v3;
	[tilespmem:s5+$0x0] =	vst v10;
	v8 =	vld.idx.msk [tilespmem:v35+s3+$0x0], $0xffff  }
0xea: {  	v39 =	vadd.s32 $0x2B98, v2;
	s5 =	sor.u32 $0x9100, s30;
	v10 =	vld.idx.msk [tilespmem:v36+s3+$0x0], $0xffff  }
0xeb: {  	v40 =	vadd.s32 $0x2B98, v1;
	s12 =	sor.u32 s29, s5  }
0xec: {  	[tilespmem:s12+$0x0] =	vst v4;
	s12 =	sor.u32 s31, s5  }
0xed: {  	v4 =	vld.idx.msk [tilespmem:v37+s3+$0x0], $0xffff;
	[tilespmem:s12+$0x0] =	vst v6;
	s12 =	sor.u32 s0, s5  }
0xee: {  	v41 =	vadd.s32 $0x2D00, v0;
	s5 =	sor.u32 s2, s5;
	v6 =	vld.idx.msk [tilespmem:v38+s3+$0x0], $0xffff;
	[tilespmem:s12+$0x0] =	vst v8  }
0xef: {  	v42 =	vadd.s32 $0x2D00, v3;
	[tilespmem:s5+$0x0] =	vst v10;
	v8 =	vld.idx.msk [tilespmem:v39+s3+$0x0], $0xffff  }
0xf0: {  	v43 =	vadd.s32 $0x2D00, v2;
	s5 =	sor.u32 $0x9180, s30;
	v10 =	vld.idx.msk [tilespmem:v40+s3+$0x0], $0xffff  }
0xf1: {  	v44 =	vadd.s32 $0x2D00, v1;
	s12 =	sor.u32 s29, s5  }
0xf2: {  	[tilespmem:s12+$0x0] =	vst v4;
	s12 =	sor.u32 s31, s5  }
0xf3: {  	v4 =	vld.idx.msk [tilespmem:v41+s3+$0x0], $0xffff;
	[tilespmem:s12+$0x0] =	vst v6;
	s12 =	sor.u32 s0, s5  }
0xf4: {  	v45 =	vadd.s32 $0x2E68, v0;
	s5 =	sor.u32 s2, s5;
	v6 =	vld.idx.msk [tilespmem:v42+s3+$0x0], $0xffff;
	[tilespmem:s12+$0x0] =	vst v8  }
0xf5: {  	v46 =	vadd.s32 $0x2E68, v3;
	[tilespmem:s5+$0x0] =	vst v10;
	v8 =	vld.idx.msk [tilespmem:v43+s3+$0x0], $0xffff  }
0xf6: {  	v47 =	vadd.s32 $0x2E68, v2;
	s5 =	sadd.s32 $0x9E00, s30;
	v10 =	vld.idx.msk [tilespmem:v44+s3+$0x0], $0xffff  }
0xf7: {  	v48 =	vadd.s32 $0x2E68, v1;
	s12 =	sor.u32 s29, s5  }
0xf8: {  	[tilespmem:s12+$0x0] =	vst v4;
	s12 =	sor.u32 s31, s5  }
0xf9: {  	v4 =	vld.idx.msk [tilespmem:v45+s3+$0x0], $0xffff;
	[tilespmem:s12+$0x0] =	vst v6;
	s12 =	sor.u32 s0, s5  }
0xfa: {  	v49 =	vadd.s32 $0x2FD0, v0;
	s5 =	sor.u32 s2, s5;
	v6 =	vld.idx.msk [tilespmem:v46+s3+$0x0], $0xffff;
	[tilespmem:s12+$0x0] =	vst v8  }
0xfb: {  	v50 =	vadd.s32 $0x2FD0, v3;
	[tilespmem:s5+$0x0] =	vst v10;
	v8 =	vld.idx.msk [tilespmem:v47+s3+$0x0], $0xffff  }
0xfc: {  	v51 =	vadd.s32 $0x2FD0, v2;
	s5 =	sadd.s32 $0x9E80, s30;
	v10 =	vld.idx.msk [tilespmem:v48+s3+$0x0], $0xffff  }
0xfd: {  	v52 =	vadd.s32 $0x2FD0, v1;
	s12 =	sor.u32 s29, s5  }
0xfe: {  	[tilespmem:s12+$0x0] =	vst v4;
	s12 =	sor.u32 s31, s5  }
0xff: {  	v4 =	vld.idx.msk [tilespmem:v49+s3+$0x0], $0xffff;
	[tilespmem:s12+$0x0] =	vst v6;
	s12 =	sor.u32 s0, s5  }
0x100: {  	v53 =	vadd.s32 $0x3138, v0;
	s5 =	sor.u32 s2, s5;
	v6 =	vld.idx.msk [tilespmem:v50+s3+$0x0], $0xffff;
	[tilespmem:s12+$0x0] =	vst v8  }
0x101: {  	v54 =	vadd.s32 $0x3138, v3;
	[tilespmem:s5+$0x0] =	vst v10;
	v8 =	vld.idx.msk [tilespmem:v51+s3+$0x0], $0xffff  }
0x102: {  	v55 =	vadd.s32 $0x3138, v2;
	s5 =	sadd.s32 $0x9F00, s30;
	v10 =	vld.idx.msk [tilespmem:v52+s3+$0x0], $0xffff  }
0x103: {  	v56 =	vadd.s32 $0x3138, v1;
	s12 =	sor.u32 s29, s5  }
0x104: {  	[tilespmem:s12+$0x0] =	vst v4;
	s12 =	sor.u32 s31, s5  }
0x105: {  	v4 =	vld.idx.msk [tilespmem:v53+s3+$0x0], $0xffff;
	[tilespmem:s12+$0x0] =	vst v6;
	s12 =	sor.u32 s0, s5  }
0x106: {  	v57 =	vadd.s32 $0x32A0, v0;
	s5 =	sor.u32 s2, s5;
	v6 =	vld.idx.msk [tilespmem:v54+s3+$0x0], $0xffff;
	[tilespmem:s12+$0x0] =	vst v8  }
0x107: {  	v58 =	vadd.s32 $0x32A0, v3;
	[tilespmem:s5+$0x0] =	vst v10;
	v8 =	vld.idx.msk [tilespmem:v55+s3+$0x0], $0xffff  }
0x108: {  	v59 =	vadd.s32 $0x32A0, v2;
	s5 =	sadd.s32 $0x9F80, s30;
	v10 =	vld.idx.msk [tilespmem:v56+s3+$0x0], $0xffff  }
0x109: {  	v60 =	vadd.s32 $0x32A0, v1;
	s12 =	sor.u32 s29, s5  }
0x10a: {  	[tilespmem:s12+$0x0] =	vst v4;
	s12 =	sor.u32 s31, s5  }
0x10b: {  	v4 =	vld.idx.msk [tilespmem:v57+s3+$0x0], $0xffff;
	[tilespmem:s12+$0x0] =	vst v6;
	s12 =	sor.u32 s0, s5  }
0x10c: {  	v61 =	vadd.s32 $0x3408, v0;
	s5 =	sor.u32 s2, s5;
	v6 =	vld.idx.msk [tilespmem:v58+s3+$0x0], $0xffff;
	[tilespmem:s12+$0x0] =	vst v8  }
0x10d: {  	v62 =	vadd.s32 $0x3408, v3;
	[tilespmem:s5+$0x0] =	vst v10;
	v8 =	vld.idx.msk [tilespmem:v59+s3+$0x0], $0xffff  }
0x10e: {  	v63 =	vadd.s32 $0x3408, v2;
	s5 =	sor.u32 $0xA000, s30;
	v10 =	vld.idx.msk [tilespmem:v60+s3+$0x0], $0xffff  }
0x10f: {  	v12 =	vadd.s32 $0x3408, v1;
	s12 =	sor.u32 s29, s5  }
0x110: {  	[tilespmem:s12+$0x0] =	vst v4;
	s12 =	sor.u32 s31, s5  }
0x111: {  	v4 =	vld.idx.msk [tilespmem:v61+s3+$0x0], $0xffff;
	[tilespmem:s12+$0x0] =	vst v6;
	s12 =	sor.u32 s0, s5  }
0x112: {  	v13 =	vadd.s32 $0x3570, v0;
	s5 =	sor.u32 s2, s5;
	v6 =	vld.idx.msk [tilespmem:v62+s3+$0x0], $0xffff;
	[tilespmem:s12+$0x0] =	vst v8  }
0x113: {  	v14 =	vadd.s32 $0x3570, v3;
	[tilespmem:s5+$0x0] =	vst v10;
	v8 =	vld.idx.msk [tilespmem:v63+s3+$0x0], $0xffff  }
0x114: {  	v15 =	vadd.s32 $0x3570, v2;
	s5 =	sor.u32 $0xA080, s30;
	v10 =	vld.idx.msk [tilespmem:v12+s3+$0x0], $0xffff  }
0x115: {  	v16 =	vadd.s32 $0x3570, v1;
	s12 =	sor.u32 s29, s5  }
0x116: {  	[tilespmem:s12+$0x0] =	vst v4;
	s12 =	sor.u32 s31, s5  }
0x117: {  	v4 =	vld.idx.msk [tilespmem:v13+s3+$0x0], $0xffff;
	[tilespmem:s12+$0x0] =	vst v6;
	s12 =	sor.u32 s0, s5  }
0x118: {  	v17 =	vadd.s32 $0x36D8, v0;
	s5 =	sor.u32 s2, s5;
	v6 =	vld.idx.msk [tilespmem:v14+s3+$0x0], $0xffff;
	[tilespmem:s12+$0x0] =	vst v8  }
0x119: {  	v18 =	vadd.s32 $0x36D8, v3;
	[tilespmem:s5+$0x0] =	vst v10;
	v8 =	vld.idx.msk [tilespmem:v15+s3+$0x0], $0xffff  }
0x11a: {  	v19 =	vadd.s32 $0x36D8, v2;
	s5 =	sor.u32 $0xA100, s30;
	v10 =	vld.idx.msk [tilespmem:v16+s3+$0x0], $0xffff  }
0x11b: {  	v20 =	vadd.s32 $0x36D8, v1;
	s12 =	sor.u32 s29, s5  }
0x11c: {  	[tilespmem:s12+$0x0] =	vst v4;
	s12 =	sor.u32 s31, s5  }
0x11d: {  	v4 =	vld.idx.msk [tilespmem:v17+s3+$0x0], $0xffff;
	[tilespmem:s12+$0x0] =	vst v6;
	s12 =	sor.u32 s0, s5  }
0x11e: {  	v21 =	vadd.s32 $0x3840, v0;
	s5 =	sor.u32 s2, s5;
	v6 =	vld.idx.msk [tilespmem:v18+s3+$0x0], $0xffff;
	[tilespmem:s12+$0x0] =	vst v8  }
0x11f: {  	v22 =	vadd.s32 $0x3840, v3;
	[tilespmem:s5+$0x0] =	vst v10;
	v8 =	vld.idx.msk [tilespmem:v19+s3+$0x0], $0xffff  }
0x120: {  	v23 =	vadd.s32 $0x3840, v2;
	s5 =	sor.u32 $0xA180, s30;
	v10 =	vld.idx.msk [tilespmem:v20+s3+$0x0], $0xffff  }
0x121: {  	v24 =	vadd.s32 $0x3840, v1;
	s12 =	sor.u32 s29, s5  }
0x122: {  	[tilespmem:s12+$0x0] =	vst v4;
	s12 =	sor.u32 s31, s5  }
0x123: {  	v4 =	vld.idx.msk [tilespmem:v21+s3+$0x0], $0xffff;
	[tilespmem:s12+$0x0] =	vst v6;
	s12 =	sor.u32 s0, s5  }
0x124: {  	v25 =	vadd.s32 $0x39A8, v0;
	s5 =	sor.u32 s2, s5;
	v6 =	vld.idx.msk [tilespmem:v22+s3+$0x0], $0xffff;
	[tilespmem:s12+$0x0] =	vst v8  }
0x125: {  	v26 =	vadd.s32 $0x39A8, v3;
	[tilespmem:s5+$0x0] =	vst v10;
	v8 =	vld.idx.msk [tilespmem:v23+s3+$0x0], $0xffff  }
0x126: {  	v27 =	vadd.s32 $0x39A8, v2;
	s5 =	sadd.s32 $0xAE00, s30;
	v10 =	vld.idx.msk [tilespmem:v24+s3+$0x0], $0xffff  }
0x127: {  	v28 =	vadd.s32 $0x39A8, v1;
	s12 =	sor.u32 s29, s5  }
0x128: {  	[tilespmem:s12+$0x0] =	vst v4;
	s12 =	sor.u32 s31, s5  }
0x129: {  	v4 =	vld.idx.msk [tilespmem:v25+s3+$0x0], $0xffff;
	[tilespmem:s12+$0x0] =	vst v6;
	s12 =	sor.u32 s0, s5  }
0x12a: {  	v29 =	vadd.s32 $0x3B10, v0;
	s5 =	sor.u32 s2, s5;
	v6 =	vld.idx.msk [tilespmem:v26+s3+$0x0], $0xffff;
	[tilespmem:s12+$0x0] =	vst v8  }
0x12b: {  	v30 =	vadd.s32 $0x3B10, v3;
	[tilespmem:s5+$0x0] =	vst v10;
	v8 =	vld.idx.msk [tilespmem:v27+s3+$0x0], $0xffff  }
0x12c: {  	v31 =	vadd.s32 $0x3B10, v2;
	s5 =	sadd.s32 $0xAE80, s30;
	v10 =	vld.idx.msk [tilespmem:v28+s3+$0x0], $0xffff  }
0x12d: {  	v32 =	vadd.s32 $0x3B10, v1;
	s12 =	sor.u32 s29, s5  }
0x12e: {  	[tilespmem:s12+$0x0] =	vst v4;
	s12 =	sor.u32 s31, s5  }
0x12f: {  	v4 =	vld.idx.msk [tilespmem:v29+s3+$0x0], $0xffff;
	[tilespmem:s12+$0x0] =	vst v6;
	s12 =	sor.u32 s0, s5  }
0x130: {  	v33 =	vadd.s32 $0x3C78, v0;
	s5 =	sor.u32 s2, s5;
	v6 =	vld.idx.msk [tilespmem:v30+s3+$0x0], $0xffff;
	[tilespmem:s12+$0x0] =	vst v8  }
0x131: {  	v34 =	vadd.s32 $0x3C78, v3;
	[tilespmem:s5+$0x0] =	vst v10;
	v8 =	vld.idx.msk [tilespmem:v31+s3+$0x0], $0xffff  }
0x132: {  	v35 =	vadd.s32 $0x3C78, v2;
	s5 =	sadd.s32 $0xAF00, s30;
	v10 =	vld.idx.msk [tilespmem:v32+s3+$0x0], $0xffff  }
0x133: {  	v36 =	vadd.s32 $0x3C78, v1;
	s12 =	sor.u32 s29, s5  }
0x134: {  	[tilespmem:s12+$0x0] =	vst v4;
	s12 =	sor.u32 s31, s5  }
0x135: {  	v4 =	vld.idx.msk [tilespmem:v33+s3+$0x0], $0xffff;
	[tilespmem:s12+$0x0] =	vst v6;
	s12 =	sor.u32 s0, s5  }
0x136: {  	v37 =	vadd.s32 $0x3DE0, v0;
	s5 =	sor.u32 s2, s5;
	v6 =	vld.idx.msk [tilespmem:v34+s3+$0x0], $0xffff;
	[tilespmem:s12+$0x0] =	vst v8  }
0x137: {  	v38 =	vadd.s32 $0x3DE0, v3;
	[tilespmem:s5+$0x0] =	vst v10;
	v8 =	vld.idx.msk [tilespmem:v35+s3+$0x0], $0xffff  }
0x138: {  	v39 =	vadd.s32 $0x3DE0, v2;
	s5 =	sadd.s32 $0xAF80, s30;
	v10 =	vld.idx.msk [tilespmem:v36+s3+$0x0], $0xffff  }
0x139: {  	v40 =	vadd.s32 $0x3DE0, v1;
	s12 =	sor.u32 s29, s5  }
0x13a: {  	[tilespmem:s12+$0x0] =	vst v4;
	s12 =	sor.u32 s31, s5  }
0x13b: {  	v4 =	vld.idx.msk [tilespmem:v37+s3+$0x0], $0xffff;
	[tilespmem:s12+$0x0] =	vst v6;
	s12 =	sor.u32 s0, s5  }
0x13c: {  	v41 =	vadd.s32 $0x3F48, v0;
	s5 =	sor.u32 s2, s5;
	v6 =	vld.idx.msk [tilespmem:v38+s3+$0x0], $0xffff;
	[tilespmem:s12+$0x0] =	vst v8  }
0x13d: {  	v42 =	vadd.s32 $0x3F48, v3;
	[tilespmem:s5+$0x0] =	vst v10;
	v8 =	vld.idx.msk [tilespmem:v39+s3+$0x0], $0xffff  }
0x13e: {  	v43 =	vadd.s32 $0x3F48, v2;
	s5 =	sor.u32 $0xB000, s30;
	v10 =	vld.idx.msk [tilespmem:v40+s3+$0x0], $0xffff  }
0x13f: {  	v44 =	vadd.s32 $0x3F48, v1;
	s12 =	sor.u32 s29, s5  }
0x140: {  	[tilespmem:s12+$0x0] =	vst v4;
	s12 =	sor.u32 s31, s5  }
0x141: {  	v4 =	vld.idx.msk [tilespmem:v41+s3+$0x0], $0xffff;
	[tilespmem:s12+$0x0] =	vst v6;
	s12 =	sor.u32 s0, s5  }
0x142: {  	v45 =	vadd.s32 $0x40B0, v0;
	s5 =	sor.u32 s2, s5;
	v6 =	vld.idx.msk [tilespmem:v42+s3+$0x0], $0xffff;
	[tilespmem:s12+$0x0] =	vst v8  }
0x143: {  	v46 =	vadd.s32 $0x40B0, v3;
	[tilespmem:s5+$0x0] =	vst v10;
	v8 =	vld.idx.msk [tilespmem:v43+s3+$0x0], $0xffff  }
0x144: {  	v47 =	vadd.s32 $0x40B0, v2;
	s5 =	sor.u32 $0xB080, s30;
	v10 =	vld.idx.msk [tilespmem:v44+s3+$0x0], $0xffff  }
0x145: {  	v48 =	vadd.s32 $0x40B0, v1;
	s12 =	sor.u32 s29, s5  }
0x146: {  	[tilespmem:s12+$0x0] =	vst v4;
	s12 =	sor.u32 s31, s5  }
0x147: {  	v4 =	vld.idx.msk [tilespmem:v45+s3+$0x0], $0xffff;
	[tilespmem:s12+$0x0] =	vst v6;
	s12 =	sor.u32 s0, s5  }
0x148: {  	v49 =	vadd.s32 $0x4218, v0;
	s5 =	sor.u32 s2, s5;
	v6 =	vld.idx.msk [tilespmem:v46+s3+$0x0], $0xffff;
	[tilespmem:s12+$0x0] =	vst v8  }
0x149: {  	v50 =	vadd.s32 $0x4218, v3;
	[tilespmem:s5+$0x0] =	vst v10;
	v8 =	vld.idx.msk [tilespmem:v47+s3+$0x0], $0xffff  }
0x14a: {  	v51 =	vadd.s32 $0x4218, v2;
	s5 =	sor.u32 $0xB100, s30;
	v10 =	vld.idx.msk [tilespmem:v48+s3+$0x0], $0xffff  }
0x14b: {  	v52 =	vadd.s32 $0x4218, v1;
	s12 =	sor.u32 s29, s5  }
0x14c: {  	[tilespmem:s12+$0x0] =	vst v4;
	s12 =	sor.u32 s31, s5  }
0x14d: {  	v4 =	vld.idx.msk [tilespmem:v49+s3+$0x0], $0xffff;
	[tilespmem:s12+$0x0] =	vst v6;
	s12 =	sor.u32 s0, s5  }
0x14e: {  	v53 =	vadd.s32 $0x4380, v0;
	s5 =	sor.u32 s2, s5;
	v6 =	vld.idx.msk [tilespmem:v50+s3+$0x0], $0xffff;
	[tilespmem:s12+$0x0] =	vst v8  }
0x14f: {  	v54 =	vadd.s32 $0x4380, v3;
	[tilespmem:s5+$0x0] =	vst v10;
	v8 =	vld.idx.msk [tilespmem:v51+s3+$0x0], $0xffff  }
0x150: {  	v55 =	vadd.s32 $0x4380, v2;
	s5 =	sor.u32 $0xB180, s30;
	v10 =	vld.idx.msk [tilespmem:v52+s3+$0x0], $0xffff  }
0x151: {  	v56 =	vadd.s32 $0x4380, v1;
	s12 =	sor.u32 s29, s5  }
0x152: {  	[tilespmem:s12+$0x0] =	vst v4;
	s12 =	sor.u32 s31, s5  }
0x153: {  	v4 =	vld.idx.msk [tilespmem:v53+s3+$0x0], $0xffff;
	[tilespmem:s12+$0x0] =	vst v6;
	s12 =	sor.u32 s0, s5  }
0x154: {  	v57 =	vadd.s32 $0x44E8, v0;
	s5 =	sor.u32 s2, s5;
	v6 =	vld.idx.msk [tilespmem:v54+s3+$0x0], $0xffff;
	[tilespmem:s12+$0x0] =	vst v8  }
0x155: {  	v58 =	vadd.s32 $0x44E8, v3;
	[tilespmem:s5+$0x0] =	vst v10;
	v8 =	vld.idx.msk [tilespmem:v55+s3+$0x0], $0xffff  }
0x156: {  	v59 =	vadd.s32 $0x44E8, v2;
	s5 =	sadd.s32 $0xBE00, s30;
	v10 =	vld.idx.msk [tilespmem:v56+s3+$0x0], $0xffff  }
0x157: {  	v60 =	vadd.s32 $0x44E8, v1;
	s12 =	sor.u32 s29, s5  }
0x158: {  	[tilespmem:s12+$0x0] =	vst v4;
	s12 =	sor.u32 s31, s5  }
0x159: {  	v4 =	vld.idx.msk [tilespmem:v57+s3+$0x0], $0xffff;
	[tilespmem:s12+$0x0] =	vst v6;
	s12 =	sor.u32 s0, s5  }
0x15a: {  	v61 =	vadd.s32 $0x4650, v0;
	s5 =	sor.u32 s2, s5;
	v6 =	vld.idx.msk [tilespmem:v58+s3+$0x0], $0xffff;
	[tilespmem:s12+$0x0] =	vst v8  }
0x15b: {  	v62 =	vadd.s32 $0x4650, v3;
	[tilespmem:s5+$0x0] =	vst v10;
	v8 =	vld.idx.msk [tilespmem:v59+s3+$0x0], $0xffff  }
0x15c: {  	v63 =	vadd.s32 $0x4650, v2;
	s5 =	sadd.s32 $0xBE80, s30;
	v10 =	vld.idx.msk [tilespmem:v60+s3+$0x0], $0xffff  }
0x15d: {  	v12 =	vadd.s32 $0x4650, v1;
	s12 =	sor.u32 s29, s5  }
0x15e: {  	[tilespmem:s12+$0x0] =	vst v4;
	s12 =	sor.u32 s31, s5  }
0x15f: {  	v4 =	vld.idx.msk [tilespmem:v61+s3+$0x0], $0xffff;
	[tilespmem:s12+$0x0] =	vst v6;
	s12 =	sor.u32 s0, s5  }
0x160: {  	v13 =	vadd.s32 $0x47B8, v0;
	s5 =	sor.u32 s2, s5;
	v6 =	vld.idx.msk [tilespmem:v62+s3+$0x0], $0xffff;
	[tilespmem:s12+$0x0] =	vst v8  }
0x161: {  	v14 =	vadd.s32 $0x47B8, v3;
	[tilespmem:s5+$0x0] =	vst v10;
	v8 =	vld.idx.msk [tilespmem:v63+s3+$0x0], $0xffff  }
0x162: {  	v15 =	vadd.s32 $0x47B8, v2;
	s5 =	sadd.s32 $0xBF00, s30;
	v10 =	vld.idx.msk [tilespmem:v12+s3+$0x0], $0xffff  }
0x163: {  	v16 =	vadd.s32 $0x47B8, v1;
	s12 =	sor.u32 s29, s5  }
0x164: {  	[tilespmem:s12+$0x0] =	vst v4;
	s12 =	sor.u32 s31, s5  }
0x165: {  	v4 =	vld.idx.msk [tilespmem:v13+s3+$0x0], $0xffff;
	[tilespmem:s12+$0x0] =	vst v6;
	s12 =	sor.u32 s0, s5  }
0x166: {  	v17 =	vadd.s32 $0x4920, v0;
	s5 =	sor.u32 s2, s5;
	v6 =	vld.idx.msk [tilespmem:v14+s3+$0x0], $0xffff;
	[tilespmem:s12+$0x0] =	vst v8  }
0x167: {  	v18 =	vadd.s32 $0x4920, v3;
	[tilespmem:s5+$0x0] =	vst v10;
	v8 =	vld.idx.msk [tilespmem:v15+s3+$0x0], $0xffff  }
0x168: {  	v19 =	vadd.s32 $0x4920, v2;
	s5 =	sadd.s32 $0xBF80, s30;
	v10 =	vld.idx.msk [tilespmem:v16+s3+$0x0], $0xffff  }
0x169: {  	v20 =	vadd.s32 $0x4920, v1;
	s12 =	sor.u32 s29, s5  }
0x16a: {  	[tilespmem:s12+$0x0] =	vst v4;
	s12 =	sor.u32 s31, s5  }
0x16b: {  	v4 =	vld.idx.msk [tilespmem:v17+s3+$0x0], $0xffff;
	[tilespmem:s12+$0x0] =	vst v6;
	s12 =	sor.u32 s0, s5  }
0x16c: {  	v21 =	vadd.s32 $0x4A88, v0;
	s5 =	sor.u32 s2, s5;
	v6 =	vld.idx.msk [tilespmem:v18+s3+$0x0], $0xffff;
	[tilespmem:s12+$0x0] =	vst v8  }
0x16d: {  	v22 =	vadd.s32 $0x4A88, v3;
	[tilespmem:s5+$0x0] =	vst v10;
	v8 =	vld.idx.msk [tilespmem:v19+s3+$0x0], $0xffff  }
0x16e: {  	v23 =	vadd.s32 $0x4A88, v2;
	s5 =	sor.u32 $0xC000, s30;
	v10 =	vld.idx.msk [tilespmem:v20+s3+$0x0], $0xffff  }
0x16f: {  	v24 =	vadd.s32 $0x4A88, v1;
	s12 =	sor.u32 s29, s5  }
0x170: {  	[tilespmem:s12+$0x0] =	vst v4;
	s12 =	sor.u32 s31, s5  }
0x171: {  	v4 =	vld.idx.msk [tilespmem:v21+s3+$0x0], $0xffff;
	[tilespmem:s12+$0x0] =	vst v6;
	s12 =	sor.u32 s0, s5  }
0x172: {  	v25 =	vadd.s32 $0x4BF0, v0;
	s5 =	sor.u32 s2, s5;
	v6 =	vld.idx.msk [tilespmem:v22+s3+$0x0], $0xffff;
	[tilespmem:s12+$0x0] =	vst v8  }
0x173: {  	v26 =	vadd.s32 $0x4BF0, v3;
	[tilespmem:s5+$0x0] =	vst v10;
	v8 =	vld.idx.msk [tilespmem:v23+s3+$0x0], $0xffff  }
0x174: {  	v27 =	vadd.s32 $0x4BF0, v2;
	s5 =	sor.u32 $0xC080, s30;
	v10 =	vld.idx.msk [tilespmem:v24+s3+$0x0], $0xffff  }
0x175: {  	v28 =	vadd.s32 $0x4BF0, v1;
	s12 =	sor.u32 s29, s5  }
0x176: {  	[tilespmem:s12+$0x0] =	vst v4;
	s12 =	sor.u32 s31, s5  }
0x177: {  	v4 =	vld.idx.msk [tilespmem:v25+s3+$0x0], $0xffff;
	[tilespmem:s12+$0x0] =	vst v6;
	s12 =	sor.u32 s0, s5  }
0x178: {  	v29 =	vadd.s32 $0x4D58, v0;
	s5 =	sor.u32 s2, s5;
	v6 =	vld.idx.msk [tilespmem:v26+s3+$0x0], $0xffff;
	[tilespmem:s12+$0x0] =	vst v8  }
0x179: {  	v30 =	vadd.s32 $0x4D58, v3;
	[tilespmem:s5+$0x0] =	vst v10;
	v8 =	vld.idx.msk [tilespmem:v27+s3+$0x0], $0xffff  }
0x17a: {  	v31 =	vadd.s32 $0x4D58, v2;
	s5 =	sor.u32 $0xC100, s30;
	v10 =	vld.idx.msk [tilespmem:v28+s3+$0x0], $0xffff  }
0x17b: {  	v32 =	vadd.s32 $0x4D58, v1;
	s12 =	sor.u32 s29, s5  }
0x17c: {  	[tilespmem:s12+$0x0] =	vst v4;
	s12 =	sor.u32 s31, s5  }
0x17d: {  	v4 =	vld.idx.msk [tilespmem:v29+s3+$0x0], $0xffff;
	[tilespmem:s12+$0x0] =	vst v6;
	s12 =	sor.u32 s0, s5  }
0x17e: {  	v33 =	vadd.s32 $0x4EC0, v0;
	s5 =	sor.u32 s2, s5;
	v6 =	vld.idx.msk [tilespmem:v30+s3+$0x0], $0xffff;
	[tilespmem:s12+$0x0] =	vst v8  }
0x17f: {  	v34 =	vadd.s32 $0x4EC0, v3;
	[tilespmem:s5+$0x0] =	vst v10;
	v8 =	vld.idx.msk [tilespmem:v31+s3+$0x0], $0xffff  }
0x180: {  	v35 =	vadd.s32 $0x4EC0, v2;
	s5 =	sor.u32 $0xC180, s30;
	v10 =	vld.idx.msk [tilespmem:v32+s3+$0x0], $0xffff  }
0x181: {  	v36 =	vadd.s32 $0x4EC0, v1;
	s12 =	sor.u32 s29, s5  }
0x182: {  	[tilespmem:s12+$0x0] =	vst v4;
	s12 =	sor.u32 s31, s5  }
0x183: {  	v4 =	vld.idx.msk [tilespmem:v33+s3+$0x0], $0xffff;
	[tilespmem:s12+$0x0] =	vst v6;
	s12 =	sor.u32 s0, s5  }
0x184: {  	v37 =	vadd.s32 $0x5028, v0;
	s5 =	sor.u32 s2, s5;
	v6 =	vld.idx.msk [tilespmem:v34+s3+$0x0], $0xffff;
	[tilespmem:s12+$0x0] =	vst v8  }
0x185: {  	v38 =	vadd.s32 $0x5028, v3;
	[tilespmem:s5+$0x0] =	vst v10;
	v8 =	vld.idx.msk [tilespmem:v35+s3+$0x0], $0xffff  }
0x186: {  	v39 =	vadd.s32 $0x5028, v2;
	s5 =	sadd.s32 $0xCE00, s30;
	v10 =	vld.idx.msk [tilespmem:v36+s3+$0x0], $0xffff  }
0x187: {  	v40 =	vadd.s32 $0x5028, v1;
	s12 =	sor.u32 s29, s5  }
0x188: {  	[tilespmem:s12+$0x0] =	vst v4;
	s12 =	sor.u32 s31, s5  }
0x189: {  	v4 =	vld.idx.msk [tilespmem:v37+s3+$0x0], $0xffff;
	[tilespmem:s12+$0x0] =	vst v6;
	s12 =	sor.u32 s0, s5  }
0x18a: {  	v41 =	vadd.s32 $0x5190, v0;
	s5 =	sor.u32 s2, s5;
	v6 =	vld.idx.msk [tilespmem:v38+s3+$0x0], $0xffff;
	[tilespmem:s12+$0x0] =	vst v8  }
0x18b: {  	v42 =	vadd.s32 $0x5190, v3;
	[tilespmem:s5+$0x0] =	vst v10;
	v8 =	vld.idx.msk [tilespmem:v39+s3+$0x0], $0xffff  }
0x18c: {  	v43 =	vadd.s32 $0x5190, v2;
	s5 =	sadd.s32 $0xCE80, s30;
	v10 =	vld.idx.msk [tilespmem:v40+s3+$0x0], $0xffff  }
0x18d: {  	v44 =	vadd.s32 $0x5190, v1;
	s12 =	sor.u32 s29, s5  }
0x18e: {  	[tilespmem:s12+$0x0] =	vst v4;
	s12 =	sor.u32 s31, s5  }
0x18f: {  	v4 =	vld.idx.msk [tilespmem:v41+s3+$0x0], $0xffff;
	[tilespmem:s12+$0x0] =	vst v6;
	s12 =	sor.u32 s0, s5  }
0x190: {  	v45 =	vadd.s32 $0x52F8, v0;
	s5 =	sor.u32 s2, s5;
	v6 =	vld.idx.msk [tilespmem:v42+s3+$0x0], $0xffff;
	[tilespmem:s12+$0x0] =	vst v8  }
0x191: {  	v46 =	vadd.s32 $0x52F8, v3;
	[tilespmem:s5+$0x0] =	vst v10;
	v8 =	vld.idx.msk [tilespmem:v43+s3+$0x0], $0xffff  }
0x192: {  	v47 =	vadd.s32 $0x52F8, v2;
	s5 =	sadd.s32 $0xCF00, s30;
	v10 =	vld.idx.msk [tilespmem:v44+s3+$0x0], $0xffff  }
0x193: {  	v48 =	vadd.s32 $0x52F8, v1;
	s12 =	sor.u32 s29, s5  }
0x194: {  	[tilespmem:s12+$0x0] =	vst v4;
	s12 =	sor.u32 s31, s5  }
0x195: {  	v4 =	vld.idx.msk [tilespmem:v45+s3+$0x0], $0xffff;
	[tilespmem:s12+$0x0] =	vst v6;
	s12 =	sor.u32 s0, s5  }
0x196: {  	v49 =	vadd.s32 $0x5460, v0;
	s5 =	sor.u32 s2, s5;
	v6 =	vld.idx.msk [tilespmem:v46+s3+$0x0], $0xffff;
	[tilespmem:s12+$0x0] =	vst v8  }
0x197: {  	v50 =	vadd.s32 $0x5460, v3;
	[tilespmem:s5+$0x0] =	vst v10;
	v8 =	vld.idx.msk [tilespmem:v47+s3+$0x0], $0xffff  }
0x198: {  	v51 =	vadd.s32 $0x5460, v2;
	s5 =	sadd.s32 $0xCF80, s30;
	v10 =	vld.idx.msk [tilespmem:v48+s3+$0x0], $0xffff  }
0x199: {  	v52 =	vadd.s32 $0x5460, v1;
	s12 =	sor.u32 s29, s5  }
0x19a: {  	[tilespmem:s12+$0x0] =	vst v4;
	s12 =	sor.u32 s31, s5  }
0x19b: {  	v4 =	vld.idx.msk [tilespmem:v49+s3+$0x0], $0xffff;
	[tilespmem:s12+$0x0] =	vst v6;
	s12 =	sor.u32 s0, s5  }
0x19c: {  	v53 =	vadd.s32 $0x55C8, v0;
	s5 =	sor.u32 s2, s5;
	v6 =	vld.idx.msk [tilespmem:v50+s3+$0x0], $0xffff;
	[tilespmem:s12+$0x0] =	vst v8  }
0x19d: {  	v54 =	vadd.s32 $0x55C8, v3;
	[tilespmem:s5+$0x0] =	vst v10;
	v8 =	vld.idx.msk [tilespmem:v51+s3+$0x0], $0xffff  }
0x19e: {  	v55 =	vadd.s32 $0x55C8, v2;
	s5 =	sor.u32 $0xD000, s30;
	v10 =	vld.idx.msk [tilespmem:v52+s3+$0x0], $0xffff  }
0x19f: {  	v56 =	vadd.s32 $0x55C8, v1;
	s12 =	sor.u32 s29, s5  }
0x1a0: {  	[tilespmem:s12+$0x0] =	vst v4;
	s12 =	sor.u32 s31, s5  }
0x1a1: {  	v4 =	vld.idx.msk [tilespmem:v53+s3+$0x0], $0xffff;
	[tilespmem:s12+$0x0] =	vst v6;
	s12 =	sor.u32 s0, s5  }
0x1a2: {  	v57 =	vadd.s32 $0x5730, v0;
	s5 =	sor.u32 s2, s5;
	v6 =	vld.idx.msk [tilespmem:v54+s3+$0x0], $0xffff;
	[tilespmem:s12+$0x0] =	vst v8  }
0x1a3: {  	v58 =	vadd.s32 $0x5730, v3;
	[tilespmem:s5+$0x0] =	vst v10;
	v8 =	vld.idx.msk [tilespmem:v55+s3+$0x0], $0xffff  }
0x1a4: {  	v59 =	vadd.s32 $0x5730, v2;
	s5 =	sor.u32 $0xD080, s30;
	v10 =	vld.idx.msk [tilespmem:v56+s3+$0x0], $0xffff  }
0x1a5: {  	v60 =	vadd.s32 $0x5730, v1;
	s12 =	sor.u32 s29, s5  }
0x1a6: {  	[tilespmem:s12+$0x0] =	vst v4;
	s12 =	sor.u32 s31, s5  }
0x1a7: {  	v4 =	vld.idx.msk [tilespmem:v57+s3+$0x0], $0xffff;
	[tilespmem:s12+$0x0] =	vst v6;
	s12 =	sor.u32 s0, s5  }
0x1a8: {  	v0 =	vadd.s32 $0x5898, v0;
	s5 =	sor.u32 s2, s5;
	[tilespmem:s12+$0x0] =	vst v8;
	v61 =	vld.idx.msk [tilespmem:v58+s3+$0x0], $0xffff  }
0x1a9: {  	v3 =	vadd.s32 $0x5898, v3;
	[tilespmem:s5+$0x0] =	vst v10;
	v62 =	vld.idx.msk [tilespmem:v59+s3+$0x0], $0xffff  }
0x1aa: {  	v2 =	vadd.s32 $0x5898, v2;
	s5 =	sor.u32 $0xD100, s30;
	v63 =	vld.idx.msk [tilespmem:v60+s3+$0x0], $0xffff  }
0x1ab: {  	v1 =	vadd.s32 $0x5898, v1;
	s12 =	sor.u32 s29, s5  }
0x1ac: {  	[tilespmem:s12+$0x0] =	vst v4;
	s12 =	sor.u32 s31, s5  }
0x1ad: {  	v0 =	vld.idx.msk [tilespmem:v0+s3+$0x0], $0xffff;
	[tilespmem:s12+$0x0] =	vst v61;
	s12 =	sor.u32 s0, s5  }
0x1ae: {  	s5 =	sor.u32 s2, s5;
	[tilespmem:s12+$0x0] =	vst v62;
	v3 =	vld.idx.msk [tilespmem:v3+s3+$0x0], $0xffff  }
0x1af: {  	s24 =	sadd.s32 $0x4, s24;
	[tilespmem:s5+$0x0] =	vst v63;
	v2 =	vld.idx.msk [tilespmem:v2+s3+$0x0], $0xffff  }
0x1b0: {  	p0 =	slt.u32 s24, $0x1C;
	s12 =	sor.u32 $0xD180, s30;
	v1 =	vld.idx.msk [tilespmem:v1+s3+$0x0], $0xffff  }
.Ltmp0:
0x1b1: {  	s29 =	sor.u32 s29, s12;
	(pc) =	sbr.rel @p0 .LBB2_3-.Ltmp0, $4  }
0x1b2: {  	s30 =	sor.u32 s31, s12;
	[tilespmem:s29+$0x0] =	vst v0  }
0x1b3: {  	s0 =	sor.u32 s0, s12;
	[tilespmem:s30+$0x0] =	vst v3  }
0x1b4: {  	s31 =	sor.u32 s2, s12;
	[tilespmem:s0+$0x0] =	vst v2  }
0x1b5: {  	s26 =	sadd.s32 $0x200, s26;
	s25 =	sadd.s32 $0x40, s25;
	s28 =	sadd.s32 $0x40, s28;
	[tilespmem:s31+$0x0] =	vst v1  }
0x1b6: {  	s0 =	sshll.u32 s22, $0x15  }
0x1b7: {  	s0 =	sor.u32 s9, s0  }
0x1b8: {  	s0 =	sshrl.u32 s0, $0x3  }
0x1b9: {  	p0 =	seq.s32 s22, $0x63;
	s0 =	sadd.s32 s1, s0  }
0x1ba: {  	[hbm4b:s0+s15] =	stream.strided.scatter [tilespmem:s17], [sflag:$0x3], $0x8000, s16, s15, $0x38;
	[tilespmem:$0x15E00] =	vst v63  }
0x1bb: {  	s0 =	sshll.u32 @!p0 s22, $0xF  }
0x1bc: {  	p1 =	seq.s32 @!p0 s22, $0x0;
	_ =	swait.ge [sflag:s13], $0x200;
	s0 =	sadd.s32 @!p0 s8, s0  }
0x1bd: {  	s2 =	simm.s32 @!p0 $0x0;
	[sflag:s13] =	ssyncset.done $0x0;
	s0 =	sshrl.u32 @!p0 s0, $0x3  }
0x1be: {  	s5 =	simm.s32 @!p0 $0x5A00;
	[sflag:s13] =	ssyncadd.s32 $0xFFFFFE00;
	s0 =	sadd.s32 @!p0 s4, s0  }
0x1bf: {  	[tilespmem:s5], [sflag:$0x2] =	stream.linear.gather @!p0 [hbm4b:s0+s2], $0x200, $0x38;
	[tilespmem:$0x15E00] =	vst v63  }
0x1c0: {  	p0 =	por p0, !p1  }
0x1c1: {  	_ =	swait.ge @p0 [sflag:s20], $0x8000  }
0x1c2: {  	s24 =	simm.s32 $0xFFFFFFFC;
	s25 =	simm.s32 $0x30;
	[sflag:s20] =	ssyncset.done @p0 $0x0  }
0x1c3: {  	s26 =	simm.s32 $0x0;
	s28 =	simm.s32 $0x5C20;
	[sflag:s20] =	ssyncadd.s32 @p0 $0xFFFF8000  }
.LBB2_5:
0x1c4: {  	v0 =	vld [tilespmem:s28+$0xFFFFFFE0];
	_ =	sdelay $0x7  }
0x1c5: {  	v1 =	vld.idx.msk [tilespmem:v0+s3+$0x0], $0xffff  }
0x1c6: {  	v2 =	vadd.s32 $0x168, v0  }
0x1c7: {  	s0 =	sadd.s32 $0xFFFFFFD0, s25;
	s30 =	sand.u32 $0xC00, s26  }
0x1c8: {  	s29 =	sand.u32 $0x40, s0;
	s7 =	sadd.s32 $0xDE00, s30  }
0x1c9: {  	s0 =	sor.u32 s29, s7  }
0x1ca: {  	[tilespmem:s0+$0x0] =	vst v1  }
0x1cb: {  	v1 =	vld.idx.msk [tilespmem:v2+s3+$0x0], $0xffff  }
0x1cc: {  	v27 =	vadd.s32 $0x2D0, v0;
	_ =	sdelay $0x3  }
0x1cd: {  	[tilespmem:s0+$0x80] =	vst v1  }
0x1ce: {  	v1 =	vld.idx.msk [tilespmem:v27+s3+$0x0], $0xffff  }
0x1cf: {  	v28 =	vadd.s32 $0x438, v0;
	_ =	sdelay $0x3  }
0x1d0: {  	[tilespmem:s0+$0x100] =	vst v1  }
0x1d1: {  	v1 =	vld.idx.msk [tilespmem:v28+s3+$0x0], $0xffff  }
0x1d2: {  	v29 =	vadd.s32 $0x5A0, v0;
	_ =	sdelay $0x3  }
0x1d3: {  	[tilespmem:s0+$0x180] =	vst v1  }
0x1d4: {  	v1 =	vld.idx.msk [tilespmem:v29+s3+$0x0], $0xffff  }
0x1d5: {  	v30 =	vadd.s32 $0x708, v0;
	_ =	sdelay $0x3  }
0x1d6: {  	[tilespmem:s0+$0x200] =	vst v1  }
0x1d7: {  	v1 =	vld.idx.msk [tilespmem:v30+s3+$0x0], $0xffff  }
0x1d8: {  	v31 =	vadd.s32 $0x870, v0;
	_ =	sdelay $0x3  }
0x1d9: {  	[tilespmem:s0+$0x280] =	vst v1  }
0x1da: {  	v1 =	vld.idx.msk [tilespmem:v31+s3+$0x0], $0xffff  }
0x1db: {  	v32 =	vadd.s32 $0x9D8, v0;
	_ =	sdelay $0x3  }
0x1dc: {  	[tilespmem:s0+$0x300] =	vst v1  }
0x1dd: {  	v1 =	vld.idx.msk [tilespmem:v32+s3+$0x0], $0xffff;
	_ =	sdelay $0x4  }
0x1de: {  	[tilespmem:s0+$0x380] =	vst v1  }
0x1df: {  	v3 =	vld [tilespmem:s28+$0xFFFFFFF0]  }
0x1e0: {  	v2 =	vld [tilespmem:s28+$0x0]  }
0x1e1: {  	v1 =	vld [tilespmem:s28+$0x10];
	_ =	sdelay $0x5  }
0x1e2: {  	v4 =	vld.idx.msk [tilespmem:v3+s3+$0x0], $0xffff  }
0x1e3: {  	v5 =	vadd.s32 $0x168, v3;
	v6 =	vld.idx.msk [tilespmem:v2+s3+$0x0], $0xffff  }
0x1e4: {  	s31 =	sadd.s32 $0xFFFFFFE0, s25;
	v7 =	vadd.s32 $0x168, v2;
	v8 =	vld.idx.msk [tilespmem:v1+s3+$0x0], $0xffff  }
0x1e5: {  	s2 =	sadd.s32 $0xFFFFFFF0, s25;
	s31 =	sand.u32 $0x50, s31;
	v9 =	vadd.s32 $0x168, v1  }
0x1e6: {  	s5 =	sor.u32 s31, s7;
	s0 =	sand.u32 $0x60, s2  }
0x1e7: {  	s2 =	sand.u32 $0x70, s25;
	s12 =	sor.u32 s0, s7;
	[tilespmem:s5+$0x0] =	vst v4  }
0x1e8: {  	s7 =	sor.u32 s2, s7;
	[tilespmem:s12+$0x0] =	vst v6;
	v4 =	vld.idx.msk [tilespmem:v5+s3+$0x0], $0xffff  }
0x1e9: {  	v33 =	vadd.s32 $0x2D0, v3;
	[tilespmem:s7+$0x0] =	vst v8;
	v6 =	vld.idx.msk [tilespmem:v7+s3+$0x0], $0xffff  }
0x1ea: {  	v34 =	vadd.s32 $0x2D0, v2;
	v8 =	vld.idx.msk [tilespmem:v9+s3+$0x0], $0xffff  }
0x1eb: {  	v35 =	vadd.s32 $0x2D0, v1;
	_ =	sdelay $0x1  }
0x1ec: {  	[tilespmem:s5+$0x80] =	vst v4  }
0x1ed: {  	[tilespmem:s12+$0x80] =	vst v6;
	v4 =	vld.idx.msk [tilespmem:v33+s3+$0x0], $0xffff  }
0x1ee: {  	v36 =	vadd.s32 $0x438, v3;
	[tilespmem:s7+$0x80] =	vst v8;
	v6 =	vld.idx.msk [tilespmem:v34+s3+$0x0], $0xffff  }
0x1ef: {  	v37 =	vadd.s32 $0x438, v2;
	v8 =	vld.idx.msk [tilespmem:v35+s3+$0x0], $0xffff  }
0x1f0: {  	v38 =	vadd.s32 $0x438, v1;
	_ =	sdelay $0x1  }
0x1f1: {  	[tilespmem:s5+$0x100] =	vst v4  }
0x1f2: {  	[tilespmem:s12+$0x100] =	vst v6;
	v4 =	vld.idx.msk [tilespmem:v36+s3+$0x0], $0xffff  }
0x1f3: {  	v39 =	vadd.s32 $0x5A0, v3;
	[tilespmem:s7+$0x100] =	vst v8;
	v6 =	vld.idx.msk [tilespmem:v37+s3+$0x0], $0xffff  }
0x1f4: {  	v40 =	vadd.s32 $0x5A0, v2;
	v8 =	vld.idx.msk [tilespmem:v38+s3+$0x0], $0xffff  }
0x1f5: {  	v41 =	vadd.s32 $0x5A0, v1;
	_ =	sdelay $0x1  }
0x1f6: {  	[tilespmem:s5+$0x180] =	vst v4  }
0x1f7: {  	[tilespmem:s12+$0x180] =	vst v6;
	v4 =	vld.idx.msk [tilespmem:v39+s3+$0x0], $0xffff  }
0x1f8: {  	v42 =	vadd.s32 $0x708, v3;
	[tilespmem:s7+$0x180] =	vst v8;
	v6 =	vld.idx.msk [tilespmem:v40+s3+$0x0], $0xffff  }
0x1f9: {  	v43 =	vadd.s32 $0x708, v2;
	v8 =	vld.idx.msk [tilespmem:v41+s3+$0x0], $0xffff  }
0x1fa: {  	v44 =	vadd.s32 $0x708, v1;
	_ =	sdelay $0x1  }
0x1fb: {  	[tilespmem:s5+$0x200] =	vst v4  }
0x1fc: {  	[tilespmem:s12+$0x200] =	vst v6;
	v4 =	vld.idx.msk [tilespmem:v42+s3+$0x0], $0xffff  }
0x1fd: {  	v45 =	vadd.s32 $0x870, v3;
	[tilespmem:s7+$0x200] =	vst v8;
	v6 =	vld.idx.msk [tilespmem:v43+s3+$0x0], $0xffff  }
0x1fe: {  	v46 =	vadd.s32 $0x870, v2;
	v8 =	vld.idx.msk [tilespmem:v44+s3+$0x0], $0xffff  }
0x1ff: {  	v47 =	vadd.s32 $0x870, v1;
	_ =	sdelay $0x1  }
0x200: {  	[tilespmem:s5+$0x280] =	vst v4  }
0x201: {  	[tilespmem:s12+$0x280] =	vst v6;
	v4 =	vld.idx.msk [tilespmem:v45+s3+$0x0], $0xffff  }
0x202: {  	v48 =	vadd.s32 $0x9D8, v3;
	[tilespmem:s7+$0x280] =	vst v8;
	v6 =	vld.idx.msk [tilespmem:v46+s3+$0x0], $0xffff  }
0x203: {  	v49 =	vadd.s32 $0x9D8, v2;
	v8 =	vld.idx.msk [tilespmem:v47+s3+$0x0], $0xffff  }
0x204: {  	v50 =	vadd.s32 $0x9D8, v1;
	_ =	sdelay $0x1  }
0x205: {  	[tilespmem:s5+$0x300] =	vst v4  }
0x206: {  	v51 =	vadd.s32 $0xB40, v0;
	[tilespmem:s12+$0x300] =	vst v6;
	v5 =	vld.idx.msk [tilespmem:v48+s3+$0x0], $0xffff  }
0x207: {  	v52 =	vadd.s32 $0xB40, v3;
	[tilespmem:s7+$0x300] =	vst v8;
	v7 =	vld.idx.msk [tilespmem:v49+s3+$0x0], $0xffff  }
0x208: {  	v53 =	vadd.s32 $0xB40, v2;
	v9 =	vld.idx.msk [tilespmem:v50+s3+$0x0], $0xffff  }
0x209: {  	v10 =	vadd.s32 $0xB40, v1;
	_ =	sdelay $0x1  }
0x20a: {  	v4 =	vld.idx.msk [tilespmem:v51+s3+$0x0], $0xffff;
	[tilespmem:s5+$0x380] =	vst v5  }
0x20b: {  	v54 =	vadd.s32 $0xCA8, v0;
	[tilespmem:s12+$0x380] =	vst v7;
	v6 =	vld.idx.msk [tilespmem:v52+s3+$0x0], $0xffff  }
0x20c: {  	v55 =	vadd.s32 $0xCA8, v3;
	[tilespmem:s7+$0x380] =	vst v9;
	v8 =	vld.idx.msk [tilespmem:v53+s3+$0x0], $0xffff  }
0x20d: {  	v56 =	vadd.s32 $0xCA8, v2;
	s5 =	sadd.s32 $0xEE00, s30;
	v10 =	vld.idx.msk [tilespmem:v10+s3+$0x0], $0xffff  }
0x20e: {  	v11 =	vadd.s32 $0xCA8, v1;
	s12 =	sor.u32 s29, s5  }
0x20f: {  	[tilespmem:s12+$0x0] =	vst v4;
	s12 =	sor.u32 s31, s5  }
0x210: {  	v4 =	vld.idx.msk [tilespmem:v54+s3+$0x0], $0xffff;
	[tilespmem:s12+$0x0] =	vst v6;
	s12 =	sor.u32 s0, s5  }
0x211: {  	v57 =	vadd.s32 $0xE10, v0;
	s5 =	sor.u32 s2, s5;
	v6 =	vld.idx.msk [tilespmem:v55+s3+$0x0], $0xffff;
	[tilespmem:s12+$0x0] =	vst v8  }
0x212: {  	v58 =	vadd.s32 $0xE10, v3;
	[tilespmem:s5+$0x0] =	vst v10;
	v8 =	vld.idx.msk [tilespmem:v56+s3+$0x0], $0xffff  }
0x213: {  	v59 =	vadd.s32 $0xE10, v2;
	s5 =	sadd.s32 $0xEE80, s30;
	v10 =	vld.idx.msk [tilespmem:v11+s3+$0x0], $0xffff  }
0x214: {  	v60 =	vadd.s32 $0xE10, v1;
	s12 =	sor.u32 s29, s5  }
0x215: {  	[tilespmem:s12+$0x0] =	vst v4;
	s12 =	sor.u32 s31, s5  }
0x216: {  	v4 =	vld.idx.msk [tilespmem:v57+s3+$0x0], $0xffff;
	[tilespmem:s12+$0x0] =	vst v6;
	s12 =	sor.u32 s0, s5  }
0x217: {  	v61 =	vadd.s32 $0xF78, v0;
	s5 =	sor.u32 s2, s5;
	v6 =	vld.idx.msk [tilespmem:v58+s3+$0x0], $0xffff;
	[tilespmem:s12+$0x0] =	vst v8  }
0x218: {  	v62 =	vadd.s32 $0xF78, v3;
	[tilespmem:s5+$0x0] =	vst v10;
	v8 =	vld.idx.msk [tilespmem:v59+s3+$0x0], $0xffff  }
0x219: {  	v63 =	vadd.s32 $0xF78, v2;
	s5 =	sadd.s32 $0xEF00, s30;
	v10 =	vld.idx.msk [tilespmem:v60+s3+$0x0], $0xffff  }
0x21a: {  	v12 =	vadd.s32 $0xF78, v1;
	s12 =	sor.u32 s29, s5  }
0x21b: {  	[tilespmem:s12+$0x0] =	vst v4;
	s12 =	sor.u32 s31, s5  }
0x21c: {  	v4 =	vld.idx.msk [tilespmem:v61+s3+$0x0], $0xffff;
	[tilespmem:s12+$0x0] =	vst v6;
	s12 =	sor.u32 s0, s5  }
0x21d: {  	v13 =	vadd.s32 $0x10E0, v0;
	s5 =	sor.u32 s2, s5;
	v6 =	vld.idx.msk [tilespmem:v62+s3+$0x0], $0xffff;
	[tilespmem:s12+$0x0] =	vst v8  }
0x21e: {  	v14 =	vadd.s32 $0x10E0, v3;
	[tilespmem:s5+$0x0] =	vst v10;
	v8 =	vld.idx.msk [tilespmem:v63+s3+$0x0], $0xffff  }
0x21f: {  	v15 =	vadd.s32 $0x10E0, v2;
	s5 =	sadd.s32 $0xEF80, s30;
	v10 =	vld.idx.msk [tilespmem:v12+s3+$0x0], $0xffff  }
0x220: {  	v16 =	vadd.s32 $0x10E0, v1;
	s12 =	sor.u32 s29, s5  }
0x221: {  	[tilespmem:s12+$0x0] =	vst v4;
	s12 =	sor.u32 s31, s5  }
0x222: {  	v4 =	vld.idx.msk [tilespmem:v13+s3+$0x0], $0xffff;
	[tilespmem:s12+$0x0] =	vst v6;
	s12 =	sor.u32 s0, s5  }
0x223: {  	v17 =	vadd.s32 $0x1248, v0;
	s5 =	sor.u32 s2, s5;
	v6 =	vld.idx.msk [tilespmem:v14+s3+$0x0], $0xffff;
	[tilespmem:s12+$0x0] =	vst v8  }
0x224: {  	v18 =	vadd.s32 $0x1248, v3;
	[tilespmem:s5+$0x0] =	vst v10;
	v8 =	vld.idx.msk [tilespmem:v15+s3+$0x0], $0xffff  }
0x225: {  	v19 =	vadd.s32 $0x1248, v2;
	s5 =	sor.u32 $0xF000, s30;
	v10 =	vld.idx.msk [tilespmem:v16+s3+$0x0], $0xffff  }
0x226: {  	v20 =	vadd.s32 $0x1248, v1;
	s12 =	sor.u32 s29, s5  }
0x227: {  	[tilespmem:s12+$0x0] =	vst v4;
	s12 =	sor.u32 s31, s5  }
0x228: {  	v4 =	vld.idx.msk [tilespmem:v17+s3+$0x0], $0xffff;
	[tilespmem:s12+$0x0] =	vst v6;
	s12 =	sor.u32 s0, s5  }
0x229: {  	v21 =	vadd.s32 $0x13B0, v0;
	s5 =	sor.u32 s2, s5;
	v6 =	vld.idx.msk [tilespmem:v18+s3+$0x0], $0xffff;
	[tilespmem:s12+$0x0] =	vst v8  }
0x22a: {  	v22 =	vadd.s32 $0x13B0, v3;
	[tilespmem:s5+$0x0] =	vst v10;
	v8 =	vld.idx.msk [tilespmem:v19+s3+$0x0], $0xffff  }
0x22b: {  	v23 =	vadd.s32 $0x13B0, v2;
	s5 =	sor.u32 $0xF080, s30;
	v10 =	vld.idx.msk [tilespmem:v20+s3+$0x0], $0xffff  }
0x22c: {  	v24 =	vadd.s32 $0x13B0, v1;
	s12 =	sor.u32 s29, s5  }
0x22d: {  	[tilespmem:s12+$0x0] =	vst v4;
	s12 =	sor.u32 s31, s5  }
0x22e: {  	v4 =	vld.idx.msk [tilespmem:v21+s3+$0x0], $0xffff;
	[tilespmem:s12+$0x0] =	vst v6;
	s12 =	sor.u32 s0, s5  }
0x22f: {  	v25 =	vadd.s32 $0x1518, v0;
	s5 =	sor.u32 s2, s5;
	v6 =	vld.idx.msk [tilespmem:v22+s3+$0x0], $0xffff;
	[tilespmem:s12+$0x0] =	vst v8  }
0x230: {  	v26 =	vadd.s32 $0x1518, v3;
	[tilespmem:s5+$0x0] =	vst v10;
	v8 =	vld.idx.msk [tilespmem:v23+s3+$0x0], $0xffff  }
0x231: {  	v27 =	vadd.s32 $0x1518, v2;
	s5 =	sor.u32 $0xF100, s30;
	v10 =	vld.idx.msk [tilespmem:v24+s3+$0x0], $0xffff  }
0x232: {  	v28 =	vadd.s32 $0x1518, v1;
	s12 =	sor.u32 s29, s5  }
0x233: {  	[tilespmem:s12+$0x0] =	vst v4;
	s12 =	sor.u32 s31, s5  }
0x234: {  	v4 =	vld.idx.msk [tilespmem:v25+s3+$0x0], $0xffff;
	[tilespmem:s12+$0x0] =	vst v6;
	s12 =	sor.u32 s0, s5  }
0x235: {  	v29 =	vadd.s32 $0x1680, v0;
	s5 =	sor.u32 s2, s5;
	v6 =	vld.idx.msk [tilespmem:v26+s3+$0x0], $0xffff;
	[tilespmem:s12+$0x0] =	vst v8  }
0x236: {  	v30 =	vadd.s32 $0x1680, v3;
	[tilespmem:s5+$0x0] =	vst v10;
	v8 =	vld.idx.msk [tilespmem:v27+s3+$0x0], $0xffff  }
0x237: {  	v31 =	vadd.s32 $0x1680, v2;
	s5 =	sor.u32 $0xF180, s30;
	v10 =	vld.idx.msk [tilespmem:v28+s3+$0x0], $0xffff  }
0x238: {  	v32 =	vadd.s32 $0x1680, v1;
	s12 =	sor.u32 s29, s5  }
0x239: {  	[tilespmem:s12+$0x0] =	vst v4;
	s12 =	sor.u32 s31, s5  }
0x23a: {  	v4 =	vld.idx.msk [tilespmem:v29+s3+$0x0], $0xffff;
	[tilespmem:s12+$0x0] =	vst v6;
	s12 =	sor.u32 s0, s5  }
0x23b: {  	v33 =	vadd.s32 $0x17E8, v0;
	s5 =	sor.u32 s2, s5;
	v6 =	vld.idx.msk [tilespmem:v30+s3+$0x0], $0xffff;
	[tilespmem:s12+$0x0] =	vst v8  }
0x23c: {  	v34 =	vadd.s32 $0x17E8, v3;
	[tilespmem:s5+$0x0] =	vst v10;
	v8 =	vld.idx.msk [tilespmem:v31+s3+$0x0], $0xffff  }
0x23d: {  	v35 =	vadd.s32 $0x17E8, v2;
	s5 =	sadd.s32 $0xFE00, s30;
	v10 =	vld.idx.msk [tilespmem:v32+s3+$0x0], $0xffff  }
0x23e: {  	v36 =	vadd.s32 $0x17E8, v1;
	s12 =	sor.u32 s29, s5  }
0x23f: {  	[tilespmem:s12+$0x0] =	vst v4;
	s12 =	sor.u32 s31, s5  }
0x240: {  	v4 =	vld.idx.msk [tilespmem:v33+s3+$0x0], $0xffff;
	[tilespmem:s12+$0x0] =	vst v6;
	s12 =	sor.u32 s0, s5  }
0x241: {  	v37 =	vadd.s32 $0x1950, v0;
	s5 =	sor.u32 s2, s5;
	v6 =	vld.idx.msk [tilespmem:v34+s3+$0x0], $0xffff;
	[tilespmem:s12+$0x0] =	vst v8  }
0x242: {  	v38 =	vadd.s32 $0x1950, v3;
	[tilespmem:s5+$0x0] =	vst v10;
	v8 =	vld.idx.msk [tilespmem:v35+s3+$0x0], $0xffff  }
0x243: {  	v39 =	vadd.s32 $0x1950, v2;
	s5 =	sadd.s32 $0xFE80, s30;
	v10 =	vld.idx.msk [tilespmem:v36+s3+$0x0], $0xffff  }
0x244: {  	v40 =	vadd.s32 $0x1950, v1;
	s12 =	sor.u32 s29, s5  }
0x245: {  	[tilespmem:s12+$0x0] =	vst v4;
	s12 =	sor.u32 s31, s5  }
0x246: {  	v4 =	vld.idx.msk [tilespmem:v37+s3+$0x0], $0xffff;
	[tilespmem:s12+$0x0] =	vst v6;
	s12 =	sor.u32 s0, s5  }
0x247: {  	v41 =	vadd.s32 $0x1AB8, v0;
	s5 =	sor.u32 s2, s5;
	v6 =	vld.idx.msk [tilespmem:v38+s3+$0x0], $0xffff;
	[tilespmem:s12+$0x0] =	vst v8  }
0x248: {  	v42 =	vadd.s32 $0x1AB8, v3;
	[tilespmem:s5+$0x0] =	vst v10;
	v8 =	vld.idx.msk [tilespmem:v39+s3+$0x0], $0xffff  }
0x249: {  	v43 =	vadd.s32 $0x1AB8, v2;
	s5 =	sadd.s32 $0xFF00, s30;
	v10 =	vld.idx.msk [tilespmem:v40+s3+$0x0], $0xffff  }
0x24a: {  	v44 =	vadd.s32 $0x1AB8, v1;
	s12 =	sor.u32 s29, s5  }
0x24b: {  	[tilespmem:s12+$0x0] =	vst v4;
	s12 =	sor.u32 s31, s5  }
0x24c: {  	v4 =	vld.idx.msk [tilespmem:v41+s3+$0x0], $0xffff;
	[tilespmem:s12+$0x0] =	vst v6;
	s12 =	sor.u32 s0, s5  }
0x24d: {  	v45 =	vadd.s32 $0x1C20, v0;
	s5 =	sor.u32 s2, s5;
	v6 =	vld.idx.msk [tilespmem:v42+s3+$0x0], $0xffff;
	[tilespmem:s12+$0x0] =	vst v8  }
0x24e: {  	v46 =	vadd.s32 $0x1C20, v3;
	[tilespmem:s5+$0x0] =	vst v10;
	v8 =	vld.idx.msk [tilespmem:v43+s3+$0x0], $0xffff  }
0x24f: {  	v47 =	vadd.s32 $0x1C20, v2;
	s5 =	sadd.s32 $0xFF80, s30;
	v10 =	vld.idx.msk [tilespmem:v44+s3+$0x0], $0xffff  }
0x250: {  	v48 =	vadd.s32 $0x1C20, v1;
	s12 =	sor.u32 s29, s5  }
0x251: {  	[tilespmem:s12+$0x0] =	vst v4;
	s12 =	sor.u32 s31, s5  }
0x252: {  	v4 =	vld.idx.msk [tilespmem:v45+s3+$0x0], $0xffff;
	[tilespmem:s12+$0x0] =	vst v6;
	s12 =	sor.u32 s0, s5  }
0x253: {  	v49 =	vadd.s32 $0x1D88, v0;
	s5 =	sor.u32 s2, s5;
	v6 =	vld.idx.msk [tilespmem:v46+s3+$0x0], $0xffff;
	[tilespmem:s12+$0x0] =	vst v8  }
0x254: {  	v50 =	vadd.s32 $0x1D88, v3;
	[tilespmem:s5+$0x0] =	vst v10;
	v8 =	vld.idx.msk [tilespmem:v47+s3+$0x0], $0xffff  }
0x255: {  	v51 =	vadd.s32 $0x1D88, v2;
	s5 =	sor.u32 $0x10000, s30;
	v10 =	vld.idx.msk [tilespmem:v48+s3+$0x0], $0xffff  }
0x256: {  	v52 =	vadd.s32 $0x1D88, v1;
	s12 =	sor.u32 s29, s5  }
0x257: {  	[tilespmem:s12+$0x0] =	vst v4;
	s12 =	sor.u32 s31, s5  }
0x258: {  	v4 =	vld.idx.msk [tilespmem:v49+s3+$0x0], $0xffff;
	[tilespmem:s12+$0x0] =	vst v6;
	s12 =	sor.u32 s0, s5  }
0x259: {  	v53 =	vadd.s32 $0x1EF0, v0;
	s5 =	sor.u32 s2, s5;
	v6 =	vld.idx.msk [tilespmem:v50+s3+$0x0], $0xffff;
	[tilespmem:s12+$0x0] =	vst v8  }
0x25a: {  	v54 =	vadd.s32 $0x1EF0, v3;
	[tilespmem:s5+$0x0] =	vst v10;
	v8 =	vld.idx.msk [tilespmem:v51+s3+$0x0], $0xffff  }
0x25b: {  	v55 =	vadd.s32 $0x1EF0, v2;
	s5 =	sor.u32 $0x10080, s30;
	v10 =	vld.idx.msk [tilespmem:v52+s3+$0x0], $0xffff  }
0x25c: {  	v56 =	vadd.s32 $0x1EF0, v1;
	s12 =	sor.u32 s29, s5  }
0x25d: {  	[tilespmem:s12+$0x0] =	vst v4;
	s12 =	sor.u32 s31, s5  }
0x25e: {  	v4 =	vld.idx.msk [tilespmem:v53+s3+$0x0], $0xffff;
	[tilespmem:s12+$0x0] =	vst v6;
	s12 =	sor.u32 s0, s5  }
0x25f: {  	v57 =	vadd.s32 $0x2058, v0;
	s5 =	sor.u32 s2, s5;
	v6 =	vld.idx.msk [tilespmem:v54+s3+$0x0], $0xffff;
	[tilespmem:s12+$0x0] =	vst v8  }
0x260: {  	v58 =	vadd.s32 $0x2058, v3;
	[tilespmem:s5+$0x0] =	vst v10;
	v8 =	vld.idx.msk [tilespmem:v55+s3+$0x0], $0xffff  }
0x261: {  	v59 =	vadd.s32 $0x2058, v2;
	s5 =	sor.u32 $0x10100, s30;
	v10 =	vld.idx.msk [tilespmem:v56+s3+$0x0], $0xffff  }
0x262: {  	v60 =	vadd.s32 $0x2058, v1;
	s12 =	sor.u32 s29, s5  }
0x263: {  	[tilespmem:s12+$0x0] =	vst v4;
	s12 =	sor.u32 s31, s5  }
0x264: {  	v4 =	vld.idx.msk [tilespmem:v57+s3+$0x0], $0xffff;
	[tilespmem:s12+$0x0] =	vst v6;
	s12 =	sor.u32 s0, s5  }
0x265: {  	v61 =	vadd.s32 $0x21C0, v0;
	s5 =	sor.u32 s2, s5;
	v6 =	vld.idx.msk [tilespmem:v58+s3+$0x0], $0xffff;
	[tilespmem:s12+$0x0] =	vst v8  }
0x266: {  	v62 =	vadd.s32 $0x21C0, v3;
	[tilespmem:s5+$0x0] =	vst v10;
	v8 =	vld.idx.msk [tilespmem:v59+s3+$0x0], $0xffff  }
0x267: {  	v63 =	vadd.s32 $0x21C0, v2;
	s5 =	sor.u32 $0x10180, s30;
	v10 =	vld.idx.msk [tilespmem:v60+s3+$0x0], $0xffff  }
0x268: {  	v12 =	vadd.s32 $0x21C0, v1;
	s12 =	sor.u32 s29, s5  }
0x269: {  	[tilespmem:s12+$0x0] =	vst v4;
	s12 =	sor.u32 s31, s5  }
0x26a: {  	v4 =	vld.idx.msk [tilespmem:v61+s3+$0x0], $0xffff;
	[tilespmem:s12+$0x0] =	vst v6;
	s12 =	sor.u32 s0, s5  }
0x26b: {  	v13 =	vadd.s32 $0x2328, v0;
	s5 =	sor.u32 s2, s5;
	v6 =	vld.idx.msk [tilespmem:v62+s3+$0x0], $0xffff;
	[tilespmem:s12+$0x0] =	vst v8  }
0x26c: {  	v14 =	vadd.s32 $0x2328, v3;
	[tilespmem:s5+$0x0] =	vst v10;
	v8 =	vld.idx.msk [tilespmem:v63+s3+$0x0], $0xffff  }
0x26d: {  	v15 =	vadd.s32 $0x2328, v2;
	s5 =	sadd.s32 $0x10E00, s30;
	v10 =	vld.idx.msk [tilespmem:v12+s3+$0x0], $0xffff  }
0x26e: {  	v16 =	vadd.s32 $0x2328, v1;
	s12 =	sor.u32 s29, s5  }
0x26f: {  	[tilespmem:s12+$0x0] =	vst v4;
	s12 =	sor.u32 s31, s5  }
0x270: {  	v4 =	vld.idx.msk [tilespmem:v13+s3+$0x0], $0xffff;
	[tilespmem:s12+$0x0] =	vst v6;
	s12 =	sor.u32 s0, s5  }
0x271: {  	v17 =	vadd.s32 $0x2490, v0;
	s5 =	sor.u32 s2, s5;
	v6 =	vld.idx.msk [tilespmem:v14+s3+$0x0], $0xffff;
	[tilespmem:s12+$0x0] =	vst v8  }
0x272: {  	v18 =	vadd.s32 $0x2490, v3;
	[tilespmem:s5+$0x0] =	vst v10;
	v8 =	vld.idx.msk [tilespmem:v15+s3+$0x0], $0xffff  }
0x273: {  	v19 =	vadd.s32 $0x2490, v2;
	s5 =	sadd.s32 $0x10E80, s30;
	v10 =	vld.idx.msk [tilespmem:v16+s3+$0x0], $0xffff  }
0x274: {  	v20 =	vadd.s32 $0x2490, v1;
	s12 =	sor.u32 s29, s5  }
0x275: {  	[tilespmem:s12+$0x0] =	vst v4;
	s12 =	sor.u32 s31, s5  }
0x276: {  	v4 =	vld.idx.msk [tilespmem:v17+s3+$0x0], $0xffff;
	[tilespmem:s12+$0x0] =	vst v6;
	s12 =	sor.u32 s0, s5  }
0x277: {  	v21 =	vadd.s32 $0x25F8, v0;
	s5 =	sor.u32 s2, s5;
	v6 =	vld.idx.msk [tilespmem:v18+s3+$0x0], $0xffff;
	[tilespmem:s12+$0x0] =	vst v8  }
0x278: {  	v22 =	vadd.s32 $0x25F8, v3;
	[tilespmem:s5+$0x0] =	vst v10;
	v8 =	vld.idx.msk [tilespmem:v19+s3+$0x0], $0xffff  }
0x279: {  	v23 =	vadd.s32 $0x25F8, v2;
	s5 =	sadd.s32 $0x10F00, s30;
	v10 =	vld.idx.msk [tilespmem:v20+s3+$0x0], $0xffff  }
0x27a: {  	v24 =	vadd.s32 $0x25F8, v1;
	s12 =	sor.u32 s29, s5  }
0x27b: {  	[tilespmem:s12+$0x0] =	vst v4;
	s12 =	sor.u32 s31, s5  }
0x27c: {  	v4 =	vld.idx.msk [tilespmem:v21+s3+$0x0], $0xffff;
	[tilespmem:s12+$0x0] =	vst v6;
	s12 =	sor.u32 s0, s5  }
0x27d: {  	v25 =	vadd.s32 $0x2760, v0;
	s5 =	sor.u32 s2, s5;
	v6 =	vld.idx.msk [tilespmem:v22+s3+$0x0], $0xffff;
	[tilespmem:s12+$0x0] =	vst v8  }
0x27e: {  	v26 =	vadd.s32 $0x2760, v3;
	[tilespmem:s5+$0x0] =	vst v10;
	v8 =	vld.idx.msk [tilespmem:v23+s3+$0x0], $0xffff  }
0x27f: {  	v27 =	vadd.s32 $0x2760, v2;
	s5 =	sadd.s32 $0x10F80, s30;
	v10 =	vld.idx.msk [tilespmem:v24+s3+$0x0], $0xffff  }
0x280: {  	v28 =	vadd.s32 $0x2760, v1;
	s12 =	sor.u32 s29, s5  }
0x281: {  	[tilespmem:s12+$0x0] =	vst v4;
	s12 =	sor.u32 s31, s5  }
0x282: {  	v4 =	vld.idx.msk [tilespmem:v25+s3+$0x0], $0xffff;
	[tilespmem:s12+$0x0] =	vst v6;
	s12 =	sor.u32 s0, s5  }
0x283: {  	v29 =	vadd.s32 $0x28C8, v0;
	s5 =	sor.u32 s2, s5;
	v6 =	vld.idx.msk [tilespmem:v26+s3+$0x0], $0xffff;
	[tilespmem:s12+$0x0] =	vst v8  }
0x284: {  	v30 =	vadd.s32 $0x28C8, v3;
	[tilespmem:s5+$0x0] =	vst v10;
	v8 =	vld.idx.msk [tilespmem:v27+s3+$0x0], $0xffff  }
0x285: {  	v31 =	vadd.s32 $0x28C8, v2;
	s5 =	sor.u32 $0x11000, s30;
	v10 =	vld.idx.msk [tilespmem:v28+s3+$0x0], $0xffff  }
0x286: {  	v32 =	vadd.s32 $0x28C8, v1;
	s12 =	sor.u32 s29, s5  }
0x287: {  	[tilespmem:s12+$0x0] =	vst v4;
	s12 =	sor.u32 s31, s5  }
0x288: {  	v4 =	vld.idx.msk [tilespmem:v29+s3+$0x0], $0xffff;
	[tilespmem:s12+$0x0] =	vst v6;
	s12 =	sor.u32 s0, s5  }
0x289: {  	v33 =	vadd.s32 $0x2A30, v0;
	s5 =	sor.u32 s2, s5;
	v6 =	vld.idx.msk [tilespmem:v30+s3+$0x0], $0xffff;
	[tilespmem:s12+$0x0] =	vst v8  }
0x28a: {  	v34 =	vadd.s32 $0x2A30, v3;
	[tilespmem:s5+$0x0] =	vst v10;
	v8 =	vld.idx.msk [tilespmem:v31+s3+$0x0], $0xffff  }
0x28b: {  	v35 =	vadd.s32 $0x2A30, v2;
	s5 =	sor.u32 $0x11080, s30;
	v10 =	vld.idx.msk [tilespmem:v32+s3+$0x0], $0xffff  }
0x28c: {  	v36 =	vadd.s32 $0x2A30, v1;
	s12 =	sor.u32 s29, s5  }
0x28d: {  	[tilespmem:s12+$0x0] =	vst v4;
	s12 =	sor.u32 s31, s5  }
0x28e: {  	v4 =	vld.idx.msk [tilespmem:v33+s3+$0x0], $0xffff;
	[tilespmem:s12+$0x0] =	vst v6;
	s12 =	sor.u32 s0, s5  }
0x28f: {  	v37 =	vadd.s32 $0x2B98, v0;
	s5 =	sor.u32 s2, s5;
	v6 =	vld.idx.msk [tilespmem:v34+s3+$0x0], $0xffff;
	[tilespmem:s12+$0x0] =	vst v8  }
0x290: {  	v38 =	vadd.s32 $0x2B98, v3;
	[tilespmem:s5+$0x0] =	vst v10;
	v8 =	vld.idx.msk [tilespmem:v35+s3+$0x0], $0xffff  }
0x291: {  	v39 =	vadd.s32 $0x2B98, v2;
	s5 =	sor.u32 $0x11100, s30;
	v10 =	vld.idx.msk [tilespmem:v36+s3+$0x0], $0xffff  }
0x292: {  	v40 =	vadd.s32 $0x2B98, v1;
	s12 =	sor.u32 s29, s5  }
0x293: {  	[tilespmem:s12+$0x0] =	vst v4;
	s12 =	sor.u32 s31, s5  }
0x294: {  	v4 =	vld.idx.msk [tilespmem:v37+s3+$0x0], $0xffff;
	[tilespmem:s12+$0x0] =	vst v6;
	s12 =	sor.u32 s0, s5  }
0x295: {  	v41 =	vadd.s32 $0x2D00, v0;
	s5 =	sor.u32 s2, s5;
	v6 =	vld.idx.msk [tilespmem:v38+s3+$0x0], $0xffff;
	[tilespmem:s12+$0x0] =	vst v8  }
0x296: {  	v42 =	vadd.s32 $0x2D00, v3;
	[tilespmem:s5+$0x0] =	vst v10;
	v8 =	vld.idx.msk [tilespmem:v39+s3+$0x0], $0xffff  }
0x297: {  	v43 =	vadd.s32 $0x2D00, v2;
	s5 =	sor.u32 $0x11180, s30;
	v10 =	vld.idx.msk [tilespmem:v40+s3+$0x0], $0xffff  }
0x298: {  	v44 =	vadd.s32 $0x2D00, v1;
	s12 =	sor.u32 s29, s5  }
0x299: {  	[tilespmem:s12+$0x0] =	vst v4;
	s12 =	sor.u32 s31, s5  }
0x29a: {  	v4 =	vld.idx.msk [tilespmem:v41+s3+$0x0], $0xffff;
	[tilespmem:s12+$0x0] =	vst v6;
	s12 =	sor.u32 s0, s5  }
0x29b: {  	v45 =	vadd.s32 $0x2E68, v0;
	s5 =	sor.u32 s2, s5;
	v6 =	vld.idx.msk [tilespmem:v42+s3+$0x0], $0xffff;
	[tilespmem:s12+$0x0] =	vst v8  }
0x29c: {  	v46 =	vadd.s32 $0x2E68, v3;
	[tilespmem:s5+$0x0] =	vst v10;
	v8 =	vld.idx.msk [tilespmem:v43+s3+$0x0], $0xffff  }
0x29d: {  	v47 =	vadd.s32 $0x2E68, v2;
	s5 =	sadd.s32 $0x11E00, s30;
	v10 =	vld.idx.msk [tilespmem:v44+s3+$0x0], $0xffff  }
0x29e: {  	v48 =	vadd.s32 $0x2E68, v1;
	s12 =	sor.u32 s29, s5  }
0x29f: {  	[tilespmem:s12+$0x0] =	vst v4;
	s12 =	sor.u32 s31, s5  }
0x2a0: {  	v4 =	vld.idx.msk [tilespmem:v45+s3+$0x0], $0xffff;
	[tilespmem:s12+$0x0] =	vst v6;
	s12 =	sor.u32 s0, s5  }
0x2a1: {  	v49 =	vadd.s32 $0x2FD0, v0;
	s5 =	sor.u32 s2, s5;
	v6 =	vld.idx.msk [tilespmem:v46+s3+$0x0], $0xffff;
	[tilespmem:s12+$0x0] =	vst v8  }
0x2a2: {  	v50 =	vadd.s32 $0x2FD0, v3;
	[tilespmem:s5+$0x0] =	vst v10;
	v8 =	vld.idx.msk [tilespmem:v47+s3+$0x0], $0xffff  }
0x2a3: {  	v51 =	vadd.s32 $0x2FD0, v2;
	s5 =	sadd.s32 $0x11E80, s30;
	v10 =	vld.idx.msk [tilespmem:v48+s3+$0x0], $0xffff  }
0x2a4: {  	v52 =	vadd.s32 $0x2FD0, v1;
	s12 =	sor.u32 s29, s5  }
0x2a5: {  	[tilespmem:s12+$0x0] =	vst v4;
	s12 =	sor.u32 s31, s5  }
0x2a6: {  	v4 =	vld.idx.msk [tilespmem:v49+s3+$0x0], $0xffff;
	[tilespmem:s12+$0x0] =	vst v6;
	s12 =	sor.u32 s0, s5  }
0x2a7: {  	v53 =	vadd.s32 $0x3138, v0;
	s5 =	sor.u32 s2, s5;
	v6 =	vld.idx.msk [tilespmem:v50+s3+$0x0], $0xffff;
	[tilespmem:s12+$0x0] =	vst v8  }
0x2a8: {  	v54 =	vadd.s32 $0x3138, v3;
	[tilespmem:s5+$0x0] =	vst v10;
	v8 =	vld.idx.msk [tilespmem:v51+s3+$0x0], $0xffff  }
0x2a9: {  	v55 =	vadd.s32 $0x3138, v2;
	s5 =	sadd.s32 $0x11F00, s30;
	v10 =	vld.idx.msk [tilespmem:v52+s3+$0x0], $0xffff  }
0x2aa: {  	v56 =	vadd.s32 $0x3138, v1;
	s12 =	sor.u32 s29, s5  }
0x2ab: {  	[tilespmem:s12+$0x0] =	vst v4;
	s12 =	sor.u32 s31, s5  }
0x2ac: {  	v4 =	vld.idx.msk [tilespmem:v53+s3+$0x0], $0xffff;
	[tilespmem:s12+$0x0] =	vst v6;
	s12 =	sor.u32 s0, s5  }
0x2ad: {  	v57 =	vadd.s32 $0x32A0, v0;
	s5 =	sor.u32 s2, s5;
	v6 =	vld.idx.msk [tilespmem:v54+s3+$0x0], $0xffff;
	[tilespmem:s12+$0x0] =	vst v8  }
0x2ae: {  	v58 =	vadd.s32 $0x32A0, v3;
	[tilespmem:s5+$0x0] =	vst v10;
	v8 =	vld.idx.msk [tilespmem:v55+s3+$0x0], $0xffff  }
0x2af: {  	v59 =	vadd.s32 $0x32A0, v2;
	s5 =	sadd.s32 $0x11F80, s30;
	v10 =	vld.idx.msk [tilespmem:v56+s3+$0x0], $0xffff  }
0x2b0: {  	v60 =	vadd.s32 $0x32A0, v1;
	s12 =	sor.u32 s29, s5  }
0x2b1: {  	[tilespmem:s12+$0x0] =	vst v4;
	s12 =	sor.u32 s31, s5  }
0x2b2: {  	v4 =	vld.idx.msk [tilespmem:v57+s3+$0x0], $0xffff;
	[tilespmem:s12+$0x0] =	vst v6;
	s12 =	sor.u32 s0, s5  }
0x2b3: {  	v61 =	vadd.s32 $0x3408, v0;
	s5 =	sor.u32 s2, s5;
	v6 =	vld.idx.msk [tilespmem:v58+s3+$0x0], $0xffff;
	[tilespmem:s12+$0x0] =	vst v8  }
0x2b4: {  	v62 =	vadd.s32 $0x3408, v3;
	[tilespmem:s5+$0x0] =	vst v10;
	v8 =	vld.idx.msk [tilespmem:v59+s3+$0x0], $0xffff  }
0x2b5: {  	v63 =	vadd.s32 $0x3408, v2;
	s5 =	sor.u32 $0x12000, s30;
	v10 =	vld.idx.msk [tilespmem:v60+s3+$0x0], $0xffff  }
0x2b6: {  	v12 =	vadd.s32 $0x3408, v1;
	s12 =	sor.u32 s29, s5  }
0x2b7: {  	[tilespmem:s12+$0x0] =	vst v4;
	s12 =	sor.u32 s31, s5  }
0x2b8: {  	v4 =	vld.idx.msk [tilespmem:v61+s3+$0x0], $0xffff;
	[tilespmem:s12+$0x0] =	vst v6;
	s12 =	sor.u32 s0, s5  }
0x2b9: {  	v13 =	vadd.s32 $0x3570, v0;
	s5 =	sor.u32 s2, s5;
	v6 =	vld.idx.msk [tilespmem:v62+s3+$0x0], $0xffff;
	[tilespmem:s12+$0x0] =	vst v8  }
0x2ba: {  	v14 =	vadd.s32 $0x3570, v3;
	[tilespmem:s5+$0x0] =	vst v10;
	v8 =	vld.idx.msk [tilespmem:v63+s3+$0x0], $0xffff  }
0x2bb: {  	v15 =	vadd.s32 $0x3570, v2;
	s5 =	sor.u32 $0x12080, s30;
	v10 =	vld.idx.msk [tilespmem:v12+s3+$0x0], $0xffff  }
0x2bc: {  	v16 =	vadd.s32 $0x3570, v1;
	s12 =	sor.u32 s29, s5  }
0x2bd: {  	[tilespmem:s12+$0x0] =	vst v4;
	s12 =	sor.u32 s31, s5  }
0x2be: {  	v4 =	vld.idx.msk [tilespmem:v13+s3+$0x0], $0xffff;
	[tilespmem:s12+$0x0] =	vst v6;
	s12 =	sor.u32 s0, s5  }
0x2bf: {  	v17 =	vadd.s32 $0x36D8, v0;
	s5 =	sor.u32 s2, s5;
	v6 =	vld.idx.msk [tilespmem:v14+s3+$0x0], $0xffff;
	[tilespmem:s12+$0x0] =	vst v8  }
0x2c0: {  	v18 =	vadd.s32 $0x36D8, v3;
	[tilespmem:s5+$0x0] =	vst v10;
	v8 =	vld.idx.msk [tilespmem:v15+s3+$0x0], $0xffff  }
0x2c1: {  	v19 =	vadd.s32 $0x36D8, v2;
	s5 =	sor.u32 $0x12100, s30;
	v10 =	vld.idx.msk [tilespmem:v16+s3+$0x0], $0xffff  }
0x2c2: {  	v20 =	vadd.s32 $0x36D8, v1;
	s12 =	sor.u32 s29, s5  }
0x2c3: {  	[tilespmem:s12+$0x0] =	vst v4;
	s12 =	sor.u32 s31, s5  }
0x2c4: {  	v4 =	vld.idx.msk [tilespmem:v17+s3+$0x0], $0xffff;
	[tilespmem:s12+$0x0] =	vst v6;
	s12 =	sor.u32 s0, s5  }
0x2c5: {  	v21 =	vadd.s32 $0x3840, v0;
	s5 =	sor.u32 s2, s5;
	v6 =	vld.idx.msk [tilespmem:v18+s3+$0x0], $0xffff;
	[tilespmem:s12+$0x0] =	vst v8  }
0x2c6: {  	v22 =	vadd.s32 $0x3840, v3;
	[tilespmem:s5+$0x0] =	vst v10;
	v8 =	vld.idx.msk [tilespmem:v19+s3+$0x0], $0xffff  }
0x2c7: {  	v23 =	vadd.s32 $0x3840, v2;
	s5 =	sor.u32 $0x12180, s30;
	v10 =	vld.idx.msk [tilespmem:v20+s3+$0x0], $0xffff  }
0x2c8: {  	v24 =	vadd.s32 $0x3840, v1;
	s12 =	sor.u32 s29, s5  }
0x2c9: {  	[tilespmem:s12+$0x0] =	vst v4;
	s12 =	sor.u32 s31, s5  }
0x2ca: {  	v4 =	vld.idx.msk [tilespmem:v21+s3+$0x0], $0xffff;
	[tilespmem:s12+$0x0] =	vst v6;
	s12 =	sor.u32 s0, s5  }
0x2cb: {  	v25 =	vadd.s32 $0x39A8, v0;
	s5 =	sor.u32 s2, s5;
	v6 =	vld.idx.msk [tilespmem:v22+s3+$0x0], $0xffff;
	[tilespmem:s12+$0x0] =	vst v8  }
0x2cc: {  	v26 =	vadd.s32 $0x39A8, v3;
	[tilespmem:s5+$0x0] =	vst v10;
	v8 =	vld.idx.msk [tilespmem:v23+s3+$0x0], $0xffff  }
0x2cd: {  	v27 =	vadd.s32 $0x39A8, v2;
	s5 =	sadd.s32 $0x12E00, s30;
	v10 =	vld.idx.msk [tilespmem:v24+s3+$0x0], $0xffff  }
0x2ce: {  	v28 =	vadd.s32 $0x39A8, v1;
	s12 =	sor.u32 s29, s5  }
0x2cf: {  	[tilespmem:s12+$0x0] =	vst v4;
	s12 =	sor.u32 s31, s5  }
0x2d0: {  	v4 =	vld.idx.msk [tilespmem:v25+s3+$0x0], $0xffff;
	[tilespmem:s12+$0x0] =	vst v6;
	s12 =	sor.u32 s0, s5  }
0x2d1: {  	v29 =	vadd.s32 $0x3B10, v0;
	s5 =	sor.u32 s2, s5;
	v6 =	vld.idx.msk [tilespmem:v26+s3+$0x0], $0xffff;
	[tilespmem:s12+$0x0] =	vst v8  }
0x2d2: {  	v30 =	vadd.s32 $0x3B10, v3;
	[tilespmem:s5+$0x0] =	vst v10;
	v8 =	vld.idx.msk [tilespmem:v27+s3+$0x0], $0xffff  }
0x2d3: {  	v31 =	vadd.s32 $0x3B10, v2;
	s5 =	sadd.s32 $0x12E80, s30;
	v10 =	vld.idx.msk [tilespmem:v28+s3+$0x0], $0xffff  }
0x2d4: {  	v32 =	vadd.s32 $0x3B10, v1;
	s12 =	sor.u32 s29, s5  }
0x2d5: {  	[tilespmem:s12+$0x0] =	vst v4;
	s12 =	sor.u32 s31, s5  }
0x2d6: {  	v4 =	vld.idx.msk [tilespmem:v29+s3+$0x0], $0xffff;
	[tilespmem:s12+$0x0] =	vst v6;
	s12 =	sor.u32 s0, s5  }
0x2d7: {  	v33 =	vadd.s32 $0x3C78, v0;
	s5 =	sor.u32 s2, s5;
	v6 =	vld.idx.msk [tilespmem:v30+s3+$0x0], $0xffff;
	[tilespmem:s12+$0x0] =	vst v8  }
0x2d8: {  	v34 =	vadd.s32 $0x3C78, v3;
	[tilespmem:s5+$0x0] =	vst v10;
	v8 =	vld.idx.msk [tilespmem:v31+s3+$0x0], $0xffff  }
0x2d9: {  	v35 =	vadd.s32 $0x3C78, v2;
	s5 =	sadd.s32 $0x12F00, s30;
	v10 =	vld.idx.msk [tilespmem:v32+s3+$0x0], $0xffff  }
0x2da: {  	v36 =	vadd.s32 $0x3C78, v1;
	s12 =	sor.u32 s29, s5  }
0x2db: {  	[tilespmem:s12+$0x0] =	vst v4;
	s12 =	sor.u32 s31, s5  }
0x2dc: {  	v4 =	vld.idx.msk [tilespmem:v33+s3+$0x0], $0xffff;
	[tilespmem:s12+$0x0] =	vst v6;
	s12 =	sor.u32 s0, s5  }
0x2dd: {  	v37 =	vadd.s32 $0x3DE0, v0;
	s5 =	sor.u32 s2, s5;
	v6 =	vld.idx.msk [tilespmem:v34+s3+$0x0], $0xffff;
	[tilespmem:s12+$0x0] =	vst v8  }
0x2de: {  	v38 =	vadd.s32 $0x3DE0, v3;
	[tilespmem:s5+$0x0] =	vst v10;
	v8 =	vld.idx.msk [tilespmem:v35+s3+$0x0], $0xffff  }
0x2df: {  	v39 =	vadd.s32 $0x3DE0, v2;
	s5 =	sadd.s32 $0x12F80, s30;
	v10 =	vld.idx.msk [tilespmem:v36+s3+$0x0], $0xffff  }
0x2e0: {  	v40 =	vadd.s32 $0x3DE0, v1;
	s12 =	sor.u32 s29, s5  }
0x2e1: {  	[tilespmem:s12+$0x0] =	vst v4;
	s12 =	sor.u32 s31, s5  }
0x2e2: {  	v4 =	vld.idx.msk [tilespmem:v37+s3+$0x0], $0xffff;
	[tilespmem:s12+$0x0] =	vst v6;
	s12 =	sor.u32 s0, s5  }
0x2e3: {  	v41 =	vadd.s32 $0x3F48, v0;
	s5 =	sor.u32 s2, s5;
	v6 =	vld.idx.msk [tilespmem:v38+s3+$0x0], $0xffff;
	[tilespmem:s12+$0x0] =	vst v8  }
0x2e4: {  	v42 =	vadd.s32 $0x3F48, v3;
	[tilespmem:s5+$0x0] =	vst v10;
	v8 =	vld.idx.msk [tilespmem:v39+s3+$0x0], $0xffff  }
0x2e5: {  	v43 =	vadd.s32 $0x3F48, v2;
	s5 =	sor.u32 $0x13000, s30;
	v10 =	vld.idx.msk [tilespmem:v40+s3+$0x0], $0xffff  }
0x2e6: {  	v44 =	vadd.s32 $0x3F48, v1;
	s12 =	sor.u32 s29, s5  }
0x2e7: {  	[tilespmem:s12+$0x0] =	vst v4;
	s12 =	sor.u32 s31, s5  }
0x2e8: {  	v4 =	vld.idx.msk [tilespmem:v41+s3+$0x0], $0xffff;
	[tilespmem:s12+$0x0] =	vst v6;
	s12 =	sor.u32 s0, s5  }
0x2e9: {  	v45 =	vadd.s32 $0x40B0, v0;
	s5 =	sor.u32 s2, s5;
	v6 =	vld.idx.msk [tilespmem:v42+s3+$0x0], $0xffff;
	[tilespmem:s12+$0x0] =	vst v8  }
0x2ea: {  	v46 =	vadd.s32 $0x40B0, v3;
	[tilespmem:s5+$0x0] =	vst v10;
	v8 =	vld.idx.msk [tilespmem:v43+s3+$0x0], $0xffff  }
0x2eb: {  	v47 =	vadd.s32 $0x40B0, v2;
	s5 =	sor.u32 $0x13080, s30;
	v10 =	vld.idx.msk [tilespmem:v44+s3+$0x0], $0xffff  }
0x2ec: {  	v48 =	vadd.s32 $0x40B0, v1;
	s12 =	sor.u32 s29, s5  }
0x2ed: {  	[tilespmem:s12+$0x0] =	vst v4;
	s12 =	sor.u32 s31, s5  }
0x2ee: {  	v4 =	vld.idx.msk [tilespmem:v45+s3+$0x0], $0xffff;
	[tilespmem:s12+$0x0] =	vst v6;
	s12 =	sor.u32 s0, s5  }
0x2ef: {  	v49 =	vadd.s32 $0x4218, v0;
	s5 =	sor.u32 s2, s5;
	v6 =	vld.idx.msk [tilespmem:v46+s3+$0x0], $0xffff;
	[tilespmem:s12+$0x0] =	vst v8  }
0x2f0: {  	v50 =	vadd.s32 $0x4218, v3;
	[tilespmem:s5+$0x0] =	vst v10;
	v8 =	vld.idx.msk [tilespmem:v47+s3+$0x0], $0xffff  }
0x2f1: {  	v51 =	vadd.s32 $0x4218, v2;
	s5 =	sor.u32 $0x13100, s30;
	v10 =	vld.idx.msk [tilespmem:v48+s3+$0x0], $0xffff  }
0x2f2: {  	v52 =	vadd.s32 $0x4218, v1;
	s12 =	sor.u32 s29, s5  }
0x2f3: {  	[tilespmem:s12+$0x0] =	vst v4;
	s12 =	sor.u32 s31, s5  }
0x2f4: {  	v4 =	vld.idx.msk [tilespmem:v49+s3+$0x0], $0xffff;
	[tilespmem:s12+$0x0] =	vst v6;
	s12 =	sor.u32 s0, s5  }
0x2f5: {  	v53 =	vadd.s32 $0x4380, v0;
	s5 =	sor.u32 s2, s5;
	v6 =	vld.idx.msk [tilespmem:v50+s3+$0x0], $0xffff;
	[tilespmem:s12+$0x0] =	vst v8  }
0x2f6: {  	v54 =	vadd.s32 $0x4380, v3;
	[tilespmem:s5+$0x0] =	vst v10;
	v8 =	vld.idx.msk [tilespmem:v51+s3+$0x0], $0xffff  }
0x2f7: {  	v55 =	vadd.s32 $0x4380, v2;
	s5 =	sor.u32 $0x13180, s30;
	v10 =	vld.idx.msk [tilespmem:v52+s3+$0x0], $0xffff  }
0x2f8: {  	v56 =	vadd.s32 $0x4380, v1;
	s12 =	sor.u32 s29, s5  }
0x2f9: {  	[tilespmem:s12+$0x0] =	vst v4;
	s12 =	sor.u32 s31, s5  }
0x2fa: {  	v4 =	vld.idx.msk [tilespmem:v53+s3+$0x0], $0xffff;
	[tilespmem:s12+$0x0] =	vst v6;
	s12 =	sor.u32 s0, s5  }
0x2fb: {  	v57 =	vadd.s32 $0x44E8, v0;
	s5 =	sor.u32 s2, s5;
	v6 =	vld.idx.msk [tilespmem:v54+s3+$0x0], $0xffff;
	[tilespmem:s12+$0x0] =	vst v8  }
0x2fc: {  	v58 =	vadd.s32 $0x44E8, v3;
	[tilespmem:s5+$0x0] =	vst v10;
	v8 =	vld.idx.msk [tilespmem:v55+s3+$0x0], $0xffff  }
0x2fd: {  	v59 =	vadd.s32 $0x44E8, v2;
	s5 =	sadd.s32 $0x13E00, s30;
	v10 =	vld.idx.msk [tilespmem:v56+s3+$0x0], $0xffff  }
0x2fe: {  	v60 =	vadd.s32 $0x44E8, v1;
	s12 =	sor.u32 s29, s5  }
0x2ff: {  	[tilespmem:s12+$0x0] =	vst v4;
	s12 =	sor.u32 s31, s5  }
0x300: {  	v4 =	vld.idx.msk [tilespmem:v57+s3+$0x0], $0xffff;
	[tilespmem:s12+$0x0] =	vst v6;
	s12 =	sor.u32 s0, s5  }
0x301: {  	v61 =	vadd.s32 $0x4650, v0;
	s5 =	sor.u32 s2, s5;
	v6 =	vld.idx.msk [tilespmem:v58+s3+$0x0], $0xffff;
	[tilespmem:s12+$0x0] =	vst v8  }
0x302: {  	v62 =	vadd.s32 $0x4650, v3;
	[tilespmem:s5+$0x0] =	vst v10;
	v8 =	vld.idx.msk [tilespmem:v59+s3+$0x0], $0xffff  }
0x303: {  	v63 =	vadd.s32 $0x4650, v2;
	s5 =	sadd.s32 $0x13E80, s30;
	v10 =	vld.idx.msk [tilespmem:v60+s3+$0x0], $0xffff  }
0x304: {  	v12 =	vadd.s32 $0x4650, v1;
	s12 =	sor.u32 s29, s5  }
0x305: {  	[tilespmem:s12+$0x0] =	vst v4;
	s12 =	sor.u32 s31, s5  }
0x306: {  	v4 =	vld.idx.msk [tilespmem:v61+s3+$0x0], $0xffff;
	[tilespmem:s12+$0x0] =	vst v6;
	s12 =	sor.u32 s0, s5  }
0x307: {  	v13 =	vadd.s32 $0x47B8, v0;
	s5 =	sor.u32 s2, s5;
	v6 =	vld.idx.msk [tilespmem:v62+s3+$0x0], $0xffff;
	[tilespmem:s12+$0x0] =	vst v8  }
0x308: {  	v14 =	vadd.s32 $0x47B8, v3;
	[tilespmem:s5+$0x0] =	vst v10;
	v8 =	vld.idx.msk [tilespmem:v63+s3+$0x0], $0xffff  }
0x309: {  	v15 =	vadd.s32 $0x47B8, v2;
	s5 =	sadd.s32 $0x13F00, s30;
	v10 =	vld.idx.msk [tilespmem:v12+s3+$0x0], $0xffff  }
0x30a: {  	v16 =	vadd.s32 $0x47B8, v1;
	s12 =	sor.u32 s29, s5  }
0x30b: {  	[tilespmem:s12+$0x0] =	vst v4;
	s12 =	sor.u32 s31, s5  }
0x30c: {  	v4 =	vld.idx.msk [tilespmem:v13+s3+$0x0], $0xffff;
	[tilespmem:s12+$0x0] =	vst v6;
	s12 =	sor.u32 s0, s5  }
0x30d: {  	v17 =	vadd.s32 $0x4920, v0;
	s5 =	sor.u32 s2, s5;
	v6 =	vld.idx.msk [tilespmem:v14+s3+$0x0], $0xffff;
	[tilespmem:s12+$0x0] =	vst v8  }
0x30e: {  	v18 =	vadd.s32 $0x4920, v3;
	[tilespmem:s5+$0x0] =	vst v10;
	v8 =	vld.idx.msk [tilespmem:v15+s3+$0x0], $0xffff  }
0x30f: {  	v19 =	vadd.s32 $0x4920, v2;
	s5 =	sadd.s32 $0x13F80, s30;
	v10 =	vld.idx.msk [tilespmem:v16+s3+$0x0], $0xffff  }
0x310: {  	v20 =	vadd.s32 $0x4920, v1;
	s12 =	sor.u32 s29, s5  }
0x311: {  	[tilespmem:s12+$0x0] =	vst v4;
	s12 =	sor.u32 s31, s5  }
0x312: {  	v4 =	vld.idx.msk [tilespmem:v17+s3+$0x0], $0xffff;
	[tilespmem:s12+$0x0] =	vst v6;
	s12 =	sor.u32 s0, s5  }
0x313: {  	v21 =	vadd.s32 $0x4A88, v0;
	s5 =	sor.u32 s2, s5;
	v6 =	vld.idx.msk [tilespmem:v18+s3+$0x0], $0xffff;
	[tilespmem:s12+$0x0] =	vst v8  }
0x314: {  	v22 =	vadd.s32 $0x4A88, v3;
	[tilespmem:s5+$0x0] =	vst v10;
	v8 =	vld.idx.msk [tilespmem:v19+s3+$0x0], $0xffff  }
0x315: {  	v23 =	vadd.s32 $0x4A88, v2;
	s5 =	sor.u32 $0x14000, s30;
	v10 =	vld.idx.msk [tilespmem:v20+s3+$0x0], $0xffff  }
0x316: {  	v24 =	vadd.s32 $0x4A88, v1;
	s12 =	sor.u32 s29, s5  }
0x317: {  	[tilespmem:s12+$0x0] =	vst v4;
	s12 =	sor.u32 s31, s5  }
0x318: {  	v4 =	vld.idx.msk [tilespmem:v21+s3+$0x0], $0xffff;
	[tilespmem:s12+$0x0] =	vst v6;
	s12 =	sor.u32 s0, s5  }
0x319: {  	v25 =	vadd.s32 $0x4BF0, v0;
	s5 =	sor.u32 s2, s5;
	v6 =	vld.idx.msk [tilespmem:v22+s3+$0x0], $0xffff;
	[tilespmem:s12+$0x0] =	vst v8  }
0x31a: {  	v26 =	vadd.s32 $0x4BF0, v3;
	[tilespmem:s5+$0x0] =	vst v10;
	v8 =	vld.idx.msk [tilespmem:v23+s3+$0x0], $0xffff  }
0x31b: {  	v27 =	vadd.s32 $0x4BF0, v2;
	s5 =	sor.u32 $0x14080, s30;
	v10 =	vld.idx.msk [tilespmem:v24+s3+$0x0], $0xffff  }
0x31c: {  	v28 =	vadd.s32 $0x4BF0, v1;
	s12 =	sor.u32 s29, s5  }
0x31d: {  	[tilespmem:s12+$0x0] =	vst v4;
	s12 =	sor.u32 s31, s5  }
0x31e: {  	v4 =	vld.idx.msk [tilespmem:v25+s3+$0x0], $0xffff;
	[tilespmem:s12+$0x0] =	vst v6;
	s12 =	sor.u32 s0, s5  }
0x31f: {  	v29 =	vadd.s32 $0x4D58, v0;
	s5 =	sor.u32 s2, s5;
	v6 =	vld.idx.msk [tilespmem:v26+s3+$0x0], $0xffff;
	[tilespmem:s12+$0x0] =	vst v8  }
0x320: {  	v30 =	vadd.s32 $0x4D58, v3;
	[tilespmem:s5+$0x0] =	vst v10;
	v8 =	vld.idx.msk [tilespmem:v27+s3+$0x0], $0xffff  }
0x321: {  	v31 =	vadd.s32 $0x4D58, v2;
	s5 =	sor.u32 $0x14100, s30;
	v10 =	vld.idx.msk [tilespmem:v28+s3+$0x0], $0xffff  }
0x322: {  	v32 =	vadd.s32 $0x4D58, v1;
	s12 =	sor.u32 s29, s5  }
0x323: {  	[tilespmem:s12+$0x0] =	vst v4;
	s12 =	sor.u32 s31, s5  }
0x324: {  	v4 =	vld.idx.msk [tilespmem:v29+s3+$0x0], $0xffff;
	[tilespmem:s12+$0x0] =	vst v6;
	s12 =	sor.u32 s0, s5  }
0x325: {  	v33 =	vadd.s32 $0x4EC0, v0;
	s5 =	sor.u32 s2, s5;
	v6 =	vld.idx.msk [tilespmem:v30+s3+$0x0], $0xffff;
	[tilespmem:s12+$0x0] =	vst v8  }
0x326: {  	v34 =	vadd.s32 $0x4EC0, v3;
	[tilespmem:s5+$0x0] =	vst v10;
	v8 =	vld.idx.msk [tilespmem:v31+s3+$0x0], $0xffff  }
0x327: {  	v35 =	vadd.s32 $0x4EC0, v2;
	s5 =	sor.u32 $0x14180, s30;
	v10 =	vld.idx.msk [tilespmem:v32+s3+$0x0], $0xffff  }
0x328: {  	v36 =	vadd.s32 $0x4EC0, v1;
	s12 =	sor.u32 s29, s5  }
0x329: {  	[tilespmem:s12+$0x0] =	vst v4;
	s12 =	sor.u32 s31, s5  }
0x32a: {  	v4 =	vld.idx.msk [tilespmem:v33+s3+$0x0], $0xffff;
	[tilespmem:s12+$0x0] =	vst v6;
	s12 =	sor.u32 s0, s5  }
0x32b: {  	v37 =	vadd.s32 $0x5028, v0;
	s5 =	sor.u32 s2, s5;
	v6 =	vld.idx.msk [tilespmem:v34+s3+$0x0], $0xffff;
	[tilespmem:s12+$0x0] =	vst v8  }
0x32c: {  	v38 =	vadd.s32 $0x5028, v3;
	[tilespmem:s5+$0x0] =	vst v10;
	v8 =	vld.idx.msk [tilespmem:v35+s3+$0x0], $0xffff  }
0x32d: {  	v39 =	vadd.s32 $0x5028, v2;
	s5 =	sadd.s32 $0x14E00, s30;
	v10 =	vld.idx.msk [tilespmem:v36+s3+$0x0], $0xffff  }
0x32e: {  	v40 =	vadd.s32 $0x5028, v1;
	s12 =	sor.u32 s29, s5  }
0x32f: {  	[tilespmem:s12+$0x0] =	vst v4;
	s12 =	sor.u32 s31, s5  }
0x330: {  	v4 =	vld.idx.msk [tilespmem:v37+s3+$0x0], $0xffff;
	[tilespmem:s12+$0x0] =	vst v6;
	s12 =	sor.u32 s0, s5  }
0x331: {  	v41 =	vadd.s32 $0x5190, v0;
	s5 =	sor.u32 s2, s5;
	v6 =	vld.idx.msk [tilespmem:v38+s3+$0x0], $0xffff;
	[tilespmem:s12+$0x0] =	vst v8  }
0x332: {  	v42 =	vadd.s32 $0x5190, v3;
	[tilespmem:s5+$0x0] =	vst v10;
	v8 =	vld.idx.msk [tilespmem:v39+s3+$0x0], $0xffff  }
0x333: {  	v43 =	vadd.s32 $0x5190, v2;
	s5 =	sadd.s32 $0x14E80, s30;
	v10 =	vld.idx.msk [tilespmem:v40+s3+$0x0], $0xffff  }
0x334: {  	v44 =	vadd.s32 $0x5190, v1;
	s12 =	sor.u32 s29, s5  }
0x335: {  	[tilespmem:s12+$0x0] =	vst v4;
	s12 =	sor.u32 s31, s5  }
0x336: {  	v4 =	vld.idx.msk [tilespmem:v41+s3+$0x0], $0xffff;
	[tilespmem:s12+$0x0] =	vst v6;
	s12 =	sor.u32 s0, s5  }
0x337: {  	v45 =	vadd.s32 $0x52F8, v0;
	s5 =	sor.u32 s2, s5;
	v6 =	vld.idx.msk [tilespmem:v42+s3+$0x0], $0xffff;
	[tilespmem:s12+$0x0] =	vst v8  }
0x338: {  	v46 =	vadd.s32 $0x52F8, v3;
	[tilespmem:s5+$0x0] =	vst v10;
	v8 =	vld.idx.msk [tilespmem:v43+s3+$0x0], $0xffff  }
0x339: {  	v47 =	vadd.s32 $0x52F8, v2;
	s5 =	sadd.s32 $0x14F00, s30;
	v10 =	vld.idx.msk [tilespmem:v44+s3+$0x0], $0xffff  }
0x33a: {  	v48 =	vadd.s32 $0x52F8, v1;
	s12 =	sor.u32 s29, s5  }
0x33b: {  	[tilespmem:s12+$0x0] =	vst v4;
	s12 =	sor.u32 s31, s5  }
0x33c: {  	v4 =	vld.idx.msk [tilespmem:v45+s3+$0x0], $0xffff;
	[tilespmem:s12+$0x0] =	vst v6;
	s12 =	sor.u32 s0, s5  }
0x33d: {  	v49 =	vadd.s32 $0x5460, v0;
	s5 =	sor.u32 s2, s5;
	v6 =	vld.idx.msk [tilespmem:v46+s3+$0x0], $0xffff;
	[tilespmem:s12+$0x0] =	vst v8  }
0x33e: {  	v50 =	vadd.s32 $0x5460, v3;
	[tilespmem:s5+$0x0] =	vst v10;
	v8 =	vld.idx.msk [tilespmem:v47+s3+$0x0], $0xffff  }
0x33f: {  	v51 =	vadd.s32 $0x5460, v2;
	s5 =	sadd.s32 $0x14F80, s30;
	v10 =	vld.idx.msk [tilespmem:v48+s3+$0x0], $0xffff  }
0x340: {  	v52 =	vadd.s32 $0x5460, v1;
	s12 =	sor.u32 s29, s5  }
0x341: {  	[tilespmem:s12+$0x0] =	vst v4;
	s12 =	sor.u32 s31, s5  }
0x342: {  	v4 =	vld.idx.msk [tilespmem:v49+s3+$0x0], $0xffff;
	[tilespmem:s12+$0x0] =	vst v6;
	s12 =	sor.u32 s0, s5  }
0x343: {  	v53 =	vadd.s32 $0x55C8, v0;
	s5 =	sor.u32 s2, s5;
	v6 =	vld.idx.msk [tilespmem:v50+s3+$0x0], $0xffff;
	[tilespmem:s12+$0x0] =	vst v8  }
0x344: {  	v54 =	vadd.s32 $0x55C8, v3;
	[tilespmem:s5+$0x0] =	vst v10;
	v8 =	vld.idx.msk [tilespmem:v51+s3+$0x0], $0xffff  }
0x345: {  	v55 =	vadd.s32 $0x55C8, v2;
	s5 =	sor.u32 $0x15000, s30;
	v10 =	vld.idx.msk [tilespmem:v52+s3+$0x0], $0xffff  }
0x346: {  	v56 =	vadd.s32 $0x55C8, v1;
	s12 =	sor.u32 s29, s5  }
0x347: {  	[tilespmem:s12+$0x0] =	vst v4;
	s12 =	sor.u32 s31, s5  }
0x348: {  	v4 =	vld.idx.msk [tilespmem:v53+s3+$0x0], $0xffff;
	[tilespmem:s12+$0x0] =	vst v6;
	s12 =	sor.u32 s0, s5  }
0x349: {  	v57 =	vadd.s32 $0x5730, v0;
	s5 =	sor.u32 s2, s5;
	v6 =	vld.idx.msk [tilespmem:v54+s3+$0x0], $0xffff;
	[tilespmem:s12+$0x0] =	vst v8  }
0x34a: {  	v58 =	vadd.s32 $0x5730, v3;
	[tilespmem:s5+$0x0] =	vst v10;
	v8 =	vld.idx.msk [tilespmem:v55+s3+$0x0], $0xffff  }
0x34b: {  	v59 =	vadd.s32 $0x5730, v2;
	s5 =	sor.u32 $0x15080, s30;
	v10 =	vld.idx.msk [tilespmem:v56+s3+$0x0], $0xffff  }
0x34c: {  	v60 =	vadd.s32 $0x5730, v1;
	s12 =	sor.u32 s29, s5  }
0x34d: {  	[tilespmem:s12+$0x0] =	vst v4;
	s12 =	sor.u32 s31, s5  }
0x34e: {  	v4 =	vld.idx.msk [tilespmem:v57+s3+$0x0], $0xffff;
	[tilespmem:s12+$0x0] =	vst v6;
	s12 =	sor.u32 s0, s5  }
0x34f: {  	v0 =	vadd.s32 $0x5898, v0;
	s5 =	sor.u32 s2, s5;
	[tilespmem:s12+$0x0] =	vst v8;
	v61 =	vld.idx.msk [tilespmem:v58+s3+$0x0], $0xffff  }
0x350: {  	v3 =	vadd.s32 $0x5898, v3;
	[tilespmem:s5+$0x0] =	vst v10;
	v62 =	vld.idx.msk [tilespmem:v59+s3+$0x0], $0xffff  }
0x351: {  	v2 =	vadd.s32 $0x5898, v2;
	s5 =	sor.u32 $0x15100, s30;
	v63 =	vld.idx.msk [tilespmem:v60+s3+$0x0], $0xffff  }
0x352: {  	v1 =	vadd.s32 $0x5898, v1;
	s12 =	sor.u32 s29, s5  }
0x353: {  	[tilespmem:s12+$0x0] =	vst v4;
	s12 =	sor.u32 s31, s5  }
0x354: {  	v0 =	vld.idx.msk [tilespmem:v0+s3+$0x0], $0xffff;
	[tilespmem:s12+$0x0] =	vst v61;
	s12 =	sor.u32 s0, s5  }
0x355: {  	s5 =	sor.u32 s2, s5;
	[tilespmem:s12+$0x0] =	vst v62;
	v3 =	vld.idx.msk [tilespmem:v3+s3+$0x0], $0xffff  }
0x356: {  	s24 =	sadd.s32 $0x4, s24;
	[tilespmem:s5+$0x0] =	vst v63;
	v2 =	vld.idx.msk [tilespmem:v2+s3+$0x0], $0xffff  }
0x357: {  	p0 =	slt.u32 s24, $0x1C;
	s12 =	sor.u32 $0x15180, s30;
	v1 =	vld.idx.msk [tilespmem:v1+s3+$0x0], $0xffff  }
.Ltmp1:
0x358: {  	s29 =	sor.u32 s29, s12;
	(pc) =	sbr.rel @p0 .LBB2_5-.Ltmp1, $4  }
0x359: {  	s30 =	sor.u32 s31, s12;
	[tilespmem:s29+$0x0] =	vst v0  }
0x35a: {  	s0 =	sor.u32 s0, s12;
	[tilespmem:s30+$0x0] =	vst v3  }
0x35b: {  	s31 =	sor.u32 s2, s12;
	[tilespmem:s0+$0x0] =	vst v2  }
0x35c: {  	s26 =	sadd.s32 $0x200, s26;
	s25 =	sadd.s32 $0x40, s25;
	s28 =	sadd.s32 $0x40, s28;
	[tilespmem:s31+$0x0] =	vst v1  }
0x35d: {  	s22 =	sadd.s32 $0x1, s22  }
0x35e: {  	p0 =	sne.s32 s22, $0x64  }
.Ltmp2:
0x35f: {  	s0 =	sshll.u32 s23, $0x14;
	(pc) =	sbr.rel @p0 .LBB2_2-.Ltmp2, $4  }
0x360: {  	s0 =	sor.u32 s9, s0  }
0x361: {  	s0 =	sshrl.u32 s0, $0x3  }
0x362: {  	s0 =	sadd.s32 s1, s0  }
0x363: {  	[hbm4b:s0+s15] =	stream.strided.scatter [tilespmem:s18], [sflag:$0x4], $0x8000, s16, s15, $0x38;
	[tilespmem:$0x15E00] =	vst v63  }
0x364: {  	s21 =	sadd.s32 $0x1, s21  }
0x365: {  	_ =	swait.ge [sflag:s19], $0x8000;
	p0 =	sne.s32 s21, s10  }
.Ltmp3:
0x366: {  	[sflag:s19] =	ssyncset.done $0x0;
	(pc) =	sbr.rel @p0 .LBB2_1-.Ltmp3, $4  }
0x367: {  	[sflag:s19] =	ssyncadd.s32 $0xFFFF8000  }
0x368: {  	_ =	swait.ge [sflag:s20], $0x8000  }
0x369: {  	[sflag:s20] =	ssyncset.done $0x0  }
0x36a: {  	[sflag:s20] =	ssyncadd.s32 $0xFFFF8000  }
0x36b: {  	_ =	sfence.sel $0x180000  }
0x36c: {  	[bflag:$0x0] =	sbarrier.arrive $0xFFFF  }
0x36d: {  	_ =	strace $0x90000047  }
0x36e: {  	s0 =	stileid.u32;
	[bflag:$0x2] =	sbarrier.arrive $0xFFFF  }
0x36f: {  	p0 =	sne.s32 s0, $0x0;
	s0 =	rddreg [dreg:$0x2]  }
0x370: {  	s0 =	sadd.s32 @!p0 $0x100000, s0  }
0x371: {  	[sflag:s0] =	ssyncadd.tile.s32 @!p0 $0x1;
	_ =	shalt  }
.Lfunc_end2:
_tile_overlayer_lowered:
.L_overlay_start_2:
0x372: {  	(tag) =	ssettag $0x2  }
0x373: {  	s0 =	rddreg [dreg:$0x0];
	s2 =	stileid.u32  }
0x374: {  	s1 =	rddreg [dreg:$0x1];
	p0 =	sne.s32 s2, $0x0  }
0x375: {  	s3 =	rddreg [dreg:$0x2];
	[bflag:$0x3] =	sbarrier.arrive $0xFFFF;
	s2 =	simm.s32 @!p0 $0x1C05  }
0x376: {  	[timem:s3], [sflag:s2] =	dma.local @!p0 [hbm:s0], s1  }
0x377: {  	s0 =	simm.s32 @!p0 $0x5  }
0x378: {  	_ =	swait.ge @!p0 [sflag:s0], s1  }
0x379: {  	s1 =	ssub.s32 @!p0 $0x0, s1;
	[sflag:s0] =	ssyncset.done @!p0 $0x0  }
0x37a: {  	[sflag:s0] =	ssyncadd.s32 @!p0 s1  }
0x37b: {  	[bflag:$0x3] =	sbarrier.arrive $0xFFFF  }
0x37c: {  	_ =	shalt  }

</sc_bundles>
